<compile_context>
chip_gen: v7x
topology: tpu7x:2x2x1
jax: 0.10.2.dev20260603
libtpu: 0.0.44.dev20260713+nightly
codegen_flags: <defaults>
</compile_context>

<pallas_src>
import functools

import jax
import jax.numpy as jnp
from jax import lax
from jax.experimental import pallas as pl
from jax.experimental.pallas import tpu as pltpu
from jax.experimental.pallas import tpu_sc as plsc

N = 10000
E = 320000
D = 128
L = 4
ALPHA = 0.5
EPS = 1e-5

NW = 32
CHUNK = 128
NBUF = 2
EPAD = 327680
TOTCHUNKS = EPAD // CHUNK
NCH0 = 80
NCH1 = (TOTCHUNKS - 16 * NCH0) // 16
NCHUNKS = TOTCHUNKS // NW
NPAD = 10112
ROWS_PER_TILE = NPAD // 16

_sc_mesh = plsc.VectorSubcoreMesh(core_axis_name="c", subcore_axis_name="s")


@functools.partial(
    pl.kernel,
    out_type=jax.ShapeDtypeStruct((2, NPAD, D), jnp.float32),
    mesh=_sc_mesh,
    scratch_types=[
        pltpu.VMEM((NBUF, 2, CHUNK), jnp.int32),
        pltpu.VMEM((NBUF, CHUNK, D), jnp.float32),
        pltpu.VMEM((8, D), jnp.float32),
        pltpu.VMEM_SHARED((NPAD, D), jnp.float32),
    ] + [pltpu.SemaphoreType.DMA] * (2 * NBUF),
)
def _sc_edge_pass(dsup_hbm, idx_hbm, zeros_hbm, out_hbm,
                  idx_v, buf_v, zero_v, agg_sh, *sems):
    isem = sems[:NBUF]
    gsem = sems[NBUF:]
    c = lax.axis_index("c")
    s = lax.axis_index("s")
    start = jnp.where(c == 0, s * NCH0, 16 * NCH0 + s * NCH1)
    nch = jnp.where(c == 0, NCH0, NCH1)

    pltpu.sync_copy(zeros_hbm, zero_v)

    base = s * ROWS_PER_TILE
    def _zero(k, carry):
        pltpu.sync_copy(zero_v, agg_sh.at[pl.ds(base + k * 8, 8)])
        return carry
    lax.fori_loop(0, ROWS_PER_TILE // 8, _zero, 0)
    plsc.subcore_barrier()

    pltpu.sync_copy(idx_hbm.at[start], idx_v.at[0])
    pltpu.async_copy(dsup_hbm.at[idx_v.at[0, 0]], buf_v.at[0], gsem[0])
    pltpu.async_copy(idx_hbm.at[start + 1], idx_v.at[1], isem[1])

    def _step(j, carry):
        for u in range(NBUF):
            jj = j * NBUF + u
            b = u
            nb = 1 - u

            @pl.when(jj + 1 < nch)
            def _():
                pltpu.make_async_copy(idx_hbm.at[start + jj + 1],
                                      idx_v.at[nb], isem[nb]).wait()
                pltpu.async_copy(dsup_hbm.at[idx_v.at[nb, 0]], buf_v.at[nb],
                                 gsem[nb])
            pltpu.make_async_copy(dsup_hbm.at[idx_v.at[b, 0]], buf_v.at[b],
                                  gsem[b]).wait()
            pltpu.sync_copy(buf_v.at[b], agg_sh.at[idx_v.at[b, 1]], add=True)

            @pl.when(jj + 2 < nch)
            def _():
                pltpu.async_copy(idx_hbm.at[start + jj + 2], idx_v.at[b],
                                 isem[b])
        return carry
    lax.fori_loop(0, nch // NBUF, _step, 0)

    plsc.subcore_barrier()
    pltpu.sync_copy(agg_sh.at[pl.ds(base, ROWS_PER_TILE)],
                    out_hbm.at[c, pl.ds(base, ROWS_PER_TILE)])


@functools.partial(
    pl.kernel,
    out_type=jax.ShapeDtypeStruct((2, NPAD, D), jnp.float32),
    mesh=_sc_mesh,
    scratch_types=[
        pltpu.VMEM((2, CHUNK), jnp.int32),
        pltpu.VMEM((CHUNK, D), jnp.float32),
        pltpu.VMEM((8, D), jnp.float32),
        pltpu.VMEM_SHARED((NPAD, D), jnp.float32),
    ],
)
def _sc_degree(idx_hbm, ones_hbm, zeros_hbm, out_hbm,
               idx_v, ones_v, zero_v, deg_sh):
    c = lax.axis_index("c")
    s = lax.axis_index("s")
    start = (c * 16 + s) * NCHUNKS

    pltpu.sync_copy(ones_hbm, ones_v)
    pltpu.sync_copy(zeros_hbm, zero_v)

    base = s * ROWS_PER_TILE
    def _zero(k, carry):
        pltpu.sync_copy(zero_v, deg_sh.at[pl.ds(base + k * 8, 8)])
        return carry
    lax.fori_loop(0, ROWS_PER_TILE // 8, _zero, 0)
    plsc.subcore_barrier()

    def _step(j, carry):
        pltpu.sync_copy(idx_hbm.at[start + j], idx_v)
        pltpu.sync_copy(ones_v, deg_sh.at[idx_v.at[1]], add=True)
        return carry
    lax.fori_loop(0, NCHUNKS, _step, 0)

    plsc.subcore_barrier()
    pltpu.sync_copy(deg_sh.at[pl.ds(base, ROWS_PER_TILE)],
                    out_hbm.at[c, pl.ds(base, ROWS_PER_TILE)])


def _h_body(x_ref, w_ref, b_ref, o_ref):
    o_ref[...] = jax.nn.relu(
        jnp.dot(x_ref[...], w_ref[...], preferred_element_type=jnp.float32)
        + b_ref[...])


def _prep_body(degp_ref, h_ref, w2_ref, dinv_ref, init_ref):
    deg = degp_ref[0, 0:N, 0:1] + degp_ref[1, 0:N, 0:1] + 1.0
    dinv = lax.rsqrt(deg)
    dinv_ref[...] = dinv
    h = h_ref[...]
    for l in range(L):
        init_ref[l] = ALPHA * h + jnp.dot(h, w2_ref[l],
                                          preferred_element_type=jnp.float32)


def _pre_body(x_ref, w_ref, dinv_ref, sup_ref, dsup_ref):
    x = x_ref[...]
    sup = x + jnp.dot(x, w_ref[...], preferred_element_type=jnp.float32)
    sup_ref[...] = sup
    dsup_ref[...] = dinv_ref[...] * sup


def _post_body(aggp_ref, sup_ref, init_ref, dinv_ref, g_ref, b_ref, prev_ref,
               h_ref):
    dinv = dinv_ref[...]
    out = (dinv * (aggp_ref[0, 0:N, :] + aggp_ref[1, 0:N, :])
           + (dinv * dinv) * sup_ref[...] + init_ref[...])
    m = jnp.mean(out, axis=0, keepdims=True)
    v = jnp.mean((out - m) * (out - m), axis=0, keepdims=True)
    outn = g_ref[...] * (out - m) * lax.rsqrt(v + EPS) + b_ref[...]
    h_ref[...] = jax.nn.relu(outn) + prev_ref[...]


def _final_body(x_ref, w_ref, b_ref, o_ref):
    o_ref[...] = (jnp.dot(x_ref[...], w_ref[...],
                          preferred_element_type=jnp.float32) + b_ref[...])


def kernel(x, edge_index, W0, b0, W1, W2, gamma, beta, Wl, bl):
    f32 = jnp.float32
    row = edge_index[0].astype(jnp.int32)
    col = edge_index[1].astype(jnp.int32)
    pad = EPAD - E
    pad_col = N + jnp.arange(pad, dtype=jnp.int32) % (NPAD - N)
    row_p = jnp.concatenate([row, jnp.zeros((pad,), jnp.int32)])
    col_p = jnp.concatenate([col, pad_col])
    idx = jnp.stack([row_p.reshape(NW, NCHUNKS, CHUNK),
                     col_p.reshape(NW, NCHUNKS, CHUNK)], axis=2)
    idx_flat = idx.reshape(TOTCHUNKS, 2, CHUNK)

    zeros128 = jnp.zeros((8, D), f32)
    ones128 = jnp.ones((CHUNK, D), f32)

    degp = _sc_degree(idx_flat, ones128, zeros128)

    nd = jax.ShapeDtypeStruct((N, D), f32)
    h = pl.pallas_call(_h_body, out_shape=nd)(x, W0, b0.reshape(1, D))

    dinv, init_all = pl.pallas_call(
        _prep_body,
        out_shape=(jax.ShapeDtypeStruct((N, 1), f32),
                   jax.ShapeDtypeStruct((L, N, D), f32)),
    )(degp, h, W2)

    prev = h
    xcur = h
    for i in range(L):
        sup, dsup = pl.pallas_call(
            _pre_body, out_shape=(nd, nd),
        )(xcur, W1[i], dinv)

        aggp = _sc_edge_pass(dsup, idx_flat, zeros128)

        hnew = pl.pallas_call(
            _post_body, out_shape=nd,
        )(aggp, sup, init_all[i], dinv, gamma[i].reshape(1, D),
          beta[i].reshape(1, D), prev)
        prev = hnew
        xcur = hnew

    return pl.pallas_call(_final_body, out_shape=nd)(xcur, Wl,
                                                     bl.reshape(1, D))

# --- scband reference (transcript-rebuilt; emitter-appended) ---
"""Pipeline reference for scband-gcn2-9371618640574 (READ-ONLY COPY).

The authoritative reference and input builder live on the scoring server;
editing this copy changes nothing except your own understanding.
"""

import jax, jax.numpy as jnp
import numpy as np

N = 10000
E = 320000
D_IN = 128
D_HID = 128
D_OUT = 128
L = 4
ALPHA = 0.5


def glorot(key, shape):
    fan_in, fan_out = shape[-2], shape[-1]
    limit = float(np.sqrt(6.0 / (fan_in + fan_out)))
    return jax.random.uniform(key, shape, jnp.float32, -limit, limit)


def setup_inputs(seed: int = 0) -> dict:
    key = jax.random.key(seed)
    ks = jax.random.split(key, 10)
    x = jax.random.normal(ks[0], (N, D_IN), dtype=jnp.float32)
    edge_index = jax.random.randint(ks[1], (2, E), 0, N, dtype=jnp.int64)
    W0 = glorot(ks[2], (D_IN, D_HID))
    b0 = jnp.zeros((D_HID,), dtype=jnp.float32)
    W1 = glorot(ks[3], (L, D_HID, D_HID))
    W2 = glorot(ks[4], (L, D_HID, D_HID))
    gamma = jnp.ones((L, D_HID), dtype=jnp.float32)
    beta = jnp.zeros((L, D_HID), dtype=jnp.float32)
    Wl = glorot(ks[5], (D_HID, D_OUT))
    bl = jnp.zeros((D_OUT,), dtype=jnp.float32)
    return {"x": x, "edge_index": edge_index, "W0": W0, "b0": b0,
            "W1": W1, "W2": W2, "gamma": gamma, "beta": beta,
            "Wl": Wl, "bl": bl}


def gcn_norm(edge_index, num_nodes):
    row = edge_index[0]
    col = edge_index[1]
    loop = jnp.arange(num_nodes, dtype=row.dtype)
    row = jnp.concatenate([row, loop])
    col = jnp.concatenate([col, loop])
    ew = jnp.ones(row.shape[0], dtype=jnp.float32)
    deg = jnp.zeros((num_nodes,), dtype=jnp.float32).at[col].add(ew)
    dinv = jnp.where(deg > 0, jax.lax.rsqrt(deg), 0.0)
    norm = dinv[row] * ew * dinv[col]
    return row, col, norm


def batchnorm(h, gamma, beta, eps=1e-5):
    mean = jnp.mean(h, axis=0)
    var = jnp.var(h, axis=0)
    return gamma * (h - mean) * jax.lax.rsqrt(var + eps) + beta


def reference(x, edge_index, W0, b0, W1, W2, gamma, beta, Wl, bl):
    row, col, norm = gcn_norm(edge_index, x.shape[0])
    # first linear + relu (dropout p=0 -> identity)
    h = jax.nn.relu(x @ W0 + b0)
    h0 = h
    prev = h
    xcur = h
    for i in range(L):
        support = xcur + xcur @ W1[i]
        initial = ALPHA * h0 + h0 @ W2[i]
        msg = norm[:, None] * support[row]
        agg = jnp.zeros_like(support).at[col].add(msg)
        out = agg + initial
        out = batchnorm(out, gamma[i], beta[i])
        h = jax.nn.relu(out) + prev
        prev = h
        xcur = h
    return xcur @ Wl + bl

if __name__ == "__main__":
    import jax
    _d = setup_inputs()
    print(jax.jit(kernel)(*tuple(_d.values())))

</pallas_src>

<mosaic_0001>
#map = affine_map<(d0, d1) -> (0, 0, 0)>
#map1 = affine_map<(d0, d1) -> (0, 0)>
module attributes {stable_mosaic.version = 14 : i64} {
  func.func @_sc_degree(%arg0: i32, %arg1: i32, %arg2: memref<2560x2x128xi32, #tpu.memory_space<hbm>>, %arg3: memref<128x128xf32, #tpu.memory_space<hbm>>, %arg4: memref<8x128xf32, #tpu.memory_space<hbm>>, %arg5: memref<2x10112x128xf32, #tpu.memory_space<hbm>>, %arg6: memref<2x128xi32, #tpu.memory_space<vmem>>, %arg7: memref<128x128xf32, #tpu.memory_space<vmem>>, %arg8: memref<8x128xf32, #tpu.memory_space<vmem>>, %arg9: memref<10112x128xf32, #tpu.memory_space<vmem_shared>>) attributes {dimension_semantics = [#tpu.dimension_semantics<core_parallel>, #tpu.dimension_semantics<subcore_parallel>], iteration_bounds = array<i64: 2, 16>, scalar_prefetch = 0 : i64, scratch_operands = 4 : i64, tpu.core_type = #tpu.core_type<sc_vector_subcore>, window_params = [{transform_indices = #map}, {transform_indices = #map1}, {transform_indices = #map1}, {transform_indices = #map}]} {
    %mul3A = arith.constant 16 : i32
    %mul3A_0 = arith.muli %arg0, %mul3A : i32
    %add3A = arith.addi %mul3A_0, %arg1 : i32
    %mul3A_1 = arith.constant 80 : i32
    %mul3A_2 = arith.muli %add3A, %mul3A_1 : i32
    "tpu.region"() ({
      %run_scoped3A = tpu.sem_alloc : memref<!tpu.dma_semaphore, #tpu.memory_space<semaphore_mem>>
      tpu.enqueue_dma source(%arg3 : memref<128x128xf32, #tpu.memory_space<hbm>>) target(%arg7 : memref<128x128xf32, #tpu.memory_space<vmem>>) target_semaphore(%run_scoped3A : memref<!tpu.dma_semaphore, #tpu.memory_space<semaphore_mem>>)
      tpu.wait_dma2 semaphore(%run_scoped3A : memref<!tpu.dma_semaphore, #tpu.memory_space<semaphore_mem>>) src(%arg3 : memref<128x128xf32, #tpu.memory_space<hbm>>) dst(%arg7 : memref<128x128xf32, #tpu.memory_space<vmem>>)
      tpu.yield
    }) : () -> ()
    "tpu.region"() ({
      %run_scoped3A = tpu.sem_alloc : memref<!tpu.dma_semaphore, #tpu.memory_space<semaphore_mem>>
      tpu.enqueue_dma source(%arg4 : memref<8x128xf32, #tpu.memory_space<hbm>>) target(%arg8 : memref<8x128xf32, #tpu.memory_space<vmem>>) target_semaphore(%run_scoped3A : memref<!tpu.dma_semaphore, #tpu.memory_space<semaphore_mem>>)
      tpu.wait_dma2 semaphore(%run_scoped3A : memref<!tpu.dma_semaphore, #tpu.memory_space<semaphore_mem>>) src(%arg4 : memref<8x128xf32, #tpu.memory_space<hbm>>) dst(%arg8 : memref<8x128xf32, #tpu.memory_space<vmem>>)
      tpu.yield
    }) : () -> ()
    %mul3A_3 = arith.constant 632 : i32
    %mul3A_4 = arith.muli %arg1, %mul3A_3 : i32
    %scan3A = arith.constant 0 : i32
    %scan3A_5 = arith.constant 0 : i32
    %scan3A_6 = arith.constant 79 : i32
    %scan3A_7 = arith.addi %scan3A_5, %scan3A_6 : i32
    %scan3A_8 = arith.constant 1 : i32
    scf.for %scan3A_17 = %scan3A_5 to %scan3A_7 step %scan3A_8  : i32 {
      %mul3A_18 = arith.constant 8 : i32
      %mul3A_19 = arith.muli %scan3A_17, %mul3A_18 : i32
      %add3A_20 = arith.addi %mul3A_4, %mul3A_19 : i32
      "tpu.region"() ({
        %run_scoped3A = tpu.sem_alloc : memref<!tpu.dma_semaphore, #tpu.memory_space<semaphore_mem>>
        %dma_start3A = arith.constant 0 : i32
        %dma_start3A_21 = tpu.memref_slice %arg9[%add3A_20, %dma_start3A] : memref<10112x128xf32, #tpu.memory_space<vmem_shared>> -> memref<8x128xf32, #tpu.memory_space<vmem_shared>>
        %dma_start3A_22 = arith.constant 0 : i32
        %dma_start3A_23 = tpu.memref_slice %arg9[%add3A_20, %dma_start3A_22] : memref<10112x128xf32, #tpu.memory_space<vmem_shared>> -> memref<8x128xf32, #tpu.memory_space<vmem_shared>>
        tpu.enqueue_dma source(%arg8 : memref<8x128xf32, #tpu.memory_space<vmem>>) target(%dma_start3A_23 : memref<8x128xf32, #tpu.memory_space<vmem_shared>>) target_semaphore(%run_scoped3A : memref<!tpu.dma_semaphore, #tpu.memory_space<semaphore_mem>>)
        %dma_wait3A = arith.constant 0 : i32
        %dma_wait3A_24 = tpu.memref_slice %arg9[%add3A_20, %dma_wait3A] : memref<10112x128xf32, #tpu.memory_space<vmem_shared>> -> memref<8x128xf32, #tpu.memory_space<vmem_shared>>
        %dma_wait3A_25 = arith.constant 0 : i32
        %dma_wait3A_26 = tpu.memref_slice %arg9[%add3A_20, %dma_wait3A_25] : memref<10112x128xf32, #tpu.memory_space<vmem_shared>> -> memref<8x128xf32, #tpu.memory_space<vmem_shared>>
        tpu.wait_dma2 semaphore(%run_scoped3A : memref<!tpu.dma_semaphore, #tpu.memory_space<semaphore_mem>>) src(%arg8 : memref<8x128xf32, #tpu.memory_space<vmem>>) dst(%dma_wait3A_26 : memref<8x128xf32, #tpu.memory_space<vmem_shared>>)
        tpu.yield
      }) : () -> ()
    }
    %scan3A_9 = arith.constant 79 : i32
    %barrier3A = arith.constant 0 : index
    tpu.barrier barrier_id(%barrier3A)
    %scan3A_10 = arith.constant 0 : i32
    %scan3A_11 = arith.constant 0 : i32
    %scan3A_12 = arith.constant 80 : i32
    %scan3A_13 = arith.addi %scan3A_11, %scan3A_12 : i32
    %scan3A_14 = arith.constant 1 : i32
    scf.for %scan3A_17 = %scan3A_11 to %scan3A_13 step %scan3A_14  : i32 {
      %add3A_18 = arith.addi %mul3A_2, %scan3A_17 : i32
      "tpu.region"() ({
        %run_scoped3A_19 = tpu.sem_alloc : memref<!tpu.dma_semaphore, #tpu.memory_space<semaphore_mem>>
        %dma_start3A = arith.constant 0 : i32
        %dma_start3A_20 = arith.constant 0 : i32
        %dma_start3A_21 = tpu.memref_slice %arg2[%add3A_18, %dma_start3A, %dma_start3A_20] : memref<2560x2x128xi32, #tpu.memory_space<hbm>> -> memref<1x2x128xi32, #tpu.memory_space<hbm>>
        %dma_start3A_22 = tpu.memref_squeeze %dma_start3A_21 : memref<1x2x128xi32, #tpu.memory_space<hbm>> -> memref<2x128xi32, #tpu.memory_space<hbm>>
        %dma_start3A_23 = arith.constant 0 : i32
        %dma_start3A_24 = arith.constant 0 : i32
        %dma_start3A_25 = tpu.memref_slice %arg2[%add3A_18, %dma_start3A_23, %dma_start3A_24] : memref<2560x2x128xi32, #tpu.memory_space<hbm>> -> memref<1x2x128xi32, #tpu.memory_space<hbm>>
        %dma_start3A_26 = tpu.memref_squeeze %dma_start3A_25 : memref<1x2x128xi32, #tpu.memory_space<hbm>> -> memref<2x128xi32, #tpu.memory_space<hbm>>
        tpu.enqueue_dma source(%dma_start3A_26 : memref<2x128xi32, #tpu.memory_space<hbm>>) target(%arg6 : memref<2x128xi32, #tpu.memory_space<vmem>>) target_semaphore(%run_scoped3A_19 : memref<!tpu.dma_semaphore, #tpu.memory_space<semaphore_mem>>)
        %dma_wait3A = arith.constant 0 : i32
        %dma_wait3A_27 = arith.constant 0 : i32
        %dma_wait3A_28 = tpu.memref_slice %arg2[%add3A_18, %dma_wait3A, %dma_wait3A_27] : memref<2560x2x128xi32, #tpu.memory_space<hbm>> -> memref<1x2x128xi32, #tpu.memory_space<hbm>>
        %dma_wait3A_29 = tpu.memref_squeeze %dma_wait3A_28 : memref<1x2x128xi32, #tpu.memory_space<hbm>> -> memref<2x128xi32, #tpu.memory_space<hbm>>
        %dma_wait3A_30 = arith.constant 0 : i32
        %dma_wait3A_31 = arith.constant 0 : i32
        %dma_wait3A_32 = tpu.memref_slice %arg2[%add3A_18, %dma_wait3A_30, %dma_wait3A_31] : memref<2560x2x128xi32, #tpu.memory_space<hbm>> -> memref<1x2x128xi32, #tpu.memory_space<hbm>>
        %dma_wait3A_33 = tpu.memref_squeeze %dma_wait3A_32 : memref<1x2x128xi32, #tpu.memory_space<hbm>> -> memref<2x128xi32, #tpu.memory_space<hbm>>
        tpu.wait_dma2 semaphore(%run_scoped3A_19 : memref<!tpu.dma_semaphore, #tpu.memory_space<semaphore_mem>>) src(%dma_wait3A_33 : memref<2x128xi32, #tpu.memory_space<hbm>>) dst(%arg6 : memref<2x128xi32, #tpu.memory_space<vmem>>)
        tpu.yield
      }) : () -> ()
      %run_scoped3A = arith.constant 1 : i32
      "tpu.region"() ({
        %run_scoped3A_19 = tpu.sem_alloc : memref<!tpu.dma_semaphore, #tpu.memory_space<semaphore_mem>>
        %dma_start3A = arith.constant 0 : i32
        %dma_start3A_20 = tpu.memref_slice %arg6[%run_scoped3A, %dma_start3A] : memref<2x128xi32, #tpu.memory_space<vmem>> -> memref<1x128xi32, #tpu.memory_space<vmem>>
        %dma_start3A_21 = tpu.memref_squeeze %dma_start3A_20 : memref<1x128xi32, #tpu.memory_space<vmem>> -> memref<128xi32, #tpu.memory_space<vmem>>
        %dma_start3A_22 = arith.constant 0 : i32
        %dma_start3A_23 = arith.constant 0 : i32
        %dma_start3A_24 = tpu.memref_slice %arg9[%dma_start3A_22, %dma_start3A_23] : memref<10112x128xf32, #tpu.memory_space<vmem_shared>> -> memref<10112x128xf32, #tpu.memory_space<vmem_shared>>
        tpu.enqueue_indirect_dma source(%arg7 : memref<128x128xf32, #tpu.memory_space<vmem>>) target(%dma_start3A_24 : memref<10112x128xf32, #tpu.memory_space<vmem_shared>>) offsets(%dma_start3A_21 : memref<128xi32, #tpu.memory_space<vmem>>) semaphore(%run_scoped3A_19 : memref<!tpu.dma_semaphore, #tpu.memory_space<semaphore_mem>>) {add = true}
        %dma_wait3A = arith.constant 0 : i32
        %dma_wait3A_25 = tpu.memref_slice %arg6[%run_scoped3A, %dma_wait3A] : memref<2x128xi32, #tpu.memory_space<vmem>> -> memref<1x128xi32, #tpu.memory_space<vmem>>
        %dma_wait3A_26 = tpu.memref_squeeze %dma_wait3A_25 : memref<1x128xi32, #tpu.memory_space<vmem>> -> memref<128xi32, #tpu.memory_space<vmem>>
        %dma_wait3A_27 = arith.constant 0 : i32
        %dma_wait3A_28 = arith.constant 0 : i32
        %dma_wait3A_29 = tpu.memref_slice %arg9[%dma_wait3A_27, %dma_wait3A_28] : memref<10112x128xf32, #tpu.memory_space<vmem_shared>> -> memref<10112x128xf32, #tpu.memory_space<vmem_shared>>
        tpu.wait_indirect_dma semaphore(%run_scoped3A_19 : memref<!tpu.dma_semaphore, #tpu.memory_space<semaphore_mem>>) src(%arg7 : memref<128x128xf32, #tpu.memory_space<vmem>>) dst(%dma_wait3A_29 : memref<10112x128xf32, #tpu.memory_space<vmem_shared>>)
        tpu.yield
      }) : () -> ()
    }
    %scan3A_15 = arith.constant 80 : i32
    %barrier3A_16 = arith.constant 0 : index
    tpu.barrier barrier_id(%barrier3A_16)
    "tpu.region"() ({
      %run_scoped3A = tpu.sem_alloc : memref<!tpu.dma_semaphore, #tpu.memory_space<semaphore_mem>>
      %dma_start3A = arith.constant 0 : i32
      %dma_start3A_17 = tpu.memref_slice %arg5[%arg0, %mul3A_4, %dma_start3A] : memref<2x10112x128xf32, #tpu.memory_space<hbm>> -> memref<1x632x128xf32, #tpu.memory_space<hbm>>
      %dma_start3A_18 = tpu.memref_squeeze %dma_start3A_17 : memref<1x632x128xf32, #tpu.memory_space<hbm>> -> memref<632x128xf32, #tpu.memory_space<hbm>>
      %dma_start3A_19 = arith.constant 0 : i32
      %dma_start3A_20 = tpu.memref_slice %arg9[%mul3A_4, %dma_start3A_19] : memref<10112x128xf32, #tpu.memory_space<vmem_shared>> -> memref<632x128xf32, #tpu.memory_space<vmem_shared>>
      tpu.enqueue_dma source(%dma_start3A_20 : memref<632x128xf32, #tpu.memory_space<vmem_shared>>) target(%dma_start3A_18 : memref<632x128xf32, #tpu.memory_space<hbm>>) target_semaphore(%run_scoped3A : memref<!tpu.dma_semaphore, #tpu.memory_space<semaphore_mem>>)
      %dma_wait3A = arith.constant 0 : i32
      %dma_wait3A_21 = tpu.memref_slice %arg5[%arg0, %mul3A_4, %dma_wait3A] : memref<2x10112x128xf32, #tpu.memory_space<hbm>> -> memref<1x632x128xf32, #tpu.memory_space<hbm>>
      %dma_wait3A_22 = tpu.memref_squeeze %dma_wait3A_21 : memref<1x632x128xf32, #tpu.memory_space<hbm>> -> memref<632x128xf32, #tpu.memory_space<hbm>>
      %dma_wait3A_23 = arith.constant 0 : i32
      %dma_wait3A_24 = tpu.memref_slice %arg9[%mul3A_4, %dma_wait3A_23] : memref<10112x128xf32, #tpu.memory_space<vmem_shared>> -> memref<632x128xf32, #tpu.memory_space<vmem_shared>>
      tpu.wait_dma2 semaphore(%run_scoped3A : memref<!tpu.dma_semaphore, #tpu.memory_space<semaphore_mem>>) src(%dma_wait3A_24 : memref<632x128xf32, #tpu.memory_space<vmem_shared>>) dst(%dma_wait3A_22 : memref<632x128xf32, #tpu.memory_space<hbm>>)
      tpu.yield
    }) : () -> ()
    return
  }
}

#map = affine_map<(d0, d1) -> (0, 0)>
#map1 = affine_map<(d0, d1) -> (0, 0, 0)>
module attributes {stable_mosaic.version = 14 : i64} {
  func.func @_sc_edge_pass(%arg0: i32, %arg1: i32, %arg2: memref<10000x128xf32, #tpu.memory_space<hbm>>, %arg3: memref<2560x2x128xi32, #tpu.memory_space<hbm>>, %arg4: memref<8x128xf32, #tpu.memory_space<hbm>>, %arg5: memref<2x10112x128xf32, #tpu.memory_space<hbm>>, %arg6: memref<2x2x128xi32, #tpu.memory_space<vmem>>, %arg7: memref<2x128x128xf32, #tpu.memory_space<vmem>>, %arg8: memref<8x128xf32, #tpu.memory_space<vmem>>, %arg9: memref<10112x128xf32, #tpu.memory_space<vmem_shared>>, %arg10: memref<!tpu.dma_semaphore, #tpu.memory_space<semaphore_mem>>, %arg11: memref<!tpu.dma_semaphore, #tpu.memory_space<semaphore_mem>>, %arg12: memref<!tpu.dma_semaphore, #tpu.memory_space<semaphore_mem>>, %arg13: memref<!tpu.dma_semaphore, #tpu.memory_space<semaphore_mem>>) attributes {dimension_semantics = [#tpu.dimension_semantics<core_parallel>, #tpu.dimension_semantics<subcore_parallel>], iteration_bounds = array<i64: 2, 16>, scalar_prefetch = 0 : i64, scratch_operands = 8 : i64, tpu.core_type = #tpu.core_type<sc_vector_subcore>, window_params = [{transform_indices = #map}, {transform_indices = #map1}, {transform_indices = #map}, {transform_indices = #map1}]} {
    %eq3A = arith.constant 0 : i32
    %eq3A_0 = arith.cmpi eq, %arg0, %eq3A : i32
    %mul3A = arith.constant 80 : i32
    %mul3A_1 = arith.muli %arg1, %mul3A : i32
    %mul3A_2 = arith.constant 80 : i32
    %mul3A_3 = arith.muli %arg1, %mul3A_2 : i32
    %add3A = arith.constant 1280 : i32
    %add3A_4 = arith.addi %add3A, %mul3A_3 : i32
    %select_n3A = arith.select %eq3A_0, %mul3A_1, %add3A_4 : i32
    %eq3A_5 = arith.constant 0 : i32
    %eq3A_6 = arith.cmpi eq, %arg0, %eq3A_5 : i32
    %jit3A = arith.constant 80 : i32
    %jit3A_7 = arith.constant 80 : i32
    %select_n3A_8 = arith.select %eq3A_6, %jit3A, %jit3A_7 : i32
    "tpu.region"() ({
      %run_scoped3A_75 = tpu.sem_alloc : memref<!tpu.dma_semaphore, #tpu.memory_space<semaphore_mem>>
      tpu.enqueue_dma source(%arg4 : memref<8x128xf32, #tpu.memory_space<hbm>>) target(%arg8 : memref<8x128xf32, #tpu.memory_space<vmem>>) target_semaphore(%run_scoped3A_75 : memref<!tpu.dma_semaphore, #tpu.memory_space<semaphore_mem>>)
      tpu.wait_dma2 semaphore(%run_scoped3A_75 : memref<!tpu.dma_semaphore, #tpu.memory_space<semaphore_mem>>) src(%arg4 : memref<8x128xf32, #tpu.memory_space<hbm>>) dst(%arg8 : memref<8x128xf32, #tpu.memory_space<vmem>>)
      tpu.yield
    }) : () -> ()
    %mul3A_9 = arith.constant 632 : i32
    %mul3A_10 = arith.muli %arg1, %mul3A_9 : i32
    %scan3A = arith.constant 0 : i32
    %scan3A_11 = arith.constant 0 : i32
    %scan3A_12 = arith.constant 79 : i32
    %scan3A_13 = arith.addi %scan3A_11, %scan3A_12 : i32
    %scan3A_14 = arith.constant 1 : i32
    scf.for %scan3A_75 = %scan3A_11 to %scan3A_13 step %scan3A_14  : i32 {
      %mul3A_76 = arith.constant 8 : i32
      %mul3A_77 = arith.muli %scan3A_75, %mul3A_76 : i32
      %add3A_78 = arith.addi %mul3A_10, %mul3A_77 : i32
      "tpu.region"() ({
        %run_scoped3A_79 = tpu.sem_alloc : memref<!tpu.dma_semaphore, #tpu.memory_space<semaphore_mem>>
        %dma_start3A_80 = arith.constant 0 : i32
        %dma_start3A_81 = tpu.memref_slice %arg9[%add3A_78, %dma_start3A_80] : memref<10112x128xf32, #tpu.memory_space<vmem_shared>> -> memref<8x128xf32, #tpu.memory_space<vmem_shared>>
        %dma_start3A_82 = arith.constant 0 : i32
        %dma_start3A_83 = tpu.memref_slice %arg9[%add3A_78, %dma_start3A_82] : memref<10112x128xf32, #tpu.memory_space<vmem_shared>> -> memref<8x128xf32, #tpu.memory_space<vmem_shared>>
        tpu.enqueue_dma source(%arg8 : memref<8x128xf32, #tpu.memory_space<vmem>>) target(%dma_start3A_83 : memref<8x128xf32, #tpu.memory_space<vmem_shared>>) target_semaphore(%run_scoped3A_79 : memref<!tpu.dma_semaphore, #tpu.memory_space<semaphore_mem>>)
        %dma_wait3A = arith.constant 0 : i32
        %dma_wait3A_84 = tpu.memref_slice %arg9[%add3A_78, %dma_wait3A] : memref<10112x128xf32, #tpu.memory_space<vmem_shared>> -> memref<8x128xf32, #tpu.memory_space<vmem_shared>>
        %dma_wait3A_85 = arith.constant 0 : i32
        %dma_wait3A_86 = tpu.memref_slice %arg9[%add3A_78, %dma_wait3A_85] : memref<10112x128xf32, #tpu.memory_space<vmem_shared>> -> memref<8x128xf32, #tpu.memory_space<vmem_shared>>
        tpu.wait_dma2 semaphore(%run_scoped3A_79 : memref<!tpu.dma_semaphore, #tpu.memory_space<semaphore_mem>>) src(%arg8 : memref<8x128xf32, #tpu.memory_space<vmem>>) dst(%dma_wait3A_86 : memref<8x128xf32, #tpu.memory_space<vmem_shared>>)
        tpu.yield
      }) : () -> ()
    }
    %scan3A_15 = arith.constant 79 : i32
    %barrier3A = arith.constant 0 : index
    tpu.barrier barrier_id(%barrier3A)
    %run_scoped3A = arith.constant 0 : i32
    "tpu.region"() ({
      %run_scoped3A_75 = tpu.sem_alloc : memref<!tpu.dma_semaphore, #tpu.memory_space<semaphore_mem>>
      %dma_start3A_76 = arith.constant 0 : i32
      %dma_start3A_77 = arith.constant 0 : i32
      %dma_start3A_78 = tpu.memref_slice %arg6[%run_scoped3A, %dma_start3A_76, %dma_start3A_77] : memref<2x2x128xi32, #tpu.memory_space<vmem>> -> memref<1x2x128xi32, #tpu.memory_space<vmem>>
      %dma_start3A_79 = tpu.memref_squeeze %dma_start3A_78 : memref<1x2x128xi32, #tpu.memory_space<vmem>> -> memref<2x128xi32, #tpu.memory_space<vmem>>
      %dma_start3A_80 = arith.constant 0 : i32
      %dma_start3A_81 = arith.constant 0 : i32
      %dma_start3A_82 = tpu.memref_slice %arg3[%select_n3A, %dma_start3A_80, %dma_start3A_81] : memref<2560x2x128xi32, #tpu.memory_space<hbm>> -> memref<1x2x128xi32, #tpu.memory_space<hbm>>
      %dma_start3A_83 = tpu.memref_squeeze %dma_start3A_82 : memref<1x2x128xi32, #tpu.memory_space<hbm>> -> memref<2x128xi32, #tpu.memory_space<hbm>>
      %dma_start3A_84 = arith.constant 0 : i32
      %dma_start3A_85 = arith.constant 0 : i32
      %dma_start3A_86 = tpu.memref_slice %arg6[%run_scoped3A, %dma_start3A_84, %dma_start3A_85] : memref<2x2x128xi32, #tpu.memory_space<vmem>> -> memref<1x2x128xi32, #tpu.memory_space<vmem>>
      %dma_start3A_87 = tpu.memref_squeeze %dma_start3A_86 : memref<1x2x128xi32, #tpu.memory_space<vmem>> -> memref<2x128xi32, #tpu.memory_space<vmem>>
      %dma_start3A_88 = arith.constant 0 : i32
      %dma_start3A_89 = arith.constant 0 : i32
      %dma_start3A_90 = tpu.memref_slice %arg3[%select_n3A, %dma_start3A_88, %dma_start3A_89] : memref<2560x2x128xi32, #tpu.memory_space<hbm>> -> memref<1x2x128xi32, #tpu.memory_space<hbm>>
      %dma_start3A_91 = tpu.memref_squeeze %dma_start3A_90 : memref<1x2x128xi32, #tpu.memory_space<hbm>> -> memref<2x128xi32, #tpu.memory_space<hbm>>
      tpu.enqueue_dma source(%dma_start3A_91 : memref<2x128xi32, #tpu.memory_space<hbm>>) target(%dma_start3A_87 : memref<2x128xi32, #tpu.memory_space<vmem>>) target_semaphore(%run_scoped3A_75 : memref<!tpu.dma_semaphore, #tpu.memory_space<semaphore_mem>>)
      %dma_wait3A = arith.constant 0 : i32
      %dma_wait3A_92 = arith.constant 0 : i32
      %dma_wait3A_93 = tpu.memref_slice %arg6[%run_scoped3A, %dma_wait3A, %dma_wait3A_92] : memref<2x2x128xi32, #tpu.memory_space<vmem>> -> memref<1x2x128xi32, #tpu.memory_space<vmem>>
      %dma_wait3A_94 = tpu.memref_squeeze %dma_wait3A_93 : memref<1x2x128xi32, #tpu.memory_space<vmem>> -> memref<2x128xi32, #tpu.memory_space<vmem>>
      %dma_wait3A_95 = arith.constant 0 : i32
      %dma_wait3A_96 = arith.constant 0 : i32
      %dma_wait3A_97 = tpu.memref_slice %arg3[%select_n3A, %dma_wait3A_95, %dma_wait3A_96] : memref<2560x2x128xi32, #tpu.memory_space<hbm>> -> memref<1x2x128xi32, #tpu.memory_space<hbm>>
      %dma_wait3A_98 = tpu.memref_squeeze %dma_wait3A_97 : memref<1x2x128xi32, #tpu.memory_space<hbm>> -> memref<2x128xi32, #tpu.memory_space<hbm>>
      %dma_wait3A_99 = arith.constant 0 : i32
      %dma_wait3A_100 = arith.constant 0 : i32
      %dma_wait3A_101 = tpu.memref_slice %arg6[%run_scoped3A, %dma_wait3A_99, %dma_wait3A_100] : memref<2x2x128xi32, #tpu.memory_space<vmem>> -> memref<1x2x128xi32, #tpu.memory_space<vmem>>
      %dma_wait3A_102 = tpu.memref_squeeze %dma_wait3A_101 : memref<1x2x128xi32, #tpu.memory_space<vmem>> -> memref<2x128xi32, #tpu.memory_space<vmem>>
      %dma_wait3A_103 = arith.constant 0 : i32
      %dma_wait3A_104 = arith.constant 0 : i32
      %dma_wait3A_105 = tpu.memref_slice %arg3[%select_n3A, %dma_wait3A_103, %dma_wait3A_104] : memref<2560x2x128xi32, #tpu.memory_space<hbm>> -> memref<1x2x128xi32, #tpu.memory_space<hbm>>
      %dma_wait3A_106 = tpu.memref_squeeze %dma_wait3A_105 : memref<1x2x128xi32, #tpu.memory_space<hbm>> -> memref<2x128xi32, #tpu.memory_space<hbm>>
      tpu.wait_dma2 semaphore(%run_scoped3A_75 : memref<!tpu.dma_semaphore, #tpu.memory_space<semaphore_mem>>) src(%dma_wait3A_106 : memref<2x128xi32, #tpu.memory_space<hbm>>) dst(%dma_wait3A_102 : memref<2x128xi32, #tpu.memory_space<vmem>>)
      tpu.yield
    }) : () -> ()
    %dma_start3A = arith.constant 0 : i32
    %dma_start3A_16 = arith.constant 0 : i32
    %dma_start3A_17 = arith.constant 0 : i32
    %dma_start3A_18 = arith.constant 0 : i32
    %dma_start3A_19 = arith.constant 0 : i32
    %dma_start3A_20 = tpu.memref_slice %arg7[%dma_start3A_17, %dma_start3A_18, %dma_start3A_19] : memref<2x128x128xf32, #tpu.memory_space<vmem>> -> memref<1x128x128xf32, #tpu.memory_space<vmem>>
    %dma_start3A_21 = tpu.memref_squeeze %dma_start3A_20 : memref<1x128x128xf32, #tpu.memory_space<vmem>> -> memref<128x128xf32, #tpu.memory_space<vmem>>
    %dma_start3A_22 = arith.constant 0 : i32
    %dma_start3A_23 = tpu.memref_slice %arg6[%dma_start3A, %dma_start3A_16, %dma_start3A_22] : memref<2x2x128xi32, #tpu.memory_space<vmem>> -> memref<1x1x128xi32, #tpu.memory_space<vmem>>
    %dma_start3A_24 = tpu.memref_squeeze %dma_start3A_23 : memref<1x1x128xi32, #tpu.memory_space<vmem>> -> memref<128xi32, #tpu.memory_space<vmem>>
    %dma_start3A_25 = arith.constant 0 : i32
    %dma_start3A_26 = arith.constant 0 : i32
    %dma_start3A_27 = tpu.memref_slice %arg2[%dma_start3A_25, %dma_start3A_26] : memref<10000x128xf32, #tpu.memory_space<hbm>> -> memref<10000x128xf32, #tpu.memory_space<hbm>>
    tpu.enqueue_indirect_dma source(%dma_start3A_27 : memref<10000x128xf32, #tpu.memory_space<hbm>>) target(%dma_start3A_21 : memref<128x128xf32, #tpu.memory_space<vmem>>) offsets(%dma_start3A_24 : memref<128xi32, #tpu.memory_space<vmem>>) semaphore(%arg12 : memref<!tpu.dma_semaphore, #tpu.memory_space<semaphore_mem>>)
    %add3A_28 = arith.constant 1 : i32
    %add3A_29 = arith.addi %select_n3A, %add3A_28 : i32
    %dma_start3A_30 = arith.constant 1 : i32
    %dma_start3A_31 = arith.constant 0 : i32
    %dma_start3A_32 = arith.constant 0 : i32
    %dma_start3A_33 = tpu.memref_slice %arg6[%dma_start3A_30, %dma_start3A_31, %dma_start3A_32] : memref<2x2x128xi32, #tpu.memory_space<vmem>> -> memref<1x2x128xi32, #tpu.memory_space<vmem>>
    %dma_start3A_34 = tpu.memref_squeeze %dma_start3A_33 : memref<1x2x128xi32, #tpu.memory_space<vmem>> -> memref<2x128xi32, #tpu.memory_space<vmem>>
    %dma_start3A_35 = arith.constant 0 : i32
    %dma_start3A_36 = arith.constant 0 : i32
    %dma_start3A_37 = tpu.memref_slice %arg3[%add3A_29, %dma_start3A_35, %dma_start3A_36] : memref<2560x2x128xi32, #tpu.memory_space<hbm>> -> memref<1x2x128xi32, #tpu.memory_space<hbm>>
    %dma_start3A_38 = tpu.memref_squeeze %dma_start3A_37 : memref<1x2x128xi32, #tpu.memory_space<hbm>> -> memref<2x128xi32, #tpu.memory_space<hbm>>
    %dma_start3A_39 = arith.constant 0 : i32
    %dma_start3A_40 = arith.constant 0 : i32
    %dma_start3A_41 = tpu.memref_slice %arg6[%dma_start3A_30, %dma_start3A_39, %dma_start3A_40] : memref<2x2x128xi32, #tpu.memory_space<vmem>> -> memref<1x2x128xi32, #tpu.memory_space<vmem>>
    %dma_start3A_42 = tpu.memref_squeeze %dma_start3A_41 : memref<1x2x128xi32, #tpu.memory_space<vmem>> -> memref<2x128xi32, #tpu.memory_space<vmem>>
    %dma_start3A_43 = arith.constant 0 : i32
    %dma_start3A_44 = arith.constant 0 : i32
    %dma_start3A_45 = tpu.memref_slice %arg3[%add3A_29, %dma_start3A_43, %dma_start3A_44] : memref<2560x2x128xi32, #tpu.memory_space<hbm>> -> memref<1x2x128xi32, #tpu.memory_space<hbm>>
    %dma_start3A_46 = tpu.memref_squeeze %dma_start3A_45 : memref<1x2x128xi32, #tpu.memory_space<hbm>> -> memref<2x128xi32, #tpu.memory_space<hbm>>
    tpu.enqueue_dma source(%dma_start3A_46 : memref<2x128xi32, #tpu.memory_space<hbm>>) target(%dma_start3A_42 : memref<2x128xi32, #tpu.memory_space<vmem>>) target_semaphore(%arg11 : memref<!tpu.dma_semaphore, #tpu.memory_space<semaphore_mem>>)
    %jit3A_47 = arith.constant 2 : i32
    %div3A = arith.divsi %select_n3A_8, %jit3A_47 : i32
    %sign3A = arith.constant 0 : i32
    %sign3A_48 = arith.cmpi sgt, %select_n3A_8, %sign3A : i32
    %sign3A_49 = arith.extui %sign3A_48 : i1 to i32
    %sign3A_50 = arith.constant 0 : i32
    %sign3A_51 = arith.cmpi slt, %select_n3A_8, %sign3A_50 : i32
    %sign3A_52 = arith.extui %sign3A_51 : i1 to i32
    %sign3A_53 = arith.subi %sign3A_49, %sign3A_52 : i32
    %sign3A_54 = arith.constant 0 : i32
    %sign3A_55 = arith.cmpi sgt, %jit3A_47, %sign3A_54 : i32
    %sign3A_56 = arith.extui %sign3A_55 : i1 to i32
    %sign3A_57 = arith.constant 0 : i32
    %sign3A_58 = arith.cmpi slt, %jit3A_47, %sign3A_57 : i32
    %sign3A_59 = arith.extui %sign3A_58 : i1 to i32
    %sign3A_60 = arith.subi %sign3A_56, %sign3A_59 : i32
    %ne3A = arith.cmpi ne, %sign3A_53, %sign3A_60 : i32
    %rem3A = arith.remsi %select_n3A_8, %jit3A_47 : i32
    %ne3A_61 = arith.constant 0 : i32
    %ne3A_62 = arith.cmpi ne, %rem3A, %ne3A_61 : i32
    %and3A = arith.andi %ne3A, %ne3A_62 : i1
    %sub3A = arith.constant 1 : i32
    %sub3A_63 = arith.subi %div3A, %sub3A : i32
    %select_n3A_64 = arith.select %and3A, %sub3A_63, %div3A : i32
    %while3A = arith.constant 0 : i32
    %while3A_65 = arith.constant 0 : i32
    %while3A_66 = arith.subi %select_n3A_64, %while3A_65 : i32
    %while3A_67 = arith.addi %while3A_65, %while3A_66 : i32
    %while3A_68 = arith.constant 1 : i32
    %while3A_69 = arith.divsi %while3A_66, %while3A_68 : i32
    %while3A_70 = arith.muli %while3A_69, %while3A_68 : i32
    %while3A_71 = arith.addi %while3A_65, %while3A_70 : i32
    %while3A_72 = arith.constant 1 : i32
    scf.for %while3A_75 = %while3A_65 to %while3A_71 step %while3A_72  : i32 {
      %mul3A_76 = arith.constant 2 : i32
      %mul3A_77 = arith.muli %while3A_75, %mul3A_76 : i32
      %add3A_78 = arith.constant 0 : i32
      %add3A_79 = arith.addi %mul3A_77, %add3A_78 : i32
      %add3A_80 = arith.constant 1 : i32
      %add3A_81 = arith.addi %add3A_79, %add3A_80 : i32
      %lt3A = arith.cmpi slt, %add3A_81, %select_n3A_8 : i32
      %convert_element_type3A = arith.extui %lt3A : i1 to i32
      %cond3A = arith.constant 0 : i32
      %cond3A_82 = arith.cmpi ne, %convert_element_type3A, %cond3A : i32
      scf.if %cond3A_82 {
        %add3A_136 = arith.addi %select_n3A, %add3A_79 : i32
        %add3A_137 = arith.constant 1 : i32
        %add3A_138 = arith.addi %add3A_136, %add3A_137 : i32
        %dma_wait3A_139 = arith.constant 1 : i32
        %dma_wait3A_140 = arith.constant 0 : i32
        %dma_wait3A_141 = arith.constant 0 : i32
        %dma_wait3A_142 = tpu.memref_slice %arg6[%dma_wait3A_139, %dma_wait3A_140, %dma_wait3A_141] : memref<2x2x128xi32, #tpu.memory_space<vmem>> -> memref<1x2x128xi32, #tpu.memory_space<vmem>>
        %dma_wait3A_143 = tpu.memref_squeeze %dma_wait3A_142 : memref<1x2x128xi32, #tpu.memory_space<vmem>> -> memref<2x128xi32, #tpu.memory_space<vmem>>
        %dma_wait3A_144 = arith.constant 0 : i32
        %dma_wait3A_145 = arith.constant 0 : i32
        %dma_wait3A_146 = tpu.memref_slice %arg3[%add3A_138, %dma_wait3A_144, %dma_wait3A_145] : memref<2560x2x128xi32, #tpu.memory_space<hbm>> -> memref<1x2x128xi32, #tpu.memory_space<hbm>>
        %dma_wait3A_147 = tpu.memref_squeeze %dma_wait3A_146 : memref<1x2x128xi32, #tpu.memory_space<hbm>> -> memref<2x128xi32, #tpu.memory_space<hbm>>
        %dma_wait3A_148 = arith.constant 0 : i32
        %dma_wait3A_149 = arith.constant 0 : i32
        %dma_wait3A_150 = tpu.memref_slice %arg6[%dma_wait3A_139, %dma_wait3A_148, %dma_wait3A_149] : memref<2x2x128xi32, #tpu.memory_space<vmem>> -> memref<1x2x128xi32, #tpu.memory_space<vmem>>
        %dma_wait3A_151 = tpu.memref_squeeze %dma_wait3A_150 : memref<1x2x128xi32, #tpu.memory_space<vmem>> -> memref<2x128xi32, #tpu.memory_space<vmem>>
        %dma_wait3A_152 = arith.constant 0 : i32
        %dma_wait3A_153 = arith.constant 0 : i32
        %dma_wait3A_154 = tpu.memref_slice %arg3[%add3A_138, %dma_wait3A_152, %dma_wait3A_153] : memref<2560x2x128xi32, #tpu.memory_space<hbm>> -> memref<1x2x128xi32, #tpu.memory_space<hbm>>
        %dma_wait3A_155 = tpu.memref_squeeze %dma_wait3A_154 : memref<1x2x128xi32, #tpu.memory_space<hbm>> -> memref<2x128xi32, #tpu.memory_space<hbm>>
        tpu.wait_dma2 semaphore(%arg11 : memref<!tpu.dma_semaphore, #tpu.memory_space<semaphore_mem>>) src(%dma_wait3A_155 : memref<2x128xi32, #tpu.memory_space<hbm>>) dst(%dma_wait3A_151 : memref<2x128xi32, #tpu.memory_space<vmem>>)
        %dma_start3A_156 = arith.constant 1 : i32
        %dma_start3A_157 = arith.constant 0 : i32
        %dma_start3A_158 = arith.constant 1 : i32
        %dma_start3A_159 = arith.constant 0 : i32
        %dma_start3A_160 = arith.constant 0 : i32
        %dma_start3A_161 = tpu.memref_slice %arg7[%dma_start3A_158, %dma_start3A_159, %dma_start3A_160] : memref<2x128x128xf32, #tpu.memory_space<vmem>> -> memref<1x128x128xf32, #tpu.memory_space<vmem>>
        %dma_start3A_162 = tpu.memref_squeeze %dma_start3A_161 : memref<1x128x128xf32, #tpu.memory_space<vmem>> -> memref<128x128xf32, #tpu.memory_space<vmem>>
        %dma_start3A_163 = arith.constant 0 : i32
        %dma_start3A_164 = tpu.memref_slice %arg6[%dma_start3A_156, %dma_start3A_157, %dma_start3A_163] : memref<2x2x128xi32, #tpu.memory_space<vmem>> -> memref<1x1x128xi32, #tpu.memory_space<vmem>>
        %dma_start3A_165 = tpu.memref_squeeze %dma_start3A_164 : memref<1x1x128xi32, #tpu.memory_space<vmem>> -> memref<128xi32, #tpu.memory_space<vmem>>
        %dma_start3A_166 = arith.constant 0 : i32
        %dma_start3A_167 = arith.constant 0 : i32
        %dma_start3A_168 = tpu.memref_slice %arg2[%dma_start3A_166, %dma_start3A_167] : memref<10000x128xf32, #tpu.memory_space<hbm>> -> memref<10000x128xf32, #tpu.memory_space<hbm>>
        tpu.enqueue_indirect_dma source(%dma_start3A_168 : memref<10000x128xf32, #tpu.memory_space<hbm>>) target(%dma_start3A_162 : memref<128x128xf32, #tpu.memory_space<vmem>>) offsets(%dma_start3A_165 : memref<128xi32, #tpu.memory_space<vmem>>) semaphore(%arg13 : memref<!tpu.dma_semaphore, #tpu.memory_space<semaphore_mem>>)
      } else {
      }
      %dma_wait3A = arith.constant 0 : i32
      %dma_wait3A_83 = arith.constant 0 : i32
      %dma_wait3A_84 = arith.constant 0 : i32
      %dma_wait3A_85 = arith.constant 0 : i32
      %dma_wait3A_86 = arith.constant 0 : i32
      %dma_wait3A_87 = tpu.memref_slice %arg7[%dma_wait3A_84, %dma_wait3A_85, %dma_wait3A_86] : memref<2x128x128xf32, #tpu.memory_space<vmem>> -> memref<1x128x128xf32, #tpu.memory_space<vmem>>
      %dma_wait3A_88 = tpu.memref_squeeze %dma_wait3A_87 : memref<1x128x128xf32, #tpu.memory_space<vmem>> -> memref<128x128xf32, #tpu.memory_space<vmem>>
      %dma_wait3A_89 = arith.constant 0 : i32
      %dma_wait3A_90 = tpu.memref_slice %arg6[%dma_wait3A, %dma_wait3A_83, %dma_wait3A_89] : memref<2x2x128xi32, #tpu.memory_space<vmem>> -> memref<1x1x128xi32, #tpu.memory_space<vmem>>
      %dma_wait3A_91 = tpu.memref_squeeze %dma_wait3A_90 : memref<1x1x128xi32, #tpu.memory_space<vmem>> -> memref<128xi32, #tpu.memory_space<vmem>>
      %dma_wait3A_92 = arith.constant 0 : i32
      %dma_wait3A_93 = arith.constant 0 : i32
      %dma_wait3A_94 = tpu.memref_slice %arg2[%dma_wait3A_92, %dma_wait3A_93] : memref<10000x128xf32, #tpu.memory_space<hbm>> -> memref<10000x128xf32, #tpu.memory_space<hbm>>
      tpu.wait_indirect_dma semaphore(%arg12 : memref<!tpu.dma_semaphore, #tpu.memory_space<semaphore_mem>>) src(%dma_wait3A_94 : memref<10000x128xf32, #tpu.memory_space<hbm>>) dst(%dma_wait3A_88 : memref<128x128xf32, #tpu.memory_space<vmem>>)
      %run_scoped3A_95 = arith.constant 0 : i32
      %run_scoped3A_96 = arith.constant 0 : i32
      %run_scoped3A_97 = arith.constant 1 : i32
      "tpu.region"() ({
        %run_scoped3A_136 = tpu.sem_alloc : memref<!tpu.dma_semaphore, #tpu.memory_space<semaphore_mem>>
        %dma_start3A_137 = arith.constant 0 : i32
        %dma_start3A_138 = arith.constant 0 : i32
        %dma_start3A_139 = tpu.memref_slice %arg7[%run_scoped3A_95, %dma_start3A_137, %dma_start3A_138] : memref<2x128x128xf32, #tpu.memory_space<vmem>> -> memref<1x128x128xf32, #tpu.memory_space<vmem>>
        %dma_start3A_140 = tpu.memref_squeeze %dma_start3A_139 : memref<1x128x128xf32, #tpu.memory_space<vmem>> -> memref<128x128xf32, #tpu.memory_space<vmem>>
        %dma_start3A_141 = arith.constant 0 : i32
        %dma_start3A_142 = tpu.memref_slice %arg6[%run_scoped3A_96, %run_scoped3A_97, %dma_start3A_141] : memref<2x2x128xi32, #tpu.memory_space<vmem>> -> memref<1x1x128xi32, #tpu.memory_space<vmem>>
        %dma_start3A_143 = tpu.memref_squeeze %dma_start3A_142 : memref<1x1x128xi32, #tpu.memory_space<vmem>> -> memref<128xi32, #tpu.memory_space<vmem>>
        %dma_start3A_144 = arith.constant 0 : i32
        %dma_start3A_145 = arith.constant 0 : i32
        %dma_start3A_146 = tpu.memref_slice %arg9[%dma_start3A_144, %dma_start3A_145] : memref<10112x128xf32, #tpu.memory_space<vmem_shared>> -> memref<10112x128xf32, #tpu.memory_space<vmem_shared>>
        tpu.enqueue_indirect_dma source(%dma_start3A_140 : memref<128x128xf32, #tpu.memory_space<vmem>>) target(%dma_start3A_146 : memref<10112x128xf32, #tpu.memory_space<vmem_shared>>) offsets(%dma_start3A_143 : memref<128xi32, #tpu.memory_space<vmem>>) semaphore(%run_scoped3A_136 : memref<!tpu.dma_semaphore, #tpu.memory_space<semaphore_mem>>) {add = true}
        %dma_wait3A_147 = arith.constant 0 : i32
        %dma_wait3A_148 = arith.constant 0 : i32
        %dma_wait3A_149 = tpu.memref_slice %arg7[%run_scoped3A_95, %dma_wait3A_147, %dma_wait3A_148] : memref<2x128x128xf32, #tpu.memory_space<vmem>> -> memref<1x128x128xf32, #tpu.memory_space<vmem>>
        %dma_wait3A_150 = tpu.memref_squeeze %dma_wait3A_149 : memref<1x128x128xf32, #tpu.memory_space<vmem>> -> memref<128x128xf32, #tpu.memory_space<vmem>>
        %dma_wait3A_151 = arith.constant 0 : i32
        %dma_wait3A_152 = tpu.memref_slice %arg6[%run_scoped3A_96, %run_scoped3A_97, %dma_wait3A_151] : memref<2x2x128xi32, #tpu.memory_space<vmem>> -> memref<1x1x128xi32, #tpu.memory_space<vmem>>
        %dma_wait3A_153 = tpu.memref_squeeze %dma_wait3A_152 : memref<1x1x128xi32, #tpu.memory_space<vmem>> -> memref<128xi32, #tpu.memory_space<vmem>>
        %dma_wait3A_154 = arith.constant 0 : i32
        %dma_wait3A_155 = arith.constant 0 : i32
        %dma_wait3A_156 = tpu.memref_slice %arg9[%dma_wait3A_154, %dma_wait3A_155] : memref<10112x128xf32, #tpu.memory_space<vmem_shared>> -> memref<10112x128xf32, #tpu.memory_space<vmem_shared>>
        tpu.wait_indirect_dma semaphore(%run_scoped3A_136 : memref<!tpu.dma_semaphore, #tpu.memory_space<semaphore_mem>>) src(%dma_wait3A_150 : memref<128x128xf32, #tpu.memory_space<vmem>>) dst(%dma_wait3A_156 : memref<10112x128xf32, #tpu.memory_space<vmem_shared>>)
        tpu.yield
      }) : () -> ()
      %add3A_98 = arith.constant 2 : i32
      %add3A_99 = arith.addi %add3A_79, %add3A_98 : i32
      %lt3A_100 = arith.cmpi slt, %add3A_99, %select_n3A_8 : i32
      %convert_element_type3A_101 = arith.extui %lt3A_100 : i1 to i32
      %cond3A_102 = arith.constant 0 : i32
      %cond3A_103 = arith.cmpi ne, %convert_element_type3A_101, %cond3A_102 : i32
      scf.if %cond3A_103 {
        %add3A_136 = arith.addi %select_n3A, %add3A_79 : i32
        %add3A_137 = arith.constant 2 : i32
        %add3A_138 = arith.addi %add3A_136, %add3A_137 : i32
        %dma_start3A_139 = arith.constant 0 : i32
        %dma_start3A_140 = arith.constant 0 : i32
        %dma_start3A_141 = arith.constant 0 : i32
        %dma_start3A_142 = tpu.memref_slice %arg6[%dma_start3A_139, %dma_start3A_140, %dma_start3A_141] : memref<2x2x128xi32, #tpu.memory_space<vmem>> -> memref<1x2x128xi32, #tpu.memory_space<vmem>>
        %dma_start3A_143 = tpu.memref_squeeze %dma_start3A_142 : memref<1x2x128xi32, #tpu.memory_space<vmem>> -> memref<2x128xi32, #tpu.memory_space<vmem>>
        %dma_start3A_144 = arith.constant 0 : i32
        %dma_start3A_145 = arith.constant 0 : i32
        %dma_start3A_146 = tpu.memref_slice %arg3[%add3A_138, %dma_start3A_144, %dma_start3A_145] : memref<2560x2x128xi32, #tpu.memory_space<hbm>> -> memref<1x2x128xi32, #tpu.memory_space<hbm>>
        %dma_start3A_147 = tpu.memref_squeeze %dma_start3A_146 : memref<1x2x128xi32, #tpu.memory_space<hbm>> -> memref<2x128xi32, #tpu.memory_space<hbm>>
        %dma_start3A_148 = arith.constant 0 : i32
        %dma_start3A_149 = arith.constant 0 : i32
        %dma_start3A_150 = tpu.memref_slice %arg6[%dma_start3A_139, %dma_start3A_148, %dma_start3A_149] : memref<2x2x128xi32, #tpu.memory_space<vmem>> -> memref<1x2x128xi32, #tpu.memory_space<vmem>>
        %dma_start3A_151 = tpu.memref_squeeze %dma_start3A_150 : memref<1x2x128xi32, #tpu.memory_space<vmem>> -> memref<2x128xi32, #tpu.memory_space<vmem>>
        %dma_start3A_152 = arith.constant 0 : i32
        %dma_start3A_153 = arith.constant 0 : i32
        %dma_start3A_154 = tpu.memref_slice %arg3[%add3A_138, %dma_start3A_152, %dma_start3A_153] : memref<2560x2x128xi32, #tpu.memory_space<hbm>> -> memref<1x2x128xi32, #tpu.memory_space<hbm>>
        %dma_start3A_155 = tpu.memref_squeeze %dma_start3A_154 : memref<1x2x128xi32, #tpu.memory_space<hbm>> -> memref<2x128xi32, #tpu.memory_space<hbm>>
        tpu.enqueue_dma source(%dma_start3A_155 : memref<2x128xi32, #tpu.memory_space<hbm>>) target(%dma_start3A_151 : memref<2x128xi32, #tpu.memory_space<vmem>>) target_semaphore(%arg10 : memref<!tpu.dma_semaphore, #tpu.memory_space<semaphore_mem>>)
      } else {
      }
      %mul3A_104 = arith.constant 2 : i32
      %mul3A_105 = arith.muli %while3A_75, %mul3A_104 : i32
      %add3A_106 = arith.constant 1 : i32
      %add3A_107 = arith.addi %mul3A_105, %add3A_106 : i32
      %add3A_108 = arith.constant 1 : i32
      %add3A_109 = arith.addi %add3A_107, %add3A_108 : i32
      %lt3A_110 = arith.cmpi slt, %add3A_109, %select_n3A_8 : i32
      %convert_element_type3A_111 = arith.extui %lt3A_110 : i1 to i32
      %cond3A_112 = arith.constant 0 : i32
      %cond3A_113 = arith.cmpi ne, %convert_element_type3A_111, %cond3A_112 : i32
      scf.if %cond3A_113 {
        %add3A_136 = arith.addi %select_n3A, %add3A_107 : i32
        %add3A_137 = arith.constant 1 : i32
        %add3A_138 = arith.addi %add3A_136, %add3A_137 : i32
        %dma_wait3A_139 = arith.constant 0 : i32
        %dma_wait3A_140 = arith.constant 0 : i32
        %dma_wait3A_141 = arith.constant 0 : i32
        %dma_wait3A_142 = tpu.memref_slice %arg6[%dma_wait3A_139, %dma_wait3A_140, %dma_wait3A_141] : memref<2x2x128xi32, #tpu.memory_space<vmem>> -> memref<1x2x128xi32, #tpu.memory_space<vmem>>
        %dma_wait3A_143 = tpu.memref_squeeze %dma_wait3A_142 : memref<1x2x128xi32, #tpu.memory_space<vmem>> -> memref<2x128xi32, #tpu.memory_space<vmem>>
        %dma_wait3A_144 = arith.constant 0 : i32
        %dma_wait3A_145 = arith.constant 0 : i32
        %dma_wait3A_146 = tpu.memref_slice %arg3[%add3A_138, %dma_wait3A_144, %dma_wait3A_145] : memref<2560x2x128xi32, #tpu.memory_space<hbm>> -> memref<1x2x128xi32, #tpu.memory_space<hbm>>
        %dma_wait3A_147 = tpu.memref_squeeze %dma_wait3A_146 : memref<1x2x128xi32, #tpu.memory_space<hbm>> -> memref<2x128xi32, #tpu.memory_space<hbm>>
        %dma_wait3A_148 = arith.constant 0 : i32
        %dma_wait3A_149 = arith.constant 0 : i32
        %dma_wait3A_150 = tpu.memref_slice %arg6[%dma_wait3A_139, %dma_wait3A_148, %dma_wait3A_149] : memref<2x2x128xi32, #tpu.memory_space<vmem>> -> memref<1x2x128xi32, #tpu.memory_space<vmem>>
        %dma_wait3A_151 = tpu.memref_squeeze %dma_wait3A_150 : memref<1x2x128xi32, #tpu.memory_space<vmem>> -> memref<2x128xi32, #tpu.memory_space<vmem>>
        %dma_wait3A_152 = arith.constant 0 : i32
        %dma_wait3A_153 = arith.constant 0 : i32
        %dma_wait3A_154 = tpu.memref_slice %arg3[%add3A_138, %dma_wait3A_152, %dma_wait3A_153] : memref<2560x2x128xi32, #tpu.memory_space<hbm>> -> memref<1x2x128xi32, #tpu.memory_space<hbm>>
        %dma_wait3A_155 = tpu.memref_squeeze %dma_wait3A_154 : memref<1x2x128xi32, #tpu.memory_space<hbm>> -> memref<2x128xi32, #tpu.memory_space<hbm>>
        tpu.wait_dma2 semaphore(%arg10 : memref<!tpu.dma_semaphore, #tpu.memory_space<semaphore_mem>>) src(%dma_wait3A_155 : memref<2x128xi32, #tpu.memory_space<hbm>>) dst(%dma_wait3A_151 : memref<2x128xi32, #tpu.memory_space<vmem>>)
        %dma_start3A_156 = arith.constant 0 : i32
        %dma_start3A_157 = arith.constant 0 : i32
        %dma_start3A_158 = arith.constant 0 : i32
        %dma_start3A_159 = arith.constant 0 : i32
        %dma_start3A_160 = arith.constant 0 : i32
        %dma_start3A_161 = tpu.memref_slice %arg7[%dma_start3A_158, %dma_start3A_159, %dma_start3A_160] : memref<2x128x128xf32, #tpu.memory_space<vmem>> -> memref<1x128x128xf32, #tpu.memory_space<vmem>>
        %dma_start3A_162 = tpu.memref_squeeze %dma_start3A_161 : memref<1x128x128xf32, #tpu.memory_space<vmem>> -> memref<128x128xf32, #tpu.memory_space<vmem>>
        %dma_start3A_163 = arith.constant 0 : i32
        %dma_start3A_164 = tpu.memref_slice %arg6[%dma_start3A_156, %dma_start3A_157, %dma_start3A_163] : memref<2x2x128xi32, #tpu.memory_space<vmem>> -> memref<1x1x128xi32, #tpu.memory_space<vmem>>
        %dma_start3A_165 = tpu.memref_squeeze %dma_start3A_164 : memref<1x1x128xi32, #tpu.memory_space<vmem>> -> memref<128xi32, #tpu.memory_space<vmem>>
        %dma_start3A_166 = arith.constant 0 : i32
        %dma_start3A_167 = arith.constant 0 : i32
        %dma_start3A_168 = tpu.memref_slice %arg2[%dma_start3A_166, %dma_start3A_167] : memref<10000x128xf32, #tpu.memory_space<hbm>> -> memref<10000x128xf32, #tpu.memory_space<hbm>>
        tpu.enqueue_indirect_dma source(%dma_start3A_168 : memref<10000x128xf32, #tpu.memory_space<hbm>>) target(%dma_start3A_162 : memref<128x128xf32, #tpu.memory_space<vmem>>) offsets(%dma_start3A_165 : memref<128xi32, #tpu.memory_space<vmem>>) semaphore(%arg12 : memref<!tpu.dma_semaphore, #tpu.memory_space<semaphore_mem>>)
      } else {
      }
      %dma_wait3A_114 = arith.constant 1 : i32
      %dma_wait3A_115 = arith.constant 0 : i32
      %dma_wait3A_116 = arith.constant 1 : i32
      %dma_wait3A_117 = arith.constant 0 : i32
      %dma_wait3A_118 = arith.constant 0 : i32
      %dma_wait3A_119 = tpu.memref_slice %arg7[%dma_wait3A_116, %dma_wait3A_117, %dma_wait3A_118] : memref<2x128x128xf32, #tpu.memory_space<vmem>> -> memref<1x128x128xf32, #tpu.memory_space<vmem>>
      %dma_wait3A_120 = tpu.memref_squeeze %dma_wait3A_119 : memref<1x128x128xf32, #tpu.memory_space<vmem>> -> memref<128x128xf32, #tpu.memory_space<vmem>>
      %dma_wait3A_121 = arith.constant 0 : i32
      %dma_wait3A_122 = tpu.memref_slice %arg6[%dma_wait3A_114, %dma_wait3A_115, %dma_wait3A_121] : memref<2x2x128xi32, #tpu.memory_space<vmem>> -> memref<1x1x128xi32, #tpu.memory_space<vmem>>
      %dma_wait3A_123 = tpu.memref_squeeze %dma_wait3A_122 : memref<1x1x128xi32, #tpu.memory_space<vmem>> -> memref<128xi32, #tpu.memory_space<vmem>>
      %dma_wait3A_124 = arith.constant 0 : i32
      %dma_wait3A_125 = arith.constant 0 : i32
      %dma_wait3A_126 = tpu.memref_slice %arg2[%dma_wait3A_124, %dma_wait3A_125] : memref<10000x128xf32, #tpu.memory_space<hbm>> -> memref<10000x128xf32, #tpu.memory_space<hbm>>
      tpu.wait_indirect_dma semaphore(%arg13 : memref<!tpu.dma_semaphore, #tpu.memory_space<semaphore_mem>>) src(%dma_wait3A_126 : memref<10000x128xf32, #tpu.memory_space<hbm>>) dst(%dma_wait3A_120 : memref<128x128xf32, #tpu.memory_space<vmem>>)
      %run_scoped3A_127 = arith.constant 1 : i32
      %run_scoped3A_128 = arith.constant 1 : i32
      %run_scoped3A_129 = arith.constant 1 : i32
      "tpu.region"() ({
        %run_scoped3A_136 = tpu.sem_alloc : memref<!tpu.dma_semaphore, #tpu.memory_space<semaphore_mem>>
        %dma_start3A_137 = arith.constant 0 : i32
        %dma_start3A_138 = arith.constant 0 : i32
        %dma_start3A_139 = tpu.memref_slice %arg7[%run_scoped3A_127, %dma_start3A_137, %dma_start3A_138] : memref<2x128x128xf32, #tpu.memory_space<vmem>> -> memref<1x128x128xf32, #tpu.memory_space<vmem>>
        %dma_start3A_140 = tpu.memref_squeeze %dma_start3A_139 : memref<1x128x128xf32, #tpu.memory_space<vmem>> -> memref<128x128xf32, #tpu.memory_space<vmem>>
        %dma_start3A_141 = arith.constant 0 : i32
        %dma_start3A_142 = tpu.memref_slice %arg6[%run_scoped3A_128, %run_scoped3A_129, %dma_start3A_141] : memref<2x2x128xi32, #tpu.memory_space<vmem>> -> memref<1x1x128xi32, #tpu.memory_space<vmem>>
        %dma_start3A_143 = tpu.memref_squeeze %dma_start3A_142 : memref<1x1x128xi32, #tpu.memory_space<vmem>> -> memref<128xi32, #tpu.memory_space<vmem>>
        %dma_start3A_144 = arith.constant 0 : i32
        %dma_start3A_145 = arith.constant 0 : i32
        %dma_start3A_146 = tpu.memref_slice %arg9[%dma_start3A_144, %dma_start3A_145] : memref<10112x128xf32, #tpu.memory_space<vmem_shared>> -> memref<10112x128xf32, #tpu.memory_space<vmem_shared>>
        tpu.enqueue_indirect_dma source(%dma_start3A_140 : memref<128x128xf32, #tpu.memory_space<vmem>>) target(%dma_start3A_146 : memref<10112x128xf32, #tpu.memory_space<vmem_shared>>) offsets(%dma_start3A_143 : memref<128xi32, #tpu.memory_space<vmem>>) semaphore(%run_scoped3A_136 : memref<!tpu.dma_semaphore, #tpu.memory_space<semaphore_mem>>) {add = true}
        %dma_wait3A_147 = arith.constant 0 : i32
        %dma_wait3A_148 = arith.constant 0 : i32
        %dma_wait3A_149 = tpu.memref_slice %arg7[%run_scoped3A_127, %dma_wait3A_147, %dma_wait3A_148] : memref<2x128x128xf32, #tpu.memory_space<vmem>> -> memref<1x128x128xf32, #tpu.memory_space<vmem>>
        %dma_wait3A_150 = tpu.memref_squeeze %dma_wait3A_149 : memref<1x128x128xf32, #tpu.memory_space<vmem>> -> memref<128x128xf32, #tpu.memory_space<vmem>>
        %dma_wait3A_151 = arith.constant 0 : i32
        %dma_wait3A_152 = tpu.memref_slice %arg6[%run_scoped3A_128, %run_scoped3A_129, %dma_wait3A_151] : memref<2x2x128xi32, #tpu.memory_space<vmem>> -> memref<1x1x128xi32, #tpu.memory_space<vmem>>
        %dma_wait3A_153 = tpu.memref_squeeze %dma_wait3A_152 : memref<1x1x128xi32, #tpu.memory_space<vmem>> -> memref<128xi32, #tpu.memory_space<vmem>>
        %dma_wait3A_154 = arith.constant 0 : i32
        %dma_wait3A_155 = arith.constant 0 : i32
        %dma_wait3A_156 = tpu.memref_slice %arg9[%dma_wait3A_154, %dma_wait3A_155] : memref<10112x128xf32, #tpu.memory_space<vmem_shared>> -> memref<10112x128xf32, #tpu.memory_space<vmem_shared>>
        tpu.wait_indirect_dma semaphore(%run_scoped3A_136 : memref<!tpu.dma_semaphore, #tpu.memory_space<semaphore_mem>>) src(%dma_wait3A_150 : memref<128x128xf32, #tpu.memory_space<vmem>>) dst(%dma_wait3A_156 : memref<10112x128xf32, #tpu.memory_space<vmem_shared>>)
        tpu.yield
      }) : () -> ()
      %add3A_130 = arith.constant 2 : i32
      %add3A_131 = arith.addi %add3A_107, %add3A_130 : i32
      %lt3A_132 = arith.cmpi slt, %add3A_131, %select_n3A_8 : i32
      %convert_element_type3A_133 = arith.extui %lt3A_132 : i1 to i32
      %cond3A_134 = arith.constant 0 : i32
      %cond3A_135 = arith.cmpi ne, %convert_element_type3A_133, %cond3A_134 : i32
      scf.if %cond3A_135 {
        %add3A_136 = arith.addi %select_n3A, %add3A_107 : i32
        %add3A_137 = arith.constant 2 : i32
        %add3A_138 = arith.addi %add3A_136, %add3A_137 : i32
        %dma_start3A_139 = arith.constant 1 : i32
        %dma_start3A_140 = arith.constant 0 : i32
        %dma_start3A_141 = arith.constant 0 : i32
        %dma_start3A_142 = tpu.memref_slice %arg6[%dma_start3A_139, %dma_start3A_140, %dma_start3A_141] : memref<2x2x128xi32, #tpu.memory_space<vmem>> -> memref<1x2x128xi32, #tpu.memory_space<vmem>>
        %dma_start3A_143 = tpu.memref_squeeze %dma_start3A_142 : memref<1x2x128xi32, #tpu.memory_space<vmem>> -> memref<2x128xi32, #tpu.memory_space<vmem>>
        %dma_start3A_144 = arith.constant 0 : i32
        %dma_start3A_145 = arith.constant 0 : i32
        %dma_start3A_146 = tpu.memref_slice %arg3[%add3A_138, %dma_start3A_144, %dma_start3A_145] : memref<2560x2x128xi32, #tpu.memory_space<hbm>> -> memref<1x2x128xi32, #tpu.memory_space<hbm>>
        %dma_start3A_147 = tpu.memref_squeeze %dma_start3A_146 : memref<1x2x128xi32, #tpu.memory_space<hbm>> -> memref<2x128xi32, #tpu.memory_space<hbm>>
        %dma_start3A_148 = arith.constant 0 : i32
        %dma_start3A_149 = arith.constant 0 : i32
        %dma_start3A_150 = tpu.memref_slice %arg6[%dma_start3A_139, %dma_start3A_148, %dma_start3A_149] : memref<2x2x128xi32, #tpu.memory_space<vmem>> -> memref<1x2x128xi32, #tpu.memory_space<vmem>>
        %dma_start3A_151 = tpu.memref_squeeze %dma_start3A_150 : memref<1x2x128xi32, #tpu.memory_space<vmem>> -> memref<2x128xi32, #tpu.memory_space<vmem>>
        %dma_start3A_152 = arith.constant 0 : i32
        %dma_start3A_153 = arith.constant 0 : i32
        %dma_start3A_154 = tpu.memref_slice %arg3[%add3A_138, %dma_start3A_152, %dma_start3A_153] : memref<2560x2x128xi32, #tpu.memory_space<hbm>> -> memref<1x2x128xi32, #tpu.memory_space<hbm>>
        %dma_start3A_155 = tpu.memref_squeeze %dma_start3A_154 : memref<1x2x128xi32, #tpu.memory_space<hbm>> -> memref<2x128xi32, #tpu.memory_space<hbm>>
        tpu.enqueue_dma source(%dma_start3A_155 : memref<2x128xi32, #tpu.memory_space<hbm>>) target(%dma_start3A_151 : memref<2x128xi32, #tpu.memory_space<vmem>>) target_semaphore(%arg11 : memref<!tpu.dma_semaphore, #tpu.memory_space<semaphore_mem>>)
      } else {
      }
    }
    %while3A_73 = arith.constant 1 : i32
    scf.for %while3A_75 = %while3A_71 to %while3A_67 step %while3A_73  : i32 {
      %mul3A_76 = arith.constant 2 : i32
      %mul3A_77 = arith.muli %while3A_75, %mul3A_76 : i32
      %add3A_78 = arith.constant 0 : i32
      %add3A_79 = arith.addi %mul3A_77, %add3A_78 : i32
      %add3A_80 = arith.constant 1 : i32
      %add3A_81 = arith.addi %add3A_79, %add3A_80 : i32
      %lt3A = arith.cmpi slt, %add3A_81, %select_n3A_8 : i32
      %convert_element_type3A = arith.extui %lt3A : i1 to i32
      %cond3A = arith.constant 0 : i32
      %cond3A_82 = arith.cmpi ne, %convert_element_type3A, %cond3A : i32
      scf.if %cond3A_82 {
        %add3A_136 = arith.addi %select_n3A, %add3A_79 : i32
        %add3A_137 = arith.constant 1 : i32
        %add3A_138 = arith.addi %add3A_136, %add3A_137 : i32
        %dma_wait3A_139 = arith.constant 1 : i32
        %dma_wait3A_140 = arith.constant 0 : i32
        %dma_wait3A_141 = arith.constant 0 : i32
        %dma_wait3A_142 = tpu.memref_slice %arg6[%dma_wait3A_139, %dma_wait3A_140, %dma_wait3A_141] : memref<2x2x128xi32, #tpu.memory_space<vmem>> -> memref<1x2x128xi32, #tpu.memory_space<vmem>>
        %dma_wait3A_143 = tpu.memref_squeeze %dma_wait3A_142 : memref<1x2x128xi32, #tpu.memory_space<vmem>> -> memref<2x128xi32, #tpu.memory_space<vmem>>
        %dma_wait3A_144 = arith.constant 0 : i32
        %dma_wait3A_145 = arith.constant 0 : i32
        %dma_wait3A_146 = tpu.memref_slice %arg3[%add3A_138, %dma_wait3A_144, %dma_wait3A_145] : memref<2560x2x128xi32, #tpu.memory_space<hbm>> -> memref<1x2x128xi32, #tpu.memory_space<hbm>>
        %dma_wait3A_147 = tpu.memref_squeeze %dma_wait3A_146 : memref<1x2x128xi32, #tpu.memory_space<hbm>> -> memref<2x128xi32, #tpu.memory_space<hbm>>
        %dma_wait3A_148 = arith.constant 0 : i32
        %dma_wait3A_149 = arith.constant 0 : i32
        %dma_wait3A_150 = tpu.memref_slice %arg6[%dma_wait3A_139, %dma_wait3A_148, %dma_wait3A_149] : memref<2x2x128xi32, #tpu.memory_space<vmem>> -> memref<1x2x128xi32, #tpu.memory_space<vmem>>
        %dma_wait3A_151 = tpu.memref_squeeze %dma_wait3A_150 : memref<1x2x128xi32, #tpu.memory_space<vmem>> -> memref<2x128xi32, #tpu.memory_space<vmem>>
        %dma_wait3A_152 = arith.constant 0 : i32
        %dma_wait3A_153 = arith.constant 0 : i32
        %dma_wait3A_154 = tpu.memref_slice %arg3[%add3A_138, %dma_wait3A_152, %dma_wait3A_153] : memref<2560x2x128xi32, #tpu.memory_space<hbm>> -> memref<1x2x128xi32, #tpu.memory_space<hbm>>
        %dma_wait3A_155 = tpu.memref_squeeze %dma_wait3A_154 : memref<1x2x128xi32, #tpu.memory_space<hbm>> -> memref<2x128xi32, #tpu.memory_space<hbm>>
        tpu.wait_dma2 semaphore(%arg11 : memref<!tpu.dma_semaphore, #tpu.memory_space<semaphore_mem>>) src(%dma_wait3A_155 : memref<2x128xi32, #tpu.memory_space<hbm>>) dst(%dma_wait3A_151 : memref<2x128xi32, #tpu.memory_space<vmem>>)
        %dma_start3A_156 = arith.constant 1 : i32
        %dma_start3A_157 = arith.constant 0 : i32
        %dma_start3A_158 = arith.constant 1 : i32
        %dma_start3A_159 = arith.constant 0 : i32
        %dma_start3A_160 = arith.constant 0 : i32
        %dma_start3A_161 = tpu.memref_slice %arg7[%dma_start3A_158, %dma_start3A_159, %dma_start3A_160] : memref<2x128x128xf32, #tpu.memory_space<vmem>> -> memref<1x128x128xf32, #tpu.memory_space<vmem>>
        %dma_start3A_162 = tpu.memref_squeeze %dma_start3A_161 : memref<1x128x128xf32, #tpu.memory_space<vmem>> -> memref<128x128xf32, #tpu.memory_space<vmem>>
        %dma_start3A_163 = arith.constant 0 : i32
        %dma_start3A_164 = tpu.memref_slice %arg6[%dma_start3A_156, %dma_start3A_157, %dma_start3A_163] : memref<2x2x128xi32, #tpu.memory_space<vmem>> -> memref<1x1x128xi32, #tpu.memory_space<vmem>>
        %dma_start3A_165 = tpu.memref_squeeze %dma_start3A_164 : memref<1x1x128xi32, #tpu.memory_space<vmem>> -> memref<128xi32, #tpu.memory_space<vmem>>
        %dma_start3A_166 = arith.constant 0 : i32
        %dma_start3A_167 = arith.constant 0 : i32
        %dma_start3A_168 = tpu.memref_slice %arg2[%dma_start3A_166, %dma_start3A_167] : memref<10000x128xf32, #tpu.memory_space<hbm>> -> memref<10000x128xf32, #tpu.memory_space<hbm>>
        tpu.enqueue_indirect_dma source(%dma_start3A_168 : memref<10000x128xf32, #tpu.memory_space<hbm>>) target(%dma_start3A_162 : memref<128x128xf32, #tpu.memory_space<vmem>>) offsets(%dma_start3A_165 : memref<128xi32, #tpu.memory_space<vmem>>) semaphore(%arg13 : memref<!tpu.dma_semaphore, #tpu.memory_space<semaphore_mem>>)
      } else {
      }
      %dma_wait3A = arith.constant 0 : i32
      %dma_wait3A_83 = arith.constant 0 : i32
      %dma_wait3A_84 = arith.constant 0 : i32
      %dma_wait3A_85 = arith.constant 0 : i32
      %dma_wait3A_86 = arith.constant 0 : i32
      %dma_wait3A_87 = tpu.memref_slice %arg7[%dma_wait3A_84, %dma_wait3A_85, %dma_wait3A_86] : memref<2x128x128xf32, #tpu.memory_space<vmem>> -> memref<1x128x128xf32, #tpu.memory_space<vmem>>
      %dma_wait3A_88 = tpu.memref_squeeze %dma_wait3A_87 : memref<1x128x128xf32, #tpu.memory_space<vmem>> -> memref<128x128xf32, #tpu.memory_space<vmem>>
      %dma_wait3A_89 = arith.constant 0 : i32
      %dma_wait3A_90 = tpu.memref_slice %arg6[%dma_wait3A, %dma_wait3A_83, %dma_wait3A_89] : memref<2x2x128xi32, #tpu.memory_space<vmem>> -> memref<1x1x128xi32, #tpu.memory_space<vmem>>
      %dma_wait3A_91 = tpu.memref_squeeze %dma_wait3A_90 : memref<1x1x128xi32, #tpu.memory_space<vmem>> -> memref<128xi32, #tpu.memory_space<vmem>>
      %dma_wait3A_92 = arith.constant 0 : i32
      %dma_wait3A_93 = arith.constant 0 : i32
      %dma_wait3A_94 = tpu.memref_slice %arg2[%dma_wait3A_92, %dma_wait3A_93] : memref<10000x128xf32, #tpu.memory_space<hbm>> -> memref<10000x128xf32, #tpu.memory_space<hbm>>
      tpu.wait_indirect_dma semaphore(%arg12 : memref<!tpu.dma_semaphore, #tpu.memory_space<semaphore_mem>>) src(%dma_wait3A_94 : memref<10000x128xf32, #tpu.memory_space<hbm>>) dst(%dma_wait3A_88 : memref<128x128xf32, #tpu.memory_space<vmem>>)
      %run_scoped3A_95 = arith.constant 0 : i32
      %run_scoped3A_96 = arith.constant 0 : i32
      %run_scoped3A_97 = arith.constant 1 : i32
      "tpu.region"() ({
        %run_scoped3A_136 = tpu.sem_alloc : memref<!tpu.dma_semaphore, #tpu.memory_space<semaphore_mem>>
        %dma_start3A_137 = arith.constant 0 : i32
        %dma_start3A_138 = arith.constant 0 : i32
        %dma_start3A_139 = tpu.memref_slice %arg7[%run_scoped3A_95, %dma_start3A_137, %dma_start3A_138] : memref<2x128x128xf32, #tpu.memory_space<vmem>> -> memref<1x128x128xf32, #tpu.memory_space<vmem>>
        %dma_start3A_140 = tpu.memref_squeeze %dma_start3A_139 : memref<1x128x128xf32, #tpu.memory_space<vmem>> -> memref<128x128xf32, #tpu.memory_space<vmem>>
        %dma_start3A_141 = arith.constant 0 : i32
        %dma_start3A_142 = tpu.memref_slice %arg6[%run_scoped3A_96, %run_scoped3A_97, %dma_start3A_141] : memref<2x2x128xi32, #tpu.memory_space<vmem>> -> memref<1x1x128xi32, #tpu.memory_space<vmem>>
        %dma_start3A_143 = tpu.memref_squeeze %dma_start3A_142 : memref<1x1x128xi32, #tpu.memory_space<vmem>> -> memref<128xi32, #tpu.memory_space<vmem>>
        %dma_start3A_144 = arith.constant 0 : i32
        %dma_start3A_145 = arith.constant 0 : i32
        %dma_start3A_146 = tpu.memref_slice %arg9[%dma_start3A_144, %dma_start3A_145] : memref<10112x128xf32, #tpu.memory_space<vmem_shared>> -> memref<10112x128xf32, #tpu.memory_space<vmem_shared>>
        tpu.enqueue_indirect_dma source(%dma_start3A_140 : memref<128x128xf32, #tpu.memory_space<vmem>>) target(%dma_start3A_146 : memref<10112x128xf32, #tpu.memory_space<vmem_shared>>) offsets(%dma_start3A_143 : memref<128xi32, #tpu.memory_space<vmem>>) semaphore(%run_scoped3A_136 : memref<!tpu.dma_semaphore, #tpu.memory_space<semaphore_mem>>) {add = true}
        %dma_wait3A_147 = arith.constant 0 : i32
        %dma_wait3A_148 = arith.constant 0 : i32
        %dma_wait3A_149 = tpu.memref_slice %arg7[%run_scoped3A_95, %dma_wait3A_147, %dma_wait3A_148] : memref<2x128x128xf32, #tpu.memory_space<vmem>> -> memref<1x128x128xf32, #tpu.memory_space<vmem>>
        %dma_wait3A_150 = tpu.memref_squeeze %dma_wait3A_149 : memref<1x128x128xf32, #tpu.memory_space<vmem>> -> memref<128x128xf32, #tpu.memory_space<vmem>>
        %dma_wait3A_151 = arith.constant 0 : i32
        %dma_wait3A_152 = tpu.memref_slice %arg6[%run_scoped3A_96, %run_scoped3A_97, %dma_wait3A_151] : memref<2x2x128xi32, #tpu.memory_space<vmem>> -> memref<1x1x128xi32, #tpu.memory_space<vmem>>
        %dma_wait3A_153 = tpu.memref_squeeze %dma_wait3A_152 : memref<1x1x128xi32, #tpu.memory_space<vmem>> -> memref<128xi32, #tpu.memory_space<vmem>>
        %dma_wait3A_154 = arith.constant 0 : i32
        %dma_wait3A_155 = arith.constant 0 : i32
        %dma_wait3A_156 = tpu.memref_slice %arg9[%dma_wait3A_154, %dma_wait3A_155] : memref<10112x128xf32, #tpu.memory_space<vmem_shared>> -> memref<10112x128xf32, #tpu.memory_space<vmem_shared>>
        tpu.wait_indirect_dma semaphore(%run_scoped3A_136 : memref<!tpu.dma_semaphore, #tpu.memory_space<semaphore_mem>>) src(%dma_wait3A_150 : memref<128x128xf32, #tpu.memory_space<vmem>>) dst(%dma_wait3A_156 : memref<10112x128xf32, #tpu.memory_space<vmem_shared>>)
        tpu.yield
      }) : () -> ()
      %add3A_98 = arith.constant 2 : i32
      %add3A_99 = arith.addi %add3A_79, %add3A_98 : i32
      %lt3A_100 = arith.cmpi slt, %add3A_99, %select_n3A_8 : i32
      %convert_element_type3A_101 = arith.extui %lt3A_100 : i1 to i32
      %cond3A_102 = arith.constant 0 : i32
      %cond3A_103 = arith.cmpi ne, %convert_element_type3A_101, %cond3A_102 : i32
      scf.if %cond3A_103 {
        %add3A_136 = arith.addi %select_n3A, %add3A_79 : i32
        %add3A_137 = arith.constant 2 : i32
        %add3A_138 = arith.addi %add3A_136, %add3A_137 : i32
        %dma_start3A_139 = arith.constant 0 : i32
        %dma_start3A_140 = arith.constant 0 : i32
        %dma_start3A_141 = arith.constant 0 : i32
        %dma_start3A_142 = tpu.memref_slice %arg6[%dma_start3A_139, %dma_start3A_140, %dma_start3A_141] : memref<2x2x128xi32, #tpu.memory_space<vmem>> -> memref<1x2x128xi32, #tpu.memory_space<vmem>>
        %dma_start3A_143 = tpu.memref_squeeze %dma_start3A_142 : memref<1x2x128xi32, #tpu.memory_space<vmem>> -> memref<2x128xi32, #tpu.memory_space<vmem>>
        %dma_start3A_144 = arith.constant 0 : i32
        %dma_start3A_145 = arith.constant 0 : i32
        %dma_start3A_146 = tpu.memref_slice %arg3[%add3A_138, %dma_start3A_144, %dma_start3A_145] : memref<2560x2x128xi32, #tpu.memory_space<hbm>> -> memref<1x2x128xi32, #tpu.memory_space<hbm>>
        %dma_start3A_147 = tpu.memref_squeeze %dma_start3A_146 : memref<1x2x128xi32, #tpu.memory_space<hbm>> -> memref<2x128xi32, #tpu.memory_space<hbm>>
        %dma_start3A_148 = arith.constant 0 : i32
        %dma_start3A_149 = arith.constant 0 : i32
        %dma_start3A_150 = tpu.memref_slice %arg6[%dma_start3A_139, %dma_start3A_148, %dma_start3A_149] : memref<2x2x128xi32, #tpu.memory_space<vmem>> -> memref<1x2x128xi32, #tpu.memory_space<vmem>>
        %dma_start3A_151 = tpu.memref_squeeze %dma_start3A_150 : memref<1x2x128xi32, #tpu.memory_space<vmem>> -> memref<2x128xi32, #tpu.memory_space<vmem>>
        %dma_start3A_152 = arith.constant 0 : i32
        %dma_start3A_153 = arith.constant 0 : i32
        %dma_start3A_154 = tpu.memref_slice %arg3[%add3A_138, %dma_start3A_152, %dma_start3A_153] : memref<2560x2x128xi32, #tpu.memory_space<hbm>> -> memref<1x2x128xi32, #tpu.memory_space<hbm>>
        %dma_start3A_155 = tpu.memref_squeeze %dma_start3A_154 : memref<1x2x128xi32, #tpu.memory_space<hbm>> -> memref<2x128xi32, #tpu.memory_space<hbm>>
        tpu.enqueue_dma source(%dma_start3A_155 : memref<2x128xi32, #tpu.memory_space<hbm>>) target(%dma_start3A_151 : memref<2x128xi32, #tpu.memory_space<vmem>>) target_semaphore(%arg10 : memref<!tpu.dma_semaphore, #tpu.memory_space<semaphore_mem>>)
      } else {
      }
      %mul3A_104 = arith.constant 2 : i32
      %mul3A_105 = arith.muli %while3A_75, %mul3A_104 : i32
      %add3A_106 = arith.constant 1 : i32
      %add3A_107 = arith.addi %mul3A_105, %add3A_106 : i32
      %add3A_108 = arith.constant 1 : i32
      %add3A_109 = arith.addi %add3A_107, %add3A_108 : i32
      %lt3A_110 = arith.cmpi slt, %add3A_109, %select_n3A_8 : i32
      %convert_element_type3A_111 = arith.extui %lt3A_110 : i1 to i32
      %cond3A_112 = arith.constant 0 : i32
      %cond3A_113 = arith.cmpi ne, %convert_element_type3A_111, %cond3A_112 : i32
      scf.if %cond3A_113 {
        %add3A_136 = arith.addi %select_n3A, %add3A_107 : i32
        %add3A_137 = arith.constant 1 : i32
        %add3A_138 = arith.addi %add3A_136, %add3A_137 : i32
        %dma_wait3A_139 = arith.constant 0 : i32
        %dma_wait3A_140 = arith.constant 0 : i32
        %dma_wait3A_141 = arith.constant 0 : i32
        %dma_wait3A_142 = tpu.memref_slice %arg6[%dma_wait3A_139, %dma_wait3A_140, %dma_wait3A_141] : memref<2x2x128xi32, #tpu.memory_space<vmem>> -> memref<1x2x128xi32, #tpu.memory_space<vmem>>
        %dma_wait3A_143 = tpu.memref_squeeze %dma_wait3A_142 : memref<1x2x128xi32, #tpu.memory_space<vmem>> -> memref<2x128xi32, #tpu.memory_space<vmem>>
        %dma_wait3A_144 = arith.constant 0 : i32
        %dma_wait3A_145 = arith.constant 0 : i32
        %dma_wait3A_146 = tpu.memref_slice %arg3[%add3A_138, %dma_wait3A_144, %dma_wait3A_145] : memref<2560x2x128xi32, #tpu.memory_space<hbm>> -> memref<1x2x128xi32, #tpu.memory_space<hbm>>
        %dma_wait3A_147 = tpu.memref_squeeze %dma_wait3A_146 : memref<1x2x128xi32, #tpu.memory_space<hbm>> -> memref<2x128xi32, #tpu.memory_space<hbm>>
        %dma_wait3A_148 = arith.constant 0 : i32
        %dma_wait3A_149 = arith.constant 0 : i32
        %dma_wait3A_150 = tpu.memref_slice %arg6[%dma_wait3A_139, %dma_wait3A_148, %dma_wait3A_149] : memref<2x2x128xi32, #tpu.memory_space<vmem>> -> memref<1x2x128xi32, #tpu.memory_space<vmem>>
        %dma_wait3A_151 = tpu.memref_squeeze %dma_wait3A_150 : memref<1x2x128xi32, #tpu.memory_space<vmem>> -> memref<2x128xi32, #tpu.memory_space<vmem>>
        %dma_wait3A_152 = arith.constant 0 : i32
        %dma_wait3A_153 = arith.constant 0 : i32
        %dma_wait3A_154 = tpu.memref_slice %arg3[%add3A_138, %dma_wait3A_152, %dma_wait3A_153] : memref<2560x2x128xi32, #tpu.memory_space<hbm>> -> memref<1x2x128xi32, #tpu.memory_space<hbm>>
        %dma_wait3A_155 = tpu.memref_squeeze %dma_wait3A_154 : memref<1x2x128xi32, #tpu.memory_space<hbm>> -> memref<2x128xi32, #tpu.memory_space<hbm>>
        tpu.wait_dma2 semaphore(%arg10 : memref<!tpu.dma_semaphore, #tpu.memory_space<semaphore_mem>>) src(%dma_wait3A_155 : memref<2x128xi32, #tpu.memory_space<hbm>>) dst(%dma_wait3A_151 : memref<2x128xi32, #tpu.memory_space<vmem>>)
        %dma_start3A_156 = arith.constant 0 : i32
        %dma_start3A_157 = arith.constant 0 : i32
        %dma_start3A_158 = arith.constant 0 : i32
        %dma_start3A_159 = arith.constant 0 : i32
        %dma_start3A_160 = arith.constant 0 : i32
        %dma_start3A_161 = tpu.memref_slice %arg7[%dma_start3A_158, %dma_start3A_159, %dma_start3A_160] : memref<2x128x128xf32, #tpu.memory_space<vmem>> -> memref<1x128x128xf32, #tpu.memory_space<vmem>>
        %dma_start3A_162 = tpu.memref_squeeze %dma_start3A_161 : memref<1x128x128xf32, #tpu.memory_space<vmem>> -> memref<128x128xf32, #tpu.memory_space<vmem>>
        %dma_start3A_163 = arith.constant 0 : i32
        %dma_start3A_164 = tpu.memref_slice %arg6[%dma_start3A_156, %dma_start3A_157, %dma_start3A_163] : memref<2x2x128xi32, #tpu.memory_space<vmem>> -> memref<1x1x128xi32, #tpu.memory_space<vmem>>
        %dma_start3A_165 = tpu.memref_squeeze %dma_start3A_164 : memref<1x1x128xi32, #tpu.memory_space<vmem>> -> memref<128xi32, #tpu.memory_space<vmem>>
        %dma_start3A_166 = arith.constant 0 : i32
        %dma_start3A_167 = arith.constant 0 : i32
        %dma_start3A_168 = tpu.memref_slice %arg2[%dma_start3A_166, %dma_start3A_167] : memref<10000x128xf32, #tpu.memory_space<hbm>> -> memref<10000x128xf32, #tpu.memory_space<hbm>>
        tpu.enqueue_indirect_dma source(%dma_start3A_168 : memref<10000x128xf32, #tpu.memory_space<hbm>>) target(%dma_start3A_162 : memref<128x128xf32, #tpu.memory_space<vmem>>) offsets(%dma_start3A_165 : memref<128xi32, #tpu.memory_space<vmem>>) semaphore(%arg12 : memref<!tpu.dma_semaphore, #tpu.memory_space<semaphore_mem>>)
      } else {
      }
      %dma_wait3A_114 = arith.constant 1 : i32
      %dma_wait3A_115 = arith.constant 0 : i32
      %dma_wait3A_116 = arith.constant 1 : i32
      %dma_wait3A_117 = arith.constant 0 : i32
      %dma_wait3A_118 = arith.constant 0 : i32
      %dma_wait3A_119 = tpu.memref_slice %arg7[%dma_wait3A_116, %dma_wait3A_117, %dma_wait3A_118] : memref<2x128x128xf32, #tpu.memory_space<vmem>> -> memref<1x128x128xf32, #tpu.memory_space<vmem>>
      %dma_wait3A_120 = tpu.memref_squeeze %dma_wait3A_119 : memref<1x128x128xf32, #tpu.memory_space<vmem>> -> memref<128x128xf32, #tpu.memory_space<vmem>>
      %dma_wait3A_121 = arith.constant 0 : i32
      %dma_wait3A_122 = tpu.memref_slice %arg6[%dma_wait3A_114, %dma_wait3A_115, %dma_wait3A_121] : memref<2x2x128xi32, #tpu.memory_space<vmem>> -> memref<1x1x128xi32, #tpu.memory_space<vmem>>
      %dma_wait3A_123 = tpu.memref_squeeze %dma_wait3A_122 : memref<1x1x128xi32, #tpu.memory_space<vmem>> -> memref<128xi32, #tpu.memory_space<vmem>>
      %dma_wait3A_124 = arith.constant 0 : i32
      %dma_wait3A_125 = arith.constant 0 : i32
      %dma_wait3A_126 = tpu.memref_slice %arg2[%dma_wait3A_124, %dma_wait3A_125] : memref<10000x128xf32, #tpu.memory_space<hbm>> -> memref<10000x128xf32, #tpu.memory_space<hbm>>
      tpu.wait_indirect_dma semaphore(%arg13 : memref<!tpu.dma_semaphore, #tpu.memory_space<semaphore_mem>>) src(%dma_wait3A_126 : memref<10000x128xf32, #tpu.memory_space<hbm>>) dst(%dma_wait3A_120 : memref<128x128xf32, #tpu.memory_space<vmem>>)
      %run_scoped3A_127 = arith.constant 1 : i32
      %run_scoped3A_128 = arith.constant 1 : i32
      %run_scoped3A_129 = arith.constant 1 : i32
      "tpu.region"() ({
        %run_scoped3A_136 = tpu.sem_alloc : memref<!tpu.dma_semaphore, #tpu.memory_space<semaphore_mem>>
        %dma_start3A_137 = arith.constant 0 : i32
        %dma_start3A_138 = arith.constant 0 : i32
        %dma_start3A_139 = tpu.memref_slice %arg7[%run_scoped3A_127, %dma_start3A_137, %dma_start3A_138] : memref<2x128x128xf32, #tpu.memory_space<vmem>> -> memref<1x128x128xf32, #tpu.memory_space<vmem>>
        %dma_start3A_140 = tpu.memref_squeeze %dma_start3A_139 : memref<1x128x128xf32, #tpu.memory_space<vmem>> -> memref<128x128xf32, #tpu.memory_space<vmem>>
        %dma_start3A_141 = arith.constant 0 : i32
        %dma_start3A_142 = tpu.memref_slice %arg6[%run_scoped3A_128, %run_scoped3A_129, %dma_start3A_141] : memref<2x2x128xi32, #tpu.memory_space<vmem>> -> memref<1x1x128xi32, #tpu.memory_space<vmem>>
        %dma_start3A_143 = tpu.memref_squeeze %dma_start3A_142 : memref<1x1x128xi32, #tpu.memory_space<vmem>> -> memref<128xi32, #tpu.memory_space<vmem>>
        %dma_start3A_144 = arith.constant 0 : i32
        %dma_start3A_145 = arith.constant 0 : i32
        %dma_start3A_146 = tpu.memref_slice %arg9[%dma_start3A_144, %dma_start3A_145] : memref<10112x128xf32, #tpu.memory_space<vmem_shared>> -> memref<10112x128xf32, #tpu.memory_space<vmem_shared>>
        tpu.enqueue_indirect_dma source(%dma_start3A_140 : memref<128x128xf32, #tpu.memory_space<vmem>>) target(%dma_start3A_146 : memref<10112x128xf32, #tpu.memory_space<vmem_shared>>) offsets(%dma_start3A_143 : memref<128xi32, #tpu.memory_space<vmem>>) semaphore(%run_scoped3A_136 : memref<!tpu.dma_semaphore, #tpu.memory_space<semaphore_mem>>) {add = true}
        %dma_wait3A_147 = arith.constant 0 : i32
        %dma_wait3A_148 = arith.constant 0 : i32
        %dma_wait3A_149 = tpu.memref_slice %arg7[%run_scoped3A_127, %dma_wait3A_147, %dma_wait3A_148] : memref<2x128x128xf32, #tpu.memory_space<vmem>> -> memref<1x128x128xf32, #tpu.memory_space<vmem>>
        %dma_wait3A_150 = tpu.memref_squeeze %dma_wait3A_149 : memref<1x128x128xf32, #tpu.memory_space<vmem>> -> memref<128x128xf32, #tpu.memory_space<vmem>>
        %dma_wait3A_151 = arith.constant 0 : i32
        %dma_wait3A_152 = tpu.memref_slice %arg6[%run_scoped3A_128, %run_scoped3A_129, %dma_wait3A_151] : memref<2x2x128xi32, #tpu.memory_space<vmem>> -> memref<1x1x128xi32, #tpu.memory_space<vmem>>
        %dma_wait3A_153 = tpu.memref_squeeze %dma_wait3A_152 : memref<1x1x128xi32, #tpu.memory_space<vmem>> -> memref<128xi32, #tpu.memory_space<vmem>>
        %dma_wait3A_154 = arith.constant 0 : i32
        %dma_wait3A_155 = arith.constant 0 : i32
        %dma_wait3A_156 = tpu.memref_slice %arg9[%dma_wait3A_154, %dma_wait3A_155] : memref<10112x128xf32, #tpu.memory_space<vmem_shared>> -> memref<10112x128xf32, #tpu.memory_space<vmem_shared>>
        tpu.wait_indirect_dma semaphore(%run_scoped3A_136 : memref<!tpu.dma_semaphore, #tpu.memory_space<semaphore_mem>>) src(%dma_wait3A_150 : memref<128x128xf32, #tpu.memory_space<vmem>>) dst(%dma_wait3A_156 : memref<10112x128xf32, #tpu.memory_space<vmem_shared>>)
        tpu.yield
      }) : () -> ()
      %add3A_130 = arith.constant 2 : i32
      %add3A_131 = arith.addi %add3A_107, %add3A_130 : i32
      %lt3A_132 = arith.cmpi slt, %add3A_131, %select_n3A_8 : i32
      %convert_element_type3A_133 = arith.extui %lt3A_132 : i1 to i32
      %cond3A_134 = arith.constant 0 : i32
      %cond3A_135 = arith.cmpi ne, %convert_element_type3A_133, %cond3A_134 : i32
      scf.if %cond3A_135 {
        %add3A_136 = arith.addi %select_n3A, %add3A_107 : i32
        %add3A_137 = arith.constant 2 : i32
        %add3A_138 = arith.addi %add3A_136, %add3A_137 : i32
        %dma_start3A_139 = arith.constant 1 : i32
        %dma_start3A_140 = arith.constant 0 : i32
        %dma_start3A_141 = arith.constant 0 : i32
        %dma_start3A_142 = tpu.memref_slice %arg6[%dma_start3A_139, %dma_start3A_140, %dma_start3A_141] : memref<2x2x128xi32, #tpu.memory_space<vmem>> -> memref<1x2x128xi32, #tpu.memory_space<vmem>>
        %dma_start3A_143 = tpu.memref_squeeze %dma_start3A_142 : memref<1x2x128xi32, #tpu.memory_space<vmem>> -> memref<2x128xi32, #tpu.memory_space<vmem>>
        %dma_start3A_144 = arith.constant 0 : i32
        %dma_start3A_145 = arith.constant 0 : i32
        %dma_start3A_146 = tpu.memref_slice %arg3[%add3A_138, %dma_start3A_144, %dma_start3A_145] : memref<2560x2x128xi32, #tpu.memory_space<hbm>> -> memref<1x2x128xi32, #tpu.memory_space<hbm>>
        %dma_start3A_147 = tpu.memref_squeeze %dma_start3A_146 : memref<1x2x128xi32, #tpu.memory_space<hbm>> -> memref<2x128xi32, #tpu.memory_space<hbm>>
        %dma_start3A_148 = arith.constant 0 : i32
        %dma_start3A_149 = arith.constant 0 : i32
        %dma_start3A_150 = tpu.memref_slice %arg6[%dma_start3A_139, %dma_start3A_148, %dma_start3A_149] : memref<2x2x128xi32, #tpu.memory_space<vmem>> -> memref<1x2x128xi32, #tpu.memory_space<vmem>>
        %dma_start3A_151 = tpu.memref_squeeze %dma_start3A_150 : memref<1x2x128xi32, #tpu.memory_space<vmem>> -> memref<2x128xi32, #tpu.memory_space<vmem>>
        %dma_start3A_152 = arith.constant 0 : i32
        %dma_start3A_153 = arith.constant 0 : i32
        %dma_start3A_154 = tpu.memref_slice %arg3[%add3A_138, %dma_start3A_152, %dma_start3A_153] : memref<2560x2x128xi32, #tpu.memory_space<hbm>> -> memref<1x2x128xi32, #tpu.memory_space<hbm>>
        %dma_start3A_155 = tpu.memref_squeeze %dma_start3A_154 : memref<1x2x128xi32, #tpu.memory_space<hbm>> -> memref<2x128xi32, #tpu.memory_space<hbm>>
        tpu.enqueue_dma source(%dma_start3A_155 : memref<2x128xi32, #tpu.memory_space<hbm>>) target(%dma_start3A_151 : memref<2x128xi32, #tpu.memory_space<vmem>>) target_semaphore(%arg11 : memref<!tpu.dma_semaphore, #tpu.memory_space<semaphore_mem>>)
      } else {
      }
    }
    %barrier3A_74 = arith.constant 0 : index
    tpu.barrier barrier_id(%barrier3A_74)
    "tpu.region"() ({
      %run_scoped3A_75 = tpu.sem_alloc : memref<!tpu.dma_semaphore, #tpu.memory_space<semaphore_mem>>
      %dma_start3A_76 = arith.constant 0 : i32
      %dma_start3A_77 = tpu.memref_slice %arg5[%arg0, %mul3A_10, %dma_start3A_76] : memref<2x10112x128xf32, #tpu.memory_space<hbm>> -> memref<1x632x128xf32, #tpu.memory_space<hbm>>
      %dma_start3A_78 = tpu.memref_squeeze %dma_start3A_77 : memref<1x632x128xf32, #tpu.memory_space<hbm>> -> memref<632x128xf32, #tpu.memory_space<hbm>>
      %dma_start3A_79 = arith.constant 0 : i32
      %dma_start3A_80 = tpu.memref_slice %arg9[%mul3A_10, %dma_start3A_79] : memref<10112x128xf32, #tpu.memory_space<vmem_shared>> -> memref<632x128xf32, #tpu.memory_space<vmem_shared>>
      tpu.enqueue_dma source(%dma_start3A_80 : memref<632x128xf32, #tpu.memory_space<vmem_shared>>) target(%dma_start3A_78 : memref<632x128xf32, #tpu.memory_space<hbm>>) target_semaphore(%run_scoped3A_75 : memref<!tpu.dma_semaphore, #tpu.memory_space<semaphore_mem>>)
      %dma_wait3A = arith.constant 0 : i32
      %dma_wait3A_81 = tpu.memref_slice %arg5[%arg0, %mul3A_10, %dma_wait3A] : memref<2x10112x128xf32, #tpu.memory_space<hbm>> -> memref<1x632x128xf32, #tpu.memory_space<hbm>>
      %dma_wait3A_82 = tpu.memref_squeeze %dma_wait3A_81 : memref<1x632x128xf32, #tpu.memory_space<hbm>> -> memref<632x128xf32, #tpu.memory_space<hbm>>
      %dma_wait3A_83 = arith.constant 0 : i32
      %dma_wait3A_84 = tpu.memref_slice %arg9[%mul3A_10, %dma_wait3A_83] : memref<10112x128xf32, #tpu.memory_space<vmem_shared>> -> memref<632x128xf32, #tpu.memory_space<vmem_shared>>
      tpu.wait_dma2 semaphore(%run_scoped3A_75 : memref<!tpu.dma_semaphore, #tpu.memory_space<semaphore_mem>>) src(%dma_wait3A_84 : memref<632x128xf32, #tpu.memory_space<vmem_shared>>) dst(%dma_wait3A_82 : memref<632x128xf32, #tpu.memory_space<hbm>>)
      tpu.yield
    }) : () -> ()
    return
  }
}

#map = affine_map<(d0, d1) -> (0, 0)>
#map1 = affine_map<(d0, d1) -> (0, 0, 0)>
module attributes {stable_mosaic.version = 14 : i64} {
  func.func @_sc_edge_pass(%arg0: i32, %arg1: i32, %arg2: memref<10000x128xf32, #tpu.memory_space<hbm>>, %arg3: memref<2560x2x128xi32, #tpu.memory_space<hbm>>, %arg4: memref<8x128xf32, #tpu.memory_space<hbm>>, %arg5: memref<2x10112x128xf32, #tpu.memory_space<hbm>>, %arg6: memref<2x2x128xi32, #tpu.memory_space<vmem>>, %arg7: memref<2x128x128xf32, #tpu.memory_space<vmem>>, %arg8: memref<8x128xf32, #tpu.memory_space<vmem>>, %arg9: memref<10112x128xf32, #tpu.memory_space<vmem_shared>>, %arg10: memref<!tpu.dma_semaphore, #tpu.memory_space<semaphore_mem>>, %arg11: memref<!tpu.dma_semaphore, #tpu.memory_space<semaphore_mem>>, %arg12: memref<!tpu.dma_semaphore, #tpu.memory_space<semaphore_mem>>, %arg13: memref<!tpu.dma_semaphore, #tpu.memory_space<semaphore_mem>>) attributes {dimension_semantics = [#tpu.dimension_semantics<core_parallel>, #tpu.dimension_semantics<subcore_parallel>], iteration_bounds = array<i64: 2, 16>, scalar_prefetch = 0 : i64, scratch_operands = 8 : i64, tpu.core_type = #tpu.core_type<sc_vector_subcore>, window_params = [{transform_indices = #map}, {transform_indices = #map1}, {transform_indices = #map}, {transform_indices = #map1}]} {
    %eq3A = arith.constant 0 : i32
    %eq3A_0 = arith.cmpi eq, %arg0, %eq3A : i32
    %mul3A = arith.constant 80 : i32
    %mul3A_1 = arith.muli %arg1, %mul3A : i32
    %mul3A_2 = arith.constant 80 : i32
    %mul3A_3 = arith.muli %arg1, %mul3A_2 : i32
    %add3A = arith.constant 1280 : i32
    %add3A_4 = arith.addi %add3A, %mul3A_3 : i32
    %select_n3A = arith.select %eq3A_0, %mul3A_1, %add3A_4 : i32
    %eq3A_5 = arith.constant 0 : i32
    %eq3A_6 = arith.cmpi eq, %arg0, %eq3A_5 : i32
    %jit3A = arith.constant 80 : i32
    %jit3A_7 = arith.constant 80 : i32
    %select_n3A_8 = arith.select %eq3A_6, %jit3A, %jit3A_7 : i32
    "tpu.region"() ({
      %run_scoped3A_75 = tpu.sem_alloc : memref<!tpu.dma_semaphore, #tpu.memory_space<semaphore_mem>>
      tpu.enqueue_dma source(%arg4 : memref<8x128xf32, #tpu.memory_space<hbm>>) target(%arg8 : memref<8x128xf32, #tpu.memory_space<vmem>>) target_semaphore(%run_scoped3A_75 : memref<!tpu.dma_semaphore, #tpu.memory_space<semaphore_mem>>)
      tpu.wait_dma2 semaphore(%run_scoped3A_75 : memref<!tpu.dma_semaphore, #tpu.memory_space<semaphore_mem>>) src(%arg4 : memref<8x128xf32, #tpu.memory_space<hbm>>) dst(%arg8 : memref<8x128xf32, #tpu.memory_space<vmem>>)
      tpu.yield
    }) : () -> ()
    %mul3A_9 = arith.constant 632 : i32
    %mul3A_10 = arith.muli %arg1, %mul3A_9 : i32
    %scan3A = arith.constant 0 : i32
    %scan3A_11 = arith.constant 0 : i32
    %scan3A_12 = arith.constant 79 : i32
    %scan3A_13 = arith.addi %scan3A_11, %scan3A_12 : i32
    %scan3A_14 = arith.constant 1 : i32
    scf.for %scan3A_75 = %scan3A_11 to %scan3A_13 step %scan3A_14  : i32 {
      %mul3A_76 = arith.constant 8 : i32
      %mul3A_77 = arith.muli %scan3A_75, %mul3A_76 : i32
      %add3A_78 = arith.addi %mul3A_10, %mul3A_77 : i32
      "tpu.region"() ({
        %run_scoped3A_79 = tpu.sem_alloc : memref<!tpu.dma_semaphore, #tpu.memory_space<semaphore_mem>>
        %dma_start3A_80 = arith.constant 0 : i32
        %dma_start3A_81 = tpu.memref_slice %arg9[%add3A_78, %dma_start3A_80] : memref<10112x128xf32, #tpu.memory_space<vmem_shared>> -> memref<8x128xf32, #tpu.memory_space<vmem_shared>>
        %dma_start3A_82 = arith.constant 0 : i32
        %dma_start3A_83 = tpu.memref_slice %arg9[%add3A_78, %dma_start3A_82] : memref<10112x128xf32, #tpu.memory_space<vmem_shared>> -> memref<8x128xf32, #tpu.memory_space<vmem_shared>>
        tpu.enqueue_dma source(%arg8 : memref<8x128xf32, #tpu.memory_space<vmem>>) target(%dma_start3A_83 : memref<8x128xf32, #tpu.memory_space<vmem_shared>>) target_semaphore(%run_scoped3A_79 : memref<!tpu.dma_semaphore, #tpu.memory_space<semaphore_mem>>)
        %dma_wait3A = arith.constant 0 : i32
        %dma_wait3A_84 = tpu.memref_slice %arg9[%add3A_78, %dma_wait3A] : memref<10112x128xf32, #tpu.memory_space<vmem_shared>> -> memref<8x128xf32, #tpu.memory_space<vmem_shared>>
        %dma_wait3A_85 = arith.constant 0 : i32
        %dma_wait3A_86 = tpu.memref_slice %arg9[%add3A_78, %dma_wait3A_85] : memref<10112x128xf32, #tpu.memory_space<vmem_shared>> -> memref<8x128xf32, #tpu.memory_space<vmem_shared>>
        tpu.wait_dma2 semaphore(%run_scoped3A_79 : memref<!tpu.dma_semaphore, #tpu.memory_space<semaphore_mem>>) src(%arg8 : memref<8x128xf32, #tpu.memory_space<vmem>>) dst(%dma_wait3A_86 : memref<8x128xf32, #tpu.memory_space<vmem_shared>>)
        tpu.yield
      }) : () -> ()
    }
    %scan3A_15 = arith.constant 79 : i32
    %barrier3A = arith.constant 0 : index
    tpu.barrier barrier_id(%barrier3A)
    %run_scoped3A = arith.constant 0 : i32
    "tpu.region"() ({
      %run_scoped3A_75 = tpu.sem_alloc : memref<!tpu.dma_semaphore, #tpu.memory_space<semaphore_mem>>
      %dma_start3A_76 = arith.constant 0 : i32
      %dma_start3A_77 = arith.constant 0 : i32
      %dma_start3A_78 = tpu.memref_slice %arg6[%run_scoped3A, %dma_start3A_76, %dma_start3A_77] : memref<2x2x128xi32, #tpu.memory_space<vmem>> -> memref<1x2x128xi32, #tpu.memory_space<vmem>>
      %dma_start3A_79 = tpu.memref_squeeze %dma_start3A_78 : memref<1x2x128xi32, #tpu.memory_space<vmem>> -> memref<2x128xi32, #tpu.memory_space<vmem>>
      %dma_start3A_80 = arith.constant 0 : i32
      %dma_start3A_81 = arith.constant 0 : i32
      %dma_start3A_82 = tpu.memref_slice %arg3[%select_n3A, %dma_start3A_80, %dma_start3A_81] : memref<2560x2x128xi32, #tpu.memory_space<hbm>> -> memref<1x2x128xi32, #tpu.memory_space<hbm>>
      %dma_start3A_83 = tpu.memref_squeeze %dma_start3A_82 : memref<1x2x128xi32, #tpu.memory_space<hbm>> -> memref<2x128xi32, #tpu.memory_space<hbm>>
      %dma_start3A_84 = arith.constant 0 : i32
      %dma_start3A_85 = arith.constant 0 : i32
      %dma_start3A_86 = tpu.memref_slice %arg6[%run_scoped3A, %dma_start3A_84, %dma_start3A_85] : memref<2x2x128xi32, #tpu.memory_space<vmem>> -> memref<1x2x128xi32, #tpu.memory_space<vmem>>
      %dma_start3A_87 = tpu.memref_squeeze %dma_start3A_86 : memref<1x2x128xi32, #tpu.memory_space<vmem>> -> memref<2x128xi32, #tpu.memory_space<vmem>>
      %dma_start3A_88 = arith.constant 0 : i32
      %dma_start3A_89 = arith.constant 0 : i32
      %dma_start3A_90 = tpu.memref_slice %arg3[%select_n3A, %dma_start3A_88, %dma_start3A_89] : memref<2560x2x128xi32, #tpu.memory_space<hbm>> -> memref<1x2x128xi32, #tpu.memory_space<hbm>>
      %dma_start3A_91 = tpu.memref_squeeze %dma_start3A_90 : memref<1x2x128xi32, #tpu.memory_space<hbm>> -> memref<2x128xi32, #tpu.memory_space<hbm>>
      tpu.enqueue_dma source(%dma_start3A_91 : memref<2x128xi32, #tpu.memory_space<hbm>>) target(%dma_start3A_87 : memref<2x128xi32, #tpu.memory_space<vmem>>) target_semaphore(%run_scoped3A_75 : memref<!tpu.dma_semaphore, #tpu.memory_space<semaphore_mem>>)
      %dma_wait3A = arith.constant 0 : i32
      %dma_wait3A_92 = arith.constant 0 : i32
      %dma_wait3A_93 = tpu.memref_slice %arg6[%run_scoped3A, %dma_wait3A, %dma_wait3A_92] : memref<2x2x128xi32, #tpu.memory_space<vmem>> -> memref<1x2x128xi32, #tpu.memory_space<vmem>>
      %dma_wait3A_94 = tpu.memref_squeeze %dma_wait3A_93 : memref<1x2x128xi32, #tpu.memory_space<vmem>> -> memref<2x128xi32, #tpu.memory_space<vmem>>
      %dma_wait3A_95 = arith.constant 0 : i32
      %dma_wait3A_96 = arith.constant 0 : i32
      %dma_wait3A_97 = tpu.memref_slice %arg3[%select_n3A, %dma_wait3A_95, %dma_wait3A_96] : memref<2560x2x128xi32, #tpu.memory_space<hbm>> -> memref<1x2x128xi32, #tpu.memory_space<hbm>>
      %dma_wait3A_98 = tpu.memref_squeeze %dma_wait3A_97 : memref<1x2x128xi32, #tpu.memory_space<hbm>> -> memref<2x128xi32, #tpu.memory_space<hbm>>
      %dma_wait3A_99 = arith.constant 0 : i32
      %dma_wait3A_100 = arith.constant 0 : i32
      %dma_wait3A_101 = tpu.memref_slice %arg6[%run_scoped3A, %dma_wait3A_99, %dma_wait3A_100] : memref<2x2x128xi32, #tpu.memory_space<vmem>> -> memref<1x2x128xi32, #tpu.memory_space<vmem>>
      %dma_wait3A_102 = tpu.memref_squeeze %dma_wait3A_101 : memref<1x2x128xi32, #tpu.memory_space<vmem>> -> memref<2x128xi32, #tpu.memory_space<vmem>>
      %dma_wait3A_103 = arith.constant 0 : i32
      %dma_wait3A_104 = arith.constant 0 : i32
      %dma_wait3A_105 = tpu.memref_slice %arg3[%select_n3A, %dma_wait3A_103, %dma_wait3A_104] : memref<2560x2x128xi32, #tpu.memory_space<hbm>> -> memref<1x2x128xi32, #tpu.memory_space<hbm>>
      %dma_wait3A_106 = tpu.memref_squeeze %dma_wait3A_105 : memref<1x2x128xi32, #tpu.memory_space<hbm>> -> memref<2x128xi32, #tpu.memory_space<hbm>>
      tpu.wait_dma2 semaphore(%run_scoped3A_75 : memref<!tpu.dma_semaphore, #tpu.memory_space<semaphore_mem>>) src(%dma_wait3A_106 : memref<2x128xi32, #tpu.memory_space<hbm>>) dst(%dma_wait3A_102 : memref<2x128xi32, #tpu.memory_space<vmem>>)
      tpu.yield
    }) : () -> ()
    %dma_start3A = arith.constant 0 : i32
    %dma_start3A_16 = arith.constant 0 : i32
    %dma_start3A_17 = arith.constant 0 : i32
    %dma_start3A_18 = arith.constant 0 : i32
    %dma_start3A_19 = arith.constant 0 : i32
    %dma_start3A_20 = tpu.memref_slice %arg7[%dma_start3A_17, %dma_start3A_18, %dma_start3A_19] : memref<2x128x128xf32, #tpu.memory_space<vmem>> -> memref<1x128x128xf32, #tpu.memory_space<vmem>>
    %dma_start3A_21 = tpu.memref_squeeze %dma_start3A_20 : memref<1x128x128xf32, #tpu.memory_space<vmem>> -> memref<128x128xf32, #tpu.memory_space<vmem>>
    %dma_start3A_22 = arith.constant 0 : i32
    %dma_start3A_23 = tpu.memref_slice %arg6[%dma_start3A, %dma_start3A_16, %dma_start3A_22] : memref<2x2x128xi32, #tpu.memory_space<vmem>> -> memref<1x1x128xi32, #tpu.memory_space<vmem>>
    %dma_start3A_24 = tpu.memref_squeeze %dma_start3A_23 : memref<1x1x128xi32, #tpu.memory_space<vmem>> -> memref<128xi32, #tpu.memory_space<vmem>>
    %dma_start3A_25 = arith.constant 0 : i32
    %dma_start3A_26 = arith.constant 0 : i32
    %dma_start3A_27 = tpu.memref_slice %arg2[%dma_start3A_25, %dma_start3A_26] : memref<10000x128xf32, #tpu.memory_space<hbm>> -> memref<10000x128xf32, #tpu.memory_space<hbm>>
    tpu.enqueue_indirect_dma source(%dma_start3A_27 : memref<10000x128xf32, #tpu.memory_space<hbm>>) target(%dma_start3A_21 : memref<128x128xf32, #tpu.memory_space<vmem>>) offsets(%dma_start3A_24 : memref<128xi32, #tpu.memory_space<vmem>>) semaphore(%arg12 : memref<!tpu.dma_semaphore, #tpu.memory_space<semaphore_mem>>)
    %add3A_28 = arith.constant 1 : i32
    %add3A_29 = arith.addi %select_n3A, %add3A_28 : i32
    %dma_start3A_30 = arith.constant 1 : i32
    %dma_start3A_31 = arith.constant 0 : i32
    %dma_start3A_32 = arith.constant 0 : i32
    %dma_start3A_33 = tpu.memref_slice %arg6[%dma_start3A_30, %dma_start3A_31, %dma_start3A_32] : memref<2x2x128xi32, #tpu.memory_space<vmem>> -> memref<1x2x128xi32, #tpu.memory_space<vmem>>
    %dma_start3A_34 = tpu.memref_squeeze %dma_start3A_33 : memref<1x2x128xi32, #tpu.memory_space<vmem>> -> memref<2x128xi32, #tpu.memory_space<vmem>>
    %dma_start3A_35 = arith.constant 0 : i32
    %dma_start3A_36 = arith.constant 0 : i32
    %dma_start3A_37 = tpu.memref_slice %arg3[%add3A_29, %dma_start3A_35, %dma_start3A_36] : memref<2560x2x128xi32, #tpu.memory_space<hbm>> -> memref<1x2x128xi32, #tpu.memory_space<hbm>>
    %dma_start3A_38 = tpu.memref_squeeze %dma_start3A_37 : memref<1x2x128xi32, #tpu.memory_space<hbm>> -> memref<2x128xi32, #tpu.memory_space<hbm>>
    %dma_start3A_39 = arith.constant 0 : i32
    %dma_start3A_40 = arith.constant 0 : i32
    %dma_start3A_41 = tpu.memref_slice %arg6[%dma_start3A_30, %dma_start3A_39, %dma_start3A_40] : memref<2x2x128xi32, #tpu.memory_space<vmem>> -> memref<1x2x128xi32, #tpu.memory_space<vmem>>
    %dma_start3A_42 = tpu.memref_squeeze %dma_start3A_41 : memref<1x2x128xi32, #tpu.memory_space<vmem>> -> memref<2x128xi32, #tpu.memory_space<vmem>>
    %dma_start3A_43 = arith.constant 0 : i32
    %dma_start3A_44 = arith.constant 0 : i32
    %dma_start3A_45 = tpu.memref_slice %arg3[%add3A_29, %dma_start3A_43, %dma_start3A_44] : memref<2560x2x128xi32, #tpu.memory_space<hbm>> -> memref<1x2x128xi32, #tpu.memory_space<hbm>>
    %dma_start3A_46 = tpu.memref_squeeze %dma_start3A_45 : memref<1x2x128xi32, #tpu.memory_space<hbm>> -> memref<2x128xi32, #tpu.memory_space<hbm>>
    tpu.enqueue_dma source(%dma_start3A_46 : memref<2x128xi32, #tpu.memory_space<hbm>>) target(%dma_start3A_42 : memref<2x128xi32, #tpu.memory_space<vmem>>) target_semaphore(%arg11 : memref<!tpu.dma_semaphore, #tpu.memory_space<semaphore_mem>>)
    %jit3A_47 = arith.constant 2 : i32
    %div3A = arith.divsi %select_n3A_8, %jit3A_47 : i32
    %sign3A = arith.constant 0 : i32
    %sign3A_48 = arith.cmpi sgt, %select_n3A_8, %sign3A : i32
    %sign3A_49 = arith.extui %sign3A_48 : i1 to i32
    %sign3A_50 = arith.constant 0 : i32
    %sign3A_51 = arith.cmpi slt, %select_n3A_8, %sign3A_50 : i32
    %sign3A_52 = arith.extui %sign3A_51 : i1 to i32
    %sign3A_53 = arith.subi %sign3A_49, %sign3A_52 : i32
    %sign3A_54 = arith.constant 0 : i32
    %sign3A_55 = arith.cmpi sgt, %jit3A_47, %sign3A_54 : i32
    %sign3A_56 = arith.extui %sign3A_55 : i1 to i32
    %sign3A_57 = arith.constant 0 : i32
    %sign3A_58 = arith.cmpi slt, %jit3A_47, %sign3A_57 : i32
    %sign3A_59 = arith.extui %sign3A_58 : i1 to i32
    %sign3A_60 = arith.subi %sign3A_56, %sign3A_59 : i32
    %ne3A = arith.cmpi ne, %sign3A_53, %sign3A_60 : i32
    %rem3A = arith.remsi %select_n3A_8, %jit3A_47 : i32
    %ne3A_61 = arith.constant 0 : i32
    %ne3A_62 = arith.cmpi ne, %rem3A, %ne3A_61 : i32
    %and3A = arith.andi %ne3A, %ne3A_62 : i1
    %sub3A = arith.constant 1 : i32
    %sub3A_63 = arith.subi %div3A, %sub3A : i32
    %select_n3A_64 = arith.select %and3A, %sub3A_63, %div3A : i32
    %while3A = arith.constant 0 : i32
    %while3A_65 = arith.constant 0 : i32
    %while3A_66 = arith.subi %select_n3A_64, %while3A_65 : i32
    %while3A_67 = arith.addi %while3A_65, %while3A_66 : i32
    %while3A_68 = arith.constant 1 : i32
    %while3A_69 = arith.divsi %while3A_66, %while3A_68 : i32
    %while3A_70 = arith.muli %while3A_69, %while3A_68 : i32
    %while3A_71 = arith.addi %while3A_65, %while3A_70 : i32
    %while3A_72 = arith.constant 1 : i32
    scf.for %while3A_75 = %while3A_65 to %while3A_71 step %while3A_72  : i32 {
      %mul3A_76 = arith.constant 2 : i32
      %mul3A_77 = arith.muli %while3A_75, %mul3A_76 : i32
      %add3A_78 = arith.constant 0 : i32
      %add3A_79 = arith.addi %mul3A_77, %add3A_78 : i32
      %add3A_80 = arith.constant 1 : i32
      %add3A_81 = arith.addi %add3A_79, %add3A_80 : i32
      %lt3A = arith.cmpi slt, %add3A_81, %select_n3A_8 : i32
      %convert_element_type3A = arith.extui %lt3A : i1 to i32
      %cond3A = arith.constant 0 : i32
      %cond3A_82 = arith.cmpi ne, %convert_element_type3A, %cond3A : i32
      scf.if %cond3A_82 {
        %add3A_136 = arith.addi %select_n3A, %add3A_79 : i32
        %add3A_137 = arith.constant 1 : i32
        %add3A_138 = arith.addi %add3A_136, %add3A_137 : i32
        %dma_wait3A_139 = arith.constant 1 : i32
        %dma_wait3A_140 = arith.constant 0 : i32
        %dma_wait3A_141 = arith.constant 0 : i32
        %dma_wait3A_142 = tpu.memref_slice %arg6[%dma_wait3A_139, %dma_wait3A_140, %dma_wait3A_141] : memref<2x2x128xi32, #tpu.memory_space<vmem>> -> memref<1x2x128xi32, #tpu.memory_space<vmem>>
        %dma_wait3A_143 = tpu.memref_squeeze %dma_wait3A_142 : memref<1x2x128xi32, #tpu.memory_space<vmem>> -> memref<2x128xi32, #tpu.memory_space<vmem>>
        %dma_wait3A_144 = arith.constant 0 : i32
        %dma_wait3A_145 = arith.constant 0 : i32
        %dma_wait3A_146 = tpu.memref_slice %arg3[%add3A_138, %dma_wait3A_144, %dma_wait3A_145] : memref<2560x2x128xi32, #tpu.memory_space<hbm>> -> memref<1x2x128xi32, #tpu.memory_space<hbm>>
        %dma_wait3A_147 = tpu.memref_squeeze %dma_wait3A_146 : memref<1x2x128xi32, #tpu.memory_space<hbm>> -> memref<2x128xi32, #tpu.memory_space<hbm>>
        %dma_wait3A_148 = arith.constant 0 : i32
        %dma_wait3A_149 = arith.constant 0 : i32
        %dma_wait3A_150 = tpu.memref_slice %arg6[%dma_wait3A_139, %dma_wait3A_148, %dma_wait3A_149] : memref<2x2x128xi32, #tpu.memory_space<vmem>> -> memref<1x2x128xi32, #tpu.memory_space<vmem>>
        %dma_wait3A_151 = tpu.memref_squeeze %dma_wait3A_150 : memref<1x2x128xi32, #tpu.memory_space<vmem>> -> memref<2x128xi32, #tpu.memory_space<vmem>>
        %dma_wait3A_152 = arith.constant 0 : i32
        %dma_wait3A_153 = arith.constant 0 : i32
        %dma_wait3A_154 = tpu.memref_slice %arg3[%add3A_138, %dma_wait3A_152, %dma_wait3A_153] : memref<2560x2x128xi32, #tpu.memory_space<hbm>> -> memref<1x2x128xi32, #tpu.memory_space<hbm>>
        %dma_wait3A_155 = tpu.memref_squeeze %dma_wait3A_154 : memref<1x2x128xi32, #tpu.memory_space<hbm>> -> memref<2x128xi32, #tpu.memory_space<hbm>>
        tpu.wait_dma2 semaphore(%arg11 : memref<!tpu.dma_semaphore, #tpu.memory_space<semaphore_mem>>) src(%dma_wait3A_155 : memref<2x128xi32, #tpu.memory_space<hbm>>) dst(%dma_wait3A_151 : memref<2x128xi32, #tpu.memory_space<vmem>>)
        %dma_start3A_156 = arith.constant 1 : i32
        %dma_start3A_157 = arith.constant 0 : i32
        %dma_start3A_158 = arith.constant 1 : i32
        %dma_start3A_159 = arith.constant 0 : i32
        %dma_start3A_160 = arith.constant 0 : i32
        %dma_start3A_161 = tpu.memref_slice %arg7[%dma_start3A_158, %dma_start3A_159, %dma_start3A_160] : memref<2x128x128xf32, #tpu.memory_space<vmem>> -> memref<1x128x128xf32, #tpu.memory_space<vmem>>
        %dma_start3A_162 = tpu.memref_squeeze %dma_start3A_161 : memref<1x128x128xf32, #tpu.memory_space<vmem>> -> memref<128x128xf32, #tpu.memory_space<vmem>>
        %dma_start3A_163 = arith.constant 0 : i32
        %dma_start3A_164 = tpu.memref_slice %arg6[%dma_start3A_156, %dma_start3A_157, %dma_start3A_163] : memref<2x2x128xi32, #tpu.memory_space<vmem>> -> memref<1x1x128xi32, #tpu.memory_space<vmem>>
        %dma_start3A_165 = tpu.memref_squeeze %dma_start3A_164 : memref<1x1x128xi32, #tpu.memory_space<vmem>> -> memref<128xi32, #tpu.memory_space<vmem>>
        %dma_start3A_166 = arith.constant 0 : i32
        %dma_start3A_167 = arith.constant 0 : i32
        %dma_start3A_168 = tpu.memref_slice %arg2[%dma_start3A_166, %dma_start3A_167] : memref<10000x128xf32, #tpu.memory_space<hbm>> -> memref<10000x128xf32, #tpu.memory_space<hbm>>
        tpu.enqueue_indirect_dma source(%dma_start3A_168 : memref<10000x128xf32, #tpu.memory_space<hbm>>) target(%dma_start3A_162 : memref<128x128xf32, #tpu.memory_space<vmem>>) offsets(%dma_start3A_165 : memref<128xi32, #tpu.memory_space<vmem>>) semaphore(%arg13 : memref<!tpu.dma_semaphore, #tpu.memory_space<semaphore_mem>>)
      } else {
      }
      %dma_wait3A = arith.constant 0 : i32
      %dma_wait3A_83 = arith.constant 0 : i32
      %dma_wait3A_84 = arith.constant 0 : i32
      %dma_wait3A_85 = arith.constant 0 : i32
      %dma_wait3A_86 = arith.constant 0 : i32
      %dma_wait3A_87 = tpu.memref_slice %arg7[%dma_wait3A_84, %dma_wait3A_85, %dma_wait3A_86] : memref<2x128x128xf32, #tpu.memory_space<vmem>> -> memref<1x128x128xf32, #tpu.memory_space<vmem>>
      %dma_wait3A_88 = tpu.memref_squeeze %dma_wait3A_87 : memref<1x128x128xf32, #tpu.memory_space<vmem>> -> memref<128x128xf32, #tpu.memory_space<vmem>>
      %dma_wait3A_89 = arith.constant 0 : i32
      %dma_wait3A_90 = tpu.memref_slice %arg6[%dma_wait3A, %dma_wait3A_83, %dma_wait3A_89] : memref<2x2x128xi32, #tpu.memory_space<vmem>> -> memref<1x1x128xi32, #tpu.memory_space<vmem>>
      %dma_wait3A_91 = tpu.memref_squeeze %dma_wait3A_90 : memref<1x1x128xi32, #tpu.memory_space<vmem>> -> memref<128xi32, #tpu.memory_space<vmem>>
      %dma_wait3A_92 = arith.constant 0 : i32
      %dma_wait3A_93 = arith.constant 0 : i32
      %dma_wait3A_94 = tpu.memref_slice %arg2[%dma_wait3A_92, %dma_wait3A_93] : memref<10000x128xf32, #tpu.memory_space<hbm>> -> memref<10000x128xf32, #tpu.memory_space<hbm>>
      tpu.wait_indirect_dma semaphore(%arg12 : memref<!tpu.dma_semaphore, #tpu.memory_space<semaphore_mem>>) src(%dma_wait3A_94 : memref<10000x128xf32, #tpu.memory_space<hbm>>) dst(%dma_wait3A_88 : memref<128x128xf32, #tpu.memory_space<vmem>>)
      %run_scoped3A_95 = arith.constant 0 : i32
      %run_scoped3A_96 = arith.constant 0 : i32
      %run_scoped3A_97 = arith.constant 1 : i32
      "tpu.region"() ({
        %run_scoped3A_136 = tpu.sem_alloc : memref<!tpu.dma_semaphore, #tpu.memory_space<semaphore_mem>>
        %dma_start3A_137 = arith.constant 0 : i32
        %dma_start3A_138 = arith.constant 0 : i32
        %dma_start3A_139 = tpu.memref_slice %arg7[%run_scoped3A_95, %dma_start3A_137, %dma_start3A_138] : memref<2x128x128xf32, #tpu.memory_space<vmem>> -> memref<1x128x128xf32, #tpu.memory_space<vmem>>
        %dma_start3A_140 = tpu.memref_squeeze %dma_start3A_139 : memref<1x128x128xf32, #tpu.memory_space<vmem>> -> memref<128x128xf32, #tpu.memory_space<vmem>>
        %dma_start3A_141 = arith.constant 0 : i32
        %dma_start3A_142 = tpu.memref_slice %arg6[%run_scoped3A_96, %run_scoped3A_97, %dma_start3A_141] : memref<2x2x128xi32, #tpu.memory_space<vmem>> -> memref<1x1x128xi32, #tpu.memory_space<vmem>>
        %dma_start3A_143 = tpu.memref_squeeze %dma_start3A_142 : memref<1x1x128xi32, #tpu.memory_space<vmem>> -> memref<128xi32, #tpu.memory_space<vmem>>
        %dma_start3A_144 = arith.constant 0 : i32
        %dma_start3A_145 = arith.constant 0 : i32
        %dma_start3A_146 = tpu.memref_slice %arg9[%dma_start3A_144, %dma_start3A_145] : memref<10112x128xf32, #tpu.memory_space<vmem_shared>> -> memref<10112x128xf32, #tpu.memory_space<vmem_shared>>
        tpu.enqueue_indirect_dma source(%dma_start3A_140 : memref<128x128xf32, #tpu.memory_space<vmem>>) target(%dma_start3A_146 : memref<10112x128xf32, #tpu.memory_space<vmem_shared>>) offsets(%dma_start3A_143 : memref<128xi32, #tpu.memory_space<vmem>>) semaphore(%run_scoped3A_136 : memref<!tpu.dma_semaphore, #tpu.memory_space<semaphore_mem>>) {add = true}
        %dma_wait3A_147 = arith.constant 0 : i32
        %dma_wait3A_148 = arith.constant 0 : i32
        %dma_wait3A_149 = tpu.memref_slice %arg7[%run_scoped3A_95, %dma_wait3A_147, %dma_wait3A_148] : memref<2x128x128xf32, #tpu.memory_space<vmem>> -> memref<1x128x128xf32, #tpu.memory_space<vmem>>
        %dma_wait3A_150 = tpu.memref_squeeze %dma_wait3A_149 : memref<1x128x128xf32, #tpu.memory_space<vmem>> -> memref<128x128xf32, #tpu.memory_space<vmem>>
        %dma_wait3A_151 = arith.constant 0 : i32
        %dma_wait3A_152 = tpu.memref_slice %arg6[%run_scoped3A_96, %run_scoped3A_97, %dma_wait3A_151] : memref<2x2x128xi32, #tpu.memory_space<vmem>> -> memref<1x1x128xi32, #tpu.memory_space<vmem>>
        %dma_wait3A_153 = tpu.memref_squeeze %dma_wait3A_152 : memref<1x1x128xi32, #tpu.memory_space<vmem>> -> memref<128xi32, #tpu.memory_space<vmem>>
        %dma_wait3A_154 = arith.constant 0 : i32
        %dma_wait3A_155 = arith.constant 0 : i32
        %dma_wait3A_156 = tpu.memref_slice %arg9[%dma_wait3A_154, %dma_wait3A_155] : memref<10112x128xf32, #tpu.memory_space<vmem_shared>> -> memref<10112x128xf32, #tpu.memory_space<vmem_shared>>
        tpu.wait_indirect_dma semaphore(%run_scoped3A_136 : memref<!tpu.dma_semaphore, #tpu.memory_space<semaphore_mem>>) src(%dma_wait3A_150 : memref<128x128xf32, #tpu.memory_space<vmem>>) dst(%dma_wait3A_156 : memref<10112x128xf32, #tpu.memory_space<vmem_shared>>)
        tpu.yield
      }) : () -> ()
      %add3A_98 = arith.constant 2 : i32
      %add3A_99 = arith.addi %add3A_79, %add3A_98 : i32
      %lt3A_100 = arith.cmpi slt, %add3A_99, %select_n3A_8 : i32
      %convert_element_type3A_101 = arith.extui %lt3A_100 : i1 to i32
      %cond3A_102 = arith.constant 0 : i32
      %cond3A_103 = arith.cmpi ne, %convert_element_type3A_101, %cond3A_102 : i32
      scf.if %cond3A_103 {
        %add3A_136 = arith.addi %select_n3A, %add3A_79 : i32
        %add3A_137 = arith.constant 2 : i32
        %add3A_138 = arith.addi %add3A_136, %add3A_137 : i32
        %dma_start3A_139 = arith.constant 0 : i32
        %dma_start3A_140 = arith.constant 0 : i32
        %dma_start3A_141 = arith.constant 0 : i32
        %dma_start3A_142 = tpu.memref_slice %arg6[%dma_start3A_139, %dma_start3A_140, %dma_start3A_141] : memref<2x2x128xi32, #tpu.memory_space<vmem>> -> memref<1x2x128xi32, #tpu.memory_space<vmem>>
        %dma_start3A_143 = tpu.memref_squeeze %dma_start3A_142 : memref<1x2x128xi32, #tpu.memory_space<vmem>> -> memref<2x128xi32, #tpu.memory_space<vmem>>
        %dma_start3A_144 = arith.constant 0 : i32
        %dma_start3A_145 = arith.constant 0 : i32
        %dma_start3A_146 = tpu.memref_slice %arg3[%add3A_138, %dma_start3A_144, %dma_start3A_145] : memref<2560x2x128xi32, #tpu.memory_space<hbm>> -> memref<1x2x128xi32, #tpu.memory_space<hbm>>
        %dma_start3A_147 = tpu.memref_squeeze %dma_start3A_146 : memref<1x2x128xi32, #tpu.memory_space<hbm>> -> memref<2x128xi32, #tpu.memory_space<hbm>>
        %dma_start3A_148 = arith.constant 0 : i32
        %dma_start3A_149 = arith.constant 0 : i32
        %dma_start3A_150 = tpu.memref_slice %arg6[%dma_start3A_139, %dma_start3A_148, %dma_start3A_149] : memref<2x2x128xi32, #tpu.memory_space<vmem>> -> memref<1x2x128xi32, #tpu.memory_space<vmem>>
        %dma_start3A_151 = tpu.memref_squeeze %dma_start3A_150 : memref<1x2x128xi32, #tpu.memory_space<vmem>> -> memref<2x128xi32, #tpu.memory_space<vmem>>
        %dma_start3A_152 = arith.constant 0 : i32
        %dma_start3A_153 = arith.constant 0 : i32
        %dma_start3A_154 = tpu.memref_slice %arg3[%add3A_138, %dma_start3A_152, %dma_start3A_153] : memref<2560x2x128xi32, #tpu.memory_space<hbm>> -> memref<1x2x128xi32, #tpu.memory_space<hbm>>
        %dma_start3A_155 = tpu.memref_squeeze %dma_start3A_154 : memref<1x2x128xi32, #tpu.memory_space<hbm>> -> memref<2x128xi32, #tpu.memory_space<hbm>>
        tpu.enqueue_dma source(%dma_start3A_155 : memref<2x128xi32, #tpu.memory_space<hbm>>) target(%dma_start3A_151 : memref<2x128xi32, #tpu.memory_space<vmem>>) target_semaphore(%arg10 : memref<!tpu.dma_semaphore, #tpu.memory_space<semaphore_mem>>)
      } else {
      }
      %mul3A_104 = arith.constant 2 : i32
      %mul3A_105 = arith.muli %while3A_75, %mul3A_104 : i32
      %add3A_106 = arith.constant 1 : i32
      %add3A_107 = arith.addi %mul3A_105, %add3A_106 : i32
      %add3A_108 = arith.constant 1 : i32
      %add3A_109 = arith.addi %add3A_107, %add3A_108 : i32
      %lt3A_110 = arith.cmpi slt, %add3A_109, %select_n3A_8 : i32
      %convert_element_type3A_111 = arith.extui %lt3A_110 : i1 to i32
      %cond3A_112 = arith.constant 0 : i32
      %cond3A_113 = arith.cmpi ne, %convert_element_type3A_111, %cond3A_112 : i32
      scf.if %cond3A_113 {
        %add3A_136 = arith.addi %select_n3A, %add3A_107 : i32
        %add3A_137 = arith.constant 1 : i32
        %add3A_138 = arith.addi %add3A_136, %add3A_137 : i32
        %dma_wait3A_139 = arith.constant 0 : i32
        %dma_wait3A_140 = arith.constant 0 : i32
        %dma_wait3A_141 = arith.constant 0 : i32
        %dma_wait3A_142 = tpu.memref_slice %arg6[%dma_wait3A_139, %dma_wait3A_140, %dma_wait3A_141] : memref<2x2x128xi32, #tpu.memory_space<vmem>> -> memref<1x2x128xi32, #tpu.memory_space<vmem>>
        %dma_wait3A_143 = tpu.memref_squeeze %dma_wait3A_142 : memref<1x2x128xi32, #tpu.memory_space<vmem>> -> memref<2x128xi32, #tpu.memory_space<vmem>>
        %dma_wait3A_144 = arith.constant 0 : i32
        %dma_wait3A_145 = arith.constant 0 : i32
        %dma_wait3A_146 = tpu.memref_slice %arg3[%add3A_138, %dma_wait3A_144, %dma_wait3A_145] : memref<2560x2x128xi32, #tpu.memory_space<hbm>> -> memref<1x2x128xi32, #tpu.memory_space<hbm>>
        %dma_wait3A_147 = tpu.memref_squeeze %dma_wait3A_146 : memref<1x2x128xi32, #tpu.memory_space<hbm>> -> memref<2x128xi32, #tpu.memory_space<hbm>>
        %dma_wait3A_148 = arith.constant 0 : i32
        %dma_wait3A_149 = arith.constant 0 : i32
        %dma_wait3A_150 = tpu.memref_slice %arg6[%dma_wait3A_139, %dma_wait3A_148, %dma_wait3A_149] : memref<2x2x128xi32, #tpu.memory_space<vmem>> -> memref<1x2x128xi32, #tpu.memory_space<vmem>>
        %dma_wait3A_151 = tpu.memref_squeeze %dma_wait3A_150 : memref<1x2x128xi32, #tpu.memory_space<vmem>> -> memref<2x128xi32, #tpu.memory_space<vmem>>
        %dma_wait3A_152 = arith.constant 0 : i32
        %dma_wait3A_153 = arith.constant 0 : i32
        %dma_wait3A_154 = tpu.memref_slice %arg3[%add3A_138, %dma_wait3A_152, %dma_wait3A_153] : memref<2560x2x128xi32, #tpu.memory_space<hbm>> -> memref<1x2x128xi32, #tpu.memory_space<hbm>>
        %dma_wait3A_155 = tpu.memref_squeeze %dma_wait3A_154 : memref<1x2x128xi32, #tpu.memory_space<hbm>> -> memref<2x128xi32, #tpu.memory_space<hbm>>
        tpu.wait_dma2 semaphore(%arg10 : memref<!tpu.dma_semaphore, #tpu.memory_space<semaphore_mem>>) src(%dma_wait3A_155 : memref<2x128xi32, #tpu.memory_space<hbm>>) dst(%dma_wait3A_151 : memref<2x128xi32, #tpu.memory_space<vmem>>)
        %dma_start3A_156 = arith.constant 0 : i32
        %dma_start3A_157 = arith.constant 0 : i32
        %dma_start3A_158 = arith.constant 0 : i32
        %dma_start3A_159 = arith.constant 0 : i32
        %dma_start3A_160 = arith.constant 0 : i32
        %dma_start3A_161 = tpu.memref_slice %arg7[%dma_start3A_158, %dma_start3A_159, %dma_start3A_160] : memref<2x128x128xf32, #tpu.memory_space<vmem>> -> memref<1x128x128xf32, #tpu.memory_space<vmem>>
        %dma_start3A_162 = tpu.memref_squeeze %dma_start3A_161 : memref<1x128x128xf32, #tpu.memory_space<vmem>> -> memref<128x128xf32, #tpu.memory_space<vmem>>
        %dma_start3A_163 = arith.constant 0 : i32
        %dma_start3A_164 = tpu.memref_slice %arg6[%dma_start3A_156, %dma_start3A_157, %dma_start3A_163] : memref<2x2x128xi32, #tpu.memory_space<vmem>> -> memref<1x1x128xi32, #tpu.memory_space<vmem>>
        %dma_start3A_165 = tpu.memref_squeeze %dma_start3A_164 : memref<1x1x128xi32, #tpu.memory_space<vmem>> -> memref<128xi32, #tpu.memory_space<vmem>>
        %dma_start3A_166 = arith.constant 0 : i32
        %dma_start3A_167 = arith.constant 0 : i32
        %dma_start3A_168 = tpu.memref_slice %arg2[%dma_start3A_166, %dma_start3A_167] : memref<10000x128xf32, #tpu.memory_space<hbm>> -> memref<10000x128xf32, #tpu.memory_space<hbm>>
        tpu.enqueue_indirect_dma source(%dma_start3A_168 : memref<10000x128xf32, #tpu.memory_space<hbm>>) target(%dma_start3A_162 : memref<128x128xf32, #tpu.memory_space<vmem>>) offsets(%dma_start3A_165 : memref<128xi32, #tpu.memory_space<vmem>>) semaphore(%arg12 : memref<!tpu.dma_semaphore, #tpu.memory_space<semaphore_mem>>)
      } else {
      }
      %dma_wait3A_114 = arith.constant 1 : i32
      %dma_wait3A_115 = arith.constant 0 : i32
      %dma_wait3A_116 = arith.constant 1 : i32
      %dma_wait3A_117 = arith.constant 0 : i32
      %dma_wait3A_118 = arith.constant 0 : i32
      %dma_wait3A_119 = tpu.memref_slice %arg7[%dma_wait3A_116, %dma_wait3A_117, %dma_wait3A_118] : memref<2x128x128xf32, #tpu.memory_space<vmem>> -> memref<1x128x128xf32, #tpu.memory_space<vmem>>
      %dma_wait3A_120 = tpu.memref_squeeze %dma_wait3A_119 : memref<1x128x128xf32, #tpu.memory_space<vmem>> -> memref<128x128xf32, #tpu.memory_space<vmem>>
      %dma_wait3A_121 = arith.constant 0 : i32
      %dma_wait3A_122 = tpu.memref_slice %arg6[%dma_wait3A_114, %dma_wait3A_115, %dma_wait3A_121] : memref<2x2x128xi32, #tpu.memory_space<vmem>> -> memref<1x1x128xi32, #tpu.memory_space<vmem>>
      %dma_wait3A_123 = tpu.memref_squeeze %dma_wait3A_122 : memref<1x1x128xi32, #tpu.memory_space<vmem>> -> memref<128xi32, #tpu.memory_space<vmem>>
      %dma_wait3A_124 = arith.constant 0 : i32
      %dma_wait3A_125 = arith.constant 0 : i32
      %dma_wait3A_126 = tpu.memref_slice %arg2[%dma_wait3A_124, %dma_wait3A_125] : memref<10000x128xf32, #tpu.memory_space<hbm>> -> memref<10000x128xf32, #tpu.memory_space<hbm>>
      tpu.wait_indirect_dma semaphore(%arg13 : memref<!tpu.dma_semaphore, #tpu.memory_space<semaphore_mem>>) src(%dma_wait3A_126 : memref<10000x128xf32, #tpu.memory_space<hbm>>) dst(%dma_wait3A_120 : memref<128x128xf32, #tpu.memory_space<vmem>>)
      %run_scoped3A_127 = arith.constant 1 : i32
      %run_scoped3A_128 = arith.constant 1 : i32
      %run_scoped3A_129 = arith.constant 1 : i32
      "tpu.region"() ({
        %run_scoped3A_136 = tpu.sem_alloc : memref<!tpu.dma_semaphore, #tpu.memory_space<semaphore_mem>>
        %dma_start3A_137 = arith.constant 0 : i32
        %dma_start3A_138 = arith.constant 0 : i32
        %dma_start3A_139 = tpu.memref_slice %arg7[%run_scoped3A_127, %dma_start3A_137, %dma_start3A_138] : memref<2x128x128xf32, #tpu.memory_space<vmem>> -> memref<1x128x128xf32, #tpu.memory_space<vmem>>
        %dma_start3A_140 = tpu.memref_squeeze %dma_start3A_139 : memref<1x128x128xf32, #tpu.memory_space<vmem>> -> memref<128x128xf32, #tpu.memory_space<vmem>>
        %dma_start3A_141 = arith.constant 0 : i32
        %dma_start3A_142 = tpu.memref_slice %arg6[%run_scoped3A_128, %run_scoped3A_129, %dma_start3A_141] : memref<2x2x128xi32, #tpu.memory_space<vmem>> -> memref<1x1x128xi32, #tpu.memory_space<vmem>>
        %dma_start3A_143 = tpu.memref_squeeze %dma_start3A_142 : memref<1x1x128xi32, #tpu.memory_space<vmem>> -> memref<128xi32, #tpu.memory_space<vmem>>
        %dma_start3A_144 = arith.constant 0 : i32
        %dma_start3A_145 = arith.constant 0 : i32
        %dma_start3A_146 = tpu.memref_slice %arg9[%dma_start3A_144, %dma_start3A_145] : memref<10112x128xf32, #tpu.memory_space<vmem_shared>> -> memref<10112x128xf32, #tpu.memory_space<vmem_shared>>
        tpu.enqueue_indirect_dma source(%dma_start3A_140 : memref<128x128xf32, #tpu.memory_space<vmem>>) target(%dma_start3A_146 : memref<10112x128xf32, #tpu.memory_space<vmem_shared>>) offsets(%dma_start3A_143 : memref<128xi32, #tpu.memory_space<vmem>>) semaphore(%run_scoped3A_136 : memref<!tpu.dma_semaphore, #tpu.memory_space<semaphore_mem>>) {add = true}
        %dma_wait3A_147 = arith.constant 0 : i32
        %dma_wait3A_148 = arith.constant 0 : i32
        %dma_wait3A_149 = tpu.memref_slice %arg7[%run_scoped3A_127, %dma_wait3A_147, %dma_wait3A_148] : memref<2x128x128xf32, #tpu.memory_space<vmem>> -> memref<1x128x128xf32, #tpu.memory_space<vmem>>
        %dma_wait3A_150 = tpu.memref_squeeze %dma_wait3A_149 : memref<1x128x128xf32, #tpu.memory_space<vmem>> -> memref<128x128xf32, #tpu.memory_space<vmem>>
        %dma_wait3A_151 = arith.constant 0 : i32
        %dma_wait3A_152 = tpu.memref_slice %arg6[%run_scoped3A_128, %run_scoped3A_129, %dma_wait3A_151] : memref<2x2x128xi32, #tpu.memory_space<vmem>> -> memref<1x1x128xi32, #tpu.memory_space<vmem>>
        %dma_wait3A_153 = tpu.memref_squeeze %dma_wait3A_152 : memref<1x1x128xi32, #tpu.memory_space<vmem>> -> memref<128xi32, #tpu.memory_space<vmem>>
        %dma_wait3A_154 = arith.constant 0 : i32
        %dma_wait3A_155 = arith.constant 0 : i32
        %dma_wait3A_156 = tpu.memref_slice %arg9[%dma_wait3A_154, %dma_wait3A_155] : memref<10112x128xf32, #tpu.memory_space<vmem_shared>> -> memref<10112x128xf32, #tpu.memory_space<vmem_shared>>
        tpu.wait_indirect_dma semaphore(%run_scoped3A_136 : memref<!tpu.dma_semaphore, #tpu.memory_space<semaphore_mem>>) src(%dma_wait3A_150 : memref<128x128xf32, #tpu.memory_space<vmem>>) dst(%dma_wait3A_156 : memref<10112x128xf32, #tpu.memory_space<vmem_shared>>)
        tpu.yield
      }) : () -> ()
      %add3A_130 = arith.constant 2 : i32
      %add3A_131 = arith.addi %add3A_107, %add3A_130 : i32
      %lt3A_132 = arith.cmpi slt, %add3A_131, %select_n3A_8 : i32
      %convert_element_type3A_133 = arith.extui %lt3A_132 : i1 to i32
      %cond3A_134 = arith.constant 0 : i32
      %cond3A_135 = arith.cmpi ne, %convert_element_type3A_133, %cond3A_134 : i32
      scf.if %cond3A_135 {
        %add3A_136 = arith.addi %select_n3A, %add3A_107 : i32
        %add3A_137 = arith.constant 2 : i32
        %add3A_138 = arith.addi %add3A_136, %add3A_137 : i32
        %dma_start3A_139 = arith.constant 1 : i32
        %dma_start3A_140 = arith.constant 0 : i32
        %dma_start3A_141 = arith.constant 0 : i32
        %dma_start3A_142 = tpu.memref_slice %arg6[%dma_start3A_139, %dma_start3A_140, %dma_start3A_141] : memref<2x2x128xi32, #tpu.memory_space<vmem>> -> memref<1x2x128xi32, #tpu.memory_space<vmem>>
        %dma_start3A_143 = tpu.memref_squeeze %dma_start3A_142 : memref<1x2x128xi32, #tpu.memory_space<vmem>> -> memref<2x128xi32, #tpu.memory_space<vmem>>
        %dma_start3A_144 = arith.constant 0 : i32
        %dma_start3A_145 = arith.constant 0 : i32
        %dma_start3A_146 = tpu.memref_slice %arg3[%add3A_138, %dma_start3A_144, %dma_start3A_145] : memref<2560x2x128xi32, #tpu.memory_space<hbm>> -> memref<1x2x128xi32, #tpu.memory_space<hbm>>
        %dma_start3A_147 = tpu.memref_squeeze %dma_start3A_146 : memref<1x2x128xi32, #tpu.memory_space<hbm>> -> memref<2x128xi32, #tpu.memory_space<hbm>>
        %dma_start3A_148 = arith.constant 0 : i32
        %dma_start3A_149 = arith.constant 0 : i32
        %dma_start3A_150 = tpu.memref_slice %arg6[%dma_start3A_139, %dma_start3A_148, %dma_start3A_149] : memref<2x2x128xi32, #tpu.memory_space<vmem>> -> memref<1x2x128xi32, #tpu.memory_space<vmem>>
        %dma_start3A_151 = tpu.memref_squeeze %dma_start3A_150 : memref<1x2x128xi32, #tpu.memory_space<vmem>> -> memref<2x128xi32, #tpu.memory_space<vmem>>
        %dma_start3A_152 = arith.constant 0 : i32
        %dma_start3A_153 = arith.constant 0 : i32
        %dma_start3A_154 = tpu.memref_slice %arg3[%add3A_138, %dma_start3A_152, %dma_start3A_153] : memref<2560x2x128xi32, #tpu.memory_space<hbm>> -> memref<1x2x128xi32, #tpu.memory_space<hbm>>
        %dma_start3A_155 = tpu.memref_squeeze %dma_start3A_154 : memref<1x2x128xi32, #tpu.memory_space<hbm>> -> memref<2x128xi32, #tpu.memory_space<hbm>>
        tpu.enqueue_dma source(%dma_start3A_155 : memref<2x128xi32, #tpu.memory_space<hbm>>) target(%dma_start3A_151 : memref<2x128xi32, #tpu.memory_space<vmem>>) target_semaphore(%arg11 : memref<!tpu.dma_semaphore, #tpu.memory_space<semaphore_mem>>)
      } else {
      }
    }
    %while3A_73 = arith.constant 1 : i32
    scf.for %while3A_75 = %while3A_71 to %while3A_67 step %while3A_73  : i32 {
      %mul3A_76 = arith.constant 2 : i32
      %mul3A_77 = arith.muli %while3A_75, %mul3A_76 : i32
      %add3A_78 = arith.constant 0 : i32
      %add3A_79 = arith.addi %mul3A_77, %add3A_78 : i32
      %add3A_80 = arith.constant 1 : i32
      %add3A_81 = arith.addi %add3A_79, %add3A_80 : i32
      %lt3A = arith.cmpi slt, %add3A_81, %select_n3A_8 : i32
      %convert_element_type3A = arith.extui %lt3A : i1 to i32
      %cond3A = arith.constant 0 : i32
      %cond3A_82 = arith.cmpi ne, %convert_element_type3A, %cond3A : i32
      scf.if %cond3A_82 {
        %add3A_136 = arith.addi %select_n3A, %add3A_79 : i32
        %add3A_137 = arith.constant 1 : i32
        %add3A_138 = arith.addi %add3A_136, %add3A_137 : i32
        %dma_wait3A_139 = arith.constant 1 : i32
        %dma_wait3A_140 = arith.constant 0 : i32
        %dma_wait3A_141 = arith.constant 0 : i32
        %dma_wait3A_142 = tpu.memref_slice %arg6[%dma_wait3A_139, %dma_wait3A_140, %dma_wait3A_141] : memref<2x2x128xi32, #tpu.memory_space<vmem>> -> memref<1x2x128xi32, #tpu.memory_space<vmem>>
        %dma_wait3A_143 = tpu.memref_squeeze %dma_wait3A_142 : memref<1x2x128xi32, #tpu.memory_space<vmem>> -> memref<2x128xi32, #tpu.memory_space<vmem>>
        %dma_wait3A_144 = arith.constant 0 : i32
        %dma_wait3A_145 = arith.constant 0 : i32
        %dma_wait3A_146 = tpu.memref_slice %arg3[%add3A_138, %dma_wait3A_144, %dma_wait3A_145] : memref<2560x2x128xi32, #tpu.memory_space<hbm>> -> memref<1x2x128xi32, #tpu.memory_space<hbm>>
        %dma_wait3A_147 = tpu.memref_squeeze %dma_wait3A_146 : memref<1x2x128xi32, #tpu.memory_space<hbm>> -> memref<2x128xi32, #tpu.memory_space<hbm>>
        %dma_wait3A_148 = arith.constant 0 : i32
        %dma_wait3A_149 = arith.constant 0 : i32
        %dma_wait3A_150 = tpu.memref_slice %arg6[%dma_wait3A_139, %dma_wait3A_148, %dma_wait3A_149] : memref<2x2x128xi32, #tpu.memory_space<vmem>> -> memref<1x2x128xi32, #tpu.memory_space<vmem>>
        %dma_wait3A_151 = tpu.memref_squeeze %dma_wait3A_150 : memref<1x2x128xi32, #tpu.memory_space<vmem>> -> memref<2x128xi32, #tpu.memory_space<vmem>>
        %dma_wait3A_152 = arith.constant 0 : i32
        %dma_wait3A_153 = arith.constant 0 : i32
        %dma_wait3A_154 = tpu.memref_slice %arg3[%add3A_138, %dma_wait3A_152, %dma_wait3A_153] : memref<2560x2x128xi32, #tpu.memory_space<hbm>> -> memref<1x2x128xi32, #tpu.memory_space<hbm>>
        %dma_wait3A_155 = tpu.memref_squeeze %dma_wait3A_154 : memref<1x2x128xi32, #tpu.memory_space<hbm>> -> memref<2x128xi32, #tpu.memory_space<hbm>>
        tpu.wait_dma2 semaphore(%arg11 : memref<!tpu.dma_semaphore, #tpu.memory_space<semaphore_mem>>) src(%dma_wait3A_155 : memref<2x128xi32, #tpu.memory_space<hbm>>) dst(%dma_wait3A_151 : memref<2x128xi32, #tpu.memory_space<vmem>>)
        %dma_start3A_156 = arith.constant 1 : i32
        %dma_start3A_157 = arith.constant 0 : i32
        %dma_start3A_158 = arith.constant 1 : i32
        %dma_start3A_159 = arith.constant 0 : i32
        %dma_start3A_160 = arith.constant 0 : i32
        %dma_start3A_161 = tpu.memref_slice %arg7[%dma_start3A_158, %dma_start3A_159, %dma_start3A_160] : memref<2x128x128xf32, #tpu.memory_space<vmem>> -> memref<1x128x128xf32, #tpu.memory_space<vmem>>
        %dma_start3A_162 = tpu.memref_squeeze %dma_start3A_161 : memref<1x128x128xf32, #tpu.memory_space<vmem>> -> memref<128x128xf32, #tpu.memory_space<vmem>>
        %dma_start3A_163 = arith.constant 0 : i32
        %dma_start3A_164 = tpu.memref_slice %arg6[%dma_start3A_156, %dma_start3A_157, %dma_start3A_163] : memref<2x2x128xi32, #tpu.memory_space<vmem>> -> memref<1x1x128xi32, #tpu.memory_space<vmem>>
        %dma_start3A_165 = tpu.memref_squeeze %dma_start3A_164 : memref<1x1x128xi32, #tpu.memory_space<vmem>> -> memref<128xi32, #tpu.memory_space<vmem>>
        %dma_start3A_166 = arith.constant 0 : i32
        %dma_start3A_167 = arith.constant 0 : i32
        %dma_start3A_168 = tpu.memref_slice %arg2[%dma_start3A_166, %dma_start3A_167] : memref<10000x128xf32, #tpu.memory_space<hbm>> -> memref<10000x128xf32, #tpu.memory_space<hbm>>
        tpu.enqueue_indirect_dma source(%dma_start3A_168 : memref<10000x128xf32, #tpu.memory_space<hbm>>) target(%dma_start3A_162 : memref<128x128xf32, #tpu.memory_space<vmem>>) offsets(%dma_start3A_165 : memref<128xi32, #tpu.memory_space<vmem>>) semaphore(%arg13 : memref<!tpu.dma_semaphore, #tpu.memory_space<semaphore_mem>>)
      } else {
      }
      %dma_wait3A = arith.constant 0 : i32
      %dma_wait3A_83 = arith.constant 0 : i32
      %dma_wait3A_84 = arith.constant 0 : i32
      %dma_wait3A_85 = arith.constant 0 : i32
      %dma_wait3A_86 = arith.constant 0 : i32
      %dma_wait3A_87 = tpu.memref_slice %arg7[%dma_wait3A_84, %dma_wait3A_85, %dma_wait3A_86] : memref<2x128x128xf32, #tpu.memory_space<vmem>> -> memref<1x128x128xf32, #tpu.memory_space<vmem>>
      %dma_wait3A_88 = tpu.memref_squeeze %dma_wait3A_87 : memref<1x128x128xf32, #tpu.memory_space<vmem>> -> memref<128x128xf32, #tpu.memory_space<vmem>>
      %dma_wait3A_89 = arith.constant 0 : i32
      %dma_wait3A_90 = tpu.memref_slice %arg6[%dma_wait3A, %dma_wait3A_83, %dma_wait3A_89] : memref<2x2x128xi32, #tpu.memory_space<vmem>> -> memref<1x1x128xi32, #tpu.memory_space<vmem>>
      %dma_wait3A_91 = tpu.memref_squeeze %dma_wait3A_90 : memref<1x1x128xi32, #tpu.memory_space<vmem>> -> memref<128xi32, #tpu.memory_space<vmem>>
      %dma_wait3A_92 = arith.constant 0 : i32
      %dma_wait3A_93 = arith.constant 0 : i32
      %dma_wait3A_94 = tpu.memref_slice %arg2[%dma_wait3A_92, %dma_wait3A_93] : memref<10000x128xf32, #tpu.memory_space<hbm>> -> memref<10000x128xf32, #tpu.memory_space<hbm>>
      tpu.wait_indirect_dma semaphore(%arg12 : memref<!tpu.dma_semaphore, #tpu.memory_space<semaphore_mem>>) src(%dma_wait3A_94 : memref<10000x128xf32, #tpu.memory_space<hbm>>) dst(%dma_wait3A_88 : memref<128x128xf32, #tpu.memory_space<vmem>>)
      %run_scoped3A_95 = arith.constant 0 : i32
      %run_scoped3A_96 = arith.constant 0 : i32
      %run_scoped3A_97 = arith.constant 1 : i32
      "tpu.region"() ({
        %run_scoped3A_136 = tpu.sem_alloc : memref<!tpu.dma_semaphore, #tpu.memory_space<semaphore_mem>>
        %dma_start3A_137 = arith.constant 0 : i32
        %dma_start3A_138 = arith.constant 0 : i32
        %dma_start3A_139 = tpu.memref_slice %arg7[%run_scoped3A_95, %dma_start3A_137, %dma_start3A_138] : memref<2x128x128xf32, #tpu.memory_space<vmem>> -> memref<1x128x128xf32, #tpu.memory_space<vmem>>
        %dma_start3A_140 = tpu.memref_squeeze %dma_start3A_139 : memref<1x128x128xf32, #tpu.memory_space<vmem>> -> memref<128x128xf32, #tpu.memory_space<vmem>>
        %dma_start3A_141 = arith.constant 0 : i32
        %dma_start3A_142 = tpu.memref_slice %arg6[%run_scoped3A_96, %run_scoped3A_97, %dma_start3A_141] : memref<2x2x128xi32, #tpu.memory_space<vmem>> -> memref<1x1x128xi32, #tpu.memory_space<vmem>>
        %dma_start3A_143 = tpu.memref_squeeze %dma_start3A_142 : memref<1x1x128xi32, #tpu.memory_space<vmem>> -> memref<128xi32, #tpu.memory_space<vmem>>
        %dma_start3A_144 = arith.constant 0 : i32
        %dma_start3A_145 = arith.constant 0 : i32
        %dma_start3A_146 = tpu.memref_slice %arg9[%dma_start3A_144, %dma_start3A_145] : memref<10112x128xf32, #tpu.memory_space<vmem_shared>> -> memref<10112x128xf32, #tpu.memory_space<vmem_shared>>
        tpu.enqueue_indirect_dma source(%dma_start3A_140 : memref<128x128xf32, #tpu.memory_space<vmem>>) target(%dma_start3A_146 : memref<10112x128xf32, #tpu.memory_space<vmem_shared>>) offsets(%dma_start3A_143 : memref<128xi32, #tpu.memory_space<vmem>>) semaphore(%run_scoped3A_136 : memref<!tpu.dma_semaphore, #tpu.memory_space<semaphore_mem>>) {add = true}
        %dma_wait3A_147 = arith.constant 0 : i32
        %dma_wait3A_148 = arith.constant 0 : i32
        %dma_wait3A_149 = tpu.memref_slice %arg7[%run_scoped3A_95, %dma_wait3A_147, %dma_wait3A_148] : memref<2x128x128xf32, #tpu.memory_space<vmem>> -> memref<1x128x128xf32, #tpu.memory_space<vmem>>
        %dma_wait3A_150 = tpu.memref_squeeze %dma_wait3A_149 : memref<1x128x128xf32, #tpu.memory_space<vmem>> -> memref<128x128xf32, #tpu.memory_space<vmem>>
        %dma_wait3A_151 = arith.constant 0 : i32
        %dma_wait3A_152 = tpu.memref_slice %arg6[%run_scoped3A_96, %run_scoped3A_97, %dma_wait3A_151] : memref<2x2x128xi32, #tpu.memory_space<vmem>> -> memref<1x1x128xi32, #tpu.memory_space<vmem>>
        %dma_wait3A_153 = tpu.memref_squeeze %dma_wait3A_152 : memref<1x1x128xi32, #tpu.memory_space<vmem>> -> memref<128xi32, #tpu.memory_space<vmem>>
        %dma_wait3A_154 = arith.constant 0 : i32
        %dma_wait3A_155 = arith.constant 0 : i32
        %dma_wait3A_156 = tpu.memref_slice %arg9[%dma_wait3A_154, %dma_wait3A_155] : memref<10112x128xf32, #tpu.memory_space<vmem_shared>> -> memref<10112x128xf32, #tpu.memory_space<vmem_shared>>
        tpu.wait_indirect_dma semaphore(%run_scoped3A_136 : memref<!tpu.dma_semaphore, #tpu.memory_space<semaphore_mem>>) src(%dma_wait3A_150 : memref<128x128xf32, #tpu.memory_space<vmem>>) dst(%dma_wait3A_156 : memref<10112x128xf32, #tpu.memory_space<vmem_shared>>)
        tpu.yield
      }) : () -> ()
      %add3A_98 = arith.constant 2 : i32
      %add3A_99 = arith.addi %add3A_79, %add3A_98 : i32
      %lt3A_100 = arith.cmpi slt, %add3A_99, %select_n3A_8 : i32
      %convert_element_type3A_101 = arith.extui %lt3A_100 : i1 to i32
      %cond3A_102 = arith.constant 0 : i32
      %cond3A_103 = arith.cmpi ne, %convert_element_type3A_101, %cond3A_102 : i32
      scf.if %cond3A_103 {
        %add3A_136 = arith.addi %select_n3A, %add3A_79 : i32
        %add3A_137 = arith.constant 2 : i32
        %add3A_138 = arith.addi %add3A_136, %add3A_137 : i32
        %dma_start3A_139 = arith.constant 0 : i32
        %dma_start3A_140 = arith.constant 0 : i32
        %dma_start3A_141 = arith.constant 0 : i32
        %dma_start3A_142 = tpu.memref_slice %arg6[%dma_start3A_139, %dma_start3A_140, %dma_start3A_141] : memref<2x2x128xi32, #tpu.memory_space<vmem>> -> memref<1x2x128xi32, #tpu.memory_space<vmem>>
        %dma_start3A_143 = tpu.memref_squeeze %dma_start3A_142 : memref<1x2x128xi32, #tpu.memory_space<vmem>> -> memref<2x128xi32, #tpu.memory_space<vmem>>
        %dma_start3A_144 = arith.constant 0 : i32
        %dma_start3A_145 = arith.constant 0 : i32
        %dma_start3A_146 = tpu.memref_slice %arg3[%add3A_138, %dma_start3A_144, %dma_start3A_145] : memref<2560x2x128xi32, #tpu.memory_space<hbm>> -> memref<1x2x128xi32, #tpu.memory_space<hbm>>
        %dma_start3A_147 = tpu.memref_squeeze %dma_start3A_146 : memref<1x2x128xi32, #tpu.memory_space<hbm>> -> memref<2x128xi32, #tpu.memory_space<hbm>>
        %dma_start3A_148 = arith.constant 0 : i32
        %dma_start3A_149 = arith.constant 0 : i32
        %dma_start3A_150 = tpu.memref_slice %arg6[%dma_start3A_139, %dma_start3A_148, %dma_start3A_149] : memref<2x2x128xi32, #tpu.memory_space<vmem>> -> memref<1x2x128xi32, #tpu.memory_space<vmem>>
        %dma_start3A_151 = tpu.memref_squeeze %dma_start3A_150 : memref<1x2x128xi32, #tpu.memory_space<vmem>> -> memref<2x128xi32, #tpu.memory_space<vmem>>
        %dma_start3A_152 = arith.constant 0 : i32
        %dma_start3A_153 = arith.constant 0 : i32
        %dma_start3A_154 = tpu.memref_slice %arg3[%add3A_138, %dma_start3A_152, %dma_start3A_153] : memref<2560x2x128xi32, #tpu.memory_space<hbm>> -> memref<1x2x128xi32, #tpu.memory_space<hbm>>
        %dma_start3A_155 = tpu.memref_squeeze %dma_start3A_154 : memref<1x2x128xi32, #tpu.memory_space<hbm>> -> memref<2x128xi32, #tpu.memory_space<hbm>>
        tpu.enqueue_dma source(%dma_start3A_155 : memref<2x128xi32, #tpu.memory_space<hbm>>) target(%dma_start3A_151 : memref<2x128xi32, #tpu.memory_space<vmem>>) target_semaphore(%arg10 : memref<!tpu.dma_semaphore, #tpu.memory_space<semaphore_mem>>)
      } else {
      }
      %mul3A_104 = arith.constant 2 : i32
      %mul3A_105 = arith.muli %while3A_75, %mul3A_104 : i32
      %add3A_106 = arith.constant 1 : i32
      %add3A_107 = arith.addi %mul3A_105, %add3A_106 : i32
      %add3A_108 = arith.constant 1 : i32
      %add3A_109 = arith.addi %add3A_107, %add3A_108 : i32
      %lt3A_110 = arith.cmpi slt, %add3A_109, %select_n3A_8 : i32
      %convert_element_type3A_111 = arith.extui %lt3A_110 : i1 to i32
      %cond3A_112 = arith.constant 0 : i32
      %cond3A_113 = arith.cmpi ne, %convert_element_type3A_111, %cond3A_112 : i32
      scf.if %cond3A_113 {
        %add3A_136 = arith.addi %select_n3A, %add3A_107 : i32
        %add3A_137 = arith.constant 1 : i32
        %add3A_138 = arith.addi %add3A_136, %add3A_137 : i32
        %dma_wait3A_139 = arith.constant 0 : i32
        %dma_wait3A_140 = arith.constant 0 : i32
        %dma_wait3A_141 = arith.constant 0 : i32
        %dma_wait3A_142 = tpu.memref_slice %arg6[%dma_wait3A_139, %dma_wait3A_140, %dma_wait3A_141] : memref<2x2x128xi32, #tpu.memory_space<vmem>> -> memref<1x2x128xi32, #tpu.memory_space<vmem>>
        %dma_wait3A_143 = tpu.memref_squeeze %dma_wait3A_142 : memref<1x2x128xi32, #tpu.memory_space<vmem>> -> memref<2x128xi32, #tpu.memory_space<vmem>>
        %dma_wait3A_144 = arith.constant 0 : i32
        %dma_wait3A_145 = arith.constant 0 : i32
        %dma_wait3A_146 = tpu.memref_slice %arg3[%add3A_138, %dma_wait3A_144, %dma_wait3A_145] : memref<2560x2x128xi32, #tpu.memory_space<hbm>> -> memref<1x2x128xi32, #tpu.memory_space<hbm>>
        %dma_wait3A_147 = tpu.memref_squeeze %dma_wait3A_146 : memref<1x2x128xi32, #tpu.memory_space<hbm>> -> memref<2x128xi32, #tpu.memory_space<hbm>>
        %dma_wait3A_148 = arith.constant 0 : i32
        %dma_wait3A_149 = arith.constant 0 : i32
        %dma_wait3A_150 = tpu.memref_slice %arg6[%dma_wait3A_139, %dma_wait3A_148, %dma_wait3A_149] : memref<2x2x128xi32, #tpu.memory_space<vmem>> -> memref<1x2x128xi32, #tpu.memory_space<vmem>>
        %dma_wait3A_151 = tpu.memref_squeeze %dma_wait3A_150 : memref<1x2x128xi32, #tpu.memory_space<vmem>> -> memref<2x128xi32, #tpu.memory_space<vmem>>
        %dma_wait3A_152 = arith.constant 0 : i32
        %dma_wait3A_153 = arith.constant 0 : i32
        %dma_wait3A_154 = tpu.memref_slice %arg3[%add3A_138, %dma_wait3A_152, %dma_wait3A_153] : memref<2560x2x128xi32, #tpu.memory_space<hbm>> -> memref<1x2x128xi32, #tpu.memory_space<hbm>>
        %dma_wait3A_155 = tpu.memref_squeeze %dma_wait3A_154 : memref<1x2x128xi32, #tpu.memory_space<hbm>> -> memref<2x128xi32, #tpu.memory_space<hbm>>
        tpu.wait_dma2 semaphore(%arg10 : memref<!tpu.dma_semaphore, #tpu.memory_space<semaphore_mem>>) src(%dma_wait3A_155 : memref<2x128xi32, #tpu.memory_space<hbm>>) dst(%dma_wait3A_151 : memref<2x128xi32, #tpu.memory_space<vmem>>)
        %dma_start3A_156 = arith.constant 0 : i32
        %dma_start3A_157 = arith.constant 0 : i32
        %dma_start3A_158 = arith.constant 0 : i32
        %dma_start3A_159 = arith.constant 0 : i32
        %dma_start3A_160 = arith.constant 0 : i32
        %dma_start3A_161 = tpu.memref_slice %arg7[%dma_start3A_158, %dma_start3A_159, %dma_start3A_160] : memref<2x128x128xf32, #tpu.memory_space<vmem>> -> memref<1x128x128xf32, #tpu.memory_space<vmem>>
        %dma_start3A_162 = tpu.memref_squeeze %dma_start3A_161 : memref<1x128x128xf32, #tpu.memory_space<vmem>> -> memref<128x128xf32, #tpu.memory_space<vmem>>
        %dma_start3A_163 = arith.constant 0 : i32
        %dma_start3A_164 = tpu.memref_slice %arg6[%dma_start3A_156, %dma_start3A_157, %dma_start3A_163] : memref<2x2x128xi32, #tpu.memory_space<vmem>> -> memref<1x1x128xi32, #tpu.memory_space<vmem>>
        %dma_start3A_165 = tpu.memref_squeeze %dma_start3A_164 : memref<1x1x128xi32, #tpu.memory_space<vmem>> -> memref<128xi32, #tpu.memory_space<vmem>>
        %dma_start3A_166 = arith.constant 0 : i32
        %dma_start3A_167 = arith.constant 0 : i32
        %dma_start3A_168 = tpu.memref_slice %arg2[%dma_start3A_166, %dma_start3A_167] : memref<10000x128xf32, #tpu.memory_space<hbm>> -> memref<10000x128xf32, #tpu.memory_space<hbm>>
        tpu.enqueue_indirect_dma source(%dma_start3A_168 : memref<10000x128xf32, #tpu.memory_space<hbm>>) target(%dma_start3A_162 : memref<128x128xf32, #tpu.memory_space<vmem>>) offsets(%dma_start3A_165 : memref<128xi32, #tpu.memory_space<vmem>>) semaphore(%arg12 : memref<!tpu.dma_semaphore, #tpu.memory_space<semaphore_mem>>)
      } else {
      }
      %dma_wait3A_114 = arith.constant 1 : i32
      %dma_wait3A_115 = arith.constant 0 : i32
      %dma_wait3A_116 = arith.constant 1 : i32
      %dma_wait3A_117 = arith.constant 0 : i32
      %dma_wait3A_118 = arith.constant 0 : i32
      %dma_wait3A_119 = tpu.memref_slice %arg7[%dma_wait3A_116, %dma_wait3A_117, %dma_wait3A_118] : memref<2x128x128xf32, #tpu.memory_space<vmem>> -> memref<1x128x128xf32, #tpu.memory_space<vmem>>
      %dma_wait3A_120 = tpu.memref_squeeze %dma_wait3A_119 : memref<1x128x128xf32, #tpu.memory_space<vmem>> -> memref<128x128xf32, #tpu.memory_space<vmem>>
      %dma_wait3A_121 = arith.constant 0 : i32
      %dma_wait3A_122 = tpu.memref_slice %arg6[%dma_wait3A_114, %dma_wait3A_115, %dma_wait3A_121] : memref<2x2x128xi32, #tpu.memory_space<vmem>> -> memref<1x1x128xi32, #tpu.memory_space<vmem>>
      %dma_wait3A_123 = tpu.memref_squeeze %dma_wait3A_122 : memref<1x1x128xi32, #tpu.memory_space<vmem>> -> memref<128xi32, #tpu.memory_space<vmem>>
      %dma_wait3A_124 = arith.constant 0 : i32
      %dma_wait3A_125 = arith.constant 0 : i32
      %dma_wait3A_126 = tpu.memref_slice %arg2[%dma_wait3A_124, %dma_wait3A_125] : memref<10000x128xf32, #tpu.memory_space<hbm>> -> memref<10000x128xf32, #tpu.memory_space<hbm>>
      tpu.wait_indirect_dma semaphore(%arg13 : memref<!tpu.dma_semaphore, #tpu.memory_space<semaphore_mem>>) src(%dma_wait3A_126 : memref<10000x128xf32, #tpu.memory_space<hbm>>) dst(%dma_wait3A_120 : memref<128x128xf32, #tpu.memory_space<vmem>>)
      %run_scoped3A_127 = arith.constant 1 : i32
      %run_scoped3A_128 = arith.constant 1 : i32
      %run_scoped3A_129 = arith.constant 1 : i32
      "tpu.region"() ({
        %run_scoped3A_136 = tpu.sem_alloc : memref<!tpu.dma_semaphore, #tpu.memory_space<semaphore_mem>>
        %dma_start3A_137 = arith.constant 0 : i32
        %dma_start3A_138 = arith.constant 0 : i32
        %dma_start3A_139 = tpu.memref_slice %arg7[%run_scoped3A_127, %dma_start3A_137, %dma_start3A_138] : memref<2x128x128xf32, #tpu.memory_space<vmem>> -> memref<1x128x128xf32, #tpu.memory_space<vmem>>
        %dma_start3A_140 = tpu.memref_squeeze %dma_start3A_139 : memref<1x128x128xf32, #tpu.memory_space<vmem>> -> memref<128x128xf32, #tpu.memory_space<vmem>>
        %dma_start3A_141 = arith.constant 0 : i32
        %dma_start3A_142 = tpu.memref_slice %arg6[%run_scoped3A_128, %run_scoped3A_129, %dma_start3A_141] : memref<2x2x128xi32, #tpu.memory_space<vmem>> -> memref<1x1x128xi32, #tpu.memory_space<vmem>>
        %dma_start3A_143 = tpu.memref_squeeze %dma_start3A_142 : memref<1x1x128xi32, #tpu.memory_space<vmem>> -> memref<128xi32, #tpu.memory_space<vmem>>
        %dma_start3A_144 = arith.constant 0 : i32
        %dma_start3A_145 = arith.constant 0 : i32
        %dma_start3A_146 = tpu.memref_slice %arg9[%dma_start3A_144, %dma_start3A_145] : memref<10112x128xf32, #tpu.memory_space<vmem_shared>> -> memref<10112x128xf32, #tpu.memory_space<vmem_shared>>
        tpu.enqueue_indirect_dma source(%dma_start3A_140 : memref<128x128xf32, #tpu.memory_space<vmem>>) target(%dma_start3A_146 : memref<10112x128xf32, #tpu.memory_space<vmem_shared>>) offsets(%dma_start3A_143 : memref<128xi32, #tpu.memory_space<vmem>>) semaphore(%run_scoped3A_136 : memref<!tpu.dma_semaphore, #tpu.memory_space<semaphore_mem>>) {add = true}
        %dma_wait3A_147 = arith.constant 0 : i32
        %dma_wait3A_148 = arith.constant 0 : i32
        %dma_wait3A_149 = tpu.memref_slice %arg7[%run_scoped3A_127, %dma_wait3A_147, %dma_wait3A_148] : memref<2x128x128xf32, #tpu.memory_space<vmem>> -> memref<1x128x128xf32, #tpu.memory_space<vmem>>
        %dma_wait3A_150 = tpu.memref_squeeze %dma_wait3A_149 : memref<1x128x128xf32, #tpu.memory_space<vmem>> -> memref<128x128xf32, #tpu.memory_space<vmem>>
        %dma_wait3A_151 = arith.constant 0 : i32
        %dma_wait3A_152 = tpu.memref_slice %arg6[%run_scoped3A_128, %run_scoped3A_129, %dma_wait3A_151] : memref<2x2x128xi32, #tpu.memory_space<vmem>> -> memref<1x1x128xi32, #tpu.memory_space<vmem>>
        %dma_wait3A_153 = tpu.memref_squeeze %dma_wait3A_152 : memref<1x1x128xi32, #tpu.memory_space<vmem>> -> memref<128xi32, #tpu.memory_space<vmem>>
        %dma_wait3A_154 = arith.constant 0 : i32
        %dma_wait3A_155 = arith.constant 0 : i32
        %dma_wait3A_156 = tpu.memref_slice %arg9[%dma_wait3A_154, %dma_wait3A_155] : memref<10112x128xf32, #tpu.memory_space<vmem_shared>> -> memref<10112x128xf32, #tpu.memory_space<vmem_shared>>
        tpu.wait_indirect_dma semaphore(%run_scoped3A_136 : memref<!tpu.dma_semaphore, #tpu.memory_space<semaphore_mem>>) src(%dma_wait3A_150 : memref<128x128xf32, #tpu.memory_space<vmem>>) dst(%dma_wait3A_156 : memref<10112x128xf32, #tpu.memory_space<vmem_shared>>)
        tpu.yield
      }) : () -> ()
      %add3A_130 = arith.constant 2 : i32
      %add3A_131 = arith.addi %add3A_107, %add3A_130 : i32
      %lt3A_132 = arith.cmpi slt, %add3A_131, %select_n3A_8 : i32
      %convert_element_type3A_133 = arith.extui %lt3A_132 : i1 to i32
      %cond3A_134 = arith.constant 0 : i32
      %cond3A_135 = arith.cmpi ne, %convert_element_type3A_133, %cond3A_134 : i32
      scf.if %cond3A_135 {
        %add3A_136 = arith.addi %select_n3A, %add3A_107 : i32
        %add3A_137 = arith.constant 2 : i32
        %add3A_138 = arith.addi %add3A_136, %add3A_137 : i32
        %dma_start3A_139 = arith.constant 1 : i32
        %dma_start3A_140 = arith.constant 0 : i32
        %dma_start3A_141 = arith.constant 0 : i32
        %dma_start3A_142 = tpu.memref_slice %arg6[%dma_start3A_139, %dma_start3A_140, %dma_start3A_141] : memref<2x2x128xi32, #tpu.memory_space<vmem>> -> memref<1x2x128xi32, #tpu.memory_space<vmem>>
        %dma_start3A_143 = tpu.memref_squeeze %dma_start3A_142 : memref<1x2x128xi32, #tpu.memory_space<vmem>> -> memref<2x128xi32, #tpu.memory_space<vmem>>
        %dma_start3A_144 = arith.constant 0 : i32
        %dma_start3A_145 = arith.constant 0 : i32
        %dma_start3A_146 = tpu.memref_slice %arg3[%add3A_138, %dma_start3A_144, %dma_start3A_145] : memref<2560x2x128xi32, #tpu.memory_space<hbm>> -> memref<1x2x128xi32, #tpu.memory_space<hbm>>
        %dma_start3A_147 = tpu.memref_squeeze %dma_start3A_146 : memref<1x2x128xi32, #tpu.memory_space<hbm>> -> memref<2x128xi32, #tpu.memory_space<hbm>>
        %dma_start3A_148 = arith.constant 0 : i32
        %dma_start3A_149 = arith.constant 0 : i32
        %dma_start3A_150 = tpu.memref_slice %arg6[%dma_start3A_139, %dma_start3A_148, %dma_start3A_149] : memref<2x2x128xi32, #tpu.memory_space<vmem>> -> memref<1x2x128xi32, #tpu.memory_space<vmem>>
        %dma_start3A_151 = tpu.memref_squeeze %dma_start3A_150 : memref<1x2x128xi32, #tpu.memory_space<vmem>> -> memref<2x128xi32, #tpu.memory_space<vmem>>
        %dma_start3A_152 = arith.constant 0 : i32
        %dma_start3A_153 = arith.constant 0 : i32
        %dma_start3A_154 = tpu.memref_slice %arg3[%add3A_138, %dma_start3A_152, %dma_start3A_153] : memref<2560x2x128xi32, #tpu.memory_space<hbm>> -> memref<1x2x128xi32, #tpu.memory_space<hbm>>
        %dma_start3A_155 = tpu.memref_squeeze %dma_start3A_154 : memref<1x2x128xi32, #tpu.memory_space<hbm>> -> memref<2x128xi32, #tpu.memory_space<hbm>>
        tpu.enqueue_dma source(%dma_start3A_155 : memref<2x128xi32, #tpu.memory_space<hbm>>) target(%dma_start3A_151 : memref<2x128xi32, #tpu.memory_space<vmem>>) target_semaphore(%arg11 : memref<!tpu.dma_semaphore, #tpu.memory_space<semaphore_mem>>)
      } else {
      }
    }
    %barrier3A_74 = arith.constant 0 : index
    tpu.barrier barrier_id(%barrier3A_74)
    "tpu.region"() ({
      %run_scoped3A_75 = tpu.sem_alloc : memref<!tpu.dma_semaphore, #tpu.memory_space<semaphore_mem>>
      %dma_start3A_76 = arith.constant 0 : i32
      %dma_start3A_77 = tpu.memref_slice %arg5[%arg0, %mul3A_10, %dma_start3A_76] : memref<2x10112x128xf32, #tpu.memory_space<hbm>> -> memref<1x632x128xf32, #tpu.memory_space<hbm>>
      %dma_start3A_78 = tpu.memref_squeeze %dma_start3A_77 : memref<1x632x128xf32, #tpu.memory_space<hbm>> -> memref<632x128xf32, #tpu.memory_space<hbm>>
      %dma_start3A_79 = arith.constant 0 : i32
      %dma_start3A_80 = tpu.memref_slice %arg9[%mul3A_10, %dma_start3A_79] : memref<10112x128xf32, #tpu.memory_space<vmem_shared>> -> memref<632x128xf32, #tpu.memory_space<vmem_shared>>
      tpu.enqueue_dma source(%dma_start3A_80 : memref<632x128xf32, #tpu.memory_space<vmem_shared>>) target(%dma_start3A_78 : memref<632x128xf32, #tpu.memory_space<hbm>>) target_semaphore(%run_scoped3A_75 : memref<!tpu.dma_semaphore, #tpu.memory_space<semaphore_mem>>)
      %dma_wait3A = arith.constant 0 : i32
      %dma_wait3A_81 = tpu.memref_slice %arg5[%arg0, %mul3A_10, %dma_wait3A] : memref<2x10112x128xf32, #tpu.memory_space<hbm>> -> memref<1x632x128xf32, #tpu.memory_space<hbm>>
      %dma_wait3A_82 = tpu.memref_squeeze %dma_wait3A_81 : memref<1x632x128xf32, #tpu.memory_space<hbm>> -> memref<632x128xf32, #tpu.memory_space<hbm>>
      %dma_wait3A_83 = arith.constant 0 : i32
      %dma_wait3A_84 = tpu.memref_slice %arg9[%mul3A_10, %dma_wait3A_83] : memref<10112x128xf32, #tpu.memory_space<vmem_shared>> -> memref<632x128xf32, #tpu.memory_space<vmem_shared>>
      tpu.wait_dma2 semaphore(%run_scoped3A_75 : memref<!tpu.dma_semaphore, #tpu.memory_space<semaphore_mem>>) src(%dma_wait3A_84 : memref<632x128xf32, #tpu.memory_space<vmem_shared>>) dst(%dma_wait3A_82 : memref<632x128xf32, #tpu.memory_space<hbm>>)
      tpu.yield
    }) : () -> ()
    return
  }
}

#map = affine_map<(d0, d1) -> (0, 0)>
#map1 = affine_map<(d0, d1) -> (0, 0, 0)>
module attributes {stable_mosaic.version = 14 : i64} {
  func.func @_sc_edge_pass(%arg0: i32, %arg1: i32, %arg2: memref<10000x128xf32, #tpu.memory_space<hbm>>, %arg3: memref<2560x2x128xi32, #tpu.memory_space<hbm>>, %arg4: memref<8x128xf32, #tpu.memory_space<hbm>>, %arg5: memref<2x10112x128xf32, #tpu.memory_space<hbm>>, %arg6: memref<2x2x128xi32, #tpu.memory_space<vmem>>, %arg7: memref<2x128x128xf32, #tpu.memory_space<vmem>>, %arg8: memref<8x128xf32, #tpu.memory_space<vmem>>, %arg9: memref<10112x128xf32, #tpu.memory_space<vmem_shared>>, %arg10: memref<!tpu.dma_semaphore, #tpu.memory_space<semaphore_mem>>, %arg11: memref<!tpu.dma_semaphore, #tpu.memory_space<semaphore_mem>>, %arg12: memref<!tpu.dma_semaphore, #tpu.memory_space<semaphore_mem>>, %arg13: memref<!tpu.dma_semaphore, #tpu.memory_space<semaphore_mem>>) attributes {dimension_semantics = [#tpu.dimension_semantics<core_parallel>, #tpu.dimension_semantics<subcore_parallel>], iteration_bounds = array<i64: 2, 16>, scalar_prefetch = 0 : i64, scratch_operands = 8 : i64, tpu.core_type = #tpu.core_type<sc_vector_subcore>, window_params = [{transform_indices = #map}, {transform_indices = #map1}, {transform_indices = #map}, {transform_indices = #map1}]} {
    %eq3A = arith.constant 0 : i32
    %eq3A_0 = arith.cmpi eq, %arg0, %eq3A : i32
    %mul3A = arith.constant 80 : i32
    %mul3A_1 = arith.muli %arg1, %mul3A : i32
    %mul3A_2 = arith.constant 80 : i32
    %mul3A_3 = arith.muli %arg1, %mul3A_2 : i32
    %add3A = arith.constant 1280 : i32
    %add3A_4 = arith.addi %add3A, %mul3A_3 : i32
    %select_n3A = arith.select %eq3A_0, %mul3A_1, %add3A_4 : i32
    %eq3A_5 = arith.constant 0 : i32
    %eq3A_6 = arith.cmpi eq, %arg0, %eq3A_5 : i32
    %jit3A = arith.constant 80 : i32
    %jit3A_7 = arith.constant 80 : i32
    %select_n3A_8 = arith.select %eq3A_6, %jit3A, %jit3A_7 : i32
    "tpu.region"() ({
      %run_scoped3A_75 = tpu.sem_alloc : memref<!tpu.dma_semaphore, #tpu.memory_space<semaphore_mem>>
      tpu.enqueue_dma source(%arg4 : memref<8x128xf32, #tpu.memory_space<hbm>>) target(%arg8 : memref<8x128xf32, #tpu.memory_space<vmem>>) target_semaphore(%run_scoped3A_75 : memref<!tpu.dma_semaphore, #tpu.memory_space<semaphore_mem>>)
      tpu.wait_dma2 semaphore(%run_scoped3A_75 : memref<!tpu.dma_semaphore, #tpu.memory_space<semaphore_mem>>) src(%arg4 : memref<8x128xf32, #tpu.memory_space<hbm>>) dst(%arg8 : memref<8x128xf32, #tpu.memory_space<vmem>>)
      tpu.yield
    }) : () -> ()
    %mul3A_9 = arith.constant 632 : i32
    %mul3A_10 = arith.muli %arg1, %mul3A_9 : i32
    %scan3A = arith.constant 0 : i32
    %scan3A_11 = arith.constant 0 : i32
    %scan3A_12 = arith.constant 79 : i32
    %scan3A_13 = arith.addi %scan3A_11, %scan3A_12 : i32
    %scan3A_14 = arith.constant 1 : i32
    scf.for %scan3A_75 = %scan3A_11 to %scan3A_13 step %scan3A_14  : i32 {
      %mul3A_76 = arith.constant 8 : i32
      %mul3A_77 = arith.muli %scan3A_75, %mul3A_76 : i32
      %add3A_78 = arith.addi %mul3A_10, %mul3A_77 : i32
      "tpu.region"() ({
        %run_scoped3A_79 = tpu.sem_alloc : memref<!tpu.dma_semaphore, #tpu.memory_space<semaphore_mem>>
        %dma_start3A_80 = arith.constant 0 : i32
        %dma_start3A_81 = tpu.memref_slice %arg9[%add3A_78, %dma_start3A_80] : memref<10112x128xf32, #tpu.memory_space<vmem_shared>> -> memref<8x128xf32, #tpu.memory_space<vmem_shared>>
        %dma_start3A_82 = arith.constant 0 : i32
        %dma_start3A_83 = tpu.memref_slice %arg9[%add3A_78, %dma_start3A_82] : memref<10112x128xf32, #tpu.memory_space<vmem_shared>> -> memref<8x128xf32, #tpu.memory_space<vmem_shared>>
        tpu.enqueue_dma source(%arg8 : memref<8x128xf32, #tpu.memory_space<vmem>>) target(%dma_start3A_83 : memref<8x128xf32, #tpu.memory_space<vmem_shared>>) target_semaphore(%run_scoped3A_79 : memref<!tpu.dma_semaphore, #tpu.memory_space<semaphore_mem>>)
        %dma_wait3A = arith.constant 0 : i32
        %dma_wait3A_84 = tpu.memref_slice %arg9[%add3A_78, %dma_wait3A] : memref<10112x128xf32, #tpu.memory_space<vmem_shared>> -> memref<8x128xf32, #tpu.memory_space<vmem_shared>>
        %dma_wait3A_85 = arith.constant 0 : i32
        %dma_wait3A_86 = tpu.memref_slice %arg9[%add3A_78, %dma_wait3A_85] : memref<10112x128xf32, #tpu.memory_space<vmem_shared>> -> memref<8x128xf32, #tpu.memory_space<vmem_shared>>
        tpu.wait_dma2 semaphore(%run_scoped3A_79 : memref<!tpu.dma_semaphore, #tpu.memory_space<semaphore_mem>>) src(%arg8 : memref<8x128xf32, #tpu.memory_space<vmem>>) dst(%dma_wait3A_86 : memref<8x128xf32, #tpu.memory_space<vmem_shared>>)
        tpu.yield
      }) : () -> ()
    }
    %scan3A_15 = arith.constant 79 : i32
    %barrier3A = arith.constant 0 : index
    tpu.barrier barrier_id(%barrier3A)
    %run_scoped3A = arith.constant 0 : i32
    "tpu.region"() ({
      %run_scoped3A_75 = tpu.sem_alloc : memref<!tpu.dma_semaphore, #tpu.memory_space<semaphore_mem>>
      %dma_start3A_76 = arith.constant 0 : i32
      %dma_start3A_77 = arith.constant 0 : i32
      %dma_start3A_78 = tpu.memref_slice %arg6[%run_scoped3A, %dma_start3A_76, %dma_start3A_77] : memref<2x2x128xi32, #tpu.memory_space<vmem>> -> memref<1x2x128xi32, #tpu.memory_space<vmem>>
      %dma_start3A_79 = tpu.memref_squeeze %dma_start3A_78 : memref<1x2x128xi32, #tpu.memory_space<vmem>> -> memref<2x128xi32, #tpu.memory_space<vmem>>
      %dma_start3A_80 = arith.constant 0 : i32
      %dma_start3A_81 = arith.constant 0 : i32
      %dma_start3A_82 = tpu.memref_slice %arg3[%select_n3A, %dma_start3A_80, %dma_start3A_81] : memref<2560x2x128xi32, #tpu.memory_space<hbm>> -> memref<1x2x128xi32, #tpu.memory_space<hbm>>
      %dma_start3A_83 = tpu.memref_squeeze %dma_start3A_82 : memref<1x2x128xi32, #tpu.memory_space<hbm>> -> memref<2x128xi32, #tpu.memory_space<hbm>>
      %dma_start3A_84 = arith.constant 0 : i32
      %dma_start3A_85 = arith.constant 0 : i32
      %dma_start3A_86 = tpu.memref_slice %arg6[%run_scoped3A, %dma_start3A_84, %dma_start3A_85] : memref<2x2x128xi32, #tpu.memory_space<vmem>> -> memref<1x2x128xi32, #tpu.memory_space<vmem>>
      %dma_start3A_87 = tpu.memref_squeeze %dma_start3A_86 : memref<1x2x128xi32, #tpu.memory_space<vmem>> -> memref<2x128xi32, #tpu.memory_space<vmem>>
      %dma_start3A_88 = arith.constant 0 : i32
      %dma_start3A_89 = arith.constant 0 : i32
      %dma_start3A_90 = tpu.memref_slice %arg3[%select_n3A, %dma_start3A_88, %dma_start3A_89] : memref<2560x2x128xi32, #tpu.memory_space<hbm>> -> memref<1x2x128xi32, #tpu.memory_space<hbm>>
      %dma_start3A_91 = tpu.memref_squeeze %dma_start3A_90 : memref<1x2x128xi32, #tpu.memory_space<hbm>> -> memref<2x128xi32, #tpu.memory_space<hbm>>
      tpu.enqueue_dma source(%dma_start3A_91 : memref<2x128xi32, #tpu.memory_space<hbm>>) target(%dma_start3A_87 : memref<2x128xi32, #tpu.memory_space<vmem>>) target_semaphore(%run_scoped3A_75 : memref<!tpu.dma_semaphore, #tpu.memory_space<semaphore_mem>>)
      %dma_wait3A = arith.constant 0 : i32
      %dma_wait3A_92 = arith.constant 0 : i32
      %dma_wait3A_93 = tpu.memref_slice %arg6[%run_scoped3A, %dma_wait3A, %dma_wait3A_92] : memref<2x2x128xi32, #tpu.memory_space<vmem>> -> memref<1x2x128xi32, #tpu.memory_space<vmem>>
      %dma_wait3A_94 = tpu.memref_squeeze %dma_wait3A_93 : memref<1x2x128xi32, #tpu.memory_space<vmem>> -> memref<2x128xi32, #tpu.memory_space<vmem>>
      %dma_wait3A_95 = arith.constant 0 : i32
      %dma_wait3A_96 = arith.constant 0 : i32
      %dma_wait3A_97 = tpu.memref_slice %arg3[%select_n3A, %dma_wait3A_95, %dma_wait3A_96] : memref<2560x2x128xi32, #tpu.memory_space<hbm>> -> memref<1x2x128xi32, #tpu.memory_space<hbm>>
      %dma_wait3A_98 = tpu.memref_squeeze %dma_wait3A_97 : memref<1x2x128xi32, #tpu.memory_space<hbm>> -> memref<2x128xi32, #tpu.memory_space<hbm>>
      %dma_wait3A_99 = arith.constant 0 : i32
      %dma_wait3A_100 = arith.constant 0 : i32
      %dma_wait3A_101 = tpu.memref_slice %arg6[%run_scoped3A, %dma_wait3A_99, %dma_wait3A_100] : memref<2x2x128xi32, #tpu.memory_space<vmem>> -> memref<1x2x128xi32, #tpu.memory_space<vmem>>
      %dma_wait3A_102 = tpu.memref_squeeze %dma_wait3A_101 : memref<1x2x128xi32, #tpu.memory_space<vmem>> -> memref<2x128xi32, #tpu.memory_space<vmem>>
      %dma_wait3A_103 = arith.constant 0 : i32
      %dma_wait3A_104 = arith.constant 0 : i32
      %dma_wait3A_105 = tpu.memref_slice %arg3[%select_n3A, %dma_wait3A_103, %dma_wait3A_104] : memref<2560x2x128xi32, #tpu.memory_space<hbm>> -> memref<1x2x128xi32, #tpu.memory_space<hbm>>
      %dma_wait3A_106 = tpu.memref_squeeze %dma_wait3A_105 : memref<1x2x128xi32, #tpu.memory_space<hbm>> -> memref<2x128xi32, #tpu.memory_space<hbm>>
      tpu.wait_dma2 semaphore(%run_scoped3A_75 : memref<!tpu.dma_semaphore, #tpu.memory_space<semaphore_mem>>) src(%dma_wait3A_106 : memref<2x128xi32, #tpu.memory_space<hbm>>) dst(%dma_wait3A_102 : memref<2x128xi32, #tpu.memory_space<vmem>>)
      tpu.yield
    }) : () -> ()
    %dma_start3A = arith.constant 0 : i32
    %dma_start3A_16 = arith.constant 0 : i32
    %dma_start3A_17 = arith.constant 0 : i32
    %dma_start3A_18 = arith.constant 0 : i32
    %dma_start3A_19 = arith.constant 0 : i32
    %dma_start3A_20 = tpu.memref_slice %arg7[%dma_start3A_17, %dma_start3A_18, %dma_start3A_19] : memref<2x128x128xf32, #tpu.memory_space<vmem>> -> memref<1x128x128xf32, #tpu.memory_space<vmem>>
    %dma_start3A_21 = tpu.memref_squeeze %dma_start3A_20 : memref<1x128x128xf32, #tpu.memory_space<vmem>> -> memref<128x128xf32, #tpu.memory_space<vmem>>
    %dma_start3A_22 = arith.constant 0 : i32
    %dma_start3A_23 = tpu.memref_slice %arg6[%dma_start3A, %dma_start3A_16, %dma_start3A_22] : memref<2x2x128xi32, #tpu.memory_space<vmem>> -> memref<1x1x128xi32, #tpu.memory_space<vmem>>
    %dma_start3A_24 = tpu.memref_squeeze %dma_start3A_23 : memref<1x1x128xi32, #tpu.memory_space<vmem>> -> memref<128xi32, #tpu.memory_space<vmem>>
    %dma_start3A_25 = arith.constant 0 : i32
    %dma_start3A_26 = arith.constant 0 : i32
    %dma_start3A_27 = tpu.memref_slice %arg2[%dma_start3A_25, %dma_start3A_26] : memref<10000x128xf32, #tpu.memory_space<hbm>> -> memref<10000x128xf32, #tpu.memory_space<hbm>>
    tpu.enqueue_indirect_dma source(%dma_start3A_27 : memref<10000x128xf32, #tpu.memory_space<hbm>>) target(%dma_start3A_21 : memref<128x128xf32, #tpu.memory_space<vmem>>) offsets(%dma_start3A_24 : memref<128xi32, #tpu.memory_space<vmem>>) semaphore(%arg12 : memref<!tpu.dma_semaphore, #tpu.memory_space<semaphore_mem>>)
    %add3A_28 = arith.constant 1 : i32
    %add3A_29 = arith.addi %select_n3A, %add3A_28 : i32
    %dma_start3A_30 = arith.constant 1 : i32
    %dma_start3A_31 = arith.constant 0 : i32
    %dma_start3A_32 = arith.constant 0 : i32
    %dma_start3A_33 = tpu.memref_slice %arg6[%dma_start3A_30, %dma_start3A_31, %dma_start3A_32] : memref<2x2x128xi32, #tpu.memory_space<vmem>> -> memref<1x2x128xi32, #tpu.memory_space<vmem>>
    %dma_start3A_34 = tpu.memref_squeeze %dma_start3A_33 : memref<1x2x128xi32, #tpu.memory_space<vmem>> -> memref<2x128xi32, #tpu.memory_space<vmem>>
    %dma_start3A_35 = arith.constant 0 : i32
    %dma_start3A_36 = arith.constant 0 : i32
    %dma_start3A_37 = tpu.memref_slice %arg3[%add3A_29, %dma_start3A_35, %dma_start3A_36] : memref<2560x2x128xi32, #tpu.memory_space<hbm>> -> memref<1x2x128xi32, #tpu.memory_space<hbm>>
    %dma_start3A_38 = tpu.memref_squeeze %dma_start3A_37 : memref<1x2x128xi32, #tpu.memory_space<hbm>> -> memref<2x128xi32, #tpu.memory_space<hbm>>
    %dma_start3A_39 = arith.constant 0 : i32
    %dma_start3A_40 = arith.constant 0 : i32
    %dma_start3A_41 = tpu.memref_slice %arg6[%dma_start3A_30, %dma_start3A_39, %dma_start3A_40] : memref<2x2x128xi32, #tpu.memory_space<vmem>> -> memref<1x2x128xi32, #tpu.memory_space<vmem>>
    %dma_start3A_42 = tpu.memref_squeeze %dma_start3A_41 : memref<1x2x128xi32, #tpu.memory_space<vmem>> -> memref<2x128xi32, #tpu.memory_space<vmem>>
    %dma_start3A_43 = arith.constant 0 : i32
    %dma_start3A_44 = arith.constant 0 : i32
    %dma_start3A_45 = tpu.memref_slice %arg3[%add3A_29, %dma_start3A_43, %dma_start3A_44] : memref<2560x2x128xi32, #tpu.memory_space<hbm>> -> memref<1x2x128xi32, #tpu.memory_space<hbm>>
    %dma_start3A_46 = tpu.memref_squeeze %dma_start3A_45 : memref<1x2x128xi32, #tpu.memory_space<hbm>> -> memref<2x128xi32, #tpu.memory_space<hbm>>
    tpu.enqueue_dma source(%dma_start3A_46 : memref<2x128xi32, #tpu.memory_space<hbm>>) target(%dma_start3A_42 : memref<2x128xi32, #tpu.memory_space<vmem>>) target_semaphore(%arg11 : memref<!tpu.dma_semaphore, #tpu.memory_space<semaphore_mem>>)
    %jit3A_47 = arith.constant 2 : i32
    %div3A = arith.divsi %select_n3A_8, %jit3A_47 : i32
    %sign3A = arith.constant 0 : i32
    %sign3A_48 = arith.cmpi sgt, %select_n3A_8, %sign3A : i32
    %sign3A_49 = arith.extui %sign3A_48 : i1 to i32
    %sign3A_50 = arith.constant 0 : i32
    %sign3A_51 = arith.cmpi slt, %select_n3A_8, %sign3A_50 : i32
    %sign3A_52 = arith.extui %sign3A_51 : i1 to i32
    %sign3A_53 = arith.subi %sign3A_49, %sign3A_52 : i32
    %sign3A_54 = arith.constant 0 : i32
    %sign3A_55 = arith.cmpi sgt, %jit3A_47, %sign3A_54 : i32
    %sign3A_56 = arith.extui %sign3A_55 : i1 to i32
    %sign3A_57 = arith.constant 0 : i32
    %sign3A_58 = arith.cmpi slt, %jit3A_47, %sign3A_57 : i32
    %sign3A_59 = arith.extui %sign3A_58 : i1 to i32
    %sign3A_60 = arith.subi %sign3A_56, %sign3A_59 : i32
    %ne3A = arith.cmpi ne, %sign3A_53, %sign3A_60 : i32
    %rem3A = arith.remsi %select_n3A_8, %jit3A_47 : i32
    %ne3A_61 = arith.constant 0 : i32
    %ne3A_62 = arith.cmpi ne, %rem3A, %ne3A_61 : i32
    %and3A = arith.andi %ne3A, %ne3A_62 : i1
    %sub3A = arith.constant 1 : i32
    %sub3A_63 = arith.subi %div3A, %sub3A : i32
    %select_n3A_64 = arith.select %and3A, %sub3A_63, %div3A : i32
    %while3A = arith.constant 0 : i32
    %while3A_65 = arith.constant 0 : i32
    %while3A_66 = arith.subi %select_n3A_64, %while3A_65 : i32
    %while3A_67 = arith.addi %while3A_65, %while3A_66 : i32
    %while3A_68 = arith.constant 1 : i32
    %while3A_69 = arith.divsi %while3A_66, %while3A_68 : i32
    %while3A_70 = arith.muli %while3A_69, %while3A_68 : i32
    %while3A_71 = arith.addi %while3A_65, %while3A_70 : i32
    %while3A_72 = arith.constant 1 : i32
    scf.for %while3A_75 = %while3A_65 to %while3A_71 step %while3A_72  : i32 {
      %mul3A_76 = arith.constant 2 : i32
      %mul3A_77 = arith.muli %while3A_75, %mul3A_76 : i32
      %add3A_78 = arith.constant 0 : i32
      %add3A_79 = arith.addi %mul3A_77, %add3A_78 : i32
      %add3A_80 = arith.constant 1 : i32
      %add3A_81 = arith.addi %add3A_79, %add3A_80 : i32
      %lt3A = arith.cmpi slt, %add3A_81, %select_n3A_8 : i32
      %convert_element_type3A = arith.extui %lt3A : i1 to i32
      %cond3A = arith.constant 0 : i32
      %cond3A_82 = arith.cmpi ne, %convert_element_type3A, %cond3A : i32
      scf.if %cond3A_82 {
        %add3A_136 = arith.addi %select_n3A, %add3A_79 : i32
        %add3A_137 = arith.constant 1 : i32
        %add3A_138 = arith.addi %add3A_136, %add3A_137 : i32
        %dma_wait3A_139 = arith.constant 1 : i32
        %dma_wait3A_140 = arith.constant 0 : i32
        %dma_wait3A_141 = arith.constant 0 : i32
        %dma_wait3A_142 = tpu.memref_slice %arg6[%dma_wait3A_139, %dma_wait3A_140, %dma_wait3A_141] : memref<2x2x128xi32, #tpu.memory_space<vmem>> -> memref<1x2x128xi32, #tpu.memory_space<vmem>>
        %dma_wait3A_143 = tpu.memref_squeeze %dma_wait3A_142 : memref<1x2x128xi32, #tpu.memory_space<vmem>> -> memref<2x128xi32, #tpu.memory_space<vmem>>
        %dma_wait3A_144 = arith.constant 0 : i32
        %dma_wait3A_145 = arith.constant 0 : i32
        %dma_wait3A_146 = tpu.memref_slice %arg3[%add3A_138, %dma_wait3A_144, %dma_wait3A_145] : memref<2560x2x128xi32, #tpu.memory_space<hbm>> -> memref<1x2x128xi32, #tpu.memory_space<hbm>>
        %dma_wait3A_147 = tpu.memref_squeeze %dma_wait3A_146 : memref<1x2x128xi32, #tpu.memory_space<hbm>> -> memref<2x128xi32, #tpu.memory_space<hbm>>
        %dma_wait3A_148 = arith.constant 0 : i32
        %dma_wait3A_149 = arith.constant 0 : i32
        %dma_wait3A_150 = tpu.memref_slice %arg6[%dma_wait3A_139, %dma_wait3A_148, %dma_wait3A_149] : memref<2x2x128xi32, #tpu.memory_space<vmem>> -> memref<1x2x128xi32, #tpu.memory_space<vmem>>
        %dma_wait3A_151 = tpu.memref_squeeze %dma_wait3A_150 : memref<1x2x128xi32, #tpu.memory_space<vmem>> -> memref<2x128xi32, #tpu.memory_space<vmem>>
        %dma_wait3A_152 = arith.constant 0 : i32
        %dma_wait3A_153 = arith.constant 0 : i32
        %dma_wait3A_154 = tpu.memref_slice %arg3[%add3A_138, %dma_wait3A_152, %dma_wait3A_153] : memref<2560x2x128xi32, #tpu.memory_space<hbm>> -> memref<1x2x128xi32, #tpu.memory_space<hbm>>
        %dma_wait3A_155 = tpu.memref_squeeze %dma_wait3A_154 : memref<1x2x128xi32, #tpu.memory_space<hbm>> -> memref<2x128xi32, #tpu.memory_space<hbm>>
        tpu.wait_dma2 semaphore(%arg11 : memref<!tpu.dma_semaphore, #tpu.memory_space<semaphore_mem>>) src(%dma_wait3A_155 : memref<2x128xi32, #tpu.memory_space<hbm>>) dst(%dma_wait3A_151 : memref<2x128xi32, #tpu.memory_space<vmem>>)
        %dma_start3A_156 = arith.constant 1 : i32
        %dma_start3A_157 = arith.constant 0 : i32
        %dma_start3A_158 = arith.constant 1 : i32
        %dma_start3A_159 = arith.constant 0 : i32
        %dma_start3A_160 = arith.constant 0 : i32
        %dma_start3A_161 = tpu.memref_slice %arg7[%dma_start3A_158, %dma_start3A_159, %dma_start3A_160] : memref<2x128x128xf32, #tpu.memory_space<vmem>> -> memref<1x128x128xf32, #tpu.memory_space<vmem>>
        %dma_start3A_162 = tpu.memref_squeeze %dma_start3A_161 : memref<1x128x128xf32, #tpu.memory_space<vmem>> -> memref<128x128xf32, #tpu.memory_space<vmem>>
        %dma_start3A_163 = arith.constant 0 : i32
        %dma_start3A_164 = tpu.memref_slice %arg6[%dma_start3A_156, %dma_start3A_157, %dma_start3A_163] : memref<2x2x128xi32, #tpu.memory_space<vmem>> -> memref<1x1x128xi32, #tpu.memory_space<vmem>>
        %dma_start3A_165 = tpu.memref_squeeze %dma_start3A_164 : memref<1x1x128xi32, #tpu.memory_space<vmem>> -> memref<128xi32, #tpu.memory_space<vmem>>
        %dma_start3A_166 = arith.constant 0 : i32
        %dma_start3A_167 = arith.constant 0 : i32
        %dma_start3A_168 = tpu.memref_slice %arg2[%dma_start3A_166, %dma_start3A_167] : memref<10000x128xf32, #tpu.memory_space<hbm>> -> memref<10000x128xf32, #tpu.memory_space<hbm>>
        tpu.enqueue_indirect_dma source(%dma_start3A_168 : memref<10000x128xf32, #tpu.memory_space<hbm>>) target(%dma_start3A_162 : memref<128x128xf32, #tpu.memory_space<vmem>>) offsets(%dma_start3A_165 : memref<128xi32, #tpu.memory_space<vmem>>) semaphore(%arg13 : memref<!tpu.dma_semaphore, #tpu.memory_space<semaphore_mem>>)
      } else {
      }
      %dma_wait3A = arith.constant 0 : i32
      %dma_wait3A_83 = arith.constant 0 : i32
      %dma_wait3A_84 = arith.constant 0 : i32
      %dma_wait3A_85 = arith.constant 0 : i32
      %dma_wait3A_86 = arith.constant 0 : i32
      %dma_wait3A_87 = tpu.memref_slice %arg7[%dma_wait3A_84, %dma_wait3A_85, %dma_wait3A_86] : memref<2x128x128xf32, #tpu.memory_space<vmem>> -> memref<1x128x128xf32, #tpu.memory_space<vmem>>
      %dma_wait3A_88 = tpu.memref_squeeze %dma_wait3A_87 : memref<1x128x128xf32, #tpu.memory_space<vmem>> -> memref<128x128xf32, #tpu.memory_space<vmem>>
      %dma_wait3A_89 = arith.constant 0 : i32
      %dma_wait3A_90 = tpu.memref_slice %arg6[%dma_wait3A, %dma_wait3A_83, %dma_wait3A_89] : memref<2x2x128xi32, #tpu.memory_space<vmem>> -> memref<1x1x128xi32, #tpu.memory_space<vmem>>
      %dma_wait3A_91 = tpu.memref_squeeze %dma_wait3A_90 : memref<1x1x128xi32, #tpu.memory_space<vmem>> -> memref<128xi32, #tpu.memory_space<vmem>>
      %dma_wait3A_92 = arith.constant 0 : i32
      %dma_wait3A_93 = arith.constant 0 : i32
      %dma_wait3A_94 = tpu.memref_slice %arg2[%dma_wait3A_92, %dma_wait3A_93] : memref<10000x128xf32, #tpu.memory_space<hbm>> -> memref<10000x128xf32, #tpu.memory_space<hbm>>
      tpu.wait_indirect_dma semaphore(%arg12 : memref<!tpu.dma_semaphore, #tpu.memory_space<semaphore_mem>>) src(%dma_wait3A_94 : memref<10000x128xf32, #tpu.memory_space<hbm>>) dst(%dma_wait3A_88 : memref<128x128xf32, #tpu.memory_space<vmem>>)
      %run_scoped3A_95 = arith.constant 0 : i32
      %run_scoped3A_96 = arith.constant 0 : i32
      %run_scoped3A_97 = arith.constant 1 : i32
      "tpu.region"() ({
        %run_scoped3A_136 = tpu.sem_alloc : memref<!tpu.dma_semaphore, #tpu.memory_space<semaphore_mem>>
        %dma_start3A_137 = arith.constant 0 : i32
        %dma_start3A_138 = arith.constant 0 : i32
        %dma_start3A_139 = tpu.memref_slice %arg7[%run_scoped3A_95, %dma_start3A_137, %dma_start3A_138] : memref<2x128x128xf32, #tpu.memory_space<vmem>> -> memref<1x128x128xf32, #tpu.memory_space<vmem>>
        %dma_start3A_140 = tpu.memref_squeeze %dma_start3A_139 : memref<1x128x128xf32, #tpu.memory_space<vmem>> -> memref<128x128xf32, #tpu.memory_space<vmem>>
        %dma_start3A_141 = arith.constant 0 : i32
        %dma_start3A_142 = tpu.memref_slice %arg6[%run_scoped3A_96, %run_scoped3A_97, %dma_start3A_141] : memref<2x2x128xi32, #tpu.memory_space<vmem>> -> memref<1x1x128xi32, #tpu.memory_space<vmem>>
        %dma_start3A_143 = tpu.memref_squeeze %dma_start3A_142 : memref<1x1x128xi32, #tpu.memory_space<vmem>> -> memref<128xi32, #tpu.memory_space<vmem>>
        %dma_start3A_144 = arith.constant 0 : i32
        %dma_start3A_145 = arith.constant 0 : i32
        %dma_start3A_146 = tpu.memref_slice %arg9[%dma_start3A_144, %dma_start3A_145] : memref<10112x128xf32, #tpu.memory_space<vmem_shared>> -> memref<10112x128xf32, #tpu.memory_space<vmem_shared>>
        tpu.enqueue_indirect_dma source(%dma_start3A_140 : memref<128x128xf32, #tpu.memory_space<vmem>>) target(%dma_start3A_146 : memref<10112x128xf32, #tpu.memory_space<vmem_shared>>) offsets(%dma_start3A_143 : memref<128xi32, #tpu.memory_space<vmem>>) semaphore(%run_scoped3A_136 : memref<!tpu.dma_semaphore, #tpu.memory_space<semaphore_mem>>) {add = true}
        %dma_wait3A_147 = arith.constant 0 : i32
        %dma_wait3A_148 = arith.constant 0 : i32
        %dma_wait3A_149 = tpu.memref_slice %arg7[%run_scoped3A_95, %dma_wait3A_147, %dma_wait3A_148] : memref<2x128x128xf32, #tpu.memory_space<vmem>> -> memref<1x128x128xf32, #tpu.memory_space<vmem>>
        %dma_wait3A_150 = tpu.memref_squeeze %dma_wait3A_149 : memref<1x128x128xf32, #tpu.memory_space<vmem>> -> memref<128x128xf32, #tpu.memory_space<vmem>>
        %dma_wait3A_151 = arith.constant 0 : i32
        %dma_wait3A_152 = tpu.memref_slice %arg6[%run_scoped3A_96, %run_scoped3A_97, %dma_wait3A_151] : memref<2x2x128xi32, #tpu.memory_space<vmem>> -> memref<1x1x128xi32, #tpu.memory_space<vmem>>
        %dma_wait3A_153 = tpu.memref_squeeze %dma_wait3A_152 : memref<1x1x128xi32, #tpu.memory_space<vmem>> -> memref<128xi32, #tpu.memory_space<vmem>>
        %dma_wait3A_154 = arith.constant 0 : i32
        %dma_wait3A_155 = arith.constant 0 : i32
        %dma_wait3A_156 = tpu.memref_slice %arg9[%dma_wait3A_154, %dma_wait3A_155] : memref<10112x128xf32, #tpu.memory_space<vmem_shared>> -> memref<10112x128xf32, #tpu.memory_space<vmem_shared>>
        tpu.wait_indirect_dma semaphore(%run_scoped3A_136 : memref<!tpu.dma_semaphore, #tpu.memory_space<semaphore_mem>>) src(%dma_wait3A_150 : memref<128x128xf32, #tpu.memory_space<vmem>>) dst(%dma_wait3A_156 : memref<10112x128xf32, #tpu.memory_space<vmem_shared>>)
        tpu.yield
      }) : () -> ()
      %add3A_98 = arith.constant 2 : i32
      %add3A_99 = arith.addi %add3A_79, %add3A_98 : i32
      %lt3A_100 = arith.cmpi slt, %add3A_99, %select_n3A_8 : i32
      %convert_element_type3A_101 = arith.extui %lt3A_100 : i1 to i32
      %cond3A_102 = arith.constant 0 : i32
      %cond3A_103 = arith.cmpi ne, %convert_element_type3A_101, %cond3A_102 : i32
      scf.if %cond3A_103 {
        %add3A_136 = arith.addi %select_n3A, %add3A_79 : i32
        %add3A_137 = arith.constant 2 : i32
        %add3A_138 = arith.addi %add3A_136, %add3A_137 : i32
        %dma_start3A_139 = arith.constant 0 : i32
        %dma_start3A_140 = arith.constant 0 : i32
        %dma_start3A_141 = arith.constant 0 : i32
        %dma_start3A_142 = tpu.memref_slice %arg6[%dma_start3A_139, %dma_start3A_140, %dma_start3A_141] : memref<2x2x128xi32, #tpu.memory_space<vmem>> -> memref<1x2x128xi32, #tpu.memory_space<vmem>>
        %dma_start3A_143 = tpu.memref_squeeze %dma_start3A_142 : memref<1x2x128xi32, #tpu.memory_space<vmem>> -> memref<2x128xi32, #tpu.memory_space<vmem>>
        %dma_start3A_144 = arith.constant 0 : i32
        %dma_start3A_145 = arith.constant 0 : i32
        %dma_start3A_146 = tpu.memref_slice %arg3[%add3A_138, %dma_start3A_144, %dma_start3A_145] : memref<2560x2x128xi32, #tpu.memory_space<hbm>> -> memref<1x2x128xi32, #tpu.memory_space<hbm>>
        %dma_start3A_147 = tpu.memref_squeeze %dma_start3A_146 : memref<1x2x128xi32, #tpu.memory_space<hbm>> -> memref<2x128xi32, #tpu.memory_space<hbm>>
        %dma_start3A_148 = arith.constant 0 : i32
        %dma_start3A_149 = arith.constant 0 : i32
        %dma_start3A_150 = tpu.memref_slice %arg6[%dma_start3A_139, %dma_start3A_148, %dma_start3A_149] : memref<2x2x128xi32, #tpu.memory_space<vmem>> -> memref<1x2x128xi32, #tpu.memory_space<vmem>>
        %dma_start3A_151 = tpu.memref_squeeze %dma_start3A_150 : memref<1x2x128xi32, #tpu.memory_space<vmem>> -> memref<2x128xi32, #tpu.memory_space<vmem>>
        %dma_start3A_152 = arith.constant 0 : i32
        %dma_start3A_153 = arith.constant 0 : i32
        %dma_start3A_154 = tpu.memref_slice %arg3[%add3A_138, %dma_start3A_152, %dma_start3A_153] : memref<2560x2x128xi32, #tpu.memory_space<hbm>> -> memref<1x2x128xi32, #tpu.memory_space<hbm>>
        %dma_start3A_155 = tpu.memref_squeeze %dma_start3A_154 : memref<1x2x128xi32, #tpu.memory_space<hbm>> -> memref<2x128xi32, #tpu.memory_space<hbm>>
        tpu.enqueue_dma source(%dma_start3A_155 : memref<2x128xi32, #tpu.memory_space<hbm>>) target(%dma_start3A_151 : memref<2x128xi32, #tpu.memory_space<vmem>>) target_semaphore(%arg10 : memref<!tpu.dma_semaphore, #tpu.memory_space<semaphore_mem>>)
      } else {
      }
      %mul3A_104 = arith.constant 2 : i32
      %mul3A_105 = arith.muli %while3A_75, %mul3A_104 : i32
      %add3A_106 = arith.constant 1 : i32
      %add3A_107 = arith.addi %mul3A_105, %add3A_106 : i32
      %add3A_108 = arith.constant 1 : i32
      %add3A_109 = arith.addi %add3A_107, %add3A_108 : i32
      %lt3A_110 = arith.cmpi slt, %add3A_109, %select_n3A_8 : i32
      %convert_element_type3A_111 = arith.extui %lt3A_110 : i1 to i32
      %cond3A_112 = arith.constant 0 : i32
      %cond3A_113 = arith.cmpi ne, %convert_element_type3A_111, %cond3A_112 : i32
      scf.if %cond3A_113 {
        %add3A_136 = arith.addi %select_n3A, %add3A_107 : i32
        %add3A_137 = arith.constant 1 : i32
        %add3A_138 = arith.addi %add3A_136, %add3A_137 : i32
        %dma_wait3A_139 = arith.constant 0 : i32
        %dma_wait3A_140 = arith.constant 0 : i32
        %dma_wait3A_141 = arith.constant 0 : i32
        %dma_wait3A_142 = tpu.memref_slice %arg6[%dma_wait3A_139, %dma_wait3A_140, %dma_wait3A_141] : memref<2x2x128xi32, #tpu.memory_space<vmem>> -> memref<1x2x128xi32, #tpu.memory_space<vmem>>
        %dma_wait3A_143 = tpu.memref_squeeze %dma_wait3A_142 : memref<1x2x128xi32, #tpu.memory_space<vmem>> -> memref<2x128xi32, #tpu.memory_space<vmem>>
        %dma_wait3A_144 = arith.constant 0 : i32
        %dma_wait3A_145 = arith.constant 0 : i32
        %dma_wait3A_146 = tpu.memref_slice %arg3[%add3A_138, %dma_wait3A_144, %dma_wait3A_145] : memref<2560x2x128xi32, #tpu.memory_space<hbm>> -> memref<1x2x128xi32, #tpu.memory_space<hbm>>
        %dma_wait3A_147 = tpu.memref_squeeze %dma_wait3A_146 : memref<1x2x128xi32, #tpu.memory_space<hbm>> -> memref<2x128xi32, #tpu.memory_space<hbm>>
        %dma_wait3A_148 = arith.constant 0 : i32
        %dma_wait3A_149 = arith.constant 0 : i32
        %dma_wait3A_150 = tpu.memref_slice %arg6[%dma_wait3A_139, %dma_wait3A_148, %dma_wait3A_149] : memref<2x2x128xi32, #tpu.memory_space<vmem>> -> memref<1x2x128xi32, #tpu.memory_space<vmem>>
        %dma_wait3A_151 = tpu.memref_squeeze %dma_wait3A_150 : memref<1x2x128xi32, #tpu.memory_space<vmem>> -> memref<2x128xi32, #tpu.memory_space<vmem>>
        %dma_wait3A_152 = arith.constant 0 : i32
        %dma_wait3A_153 = arith.constant 0 : i32
        %dma_wait3A_154 = tpu.memref_slice %arg3[%add3A_138, %dma_wait3A_152, %dma_wait3A_153] : memref<2560x2x128xi32, #tpu.memory_space<hbm>> -> memref<1x2x128xi32, #tpu.memory_space<hbm>>
        %dma_wait3A_155 = tpu.memref_squeeze %dma_wait3A_154 : memref<1x2x128xi32, #tpu.memory_space<hbm>> -> memref<2x128xi32, #tpu.memory_space<hbm>>
        tpu.wait_dma2 semaphore(%arg10 : memref<!tpu.dma_semaphore, #tpu.memory_space<semaphore_mem>>) src(%dma_wait3A_155 : memref<2x128xi32, #tpu.memory_space<hbm>>) dst(%dma_wait3A_151 : memref<2x128xi32, #tpu.memory_space<vmem>>)
        %dma_start3A_156 = arith.constant 0 : i32
        %dma_start3A_157 = arith.constant 0 : i32
        %dma_start3A_158 = arith.constant 0 : i32
        %dma_start3A_159 = arith.constant 0 : i32
        %dma_start3A_160 = arith.constant 0 : i32
        %dma_start3A_161 = tpu.memref_slice %arg7[%dma_start3A_158, %dma_start3A_159, %dma_start3A_160] : memref<2x128x128xf32, #tpu.memory_space<vmem>> -> memref<1x128x128xf32, #tpu.memory_space<vmem>>
        %dma_start3A_162 = tpu.memref_squeeze %dma_start3A_161 : memref<1x128x128xf32, #tpu.memory_space<vmem>> -> memref<128x128xf32, #tpu.memory_space<vmem>>
        %dma_start3A_163 = arith.constant 0 : i32
        %dma_start3A_164 = tpu.memref_slice %arg6[%dma_start3A_156, %dma_start3A_157, %dma_start3A_163] : memref<2x2x128xi32, #tpu.memory_space<vmem>> -> memref<1x1x128xi32, #tpu.memory_space<vmem>>
        %dma_start3A_165 = tpu.memref_squeeze %dma_start3A_164 : memref<1x1x128xi32, #tpu.memory_space<vmem>> -> memref<128xi32, #tpu.memory_space<vmem>>
        %dma_start3A_166 = arith.constant 0 : i32
        %dma_start3A_167 = arith.constant 0 : i32
        %dma_start3A_168 = tpu.memref_slice %arg2[%dma_start3A_166, %dma_start3A_167] : memref<10000x128xf32, #tpu.memory_space<hbm>> -> memref<10000x128xf32, #tpu.memory_space<hbm>>
        tpu.enqueue_indirect_dma source(%dma_start3A_168 : memref<10000x128xf32, #tpu.memory_space<hbm>>) target(%dma_start3A_162 : memref<128x128xf32, #tpu.memory_space<vmem>>) offsets(%dma_start3A_165 : memref<128xi32, #tpu.memory_space<vmem>>) semaphore(%arg12 : memref<!tpu.dma_semaphore, #tpu.memory_space<semaphore_mem>>)
      } else {
      }
      %dma_wait3A_114 = arith.constant 1 : i32
      %dma_wait3A_115 = arith.constant 0 : i32
      %dma_wait3A_116 = arith.constant 1 : i32
      %dma_wait3A_117 = arith.constant 0 : i32
      %dma_wait3A_118 = arith.constant 0 : i32
      %dma_wait3A_119 = tpu.memref_slice %arg7[%dma_wait3A_116, %dma_wait3A_117, %dma_wait3A_118] : memref<2x128x128xf32, #tpu.memory_space<vmem>> -> memref<1x128x128xf32, #tpu.memory_space<vmem>>
      %dma_wait3A_120 = tpu.memref_squeeze %dma_wait3A_119 : memref<1x128x128xf32, #tpu.memory_space<vmem>> -> memref<128x128xf32, #tpu.memory_space<vmem>>
      %dma_wait3A_121 = arith.constant 0 : i32
      %dma_wait3A_122 = tpu.memref_slice %arg6[%dma_wait3A_114, %dma_wait3A_115, %dma_wait3A_121] : memref<2x2x128xi32, #tpu.memory_space<vmem>> -> memref<1x1x128xi32, #tpu.memory_space<vmem>>
      %dma_wait3A_123 = tpu.memref_squeeze %dma_wait3A_122 : memref<1x1x128xi32, #tpu.memory_space<vmem>> -> memref<128xi32, #tpu.memory_space<vmem>>
      %dma_wait3A_124 = arith.constant 0 : i32
      %dma_wait3A_125 = arith.constant 0 : i32
      %dma_wait3A_126 = tpu.memref_slice %arg2[%dma_wait3A_124, %dma_wait3A_125] : memref<10000x128xf32, #tpu.memory_space<hbm>> -> memref<10000x128xf32, #tpu.memory_space<hbm>>
      tpu.wait_indirect_dma semaphore(%arg13 : memref<!tpu.dma_semaphore, #tpu.memory_space<semaphore_mem>>) src(%dma_wait3A_126 : memref<10000x128xf32, #tpu.memory_space<hbm>>) dst(%dma_wait3A_120 : memref<128x128xf32, #tpu.memory_space<vmem>>)
      %run_scoped3A_127 = arith.constant 1 : i32
      %run_scoped3A_128 = arith.constant 1 : i32
      %run_scoped3A_129 = arith.constant 1 : i32
      "tpu.region"() ({
        %run_scoped3A_136 = tpu.sem_alloc : memref<!tpu.dma_semaphore, #tpu.memory_space<semaphore_mem>>
        %dma_start3A_137 = arith.constant 0 : i32
        %dma_start3A_138 = arith.constant 0 : i32
        %dma_start3A_139 = tpu.memref_slice %arg7[%run_scoped3A_127, %dma_start3A_137, %dma_start3A_138] : memref<2x128x128xf32, #tpu.memory_space<vmem>> -> memref<1x128x128xf32, #tpu.memory_space<vmem>>
        %dma_start3A_140 = tpu.memref_squeeze %dma_start3A_139 : memref<1x128x128xf32, #tpu.memory_space<vmem>> -> memref<128x128xf32, #tpu.memory_space<vmem>>
        %dma_start3A_141 = arith.constant 0 : i32
        %dma_start3A_142 = tpu.memref_slice %arg6[%run_scoped3A_128, %run_scoped3A_129, %dma_start3A_141] : memref<2x2x128xi32, #tpu.memory_space<vmem>> -> memref<1x1x128xi32, #tpu.memory_space<vmem>>
        %dma_start3A_143 = tpu.memref_squeeze %dma_start3A_142 : memref<1x1x128xi32, #tpu.memory_space<vmem>> -> memref<128xi32, #tpu.memory_space<vmem>>
        %dma_start3A_144 = arith.constant 0 : i32
        %dma_start3A_145 = arith.constant 0 : i32
        %dma_start3A_146 = tpu.memref_slice %arg9[%dma_start3A_144, %dma_start3A_145] : memref<10112x128xf32, #tpu.memory_space<vmem_shared>> -> memref<10112x128xf32, #tpu.memory_space<vmem_shared>>
        tpu.enqueue_indirect_dma source(%dma_start3A_140 : memref<128x128xf32, #tpu.memory_space<vmem>>) target(%dma_start3A_146 : memref<10112x128xf32, #tpu.memory_space<vmem_shared>>) offsets(%dma_start3A_143 : memref<128xi32, #tpu.memory_space<vmem>>) semaphore(%run_scoped3A_136 : memref<!tpu.dma_semaphore, #tpu.memory_space<semaphore_mem>>) {add = true}
        %dma_wait3A_147 = arith.constant 0 : i32
        %dma_wait3A_148 = arith.constant 0 : i32
        %dma_wait3A_149 = tpu.memref_slice %arg7[%run_scoped3A_127, %dma_wait3A_147, %dma_wait3A_148] : memref<2x128x128xf32, #tpu.memory_space<vmem>> -> memref<1x128x128xf32, #tpu.memory_space<vmem>>
        %dma_wait3A_150 = tpu.memref_squeeze %dma_wait3A_149 : memref<1x128x128xf32, #tpu.memory_space<vmem>> -> memref<128x128xf32, #tpu.memory_space<vmem>>
        %dma_wait3A_151 = arith.constant 0 : i32
        %dma_wait3A_152 = tpu.memref_slice %arg6[%run_scoped3A_128, %run_scoped3A_129, %dma_wait3A_151] : memref<2x2x128xi32, #tpu.memory_space<vmem>> -> memref<1x1x128xi32, #tpu.memory_space<vmem>>
        %dma_wait3A_153 = tpu.memref_squeeze %dma_wait3A_152 : memref<1x1x128xi32, #tpu.memory_space<vmem>> -> memref<128xi32, #tpu.memory_space<vmem>>
        %dma_wait3A_154 = arith.constant 0 : i32
        %dma_wait3A_155 = arith.constant 0 : i32
        %dma_wait3A_156 = tpu.memref_slice %arg9[%dma_wait3A_154, %dma_wait3A_155] : memref<10112x128xf32, #tpu.memory_space<vmem_shared>> -> memref<10112x128xf32, #tpu.memory_space<vmem_shared>>
        tpu.wait_indirect_dma semaphore(%run_scoped3A_136 : memref<!tpu.dma_semaphore, #tpu.memory_space<semaphore_mem>>) src(%dma_wait3A_150 : memref<128x128xf32, #tpu.memory_space<vmem>>) dst(%dma_wait3A_156 : memref<10112x128xf32, #tpu.memory_space<vmem_shared>>)
        tpu.yield
      }) : () -> ()
      %add3A_130 = arith.constant 2 : i32
      %add3A_131 = arith.addi %add3A_107, %add3A_130 : i32
      %lt3A_132 = arith.cmpi slt, %add3A_131, %select_n3A_8 : i32
      %convert_element_type3A_133 = arith.extui %lt3A_132 : i1 to i32
      %cond3A_134 = arith.constant 0 : i32
      %cond3A_135 = arith.cmpi ne, %convert_element_type3A_133, %cond3A_134 : i32
      scf.if %cond3A_135 {
        %add3A_136 = arith.addi %select_n3A, %add3A_107 : i32
        %add3A_137 = arith.constant 2 : i32
        %add3A_138 = arith.addi %add3A_136, %add3A_137 : i32
        %dma_start3A_139 = arith.constant 1 : i32
        %dma_start3A_140 = arith.constant 0 : i32
        %dma_start3A_141 = arith.constant 0 : i32
        %dma_start3A_142 = tpu.memref_slice %arg6[%dma_start3A_139, %dma_start3A_140, %dma_start3A_141] : memref<2x2x128xi32, #tpu.memory_space<vmem>> -> memref<1x2x128xi32, #tpu.memory_space<vmem>>
        %dma_start3A_143 = tpu.memref_squeeze %dma_start3A_142 : memref<1x2x128xi32, #tpu.memory_space<vmem>> -> memref<2x128xi32, #tpu.memory_space<vmem>>
        %dma_start3A_144 = arith.constant 0 : i32
        %dma_start3A_145 = arith.constant 0 : i32
        %dma_start3A_146 = tpu.memref_slice %arg3[%add3A_138, %dma_start3A_144, %dma_start3A_145] : memref<2560x2x128xi32, #tpu.memory_space<hbm>> -> memref<1x2x128xi32, #tpu.memory_space<hbm>>
        %dma_start3A_147 = tpu.memref_squeeze %dma_start3A_146 : memref<1x2x128xi32, #tpu.memory_space<hbm>> -> memref<2x128xi32, #tpu.memory_space<hbm>>
        %dma_start3A_148 = arith.constant 0 : i32
        %dma_start3A_149 = arith.constant 0 : i32
        %dma_start3A_150 = tpu.memref_slice %arg6[%dma_start3A_139, %dma_start3A_148, %dma_start3A_149] : memref<2x2x128xi32, #tpu.memory_space<vmem>> -> memref<1x2x128xi32, #tpu.memory_space<vmem>>
        %dma_start3A_151 = tpu.memref_squeeze %dma_start3A_150 : memref<1x2x128xi32, #tpu.memory_space<vmem>> -> memref<2x128xi32, #tpu.memory_space<vmem>>
        %dma_start3A_152 = arith.constant 0 : i32
        %dma_start3A_153 = arith.constant 0 : i32
        %dma_start3A_154 = tpu.memref_slice %arg3[%add3A_138, %dma_start3A_152, %dma_start3A_153] : memref<2560x2x128xi32, #tpu.memory_space<hbm>> -> memref<1x2x128xi32, #tpu.memory_space<hbm>>
        %dma_start3A_155 = tpu.memref_squeeze %dma_start3A_154 : memref<1x2x128xi32, #tpu.memory_space<hbm>> -> memref<2x128xi32, #tpu.memory_space<hbm>>
        tpu.enqueue_dma source(%dma_start3A_155 : memref<2x128xi32, #tpu.memory_space<hbm>>) target(%dma_start3A_151 : memref<2x128xi32, #tpu.memory_space<vmem>>) target_semaphore(%arg11 : memref<!tpu.dma_semaphore, #tpu.memory_space<semaphore_mem>>)
      } else {
      }
    }
    %while3A_73 = arith.constant 1 : i32
    scf.for %while3A_75 = %while3A_71 to %while3A_67 step %while3A_73  : i32 {
      %mul3A_76 = arith.constant 2 : i32
      %mul3A_77 = arith.muli %while3A_75, %mul3A_76 : i32
      %add3A_78 = arith.constant 0 : i32
      %add3A_79 = arith.addi %mul3A_77, %add3A_78 : i32
      %add3A_80 = arith.constant 1 : i32
      %add3A_81 = arith.addi %add3A_79, %add3A_80 : i32
      %lt3A = arith.cmpi slt, %add3A_81, %select_n3A_8 : i32
      %convert_element_type3A = arith.extui %lt3A : i1 to i32
      %cond3A = arith.constant 0 : i32
      %cond3A_82 = arith.cmpi ne, %convert_element_type3A, %cond3A : i32
      scf.if %cond3A_82 {
        %add3A_136 = arith.addi %select_n3A, %add3A_79 : i32
        %add3A_137 = arith.constant 1 : i32
        %add3A_138 = arith.addi %add3A_136, %add3A_137 : i32
        %dma_wait3A_139 = arith.constant 1 : i32
        %dma_wait3A_140 = arith.constant 0 : i32
        %dma_wait3A_141 = arith.constant 0 : i32
        %dma_wait3A_142 = tpu.memref_slice %arg6[%dma_wait3A_139, %dma_wait3A_140, %dma_wait3A_141] : memref<2x2x128xi32, #tpu.memory_space<vmem>> -> memref<1x2x128xi32, #tpu.memory_space<vmem>>
        %dma_wait3A_143 = tpu.memref_squeeze %dma_wait3A_142 : memref<1x2x128xi32, #tpu.memory_space<vmem>> -> memref<2x128xi32, #tpu.memory_space<vmem>>
        %dma_wait3A_144 = arith.constant 0 : i32
        %dma_wait3A_145 = arith.constant 0 : i32
        %dma_wait3A_146 = tpu.memref_slice %arg3[%add3A_138, %dma_wait3A_144, %dma_wait3A_145] : memref<2560x2x128xi32, #tpu.memory_space<hbm>> -> memref<1x2x128xi32, #tpu.memory_space<hbm>>
        %dma_wait3A_147 = tpu.memref_squeeze %dma_wait3A_146 : memref<1x2x128xi32, #tpu.memory_space<hbm>> -> memref<2x128xi32, #tpu.memory_space<hbm>>
        %dma_wait3A_148 = arith.constant 0 : i32
        %dma_wait3A_149 = arith.constant 0 : i32
        %dma_wait3A_150 = tpu.memref_slice %arg6[%dma_wait3A_139, %dma_wait3A_148, %dma_wait3A_149] : memref<2x2x128xi32, #tpu.memory_space<vmem>> -> memref<1x2x128xi32, #tpu.memory_space<vmem>>
        %dma_wait3A_151 = tpu.memref_squeeze %dma_wait3A_150 : memref<1x2x128xi32, #tpu.memory_space<vmem>> -> memref<2x128xi32, #tpu.memory_space<vmem>>
        %dma_wait3A_152 = arith.constant 0 : i32
        %dma_wait3A_153 = arith.constant 0 : i32
        %dma_wait3A_154 = tpu.memref_slice %arg3[%add3A_138, %dma_wait3A_152, %dma_wait3A_153] : memref<2560x2x128xi32, #tpu.memory_space<hbm>> -> memref<1x2x128xi32, #tpu.memory_space<hbm>>
        %dma_wait3A_155 = tpu.memref_squeeze %dma_wait3A_154 : memref<1x2x128xi32, #tpu.memory_space<hbm>> -> memref<2x128xi32, #tpu.memory_space<hbm>>
        tpu.wait_dma2 semaphore(%arg11 : memref<!tpu.dma_semaphore, #tpu.memory_space<semaphore_mem>>) src(%dma_wait3A_155 : memref<2x128xi32, #tpu.memory_space<hbm>>) dst(%dma_wait3A_151 : memref<2x128xi32, #tpu.memory_space<vmem>>)
        %dma_start3A_156 = arith.constant 1 : i32
        %dma_start3A_157 = arith.constant 0 : i32
        %dma_start3A_158 = arith.constant 1 : i32
        %dma_start3A_159 = arith.constant 0 : i32
        %dma_start3A_160 = arith.constant 0 : i32
        %dma_start3A_161 = tpu.memref_slice %arg7[%dma_start3A_158, %dma_start3A_159, %dma_start3A_160] : memref<2x128x128xf32, #tpu.memory_space<vmem>> -> memref<1x128x128xf32, #tpu.memory_space<vmem>>
        %dma_start3A_162 = tpu.memref_squeeze %dma_start3A_161 : memref<1x128x128xf32, #tpu.memory_space<vmem>> -> memref<128x128xf32, #tpu.memory_space<vmem>>
        %dma_start3A_163 = arith.constant 0 : i32
        %dma_start3A_164 = tpu.memref_slice %arg6[%dma_start3A_156, %dma_start3A_157, %dma_start3A_163] : memref<2x2x128xi32, #tpu.memory_space<vmem>> -> memref<1x1x128xi32, #tpu.memory_space<vmem>>
        %dma_start3A_165 = tpu.memref_squeeze %dma_start3A_164 : memref<1x1x128xi32, #tpu.memory_space<vmem>> -> memref<128xi32, #tpu.memory_space<vmem>>
        %dma_start3A_166 = arith.constant 0 : i32
        %dma_start3A_167 = arith.constant 0 : i32
        %dma_start3A_168 = tpu.memref_slice %arg2[%dma_start3A_166, %dma_start3A_167] : memref<10000x128xf32, #tpu.memory_space<hbm>> -> memref<10000x128xf32, #tpu.memory_space<hbm>>
        tpu.enqueue_indirect_dma source(%dma_start3A_168 : memref<10000x128xf32, #tpu.memory_space<hbm>>) target(%dma_start3A_162 : memref<128x128xf32, #tpu.memory_space<vmem>>) offsets(%dma_start3A_165 : memref<128xi32, #tpu.memory_space<vmem>>) semaphore(%arg13 : memref<!tpu.dma_semaphore, #tpu.memory_space<semaphore_mem>>)
      } else {
      }
      %dma_wait3A = arith.constant 0 : i32
      %dma_wait3A_83 = arith.constant 0 : i32
      %dma_wait3A_84 = arith.constant 0 : i32
      %dma_wait3A_85 = arith.constant 0 : i32
      %dma_wait3A_86 = arith.constant 0 : i32
      %dma_wait3A_87 = tpu.memref_slice %arg7[%dma_wait3A_84, %dma_wait3A_85, %dma_wait3A_86] : memref<2x128x128xf32, #tpu.memory_space<vmem>> -> memref<1x128x128xf32, #tpu.memory_space<vmem>>
      %dma_wait3A_88 = tpu.memref_squeeze %dma_wait3A_87 : memref<1x128x128xf32, #tpu.memory_space<vmem>> -> memref<128x128xf32, #tpu.memory_space<vmem>>
      %dma_wait3A_89 = arith.constant 0 : i32
      %dma_wait3A_90 = tpu.memref_slice %arg6[%dma_wait3A, %dma_wait3A_83, %dma_wait3A_89] : memref<2x2x128xi32, #tpu.memory_space<vmem>> -> memref<1x1x128xi32, #tpu.memory_space<vmem>>
      %dma_wait3A_91 = tpu.memref_squeeze %dma_wait3A_90 : memref<1x1x128xi32, #tpu.memory_space<vmem>> -> memref<128xi32, #tpu.memory_space<vmem>>
      %dma_wait3A_92 = arith.constant 0 : i32
      %dma_wait3A_93 = arith.constant 0 : i32
      %dma_wait3A_94 = tpu.memref_slice %arg2[%dma_wait3A_92, %dma_wait3A_93] : memref<10000x128xf32, #tpu.memory_space<hbm>> -> memref<10000x128xf32, #tpu.memory_space<hbm>>
      tpu.wait_indirect_dma semaphore(%arg12 : memref<!tpu.dma_semaphore, #tpu.memory_space<semaphore_mem>>) src(%dma_wait3A_94 : memref<10000x128xf32, #tpu.memory_space<hbm>>) dst(%dma_wait3A_88 : memref<128x128xf32, #tpu.memory_space<vmem>>)
      %run_scoped3A_95 = arith.constant 0 : i32
      %run_scoped3A_96 = arith.constant 0 : i32
      %run_scoped3A_97 = arith.constant 1 : i32
      "tpu.region"() ({
        %run_scoped3A_136 = tpu.sem_alloc : memref<!tpu.dma_semaphore, #tpu.memory_space<semaphore_mem>>
        %dma_start3A_137 = arith.constant 0 : i32
        %dma_start3A_138 = arith.constant 0 : i32
        %dma_start3A_139 = tpu.memref_slice %arg7[%run_scoped3A_95, %dma_start3A_137, %dma_start3A_138] : memref<2x128x128xf32, #tpu.memory_space<vmem>> -> memref<1x128x128xf32, #tpu.memory_space<vmem>>
        %dma_start3A_140 = tpu.memref_squeeze %dma_start3A_139 : memref<1x128x128xf32, #tpu.memory_space<vmem>> -> memref<128x128xf32, #tpu.memory_space<vmem>>
        %dma_start3A_141 = arith.constant 0 : i32
        %dma_start3A_142 = tpu.memref_slice %arg6[%run_scoped3A_96, %run_scoped3A_97, %dma_start3A_141] : memref<2x2x128xi32, #tpu.memory_space<vmem>> -> memref<1x1x128xi32, #tpu.memory_space<vmem>>
        %dma_start3A_143 = tpu.memref_squeeze %dma_start3A_142 : memref<1x1x128xi32, #tpu.memory_space<vmem>> -> memref<128xi32, #tpu.memory_space<vmem>>
        %dma_start3A_144 = arith.constant 0 : i32
        %dma_start3A_145 = arith.constant 0 : i32
        %dma_start3A_146 = tpu.memref_slice %arg9[%dma_start3A_144, %dma_start3A_145] : memref<10112x128xf32, #tpu.memory_space<vmem_shared>> -> memref<10112x128xf32, #tpu.memory_space<vmem_shared>>
        tpu.enqueue_indirect_dma source(%dma_start3A_140 : memref<128x128xf32, #tpu.memory_space<vmem>>) target(%dma_start3A_146 : memref<10112x128xf32, #tpu.memory_space<vmem_shared>>) offsets(%dma_start3A_143 : memref<128xi32, #tpu.memory_space<vmem>>) semaphore(%run_scoped3A_136 : memref<!tpu.dma_semaphore, #tpu.memory_space<semaphore_mem>>) {add = true}
        %dma_wait3A_147 = arith.constant 0 : i32
        %dma_wait3A_148 = arith.constant 0 : i32
        %dma_wait3A_149 = tpu.memref_slice %arg7[%run_scoped3A_95, %dma_wait3A_147, %dma_wait3A_148] : memref<2x128x128xf32, #tpu.memory_space<vmem>> -> memref<1x128x128xf32, #tpu.memory_space<vmem>>
        %dma_wait3A_150 = tpu.memref_squeeze %dma_wait3A_149 : memref<1x128x128xf32, #tpu.memory_space<vmem>> -> memref<128x128xf32, #tpu.memory_space<vmem>>
        %dma_wait3A_151 = arith.constant 0 : i32
        %dma_wait3A_152 = tpu.memref_slice %arg6[%run_scoped3A_96, %run_scoped3A_97, %dma_wait3A_151] : memref<2x2x128xi32, #tpu.memory_space<vmem>> -> memref<1x1x128xi32, #tpu.memory_space<vmem>>
        %dma_wait3A_153 = tpu.memref_squeeze %dma_wait3A_152 : memref<1x1x128xi32, #tpu.memory_space<vmem>> -> memref<128xi32, #tpu.memory_space<vmem>>
        %dma_wait3A_154 = arith.constant 0 : i32
        %dma_wait3A_155 = arith.constant 0 : i32
        %dma_wait3A_156 = tpu.memref_slice %arg9[%dma_wait3A_154, %dma_wait3A_155] : memref<10112x128xf32, #tpu.memory_space<vmem_shared>> -> memref<10112x128xf32, #tpu.memory_space<vmem_shared>>
        tpu.wait_indirect_dma semaphore(%run_scoped3A_136 : memref<!tpu.dma_semaphore, #tpu.memory_space<semaphore_mem>>) src(%dma_wait3A_150 : memref<128x128xf32, #tpu.memory_space<vmem>>) dst(%dma_wait3A_156 : memref<10112x128xf32, #tpu.memory_space<vmem_shared>>)
        tpu.yield
      }) : () -> ()
      %add3A_98 = arith.constant 2 : i32
      %add3A_99 = arith.addi %add3A_79, %add3A_98 : i32
      %lt3A_100 = arith.cmpi slt, %add3A_99, %select_n3A_8 : i32
      %convert_element_type3A_101 = arith.extui %lt3A_100 : i1 to i32
      %cond3A_102 = arith.constant 0 : i32
      %cond3A_103 = arith.cmpi ne, %convert_element_type3A_101, %cond3A_102 : i32
      scf.if %cond3A_103 {
        %add3A_136 = arith.addi %select_n3A, %add3A_79 : i32
        %add3A_137 = arith.constant 2 : i32
        %add3A_138 = arith.addi %add3A_136, %add3A_137 : i32
        %dma_start3A_139 = arith.constant 0 : i32
        %dma_start3A_140 = arith.constant 0 : i32
        %dma_start3A_141 = arith.constant 0 : i32
        %dma_start3A_142 = tpu.memref_slice %arg6[%dma_start3A_139, %dma_start3A_140, %dma_start3A_141] : memref<2x2x128xi32, #tpu.memory_space<vmem>> -> memref<1x2x128xi32, #tpu.memory_space<vmem>>
        %dma_start3A_143 = tpu.memref_squeeze %dma_start3A_142 : memref<1x2x128xi32, #tpu.memory_space<vmem>> -> memref<2x128xi32, #tpu.memory_space<vmem>>
        %dma_start3A_144 = arith.constant 0 : i32
        %dma_start3A_145 = arith.constant 0 : i32
        %dma_start3A_146 = tpu.memref_slice %arg3[%add3A_138, %dma_start3A_144, %dma_start3A_145] : memref<2560x2x128xi32, #tpu.memory_space<hbm>> -> memref<1x2x128xi32, #tpu.memory_space<hbm>>
        %dma_start3A_147 = tpu.memref_squeeze %dma_start3A_146 : memref<1x2x128xi32, #tpu.memory_space<hbm>> -> memref<2x128xi32, #tpu.memory_space<hbm>>
        %dma_start3A_148 = arith.constant 0 : i32
        %dma_start3A_149 = arith.constant 0 : i32
        %dma_start3A_150 = tpu.memref_slice %arg6[%dma_start3A_139, %dma_start3A_148, %dma_start3A_149] : memref<2x2x128xi32, #tpu.memory_space<vmem>> -> memref<1x2x128xi32, #tpu.memory_space<vmem>>
        %dma_start3A_151 = tpu.memref_squeeze %dma_start3A_150 : memref<1x2x128xi32, #tpu.memory_space<vmem>> -> memref<2x128xi32, #tpu.memory_space<vmem>>
        %dma_start3A_152 = arith.constant 0 : i32
        %dma_start3A_153 = arith.constant 0 : i32
        %dma_start3A_154 = tpu.memref_slice %arg3[%add3A_138, %dma_start3A_152, %dma_start3A_153] : memref<2560x2x128xi32, #tpu.memory_space<hbm>> -> memref<1x2x128xi32, #tpu.memory_space<hbm>>
        %dma_start3A_155 = tpu.memref_squeeze %dma_start3A_154 : memref<1x2x128xi32, #tpu.memory_space<hbm>> -> memref<2x128xi32, #tpu.memory_space<hbm>>
        tpu.enqueue_dma source(%dma_start3A_155 : memref<2x128xi32, #tpu.memory_space<hbm>>) target(%dma_start3A_151 : memref<2x128xi32, #tpu.memory_space<vmem>>) target_semaphore(%arg10 : memref<!tpu.dma_semaphore, #tpu.memory_space<semaphore_mem>>)
      } else {
      }
      %mul3A_104 = arith.constant 2 : i32
      %mul3A_105 = arith.muli %while3A_75, %mul3A_104 : i32
      %add3A_106 = arith.constant 1 : i32
      %add3A_107 = arith.addi %mul3A_105, %add3A_106 : i32
      %add3A_108 = arith.constant 1 : i32
      %add3A_109 = arith.addi %add3A_107, %add3A_108 : i32
      %lt3A_110 = arith.cmpi slt, %add3A_109, %select_n3A_8 : i32
      %convert_element_type3A_111 = arith.extui %lt3A_110 : i1 to i32
      %cond3A_112 = arith.constant 0 : i32
      %cond3A_113 = arith.cmpi ne, %convert_element_type3A_111, %cond3A_112 : i32
      scf.if %cond3A_113 {
        %add3A_136 = arith.addi %select_n3A, %add3A_107 : i32
        %add3A_137 = arith.constant 1 : i32
        %add3A_138 = arith.addi %add3A_136, %add3A_137 : i32
        %dma_wait3A_139 = arith.constant 0 : i32
        %dma_wait3A_140 = arith.constant 0 : i32
        %dma_wait3A_141 = arith.constant 0 : i32
        %dma_wait3A_142 = tpu.memref_slice %arg6[%dma_wait3A_139, %dma_wait3A_140, %dma_wait3A_141] : memref<2x2x128xi32, #tpu.memory_space<vmem>> -> memref<1x2x128xi32, #tpu.memory_space<vmem>>
        %dma_wait3A_143 = tpu.memref_squeeze %dma_wait3A_142 : memref<1x2x128xi32, #tpu.memory_space<vmem>> -> memref<2x128xi32, #tpu.memory_space<vmem>>
        %dma_wait3A_144 = arith.constant 0 : i32
        %dma_wait3A_145 = arith.constant 0 : i32
        %dma_wait3A_146 = tpu.memref_slice %arg3[%add3A_138, %dma_wait3A_144, %dma_wait3A_145] : memref<2560x2x128xi32, #tpu.memory_space<hbm>> -> memref<1x2x128xi32, #tpu.memory_space<hbm>>
        %dma_wait3A_147 = tpu.memref_squeeze %dma_wait3A_146 : memref<1x2x128xi32, #tpu.memory_space<hbm>> -> memref<2x128xi32, #tpu.memory_space<hbm>>
        %dma_wait3A_148 = arith.constant 0 : i32
        %dma_wait3A_149 = arith.constant 0 : i32
        %dma_wait3A_150 = tpu.memref_slice %arg6[%dma_wait3A_139, %dma_wait3A_148, %dma_wait3A_149] : memref<2x2x128xi32, #tpu.memory_space<vmem>> -> memref<1x2x128xi32, #tpu.memory_space<vmem>>
        %dma_wait3A_151 = tpu.memref_squeeze %dma_wait3A_150 : memref<1x2x128xi32, #tpu.memory_space<vmem>> -> memref<2x128xi32, #tpu.memory_space<vmem>>
        %dma_wait3A_152 = arith.constant 0 : i32
        %dma_wait3A_153 = arith.constant 0 : i32
        %dma_wait3A_154 = tpu.memref_slice %arg3[%add3A_138, %dma_wait3A_152, %dma_wait3A_153] : memref<2560x2x128xi32, #tpu.memory_space<hbm>> -> memref<1x2x128xi32, #tpu.memory_space<hbm>>
        %dma_wait3A_155 = tpu.memref_squeeze %dma_wait3A_154 : memref<1x2x128xi32, #tpu.memory_space<hbm>> -> memref<2x128xi32, #tpu.memory_space<hbm>>
        tpu.wait_dma2 semaphore(%arg10 : memref<!tpu.dma_semaphore, #tpu.memory_space<semaphore_mem>>) src(%dma_wait3A_155 : memref<2x128xi32, #tpu.memory_space<hbm>>) dst(%dma_wait3A_151 : memref<2x128xi32, #tpu.memory_space<vmem>>)
        %dma_start3A_156 = arith.constant 0 : i32
        %dma_start3A_157 = arith.constant 0 : i32
        %dma_start3A_158 = arith.constant 0 : i32
        %dma_start3A_159 = arith.constant 0 : i32
        %dma_start3A_160 = arith.constant 0 : i32
        %dma_start3A_161 = tpu.memref_slice %arg7[%dma_start3A_158, %dma_start3A_159, %dma_start3A_160] : memref<2x128x128xf32, #tpu.memory_space<vmem>> -> memref<1x128x128xf32, #tpu.memory_space<vmem>>
        %dma_start3A_162 = tpu.memref_squeeze %dma_start3A_161 : memref<1x128x128xf32, #tpu.memory_space<vmem>> -> memref<128x128xf32, #tpu.memory_space<vmem>>
        %dma_start3A_163 = arith.constant 0 : i32
        %dma_start3A_164 = tpu.memref_slice %arg6[%dma_start3A_156, %dma_start3A_157, %dma_start3A_163] : memref<2x2x128xi32, #tpu.memory_space<vmem>> -> memref<1x1x128xi32, #tpu.memory_space<vmem>>
        %dma_start3A_165 = tpu.memref_squeeze %dma_start3A_164 : memref<1x1x128xi32, #tpu.memory_space<vmem>> -> memref<128xi32, #tpu.memory_space<vmem>>
        %dma_start3A_166 = arith.constant 0 : i32
        %dma_start3A_167 = arith.constant 0 : i32
        %dma_start3A_168 = tpu.memref_slice %arg2[%dma_start3A_166, %dma_start3A_167] : memref<10000x128xf32, #tpu.memory_space<hbm>> -> memref<10000x128xf32, #tpu.memory_space<hbm>>
        tpu.enqueue_indirect_dma source(%dma_start3A_168 : memref<10000x128xf32, #tpu.memory_space<hbm>>) target(%dma_start3A_162 : memref<128x128xf32, #tpu.memory_space<vmem>>) offsets(%dma_start3A_165 : memref<128xi32, #tpu.memory_space<vmem>>) semaphore(%arg12 : memref<!tpu.dma_semaphore, #tpu.memory_space<semaphore_mem>>)
      } else {
      }
      %dma_wait3A_114 = arith.constant 1 : i32
      %dma_wait3A_115 = arith.constant 0 : i32
      %dma_wait3A_116 = arith.constant 1 : i32
      %dma_wait3A_117 = arith.constant 0 : i32
      %dma_wait3A_118 = arith.constant 0 : i32
      %dma_wait3A_119 = tpu.memref_slice %arg7[%dma_wait3A_116, %dma_wait3A_117, %dma_wait3A_118] : memref<2x128x128xf32, #tpu.memory_space<vmem>> -> memref<1x128x128xf32, #tpu.memory_space<vmem>>
      %dma_wait3A_120 = tpu.memref_squeeze %dma_wait3A_119 : memref<1x128x128xf32, #tpu.memory_space<vmem>> -> memref<128x128xf32, #tpu.memory_space<vmem>>
      %dma_wait3A_121 = arith.constant 0 : i32
      %dma_wait3A_122 = tpu.memref_slice %arg6[%dma_wait3A_114, %dma_wait3A_115, %dma_wait3A_121] : memref<2x2x128xi32, #tpu.memory_space<vmem>> -> memref<1x1x128xi32, #tpu.memory_space<vmem>>
      %dma_wait3A_123 = tpu.memref_squeeze %dma_wait3A_122 : memref<1x1x128xi32, #tpu.memory_space<vmem>> -> memref<128xi32, #tpu.memory_space<vmem>>
      %dma_wait3A_124 = arith.constant 0 : i32
      %dma_wait3A_125 = arith.constant 0 : i32
      %dma_wait3A_126 = tpu.memref_slice %arg2[%dma_wait3A_124, %dma_wait3A_125] : memref<10000x128xf32, #tpu.memory_space<hbm>> -> memref<10000x128xf32, #tpu.memory_space<hbm>>
      tpu.wait_indirect_dma semaphore(%arg13 : memref<!tpu.dma_semaphore, #tpu.memory_space<semaphore_mem>>) src(%dma_wait3A_126 : memref<10000x128xf32, #tpu.memory_space<hbm>>) dst(%dma_wait3A_120 : memref<128x128xf32, #tpu.memory_space<vmem>>)
      %run_scoped3A_127 = arith.constant 1 : i32
      %run_scoped3A_128 = arith.constant 1 : i32
      %run_scoped3A_129 = arith.constant 1 : i32
      "tpu.region"() ({
        %run_scoped3A_136 = tpu.sem_alloc : memref<!tpu.dma_semaphore, #tpu.memory_space<semaphore_mem>>
        %dma_start3A_137 = arith.constant 0 : i32
        %dma_start3A_138 = arith.constant 0 : i32
        %dma_start3A_139 = tpu.memref_slice %arg7[%run_scoped3A_127, %dma_start3A_137, %dma_start3A_138] : memref<2x128x128xf32, #tpu.memory_space<vmem>> -> memref<1x128x128xf32, #tpu.memory_space<vmem>>
        %dma_start3A_140 = tpu.memref_squeeze %dma_start3A_139 : memref<1x128x128xf32, #tpu.memory_space<vmem>> -> memref<128x128xf32, #tpu.memory_space<vmem>>
        %dma_start3A_141 = arith.constant 0 : i32
        %dma_start3A_142 = tpu.memref_slice %arg6[%run_scoped3A_128, %run_scoped3A_129, %dma_start3A_141] : memref<2x2x128xi32, #tpu.memory_space<vmem>> -> memref<1x1x128xi32, #tpu.memory_space<vmem>>
        %dma_start3A_143 = tpu.memref_squeeze %dma_start3A_142 : memref<1x1x128xi32, #tpu.memory_space<vmem>> -> memref<128xi32, #tpu.memory_space<vmem>>
        %dma_start3A_144 = arith.constant 0 : i32
        %dma_start3A_145 = arith.constant 0 : i32
        %dma_start3A_146 = tpu.memref_slice %arg9[%dma_start3A_144, %dma_start3A_145] : memref<10112x128xf32, #tpu.memory_space<vmem_shared>> -> memref<10112x128xf32, #tpu.memory_space<vmem_shared>>
        tpu.enqueue_indirect_dma source(%dma_start3A_140 : memref<128x128xf32, #tpu.memory_space<vmem>>) target(%dma_start3A_146 : memref<10112x128xf32, #tpu.memory_space<vmem_shared>>) offsets(%dma_start3A_143 : memref<128xi32, #tpu.memory_space<vmem>>) semaphore(%run_scoped3A_136 : memref<!tpu.dma_semaphore, #tpu.memory_space<semaphore_mem>>) {add = true}
        %dma_wait3A_147 = arith.constant 0 : i32
        %dma_wait3A_148 = arith.constant 0 : i32
        %dma_wait3A_149 = tpu.memref_slice %arg7[%run_scoped3A_127, %dma_wait3A_147, %dma_wait3A_148] : memref<2x128x128xf32, #tpu.memory_space<vmem>> -> memref<1x128x128xf32, #tpu.memory_space<vmem>>
        %dma_wait3A_150 = tpu.memref_squeeze %dma_wait3A_149 : memref<1x128x128xf32, #tpu.memory_space<vmem>> -> memref<128x128xf32, #tpu.memory_space<vmem>>
        %dma_wait3A_151 = arith.constant 0 : i32
        %dma_wait3A_152 = tpu.memref_slice %arg6[%run_scoped3A_128, %run_scoped3A_129, %dma_wait3A_151] : memref<2x2x128xi32, #tpu.memory_space<vmem>> -> memref<1x1x128xi32, #tpu.memory_space<vmem>>
        %dma_wait3A_153 = tpu.memref_squeeze %dma_wait3A_152 : memref<1x1x128xi32, #tpu.memory_space<vmem>> -> memref<128xi32, #tpu.memory_space<vmem>>
        %dma_wait3A_154 = arith.constant 0 : i32
        %dma_wait3A_155 = arith.constant 0 : i32
        %dma_wait3A_156 = tpu.memref_slice %arg9[%dma_wait3A_154, %dma_wait3A_155] : memref<10112x128xf32, #tpu.memory_space<vmem_shared>> -> memref<10112x128xf32, #tpu.memory_space<vmem_shared>>
        tpu.wait_indirect_dma semaphore(%run_scoped3A_136 : memref<!tpu.dma_semaphore, #tpu.memory_space<semaphore_mem>>) src(%dma_wait3A_150 : memref<128x128xf32, #tpu.memory_space<vmem>>) dst(%dma_wait3A_156 : memref<10112x128xf32, #tpu.memory_space<vmem_shared>>)
        tpu.yield
      }) : () -> ()
      %add3A_130 = arith.constant 2 : i32
      %add3A_131 = arith.addi %add3A_107, %add3A_130 : i32
      %lt3A_132 = arith.cmpi slt, %add3A_131, %select_n3A_8 : i32
      %convert_element_type3A_133 = arith.extui %lt3A_132 : i1 to i32
      %cond3A_134 = arith.constant 0 : i32
      %cond3A_135 = arith.cmpi ne, %convert_element_type3A_133, %cond3A_134 : i32
      scf.if %cond3A_135 {
        %add3A_136 = arith.addi %select_n3A, %add3A_107 : i32
        %add3A_137 = arith.constant 2 : i32
        %add3A_138 = arith.addi %add3A_136, %add3A_137 : i32
        %dma_start3A_139 = arith.constant 1 : i32
        %dma_start3A_140 = arith.constant 0 : i32
        %dma_start3A_141 = arith.constant 0 : i32
        %dma_start3A_142 = tpu.memref_slice %arg6[%dma_start3A_139, %dma_start3A_140, %dma_start3A_141] : memref<2x2x128xi32, #tpu.memory_space<vmem>> -> memref<1x2x128xi32, #tpu.memory_space<vmem>>
        %dma_start3A_143 = tpu.memref_squeeze %dma_start3A_142 : memref<1x2x128xi32, #tpu.memory_space<vmem>> -> memref<2x128xi32, #tpu.memory_space<vmem>>
        %dma_start3A_144 = arith.constant 0 : i32
        %dma_start3A_145 = arith.constant 0 : i32
        %dma_start3A_146 = tpu.memref_slice %arg3[%add3A_138, %dma_start3A_144, %dma_start3A_145] : memref<2560x2x128xi32, #tpu.memory_space<hbm>> -> memref<1x2x128xi32, #tpu.memory_space<hbm>>
        %dma_start3A_147 = tpu.memref_squeeze %dma_start3A_146 : memref<1x2x128xi32, #tpu.memory_space<hbm>> -> memref<2x128xi32, #tpu.memory_space<hbm>>
        %dma_start3A_148 = arith.constant 0 : i32
        %dma_start3A_149 = arith.constant 0 : i32
        %dma_start3A_150 = tpu.memref_slice %arg6[%dma_start3A_139, %dma_start3A_148, %dma_start3A_149] : memref<2x2x128xi32, #tpu.memory_space<vmem>> -> memref<1x2x128xi32, #tpu.memory_space<vmem>>
        %dma_start3A_151 = tpu.memref_squeeze %dma_start3A_150 : memref<1x2x128xi32, #tpu.memory_space<vmem>> -> memref<2x128xi32, #tpu.memory_space<vmem>>
        %dma_start3A_152 = arith.constant 0 : i32
        %dma_start3A_153 = arith.constant 0 : i32
        %dma_start3A_154 = tpu.memref_slice %arg3[%add3A_138, %dma_start3A_152, %dma_start3A_153] : memref<2560x2x128xi32, #tpu.memory_space<hbm>> -> memref<1x2x128xi32, #tpu.memory_space<hbm>>
        %dma_start3A_155 = tpu.memref_squeeze %dma_start3A_154 : memref<1x2x128xi32, #tpu.memory_space<hbm>> -> memref<2x128xi32, #tpu.memory_space<hbm>>
        tpu.enqueue_dma source(%dma_start3A_155 : memref<2x128xi32, #tpu.memory_space<hbm>>) target(%dma_start3A_151 : memref<2x128xi32, #tpu.memory_space<vmem>>) target_semaphore(%arg11 : memref<!tpu.dma_semaphore, #tpu.memory_space<semaphore_mem>>)
      } else {
      }
    }
    %barrier3A_74 = arith.constant 0 : index
    tpu.barrier barrier_id(%barrier3A_74)
    "tpu.region"() ({
      %run_scoped3A_75 = tpu.sem_alloc : memref<!tpu.dma_semaphore, #tpu.memory_space<semaphore_mem>>
      %dma_start3A_76 = arith.constant 0 : i32
      %dma_start3A_77 = tpu.memref_slice %arg5[%arg0, %mul3A_10, %dma_start3A_76] : memref<2x10112x128xf32, #tpu.memory_space<hbm>> -> memref<1x632x128xf32, #tpu.memory_space<hbm>>
      %dma_start3A_78 = tpu.memref_squeeze %dma_start3A_77 : memref<1x632x128xf32, #tpu.memory_space<hbm>> -> memref<632x128xf32, #tpu.memory_space<hbm>>
      %dma_start3A_79 = arith.constant 0 : i32
      %dma_start3A_80 = tpu.memref_slice %arg9[%mul3A_10, %dma_start3A_79] : memref<10112x128xf32, #tpu.memory_space<vmem_shared>> -> memref<632x128xf32, #tpu.memory_space<vmem_shared>>
      tpu.enqueue_dma source(%dma_start3A_80 : memref<632x128xf32, #tpu.memory_space<vmem_shared>>) target(%dma_start3A_78 : memref<632x128xf32, #tpu.memory_space<hbm>>) target_semaphore(%run_scoped3A_75 : memref<!tpu.dma_semaphore, #tpu.memory_space<semaphore_mem>>)
      %dma_wait3A = arith.constant 0 : i32
      %dma_wait3A_81 = tpu.memref_slice %arg5[%arg0, %mul3A_10, %dma_wait3A] : memref<2x10112x128xf32, #tpu.memory_space<hbm>> -> memref<1x632x128xf32, #tpu.memory_space<hbm>>
      %dma_wait3A_82 = tpu.memref_squeeze %dma_wait3A_81 : memref<1x632x128xf32, #tpu.memory_space<hbm>> -> memref<632x128xf32, #tpu.memory_space<hbm>>
      %dma_wait3A_83 = arith.constant 0 : i32
      %dma_wait3A_84 = tpu.memref_slice %arg9[%mul3A_10, %dma_wait3A_83] : memref<10112x128xf32, #tpu.memory_space<vmem_shared>> -> memref<632x128xf32, #tpu.memory_space<vmem_shared>>
      tpu.wait_dma2 semaphore(%run_scoped3A_75 : memref<!tpu.dma_semaphore, #tpu.memory_space<semaphore_mem>>) src(%dma_wait3A_84 : memref<632x128xf32, #tpu.memory_space<vmem_shared>>) dst(%dma_wait3A_82 : memref<632x128xf32, #tpu.memory_space<hbm>>)
      tpu.yield
    }) : () -> ()
    return
  }
}

#map = affine_map<(d0, d1) -> (0, 0)>
#map1 = affine_map<(d0, d1) -> (0, 0, 0)>
module attributes {stable_mosaic.version = 14 : i64} {
  func.func @_sc_edge_pass(%arg0: i32, %arg1: i32, %arg2: memref<10000x128xf32, #tpu.memory_space<hbm>>, %arg3: memref<2560x2x128xi32, #tpu.memory_space<hbm>>, %arg4: memref<8x128xf32, #tpu.memory_space<hbm>>, %arg5: memref<2x10112x128xf32, #tpu.memory_space<hbm>>, %arg6: memref<2x2x128xi32, #tpu.memory_space<vmem>>, %arg7: memref<2x128x128xf32, #tpu.memory_space<vmem>>, %arg8: memref<8x128xf32, #tpu.memory_space<vmem>>, %arg9: memref<10112x128xf32, #tpu.memory_space<vmem_shared>>, %arg10: memref<!tpu.dma_semaphore, #tpu.memory_space<semaphore_mem>>, %arg11: memref<!tpu.dma_semaphore, #tpu.memory_space<semaphore_mem>>, %arg12: memref<!tpu.dma_semaphore, #tpu.memory_space<semaphore_mem>>, %arg13: memref<!tpu.dma_semaphore, #tpu.memory_space<semaphore_mem>>) attributes {dimension_semantics = [#tpu.dimension_semantics<core_parallel>, #tpu.dimension_semantics<subcore_parallel>], iteration_bounds = array<i64: 2, 16>, scalar_prefetch = 0 : i64, scratch_operands = 8 : i64, tpu.core_type = #tpu.core_type<sc_vector_subcore>, window_params = [{transform_indices = #map}, {transform_indices = #map1}, {transform_indices = #map}, {transform_indices = #map1}]} {
    %eq3A = arith.constant 0 : i32
    %eq3A_0 = arith.cmpi eq, %arg0, %eq3A : i32
    %mul3A = arith.constant 80 : i32
    %mul3A_1 = arith.muli %arg1, %mul3A : i32
    %mul3A_2 = arith.constant 80 : i32
    %mul3A_3 = arith.muli %arg1, %mul3A_2 : i32
    %add3A = arith.constant 1280 : i32
    %add3A_4 = arith.addi %add3A, %mul3A_3 : i32
    %select_n3A = arith.select %eq3A_0, %mul3A_1, %add3A_4 : i32
    %eq3A_5 = arith.constant 0 : i32
    %eq3A_6 = arith.cmpi eq, %arg0, %eq3A_5 : i32
    %jit3A = arith.constant 80 : i32
    %jit3A_7 = arith.constant 80 : i32
    %select_n3A_8 = arith.select %eq3A_6, %jit3A, %jit3A_7 : i32
    "tpu.region"() ({
      %run_scoped3A_75 = tpu.sem_alloc : memref<!tpu.dma_semaphore, #tpu.memory_space<semaphore_mem>>
      tpu.enqueue_dma source(%arg4 : memref<8x128xf32, #tpu.memory_space<hbm>>) target(%arg8 : memref<8x128xf32, #tpu.memory_space<vmem>>) target_semaphore(%run_scoped3A_75 : memref<!tpu.dma_semaphore, #tpu.memory_space<semaphore_mem>>)
      tpu.wait_dma2 semaphore(%run_scoped3A_75 : memref<!tpu.dma_semaphore, #tpu.memory_space<semaphore_mem>>) src(%arg4 : memref<8x128xf32, #tpu.memory_space<hbm>>) dst(%arg8 : memref<8x128xf32, #tpu.memory_space<vmem>>)
      tpu.yield
    }) : () -> ()
    %mul3A_9 = arith.constant 632 : i32
    %mul3A_10 = arith.muli %arg1, %mul3A_9 : i32
    %scan3A = arith.constant 0 : i32
    %scan3A_11 = arith.constant 0 : i32
    %scan3A_12 = arith.constant 79 : i32
    %scan3A_13 = arith.addi %scan3A_11, %scan3A_12 : i32
    %scan3A_14 = arith.constant 1 : i32
    scf.for %scan3A_75 = %scan3A_11 to %scan3A_13 step %scan3A_14  : i32 {
      %mul3A_76 = arith.constant 8 : i32
      %mul3A_77 = arith.muli %scan3A_75, %mul3A_76 : i32
      %add3A_78 = arith.addi %mul3A_10, %mul3A_77 : i32
      "tpu.region"() ({
        %run_scoped3A_79 = tpu.sem_alloc : memref<!tpu.dma_semaphore, #tpu.memory_space<semaphore_mem>>
        %dma_start3A_80 = arith.constant 0 : i32
        %dma_start3A_81 = tpu.memref_slice %arg9[%add3A_78, %dma_start3A_80] : memref<10112x128xf32, #tpu.memory_space<vmem_shared>> -> memref<8x128xf32, #tpu.memory_space<vmem_shared>>
        %dma_start3A_82 = arith.constant 0 : i32
        %dma_start3A_83 = tpu.memref_slice %arg9[%add3A_78, %dma_start3A_82] : memref<10112x128xf32, #tpu.memory_space<vmem_shared>> -> memref<8x128xf32, #tpu.memory_space<vmem_shared>>
        tpu.enqueue_dma source(%arg8 : memref<8x128xf32, #tpu.memory_space<vmem>>) target(%dma_start3A_83 : memref<8x128xf32, #tpu.memory_space<vmem_shared>>) target_semaphore(%run_scoped3A_79 : memref<!tpu.dma_semaphore, #tpu.memory_space<semaphore_mem>>)
        %dma_wait3A = arith.constant 0 : i32
        %dma_wait3A_84 = tpu.memref_slice %arg9[%add3A_78, %dma_wait3A] : memref<10112x128xf32, #tpu.memory_space<vmem_shared>> -> memref<8x128xf32, #tpu.memory_space<vmem_shared>>
        %dma_wait3A_85 = arith.constant 0 : i32
        %dma_wait3A_86 = tpu.memref_slice %arg9[%add3A_78, %dma_wait3A_85] : memref<10112x128xf32, #tpu.memory_space<vmem_shared>> -> memref<8x128xf32, #tpu.memory_space<vmem_shared>>
        tpu.wait_dma2 semaphore(%run_scoped3A_79 : memref<!tpu.dma_semaphore, #tpu.memory_space<semaphore_mem>>) src(%arg8 : memref<8x128xf32, #tpu.memory_space<vmem>>) dst(%dma_wait3A_86 : memref<8x128xf32, #tpu.memory_space<vmem_shared>>)
        tpu.yield
      }) : () -> ()
    }
    %scan3A_15 = arith.constant 79 : i32
    %barrier3A = arith.constant 0 : index
    tpu.barrier barrier_id(%barrier3A)
    %run_scoped3A = arith.constant 0 : i32
    "tpu.region"() ({
      %run_scoped3A_75 = tpu.sem_alloc : memref<!tpu.dma_semaphore, #tpu.memory_space<semaphore_mem>>
      %dma_start3A_76 = arith.constant 0 : i32
      %dma_start3A_77 = arith.constant 0 : i32
      %dma_start3A_78 = tpu.memref_slice %arg6[%run_scoped3A, %dma_start3A_76, %dma_start3A_77] : memref<2x2x128xi32, #tpu.memory_space<vmem>> -> memref<1x2x128xi32, #tpu.memory_space<vmem>>
      %dma_start3A_79 = tpu.memref_squeeze %dma_start3A_78 : memref<1x2x128xi32, #tpu.memory_space<vmem>> -> memref<2x128xi32, #tpu.memory_space<vmem>>
      %dma_start3A_80 = arith.constant 0 : i32
      %dma_start3A_81 = arith.constant 0 : i32
      %dma_start3A_82 = tpu.memref_slice %arg3[%select_n3A, %dma_start3A_80, %dma_start3A_81] : memref<2560x2x128xi32, #tpu.memory_space<hbm>> -> memref<1x2x128xi32, #tpu.memory_space<hbm>>
      %dma_start3A_83 = tpu.memref_squeeze %dma_start3A_82 : memref<1x2x128xi32, #tpu.memory_space<hbm>> -> memref<2x128xi32, #tpu.memory_space<hbm>>
      %dma_start3A_84 = arith.constant 0 : i32
      %dma_start3A_85 = arith.constant 0 : i32
      %dma_start3A_86 = tpu.memref_slice %arg6[%run_scoped3A, %dma_start3A_84, %dma_start3A_85] : memref<2x2x128xi32, #tpu.memory_space<vmem>> -> memref<1x2x128xi32, #tpu.memory_space<vmem>>
      %dma_start3A_87 = tpu.memref_squeeze %dma_start3A_86 : memref<1x2x128xi32, #tpu.memory_space<vmem>> -> memref<2x128xi32, #tpu.memory_space<vmem>>
      %dma_start3A_88 = arith.constant 0 : i32
      %dma_start3A_89 = arith.constant 0 : i32
      %dma_start3A_90 = tpu.memref_slice %arg3[%select_n3A, %dma_start3A_88, %dma_start3A_89] : memref<2560x2x128xi32, #tpu.memory_space<hbm>> -> memref<1x2x128xi32, #tpu.memory_space<hbm>>
      %dma_start3A_91 = tpu.memref_squeeze %dma_start3A_90 : memref<1x2x128xi32, #tpu.memory_space<hbm>> -> memref<2x128xi32, #tpu.memory_space<hbm>>
      tpu.enqueue_dma source(%dma_start3A_91 : memref<2x128xi32, #tpu.memory_space<hbm>>) target(%dma_start3A_87 : memref<2x128xi32, #tpu.memory_space<vmem>>) target_semaphore(%run_scoped3A_75 : memref<!tpu.dma_semaphore, #tpu.memory_space<semaphore_mem>>)
      %dma_wait3A = arith.constant 0 : i32
      %dma_wait3A_92 = arith.constant 0 : i32
      %dma_wait3A_93 = tpu.memref_slice %arg6[%run_scoped3A, %dma_wait3A, %dma_wait3A_92] : memref<2x2x128xi32, #tpu.memory_space<vmem>> -> memref<1x2x128xi32, #tpu.memory_space<vmem>>
      %dma_wait3A_94 = tpu.memref_squeeze %dma_wait3A_93 : memref<1x2x128xi32, #tpu.memory_space<vmem>> -> memref<2x128xi32, #tpu.memory_space<vmem>>
      %dma_wait3A_95 = arith.constant 0 : i32
      %dma_wait3A_96 = arith.constant 0 : i32
      %dma_wait3A_97 = tpu.memref_slice %arg3[%select_n3A, %dma_wait3A_95, %dma_wait3A_96] : memref<2560x2x128xi32, #tpu.memory_space<hbm>> -> memref<1x2x128xi32, #tpu.memory_space<hbm>>
      %dma_wait3A_98 = tpu.memref_squeeze %dma_wait3A_97 : memref<1x2x128xi32, #tpu.memory_space<hbm>> -> memref<2x128xi32, #tpu.memory_space<hbm>>
      %dma_wait3A_99 = arith.constant 0 : i32
      %dma_wait3A_100 = arith.constant 0 : i32
      %dma_wait3A_101 = tpu.memref_slice %arg6[%run_scoped3A, %dma_wait3A_99, %dma_wait3A_100] : memref<2x2x128xi32, #tpu.memory_space<vmem>> -> memref<1x2x128xi32, #tpu.memory_space<vmem>>
      %dma_wait3A_102 = tpu.memref_squeeze %dma_wait3A_101 : memref<1x2x128xi32, #tpu.memory_space<vmem>> -> memref<2x128xi32, #tpu.memory_space<vmem>>
      %dma_wait3A_103 = arith.constant 0 : i32
      %dma_wait3A_104 = arith.constant 0 : i32
      %dma_wait3A_105 = tpu.memref_slice %arg3[%select_n3A, %dma_wait3A_103, %dma_wait3A_104] : memref<2560x2x128xi32, #tpu.memory_space<hbm>> -> memref<1x2x128xi32, #tpu.memory_space<hbm>>
      %dma_wait3A_106 = tpu.memref_squeeze %dma_wait3A_105 : memref<1x2x128xi32, #tpu.memory_space<hbm>> -> memref<2x128xi32, #tpu.memory_space<hbm>>
      tpu.wait_dma2 semaphore(%run_scoped3A_75 : memref<!tpu.dma_semaphore, #tpu.memory_space<semaphore_mem>>) src(%dma_wait3A_106 : memref<2x128xi32, #tpu.memory_space<hbm>>) dst(%dma_wait3A_102 : memref<2x128xi32, #tpu.memory_space<vmem>>)
      tpu.yield
    }) : () -> ()
    %dma_start3A = arith.constant 0 : i32
    %dma_start3A_16 = arith.constant 0 : i32
    %dma_start3A_17 = arith.constant 0 : i32
    %dma_start3A_18 = arith.constant 0 : i32
    %dma_start3A_19 = arith.constant 0 : i32
    %dma_start3A_20 = tpu.memref_slice %arg7[%dma_start3A_17, %dma_start3A_18, %dma_start3A_19] : memref<2x128x128xf32, #tpu.memory_space<vmem>> -> memref<1x128x128xf32, #tpu.memory_space<vmem>>
    %dma_start3A_21 = tpu.memref_squeeze %dma_start3A_20 : memref<1x128x128xf32, #tpu.memory_space<vmem>> -> memref<128x128xf32, #tpu.memory_space<vmem>>
    %dma_start3A_22 = arith.constant 0 : i32
    %dma_start3A_23 = tpu.memref_slice %arg6[%dma_start3A, %dma_start3A_16, %dma_start3A_22] : memref<2x2x128xi32, #tpu.memory_space<vmem>> -> memref<1x1x128xi32, #tpu.memory_space<vmem>>
    %dma_start3A_24 = tpu.memref_squeeze %dma_start3A_23 : memref<1x1x128xi32, #tpu.memory_space<vmem>> -> memref<128xi32, #tpu.memory_space<vmem>>
    %dma_start3A_25 = arith.constant 0 : i32
    %dma_start3A_26 = arith.constant 0 : i32
    %dma_start3A_27 = tpu.memref_slice %arg2[%dma_start3A_25, %dma_start3A_26] : memref<10000x128xf32, #tpu.memory_space<hbm>> -> memref<10000x128xf32, #tpu.memory_space<hbm>>
    tpu.enqueue_indirect_dma source(%dma_start3A_27 : memref<10000x128xf32, #tpu.memory_space<hbm>>) target(%dma_start3A_21 : memref<128x128xf32, #tpu.memory_space<vmem>>) offsets(%dma_start3A_24 : memref<128xi32, #tpu.memory_space<vmem>>) semaphore(%arg12 : memref<!tpu.dma_semaphore, #tpu.memory_space<semaphore_mem>>)
    %add3A_28 = arith.constant 1 : i32
    %add3A_29 = arith.addi %select_n3A, %add3A_28 : i32
    %dma_start3A_30 = arith.constant 1 : i32
    %dma_start3A_31 = arith.constant 0 : i32
    %dma_start3A_32 = arith.constant 0 : i32
    %dma_start3A_33 = tpu.memref_slice %arg6[%dma_start3A_30, %dma_start3A_31, %dma_start3A_32] : memref<2x2x128xi32, #tpu.memory_space<vmem>> -> memref<1x2x128xi32, #tpu.memory_space<vmem>>
    %dma_start3A_34 = tpu.memref_squeeze %dma_start3A_33 : memref<1x2x128xi32, #tpu.memory_space<vmem>> -> memref<2x128xi32, #tpu.memory_space<vmem>>
    %dma_start3A_35 = arith.constant 0 : i32
    %dma_start3A_36 = arith.constant 0 : i32
    %dma_start3A_37 = tpu.memref_slice %arg3[%add3A_29, %dma_start3A_35, %dma_start3A_36] : memref<2560x2x128xi32, #tpu.memory_space<hbm>> -> memref<1x2x128xi32, #tpu.memory_space<hbm>>
    %dma_start3A_38 = tpu.memref_squeeze %dma_start3A_37 : memref<1x2x128xi32, #tpu.memory_space<hbm>> -> memref<2x128xi32, #tpu.memory_space<hbm>>
    %dma_start3A_39 = arith.constant 0 : i32
    %dma_start3A_40 = arith.constant 0 : i32
    %dma_start3A_41 = tpu.memref_slice %arg6[%dma_start3A_30, %dma_start3A_39, %dma_start3A_40] : memref<2x2x128xi32, #tpu.memory_space<vmem>> -> memref<1x2x128xi32, #tpu.memory_space<vmem>>
    %dma_start3A_42 = tpu.memref_squeeze %dma_start3A_41 : memref<1x2x128xi32, #tpu.memory_space<vmem>> -> memref<2x128xi32, #tpu.memory_space<vmem>>
    %dma_start3A_43 = arith.constant 0 : i32
    %dma_start3A_44 = arith.constant 0 : i32
    %dma_start3A_45 = tpu.memref_slice %arg3[%add3A_29, %dma_start3A_43, %dma_start3A_44] : memref<2560x2x128xi32, #tpu.memory_space<hbm>> -> memref<1x2x128xi32, #tpu.memory_space<hbm>>
    %dma_start3A_46 = tpu.memref_squeeze %dma_start3A_45 : memref<1x2x128xi32, #tpu.memory_space<hbm>> -> memref<2x128xi32, #tpu.memory_space<hbm>>
    tpu.enqueue_dma source(%dma_start3A_46 : memref<2x128xi32, #tpu.memory_space<hbm>>) target(%dma_start3A_42 : memref<2x128xi32, #tpu.memory_space<vmem>>) target_semaphore(%arg11 : memref<!tpu.dma_semaphore, #tpu.memory_space<semaphore_mem>>)
    %jit3A_47 = arith.constant 2 : i32
    %div3A = arith.divsi %select_n3A_8, %jit3A_47 : i32
    %sign3A = arith.constant 0 : i32
    %sign3A_48 = arith.cmpi sgt, %select_n3A_8, %sign3A : i32
    %sign3A_49 = arith.extui %sign3A_48 : i1 to i32
    %sign3A_50 = arith.constant 0 : i32
    %sign3A_51 = arith.cmpi slt, %select_n3A_8, %sign3A_50 : i32
    %sign3A_52 = arith.extui %sign3A_51 : i1 to i32
    %sign3A_53 = arith.subi %sign3A_49, %sign3A_52 : i32
    %sign3A_54 = arith.constant 0 : i32
    %sign3A_55 = arith.cmpi sgt, %jit3A_47, %sign3A_54 : i32
    %sign3A_56 = arith.extui %sign3A_55 : i1 to i32
    %sign3A_57 = arith.constant 0 : i32
    %sign3A_58 = arith.cmpi slt, %jit3A_47, %sign3A_57 : i32
    %sign3A_59 = arith.extui %sign3A_58 : i1 to i32
    %sign3A_60 = arith.subi %sign3A_56, %sign3A_59 : i32
    %ne3A = arith.cmpi ne, %sign3A_53, %sign3A_60 : i32
    %rem3A = arith.remsi %select_n3A_8, %jit3A_47 : i32
    %ne3A_61 = arith.constant 0 : i32
    %ne3A_62 = arith.cmpi ne, %rem3A, %ne3A_61 : i32
    %and3A = arith.andi %ne3A, %ne3A_62 : i1
    %sub3A = arith.constant 1 : i32
    %sub3A_63 = arith.subi %div3A, %sub3A : i32
    %select_n3A_64 = arith.select %and3A, %sub3A_63, %div3A : i32
    %while3A = arith.constant 0 : i32
    %while3A_65 = arith.constant 0 : i32
    %while3A_66 = arith.subi %select_n3A_64, %while3A_65 : i32
    %while3A_67 = arith.addi %while3A_65, %while3A_66 : i32
    %while3A_68 = arith.constant 1 : i32
    %while3A_69 = arith.divsi %while3A_66, %while3A_68 : i32
    %while3A_70 = arith.muli %while3A_69, %while3A_68 : i32
    %while3A_71 = arith.addi %while3A_65, %while3A_70 : i32
    %while3A_72 = arith.constant 1 : i32
    scf.for %while3A_75 = %while3A_65 to %while3A_71 step %while3A_72  : i32 {
      %mul3A_76 = arith.constant 2 : i32
      %mul3A_77 = arith.muli %while3A_75, %mul3A_76 : i32
      %add3A_78 = arith.constant 0 : i32
      %add3A_79 = arith.addi %mul3A_77, %add3A_78 : i32
      %add3A_80 = arith.constant 1 : i32
      %add3A_81 = arith.addi %add3A_79, %add3A_80 : i32
      %lt3A = arith.cmpi slt, %add3A_81, %select_n3A_8 : i32
      %convert_element_type3A = arith.extui %lt3A : i1 to i32
      %cond3A = arith.constant 0 : i32
      %cond3A_82 = arith.cmpi ne, %convert_element_type3A, %cond3A : i32
      scf.if %cond3A_82 {
        %add3A_136 = arith.addi %select_n3A, %add3A_79 : i32
        %add3A_137 = arith.constant 1 : i32
        %add3A_138 = arith.addi %add3A_136, %add3A_137 : i32
        %dma_wait3A_139 = arith.constant 1 : i32
        %dma_wait3A_140 = arith.constant 0 : i32
        %dma_wait3A_141 = arith.constant 0 : i32
        %dma_wait3A_142 = tpu.memref_slice %arg6[%dma_wait3A_139, %dma_wait3A_140, %dma_wait3A_141] : memref<2x2x128xi32, #tpu.memory_space<vmem>> -> memref<1x2x128xi32, #tpu.memory_space<vmem>>
        %dma_wait3A_143 = tpu.memref_squeeze %dma_wait3A_142 : memref<1x2x128xi32, #tpu.memory_space<vmem>> -> memref<2x128xi32, #tpu.memory_space<vmem>>
        %dma_wait3A_144 = arith.constant 0 : i32
        %dma_wait3A_145 = arith.constant 0 : i32
        %dma_wait3A_146 = tpu.memref_slice %arg3[%add3A_138, %dma_wait3A_144, %dma_wait3A_145] : memref<2560x2x128xi32, #tpu.memory_space<hbm>> -> memref<1x2x128xi32, #tpu.memory_space<hbm>>
        %dma_wait3A_147 = tpu.memref_squeeze %dma_wait3A_146 : memref<1x2x128xi32, #tpu.memory_space<hbm>> -> memref<2x128xi32, #tpu.memory_space<hbm>>
        %dma_wait3A_148 = arith.constant 0 : i32
        %dma_wait3A_149 = arith.constant 0 : i32
        %dma_wait3A_150 = tpu.memref_slice %arg6[%dma_wait3A_139, %dma_wait3A_148, %dma_wait3A_149] : memref<2x2x128xi32, #tpu.memory_space<vmem>> -> memref<1x2x128xi32, #tpu.memory_space<vmem>>
        %dma_wait3A_151 = tpu.memref_squeeze %dma_wait3A_150 : memref<1x2x128xi32, #tpu.memory_space<vmem>> -> memref<2x128xi32, #tpu.memory_space<vmem>>
        %dma_wait3A_152 = arith.constant 0 : i32
        %dma_wait3A_153 = arith.constant 0 : i32
        %dma_wait3A_154 = tpu.memref_slice %arg3[%add3A_138, %dma_wait3A_152, %dma_wait3A_153] : memref<2560x2x128xi32, #tpu.memory_space<hbm>> -> memref<1x2x128xi32, #tpu.memory_space<hbm>>
        %dma_wait3A_155 = tpu.memref_squeeze %dma_wait3A_154 : memref<1x2x128xi32, #tpu.memory_space<hbm>> -> memref<2x128xi32, #tpu.memory_space<hbm>>
        tpu.wait_dma2 semaphore(%arg11 : memref<!tpu.dma_semaphore, #tpu.memory_space<semaphore_mem>>) src(%dma_wait3A_155 : memref<2x128xi32, #tpu.memory_space<hbm>>) dst(%dma_wait3A_151 : memref<2x128xi32, #tpu.memory_space<vmem>>)
        %dma_start3A_156 = arith.constant 1 : i32
        %dma_start3A_157 = arith.constant 0 : i32
        %dma_start3A_158 = arith.constant 1 : i32
        %dma_start3A_159 = arith.constant 0 : i32
        %dma_start3A_160 = arith.constant 0 : i32
        %dma_start3A_161 = tpu.memref_slice %arg7[%dma_start3A_158, %dma_start3A_159, %dma_start3A_160] : memref<2x128x128xf32, #tpu.memory_space<vmem>> -> memref<1x128x128xf32, #tpu.memory_space<vmem>>
        %dma_start3A_162 = tpu.memref_squeeze %dma_start3A_161 : memref<1x128x128xf32, #tpu.memory_space<vmem>> -> memref<128x128xf32, #tpu.memory_space<vmem>>
        %dma_start3A_163 = arith.constant 0 : i32
        %dma_start3A_164 = tpu.memref_slice %arg6[%dma_start3A_156, %dma_start3A_157, %dma_start3A_163] : memref<2x2x128xi32, #tpu.memory_space<vmem>> -> memref<1x1x128xi32, #tpu.memory_space<vmem>>
        %dma_start3A_165 = tpu.memref_squeeze %dma_start3A_164 : memref<1x1x128xi32, #tpu.memory_space<vmem>> -> memref<128xi32, #tpu.memory_space<vmem>>
        %dma_start3A_166 = arith.constant 0 : i32
        %dma_start3A_167 = arith.constant 0 : i32
        %dma_start3A_168 = tpu.memref_slice %arg2[%dma_start3A_166, %dma_start3A_167] : memref<10000x128xf32, #tpu.memory_space<hbm>> -> memref<10000x128xf32, #tpu.memory_space<hbm>>
        tpu.enqueue_indirect_dma source(%dma_start3A_168 : memref<10000x128xf32, #tpu.memory_space<hbm>>) target(%dma_start3A_162 : memref<128x128xf32, #tpu.memory_space<vmem>>) offsets(%dma_start3A_165 : memref<128xi32, #tpu.memory_space<vmem>>) semaphore(%arg13 : memref<!tpu.dma_semaphore, #tpu.memory_space<semaphore_mem>>)
      } else {
      }
      %dma_wait3A = arith.constant 0 : i32
      %dma_wait3A_83 = arith.constant 0 : i32
      %dma_wait3A_84 = arith.constant 0 : i32
      %dma_wait3A_85 = arith.constant 0 : i32
      %dma_wait3A_86 = arith.constant 0 : i32
      %dma_wait3A_87 = tpu.memref_slice %arg7[%dma_wait3A_84, %dma_wait3A_85, %dma_wait3A_86] : memref<2x128x128xf32, #tpu.memory_space<vmem>> -> memref<1x128x128xf32, #tpu.memory_space<vmem>>
      %dma_wait3A_88 = tpu.memref_squeeze %dma_wait3A_87 : memref<1x128x128xf32, #tpu.memory_space<vmem>> -> memref<128x128xf32, #tpu.memory_space<vmem>>
      %dma_wait3A_89 = arith.constant 0 : i32
      %dma_wait3A_90 = tpu.memref_slice %arg6[%dma_wait3A, %dma_wait3A_83, %dma_wait3A_89] : memref<2x2x128xi32, #tpu.memory_space<vmem>> -> memref<1x1x128xi32, #tpu.memory_space<vmem>>
      %dma_wait3A_91 = tpu.memref_squeeze %dma_wait3A_90 : memref<1x1x128xi32, #tpu.memory_space<vmem>> -> memref<128xi32, #tpu.memory_space<vmem>>
      %dma_wait3A_92 = arith.constant 0 : i32
      %dma_wait3A_93 = arith.constant 0 : i32
      %dma_wait3A_94 = tpu.memref_slice %arg2[%dma_wait3A_92, %dma_wait3A_93] : memref<10000x128xf32, #tpu.memory_space<hbm>> -> memref<10000x128xf32, #tpu.memory_space<hbm>>
      tpu.wait_indirect_dma semaphore(%arg12 : memref<!tpu.dma_semaphore, #tpu.memory_space<semaphore_mem>>) src(%dma_wait3A_94 : memref<10000x128xf32, #tpu.memory_space<hbm>>) dst(%dma_wait3A_88 : memref<128x128xf32, #tpu.memory_space<vmem>>)
      %run_scoped3A_95 = arith.constant 0 : i32
      %run_scoped3A_96 = arith.constant 0 : i32
      %run_scoped3A_97 = arith.constant 1 : i32
      "tpu.region"() ({
        %run_scoped3A_136 = tpu.sem_alloc : memref<!tpu.dma_semaphore, #tpu.memory_space<semaphore_mem>>
        %dma_start3A_137 = arith.constant 0 : i32
        %dma_start3A_138 = arith.constant 0 : i32
        %dma_start3A_139 = tpu.memref_slice %arg7[%run_scoped3A_95, %dma_start3A_137, %dma_start3A_138] : memref<2x128x128xf32, #tpu.memory_space<vmem>> -> memref<1x128x128xf32, #tpu.memory_space<vmem>>
        %dma_start3A_140 = tpu.memref_squeeze %dma_start3A_139 : memref<1x128x128xf32, #tpu.memory_space<vmem>> -> memref<128x128xf32, #tpu.memory_space<vmem>>
        %dma_start3A_141 = arith.constant 0 : i32
        %dma_start3A_142 = tpu.memref_slice %arg6[%run_scoped3A_96, %run_scoped3A_97, %dma_start3A_141] : memref<2x2x128xi32, #tpu.memory_space<vmem>> -> memref<1x1x128xi32, #tpu.memory_space<vmem>>
        %dma_start3A_143 = tpu.memref_squeeze %dma_start3A_142 : memref<1x1x128xi32, #tpu.memory_space<vmem>> -> memref<128xi32, #tpu.memory_space<vmem>>
        %dma_start3A_144 = arith.constant 0 : i32
        %dma_start3A_145 = arith.constant 0 : i32
        %dma_start3A_146 = tpu.memref_slice %arg9[%dma_start3A_144, %dma_start3A_145] : memref<10112x128xf32, #tpu.memory_space<vmem_shared>> -> memref<10112x128xf32, #tpu.memory_space<vmem_shared>>
        tpu.enqueue_indirect_dma source(%dma_start3A_140 : memref<128x128xf32, #tpu.memory_space<vmem>>) target(%dma_start3A_146 : memref<10112x128xf32, #tpu.memory_space<vmem_shared>>) offsets(%dma_start3A_143 : memref<128xi32, #tpu.memory_space<vmem>>) semaphore(%run_scoped3A_136 : memref<!tpu.dma_semaphore, #tpu.memory_space<semaphore_mem>>) {add = true}
        %dma_wait3A_147 = arith.constant 0 : i32
        %dma_wait3A_148 = arith.constant 0 : i32
        %dma_wait3A_149 = tpu.memref_slice %arg7[%run_scoped3A_95, %dma_wait3A_147, %dma_wait3A_148] : memref<2x128x128xf32, #tpu.memory_space<vmem>> -> memref<1x128x128xf32, #tpu.memory_space<vmem>>
        %dma_wait3A_150 = tpu.memref_squeeze %dma_wait3A_149 : memref<1x128x128xf32, #tpu.memory_space<vmem>> -> memref<128x128xf32, #tpu.memory_space<vmem>>
        %dma_wait3A_151 = arith.constant 0 : i32
        %dma_wait3A_152 = tpu.memref_slice %arg6[%run_scoped3A_96, %run_scoped3A_97, %dma_wait3A_151] : memref<2x2x128xi32, #tpu.memory_space<vmem>> -> memref<1x1x128xi32, #tpu.memory_space<vmem>>
        %dma_wait3A_153 = tpu.memref_squeeze %dma_wait3A_152 : memref<1x1x128xi32, #tpu.memory_space<vmem>> -> memref<128xi32, #tpu.memory_space<vmem>>
        %dma_wait3A_154 = arith.constant 0 : i32
        %dma_wait3A_155 = arith.constant 0 : i32
        %dma_wait3A_156 = tpu.memref_slice %arg9[%dma_wait3A_154, %dma_wait3A_155] : memref<10112x128xf32, #tpu.memory_space<vmem_shared>> -> memref<10112x128xf32, #tpu.memory_space<vmem_shared>>
        tpu.wait_indirect_dma semaphore(%run_scoped3A_136 : memref<!tpu.dma_semaphore, #tpu.memory_space<semaphore_mem>>) src(%dma_wait3A_150 : memref<128x128xf32, #tpu.memory_space<vmem>>) dst(%dma_wait3A_156 : memref<10112x128xf32, #tpu.memory_space<vmem_shared>>)
        tpu.yield
      }) : () -> ()
      %add3A_98 = arith.constant 2 : i32
      %add3A_99 = arith.addi %add3A_79, %add3A_98 : i32
      %lt3A_100 = arith.cmpi slt, %add3A_99, %select_n3A_8 : i32
      %convert_element_type3A_101 = arith.extui %lt3A_100 : i1 to i32
      %cond3A_102 = arith.constant 0 : i32
      %cond3A_103 = arith.cmpi ne, %convert_element_type3A_101, %cond3A_102 : i32
      scf.if %cond3A_103 {
        %add3A_136 = arith.addi %select_n3A, %add3A_79 : i32
        %add3A_137 = arith.constant 2 : i32
        %add3A_138 = arith.addi %add3A_136, %add3A_137 : i32
        %dma_start3A_139 = arith.constant 0 : i32
        %dma_start3A_140 = arith.constant 0 : i32
        %dma_start3A_141 = arith.constant 0 : i32
        %dma_start3A_142 = tpu.memref_slice %arg6[%dma_start3A_139, %dma_start3A_140, %dma_start3A_141] : memref<2x2x128xi32, #tpu.memory_space<vmem>> -> memref<1x2x128xi32, #tpu.memory_space<vmem>>
        %dma_start3A_143 = tpu.memref_squeeze %dma_start3A_142 : memref<1x2x128xi32, #tpu.memory_space<vmem>> -> memref<2x128xi32, #tpu.memory_space<vmem>>
        %dma_start3A_144 = arith.constant 0 : i32
        %dma_start3A_145 = arith.constant 0 : i32
        %dma_start3A_146 = tpu.memref_slice %arg3[%add3A_138, %dma_start3A_144, %dma_start3A_145] : memref<2560x2x128xi32, #tpu.memory_space<hbm>> -> memref<1x2x128xi32, #tpu.memory_space<hbm>>
        %dma_start3A_147 = tpu.memref_squeeze %dma_start3A_146 : memref<1x2x128xi32, #tpu.memory_space<hbm>> -> memref<2x128xi32, #tpu.memory_space<hbm>>
        %dma_start3A_148 = arith.constant 0 : i32
        %dma_start3A_149 = arith.constant 0 : i32
        %dma_start3A_150 = tpu.memref_slice %arg6[%dma_start3A_139, %dma_start3A_148, %dma_start3A_149] : memref<2x2x128xi32, #tpu.memory_space<vmem>> -> memref<1x2x128xi32, #tpu.memory_space<vmem>>
        %dma_start3A_151 = tpu.memref_squeeze %dma_start3A_150 : memref<1x2x128xi32, #tpu.memory_space<vmem>> -> memref<2x128xi32, #tpu.memory_space<vmem>>
        %dma_start3A_152 = arith.constant 0 : i32
        %dma_start3A_153 = arith.constant 0 : i32
        %dma_start3A_154 = tpu.memref_slice %arg3[%add3A_138, %dma_start3A_152, %dma_start3A_153] : memref<2560x2x128xi32, #tpu.memory_space<hbm>> -> memref<1x2x128xi32, #tpu.memory_space<hbm>>
        %dma_start3A_155 = tpu.memref_squeeze %dma_start3A_154 : memref<1x2x128xi32, #tpu.memory_space<hbm>> -> memref<2x128xi32, #tpu.memory_space<hbm>>
        tpu.enqueue_dma source(%dma_start3A_155 : memref<2x128xi32, #tpu.memory_space<hbm>>) target(%dma_start3A_151 : memref<2x128xi32, #tpu.memory_space<vmem>>) target_semaphore(%arg10 : memref<!tpu.dma_semaphore, #tpu.memory_space<semaphore_mem>>)
      } else {
      }
      %mul3A_104 = arith.constant 2 : i32
      %mul3A_105 = arith.muli %while3A_75, %mul3A_104 : i32
      %add3A_106 = arith.constant 1 : i32
      %add3A_107 = arith.addi %mul3A_105, %add3A_106 : i32
      %add3A_108 = arith.constant 1 : i32
      %add3A_109 = arith.addi %add3A_107, %add3A_108 : i32
      %lt3A_110 = arith.cmpi slt, %add3A_109, %select_n3A_8 : i32
      %convert_element_type3A_111 = arith.extui %lt3A_110 : i1 to i32
      %cond3A_112 = arith.constant 0 : i32
      %cond3A_113 = arith.cmpi ne, %convert_element_type3A_111, %cond3A_112 : i32
      scf.if %cond3A_113 {
        %add3A_136 = arith.addi %select_n3A, %add3A_107 : i32
        %add3A_137 = arith.constant 1 : i32
        %add3A_138 = arith.addi %add3A_136, %add3A_137 : i32
        %dma_wait3A_139 = arith.constant 0 : i32
        %dma_wait3A_140 = arith.constant 0 : i32
        %dma_wait3A_141 = arith.constant 0 : i32
        %dma_wait3A_142 = tpu.memref_slice %arg6[%dma_wait3A_139, %dma_wait3A_140, %dma_wait3A_141] : memref<2x2x128xi32, #tpu.memory_space<vmem>> -> memref<1x2x128xi32, #tpu.memory_space<vmem>>
        %dma_wait3A_143 = tpu.memref_squeeze %dma_wait3A_142 : memref<1x2x128xi32, #tpu.memory_space<vmem>> -> memref<2x128xi32, #tpu.memory_space<vmem>>
        %dma_wait3A_144 = arith.constant 0 : i32
        %dma_wait3A_145 = arith.constant 0 : i32
        %dma_wait3A_146 = tpu.memref_slice %arg3[%add3A_138, %dma_wait3A_144, %dma_wait3A_145] : memref<2560x2x128xi32, #tpu.memory_space<hbm>> -> memref<1x2x128xi32, #tpu.memory_space<hbm>>
        %dma_wait3A_147 = tpu.memref_squeeze %dma_wait3A_146 : memref<1x2x128xi32, #tpu.memory_space<hbm>> -> memref<2x128xi32, #tpu.memory_space<hbm>>
        %dma_wait3A_148 = arith.constant 0 : i32
        %dma_wait3A_149 = arith.constant 0 : i32
        %dma_wait3A_150 = tpu.memref_slice %arg6[%dma_wait3A_139, %dma_wait3A_148, %dma_wait3A_149] : memref<2x2x128xi32, #tpu.memory_space<vmem>> -> memref<1x2x128xi32, #tpu.memory_space<vmem>>
        %dma_wait3A_151 = tpu.memref_squeeze %dma_wait3A_150 : memref<1x2x128xi32, #tpu.memory_space<vmem>> -> memref<2x128xi32, #tpu.memory_space<vmem>>
        %dma_wait3A_152 = arith.constant 0 : i32
        %dma_wait3A_153 = arith.constant 0 : i32
        %dma_wait3A_154 = tpu.memref_slice %arg3[%add3A_138, %dma_wait3A_152, %dma_wait3A_153] : memref<2560x2x128xi32, #tpu.memory_space<hbm>> -> memref<1x2x128xi32, #tpu.memory_space<hbm>>
        %dma_wait3A_155 = tpu.memref_squeeze %dma_wait3A_154 : memref<1x2x128xi32, #tpu.memory_space<hbm>> -> memref<2x128xi32, #tpu.memory_space<hbm>>
        tpu.wait_dma2 semaphore(%arg10 : memref<!tpu.dma_semaphore, #tpu.memory_space<semaphore_mem>>) src(%dma_wait3A_155 : memref<2x128xi32, #tpu.memory_space<hbm>>) dst(%dma_wait3A_151 : memref<2x128xi32, #tpu.memory_space<vmem>>)
        %dma_start3A_156 = arith.constant 0 : i32
        %dma_start3A_157 = arith.constant 0 : i32
        %dma_start3A_158 = arith.constant 0 : i32
        %dma_start3A_159 = arith.constant 0 : i32
        %dma_start3A_160 = arith.constant 0 : i32
        %dma_start3A_161 = tpu.memref_slice %arg7[%dma_start3A_158, %dma_start3A_159, %dma_start3A_160] : memref<2x128x128xf32, #tpu.memory_space<vmem>> -> memref<1x128x128xf32, #tpu.memory_space<vmem>>
        %dma_start3A_162 = tpu.memref_squeeze %dma_start3A_161 : memref<1x128x128xf32, #tpu.memory_space<vmem>> -> memref<128x128xf32, #tpu.memory_space<vmem>>
        %dma_start3A_163 = arith.constant 0 : i32
        %dma_start3A_164 = tpu.memref_slice %arg6[%dma_start3A_156, %dma_start3A_157, %dma_start3A_163] : memref<2x2x128xi32, #tpu.memory_space<vmem>> -> memref<1x1x128xi32, #tpu.memory_space<vmem>>
        %dma_start3A_165 = tpu.memref_squeeze %dma_start3A_164 : memref<1x1x128xi32, #tpu.memory_space<vmem>> -> memref<128xi32, #tpu.memory_space<vmem>>
        %dma_start3A_166 = arith.constant 0 : i32
        %dma_start3A_167 = arith.constant 0 : i32
        %dma_start3A_168 = tpu.memref_slice %arg2[%dma_start3A_166, %dma_start3A_167] : memref<10000x128xf32, #tpu.memory_space<hbm>> -> memref<10000x128xf32, #tpu.memory_space<hbm>>
        tpu.enqueue_indirect_dma source(%dma_start3A_168 : memref<10000x128xf32, #tpu.memory_space<hbm>>) target(%dma_start3A_162 : memref<128x128xf32, #tpu.memory_space<vmem>>) offsets(%dma_start3A_165 : memref<128xi32, #tpu.memory_space<vmem>>) semaphore(%arg12 : memref<!tpu.dma_semaphore, #tpu.memory_space<semaphore_mem>>)
      } else {
      }
      %dma_wait3A_114 = arith.constant 1 : i32
      %dma_wait3A_115 = arith.constant 0 : i32
      %dma_wait3A_116 = arith.constant 1 : i32
      %dma_wait3A_117 = arith.constant 0 : i32
      %dma_wait3A_118 = arith.constant 0 : i32
      %dma_wait3A_119 = tpu.memref_slice %arg7[%dma_wait3A_116, %dma_wait3A_117, %dma_wait3A_118] : memref<2x128x128xf32, #tpu.memory_space<vmem>> -> memref<1x128x128xf32, #tpu.memory_space<vmem>>
      %dma_wait3A_120 = tpu.memref_squeeze %dma_wait3A_119 : memref<1x128x128xf32, #tpu.memory_space<vmem>> -> memref<128x128xf32, #tpu.memory_space<vmem>>
      %dma_wait3A_121 = arith.constant 0 : i32
      %dma_wait3A_122 = tpu.memref_slice %arg6[%dma_wait3A_114, %dma_wait3A_115, %dma_wait3A_121] : memref<2x2x128xi32, #tpu.memory_space<vmem>> -> memref<1x1x128xi32, #tpu.memory_space<vmem>>
      %dma_wait3A_123 = tpu.memref_squeeze %dma_wait3A_122 : memref<1x1x128xi32, #tpu.memory_space<vmem>> -> memref<128xi32, #tpu.memory_space<vmem>>
      %dma_wait3A_124 = arith.constant 0 : i32
      %dma_wait3A_125 = arith.constant 0 : i32
      %dma_wait3A_126 = tpu.memref_slice %arg2[%dma_wait3A_124, %dma_wait3A_125] : memref<10000x128xf32, #tpu.memory_space<hbm>> -> memref<10000x128xf32, #tpu.memory_space<hbm>>
      tpu.wait_indirect_dma semaphore(%arg13 : memref<!tpu.dma_semaphore, #tpu.memory_space<semaphore_mem>>) src(%dma_wait3A_126 : memref<10000x128xf32, #tpu.memory_space<hbm>>) dst(%dma_wait3A_120 : memref<128x128xf32, #tpu.memory_space<vmem>>)
      %run_scoped3A_127 = arith.constant 1 : i32
      %run_scoped3A_128 = arith.constant 1 : i32
      %run_scoped3A_129 = arith.constant 1 : i32
      "tpu.region"() ({
        %run_scoped3A_136 = tpu.sem_alloc : memref<!tpu.dma_semaphore, #tpu.memory_space<semaphore_mem>>
        %dma_start3A_137 = arith.constant 0 : i32
        %dma_start3A_138 = arith.constant 0 : i32
        %dma_start3A_139 = tpu.memref_slice %arg7[%run_scoped3A_127, %dma_start3A_137, %dma_start3A_138] : memref<2x128x128xf32, #tpu.memory_space<vmem>> -> memref<1x128x128xf32, #tpu.memory_space<vmem>>
        %dma_start3A_140 = tpu.memref_squeeze %dma_start3A_139 : memref<1x128x128xf32, #tpu.memory_space<vmem>> -> memref<128x128xf32, #tpu.memory_space<vmem>>
        %dma_start3A_141 = arith.constant 0 : i32
        %dma_start3A_142 = tpu.memref_slice %arg6[%run_scoped3A_128, %run_scoped3A_129, %dma_start3A_141] : memref<2x2x128xi32, #tpu.memory_space<vmem>> -> memref<1x1x128xi32, #tpu.memory_space<vmem>>
        %dma_start3A_143 = tpu.memref_squeeze %dma_start3A_142 : memref<1x1x128xi32, #tpu.memory_space<vmem>> -> memref<128xi32, #tpu.memory_space<vmem>>
        %dma_start3A_144 = arith.constant 0 : i32
        %dma_start3A_145 = arith.constant 0 : i32
        %dma_start3A_146 = tpu.memref_slice %arg9[%dma_start3A_144, %dma_start3A_145] : memref<10112x128xf32, #tpu.memory_space<vmem_shared>> -> memref<10112x128xf32, #tpu.memory_space<vmem_shared>>
        tpu.enqueue_indirect_dma source(%dma_start3A_140 : memref<128x128xf32, #tpu.memory_space<vmem>>) target(%dma_start3A_146 : memref<10112x128xf32, #tpu.memory_space<vmem_shared>>) offsets(%dma_start3A_143 : memref<128xi32, #tpu.memory_space<vmem>>) semaphore(%run_scoped3A_136 : memref<!tpu.dma_semaphore, #tpu.memory_space<semaphore_mem>>) {add = true}
        %dma_wait3A_147 = arith.constant 0 : i32
        %dma_wait3A_148 = arith.constant 0 : i32
        %dma_wait3A_149 = tpu.memref_slice %arg7[%run_scoped3A_127, %dma_wait3A_147, %dma_wait3A_148] : memref<2x128x128xf32, #tpu.memory_space<vmem>> -> memref<1x128x128xf32, #tpu.memory_space<vmem>>
        %dma_wait3A_150 = tpu.memref_squeeze %dma_wait3A_149 : memref<1x128x128xf32, #tpu.memory_space<vmem>> -> memref<128x128xf32, #tpu.memory_space<vmem>>
        %dma_wait3A_151 = arith.constant 0 : i32
        %dma_wait3A_152 = tpu.memref_slice %arg6[%run_scoped3A_128, %run_scoped3A_129, %dma_wait3A_151] : memref<2x2x128xi32, #tpu.memory_space<vmem>> -> memref<1x1x128xi32, #tpu.memory_space<vmem>>
        %dma_wait3A_153 = tpu.memref_squeeze %dma_wait3A_152 : memref<1x1x128xi32, #tpu.memory_space<vmem>> -> memref<128xi32, #tpu.memory_space<vmem>>
        %dma_wait3A_154 = arith.constant 0 : i32
        %dma_wait3A_155 = arith.constant 0 : i32
        %dma_wait3A_156 = tpu.memref_slice %arg9[%dma_wait3A_154, %dma_wait3A_155] : memref<10112x128xf32, #tpu.memory_space<vmem_shared>> -> memref<10112x128xf32, #tpu.memory_space<vmem_shared>>
        tpu.wait_indirect_dma semaphore(%run_scoped3A_136 : memref<!tpu.dma_semaphore, #tpu.memory_space<semaphore_mem>>) src(%dma_wait3A_150 : memref<128x128xf32, #tpu.memory_space<vmem>>) dst(%dma_wait3A_156 : memref<10112x128xf32, #tpu.memory_space<vmem_shared>>)
        tpu.yield
      }) : () -> ()
      %add3A_130 = arith.constant 2 : i32
      %add3A_131 = arith.addi %add3A_107, %add3A_130 : i32
      %lt3A_132 = arith.cmpi slt, %add3A_131, %select_n3A_8 : i32
      %convert_element_type3A_133 = arith.extui %lt3A_132 : i1 to i32
      %cond3A_134 = arith.constant 0 : i32
      %cond3A_135 = arith.cmpi ne, %convert_element_type3A_133, %cond3A_134 : i32
      scf.if %cond3A_135 {
        %add3A_136 = arith.addi %select_n3A, %add3A_107 : i32
        %add3A_137 = arith.constant 2 : i32
        %add3A_138 = arith.addi %add3A_136, %add3A_137 : i32
        %dma_start3A_139 = arith.constant 1 : i32
        %dma_start3A_140 = arith.constant 0 : i32
        %dma_start3A_141 = arith.constant 0 : i32
        %dma_start3A_142 = tpu.memref_slice %arg6[%dma_start3A_139, %dma_start3A_140, %dma_start3A_141] : memref<2x2x128xi32, #tpu.memory_space<vmem>> -> memref<1x2x128xi32, #tpu.memory_space<vmem>>
        %dma_start3A_143 = tpu.memref_squeeze %dma_start3A_142 : memref<1x2x128xi32, #tpu.memory_space<vmem>> -> memref<2x128xi32, #tpu.memory_space<vmem>>
        %dma_start3A_144 = arith.constant 0 : i32
        %dma_start3A_145 = arith.constant 0 : i32
        %dma_start3A_146 = tpu.memref_slice %arg3[%add3A_138, %dma_start3A_144, %dma_start3A_145] : memref<2560x2x128xi32, #tpu.memory_space<hbm>> -> memref<1x2x128xi32, #tpu.memory_space<hbm>>
        %dma_start3A_147 = tpu.memref_squeeze %dma_start3A_146 : memref<1x2x128xi32, #tpu.memory_space<hbm>> -> memref<2x128xi32, #tpu.memory_space<hbm>>
        %dma_start3A_148 = arith.constant 0 : i32
        %dma_start3A_149 = arith.constant 0 : i32
        %dma_start3A_150 = tpu.memref_slice %arg6[%dma_start3A_139, %dma_start3A_148, %dma_start3A_149] : memref<2x2x128xi32, #tpu.memory_space<vmem>> -> memref<1x2x128xi32, #tpu.memory_space<vmem>>
        %dma_start3A_151 = tpu.memref_squeeze %dma_start3A_150 : memref<1x2x128xi32, #tpu.memory_space<vmem>> -> memref<2x128xi32, #tpu.memory_space<vmem>>
        %dma_start3A_152 = arith.constant 0 : i32
        %dma_start3A_153 = arith.constant 0 : i32
        %dma_start3A_154 = tpu.memref_slice %arg3[%add3A_138, %dma_start3A_152, %dma_start3A_153] : memref<2560x2x128xi32, #tpu.memory_space<hbm>> -> memref<1x2x128xi32, #tpu.memory_space<hbm>>
        %dma_start3A_155 = tpu.memref_squeeze %dma_start3A_154 : memref<1x2x128xi32, #tpu.memory_space<hbm>> -> memref<2x128xi32, #tpu.memory_space<hbm>>
        tpu.enqueue_dma source(%dma_start3A_155 : memref<2x128xi32, #tpu.memory_space<hbm>>) target(%dma_start3A_151 : memref<2x128xi32, #tpu.memory_space<vmem>>) target_semaphore(%arg11 : memref<!tpu.dma_semaphore, #tpu.memory_space<semaphore_mem>>)
      } else {
      }
    }
    %while3A_73 = arith.constant 1 : i32
    scf.for %while3A_75 = %while3A_71 to %while3A_67 step %while3A_73  : i32 {
      %mul3A_76 = arith.constant 2 : i32
      %mul3A_77 = arith.muli %while3A_75, %mul3A_76 : i32
      %add3A_78 = arith.constant 0 : i32
      %add3A_79 = arith.addi %mul3A_77, %add3A_78 : i32
      %add3A_80 = arith.constant 1 : i32
      %add3A_81 = arith.addi %add3A_79, %add3A_80 : i32
      %lt3A = arith.cmpi slt, %add3A_81, %select_n3A_8 : i32
      %convert_element_type3A = arith.extui %lt3A : i1 to i32
      %cond3A = arith.constant 0 : i32
      %cond3A_82 = arith.cmpi ne, %convert_element_type3A, %cond3A : i32
      scf.if %cond3A_82 {
        %add3A_136 = arith.addi %select_n3A, %add3A_79 : i32
        %add3A_137 = arith.constant 1 : i32
        %add3A_138 = arith.addi %add3A_136, %add3A_137 : i32
        %dma_wait3A_139 = arith.constant 1 : i32
        %dma_wait3A_140 = arith.constant 0 : i32
        %dma_wait3A_141 = arith.constant 0 : i32
        %dma_wait3A_142 = tpu.memref_slice %arg6[%dma_wait3A_139, %dma_wait3A_140, %dma_wait3A_141] : memref<2x2x128xi32, #tpu.memory_space<vmem>> -> memref<1x2x128xi32, #tpu.memory_space<vmem>>
        %dma_wait3A_143 = tpu.memref_squeeze %dma_wait3A_142 : memref<1x2x128xi32, #tpu.memory_space<vmem>> -> memref<2x128xi32, #tpu.memory_space<vmem>>
        %dma_wait3A_144 = arith.constant 0 : i32
        %dma_wait3A_145 = arith.constant 0 : i32
        %dma_wait3A_146 = tpu.memref_slice %arg3[%add3A_138, %dma_wait3A_144, %dma_wait3A_145] : memref<2560x2x128xi32, #tpu.memory_space<hbm>> -> memref<1x2x128xi32, #tpu.memory_space<hbm>>
        %dma_wait3A_147 = tpu.memref_squeeze %dma_wait3A_146 : memref<1x2x128xi32, #tpu.memory_space<hbm>> -> memref<2x128xi32, #tpu.memory_space<hbm>>
        %dma_wait3A_148 = arith.constant 0 : i32
        %dma_wait3A_149 = arith.constant 0 : i32
        %dma_wait3A_150 = tpu.memref_slice %arg6[%dma_wait3A_139, %dma_wait3A_148, %dma_wait3A_149] : memref<2x2x128xi32, #tpu.memory_space<vmem>> -> memref<1x2x128xi32, #tpu.memory_space<vmem>>
        %dma_wait3A_151 = tpu.memref_squeeze %dma_wait3A_150 : memref<1x2x128xi32, #tpu.memory_space<vmem>> -> memref<2x128xi32, #tpu.memory_space<vmem>>
        %dma_wait3A_152 = arith.constant 0 : i32
        %dma_wait3A_153 = arith.constant 0 : i32
        %dma_wait3A_154 = tpu.memref_slice %arg3[%add3A_138, %dma_wait3A_152, %dma_wait3A_153] : memref<2560x2x128xi32, #tpu.memory_space<hbm>> -> memref<1x2x128xi32, #tpu.memory_space<hbm>>
        %dma_wait3A_155 = tpu.memref_squeeze %dma_wait3A_154 : memref<1x2x128xi32, #tpu.memory_space<hbm>> -> memref<2x128xi32, #tpu.memory_space<hbm>>
        tpu.wait_dma2 semaphore(%arg11 : memref<!tpu.dma_semaphore, #tpu.memory_space<semaphore_mem>>) src(%dma_wait3A_155 : memref<2x128xi32, #tpu.memory_space<hbm>>) dst(%dma_wait3A_151 : memref<2x128xi32, #tpu.memory_space<vmem>>)
        %dma_start3A_156 = arith.constant 1 : i32
        %dma_start3A_157 = arith.constant 0 : i32
        %dma_start3A_158 = arith.constant 1 : i32
        %dma_start3A_159 = arith.constant 0 : i32
        %dma_start3A_160 = arith.constant 0 : i32
        %dma_start3A_161 = tpu.memref_slice %arg7[%dma_start3A_158, %dma_start3A_159, %dma_start3A_160] : memref<2x128x128xf32, #tpu.memory_space<vmem>> -> memref<1x128x128xf32, #tpu.memory_space<vmem>>
        %dma_start3A_162 = tpu.memref_squeeze %dma_start3A_161 : memref<1x128x128xf32, #tpu.memory_space<vmem>> -> memref<128x128xf32, #tpu.memory_space<vmem>>
        %dma_start3A_163 = arith.constant 0 : i32
        %dma_start3A_164 = tpu.memref_slice %arg6[%dma_start3A_156, %dma_start3A_157, %dma_start3A_163] : memref<2x2x128xi32, #tpu.memory_space<vmem>> -> memref<1x1x128xi32, #tpu.memory_space<vmem>>
        %dma_start3A_165 = tpu.memref_squeeze %dma_start3A_164 : memref<1x1x128xi32, #tpu.memory_space<vmem>> -> memref<128xi32, #tpu.memory_space<vmem>>
        %dma_start3A_166 = arith.constant 0 : i32
        %dma_start3A_167 = arith.constant 0 : i32
        %dma_start3A_168 = tpu.memref_slice %arg2[%dma_start3A_166, %dma_start3A_167] : memref<10000x128xf32, #tpu.memory_space<hbm>> -> memref<10000x128xf32, #tpu.memory_space<hbm>>
        tpu.enqueue_indirect_dma source(%dma_start3A_168 : memref<10000x128xf32, #tpu.memory_space<hbm>>) target(%dma_start3A_162 : memref<128x128xf32, #tpu.memory_space<vmem>>) offsets(%dma_start3A_165 : memref<128xi32, #tpu.memory_space<vmem>>) semaphore(%arg13 : memref<!tpu.dma_semaphore, #tpu.memory_space<semaphore_mem>>)
      } else {
      }
      %dma_wait3A = arith.constant 0 : i32
      %dma_wait3A_83 = arith.constant 0 : i32
      %dma_wait3A_84 = arith.constant 0 : i32
      %dma_wait3A_85 = arith.constant 0 : i32
      %dma_wait3A_86 = arith.constant 0 : i32
      %dma_wait3A_87 = tpu.memref_slice %arg7[%dma_wait3A_84, %dma_wait3A_85, %dma_wait3A_86] : memref<2x128x128xf32, #tpu.memory_space<vmem>> -> memref<1x128x128xf32, #tpu.memory_space<vmem>>
      %dma_wait3A_88 = tpu.memref_squeeze %dma_wait3A_87 : memref<1x128x128xf32, #tpu.memory_space<vmem>> -> memref<128x128xf32, #tpu.memory_space<vmem>>
      %dma_wait3A_89 = arith.constant 0 : i32
      %dma_wait3A_90 = tpu.memref_slice %arg6[%dma_wait3A, %dma_wait3A_83, %dma_wait3A_89] : memref<2x2x128xi32, #tpu.memory_space<vmem>> -> memref<1x1x128xi32, #tpu.memory_space<vmem>>
      %dma_wait3A_91 = tpu.memref_squeeze %dma_wait3A_90 : memref<1x1x128xi32, #tpu.memory_space<vmem>> -> memref<128xi32, #tpu.memory_space<vmem>>
      %dma_wait3A_92 = arith.constant 0 : i32
      %dma_wait3A_93 = arith.constant 0 : i32
      %dma_wait3A_94 = tpu.memref_slice %arg2[%dma_wait3A_92, %dma_wait3A_93] : memref<10000x128xf32, #tpu.memory_space<hbm>> -> memref<10000x128xf32, #tpu.memory_space<hbm>>
      tpu.wait_indirect_dma semaphore(%arg12 : memref<!tpu.dma_semaphore, #tpu.memory_space<semaphore_mem>>) src(%dma_wait3A_94 : memref<10000x128xf32, #tpu.memory_space<hbm>>) dst(%dma_wait3A_88 : memref<128x128xf32, #tpu.memory_space<vmem>>)
      %run_scoped3A_95 = arith.constant 0 : i32
      %run_scoped3A_96 = arith.constant 0 : i32
      %run_scoped3A_97 = arith.constant 1 : i32
      "tpu.region"() ({
        %run_scoped3A_136 = tpu.sem_alloc : memref<!tpu.dma_semaphore, #tpu.memory_space<semaphore_mem>>
        %dma_start3A_137 = arith.constant 0 : i32
        %dma_start3A_138 = arith.constant 0 : i32
        %dma_start3A_139 = tpu.memref_slice %arg7[%run_scoped3A_95, %dma_start3A_137, %dma_start3A_138] : memref<2x128x128xf32, #tpu.memory_space<vmem>> -> memref<1x128x128xf32, #tpu.memory_space<vmem>>
        %dma_start3A_140 = tpu.memref_squeeze %dma_start3A_139 : memref<1x128x128xf32, #tpu.memory_space<vmem>> -> memref<128x128xf32, #tpu.memory_space<vmem>>
        %dma_start3A_141 = arith.constant 0 : i32
        %dma_start3A_142 = tpu.memref_slice %arg6[%run_scoped3A_96, %run_scoped3A_97, %dma_start3A_141] : memref<2x2x128xi32, #tpu.memory_space<vmem>> -> memref<1x1x128xi32, #tpu.memory_space<vmem>>
        %dma_start3A_143 = tpu.memref_squeeze %dma_start3A_142 : memref<1x1x128xi32, #tpu.memory_space<vmem>> -> memref<128xi32, #tpu.memory_space<vmem>>
        %dma_start3A_144 = arith.constant 0 : i32
        %dma_start3A_145 = arith.constant 0 : i32
        %dma_start3A_146 = tpu.memref_slice %arg9[%dma_start3A_144, %dma_start3A_145] : memref<10112x128xf32, #tpu.memory_space<vmem_shared>> -> memref<10112x128xf32, #tpu.memory_space<vmem_shared>>
        tpu.enqueue_indirect_dma source(%dma_start3A_140 : memref<128x128xf32, #tpu.memory_space<vmem>>) target(%dma_start3A_146 : memref<10112x128xf32, #tpu.memory_space<vmem_shared>>) offsets(%dma_start3A_143 : memref<128xi32, #tpu.memory_space<vmem>>) semaphore(%run_scoped3A_136 : memref<!tpu.dma_semaphore, #tpu.memory_space<semaphore_mem>>) {add = true}
        %dma_wait3A_147 = arith.constant 0 : i32
        %dma_wait3A_148 = arith.constant 0 : i32
        %dma_wait3A_149 = tpu.memref_slice %arg7[%run_scoped3A_95, %dma_wait3A_147, %dma_wait3A_148] : memref<2x128x128xf32, #tpu.memory_space<vmem>> -> memref<1x128x128xf32, #tpu.memory_space<vmem>>
        %dma_wait3A_150 = tpu.memref_squeeze %dma_wait3A_149 : memref<1x128x128xf32, #tpu.memory_space<vmem>> -> memref<128x128xf32, #tpu.memory_space<vmem>>
        %dma_wait3A_151 = arith.constant 0 : i32
        %dma_wait3A_152 = tpu.memref_slice %arg6[%run_scoped3A_96, %run_scoped3A_97, %dma_wait3A_151] : memref<2x2x128xi32, #tpu.memory_space<vmem>> -> memref<1x1x128xi32, #tpu.memory_space<vmem>>
        %dma_wait3A_153 = tpu.memref_squeeze %dma_wait3A_152 : memref<1x1x128xi32, #tpu.memory_space<vmem>> -> memref<128xi32, #tpu.memory_space<vmem>>
        %dma_wait3A_154 = arith.constant 0 : i32
        %dma_wait3A_155 = arith.constant 0 : i32
        %dma_wait3A_156 = tpu.memref_slice %arg9[%dma_wait3A_154, %dma_wait3A_155] : memref<10112x128xf32, #tpu.memory_space<vmem_shared>> -> memref<10112x128xf32, #tpu.memory_space<vmem_shared>>
        tpu.wait_indirect_dma semaphore(%run_scoped3A_136 : memref<!tpu.dma_semaphore, #tpu.memory_space<semaphore_mem>>) src(%dma_wait3A_150 : memref<128x128xf32, #tpu.memory_space<vmem>>) dst(%dma_wait3A_156 : memref<10112x128xf32, #tpu.memory_space<vmem_shared>>)
        tpu.yield
      }) : () -> ()
      %add3A_98 = arith.constant 2 : i32
      %add3A_99 = arith.addi %add3A_79, %add3A_98 : i32
      %lt3A_100 = arith.cmpi slt, %add3A_99, %select_n3A_8 : i32
      %convert_element_type3A_101 = arith.extui %lt3A_100 : i1 to i32
      %cond3A_102 = arith.constant 0 : i32
      %cond3A_103 = arith.cmpi ne, %convert_element_type3A_101, %cond3A_102 : i32
      scf.if %cond3A_103 {
        %add3A_136 = arith.addi %select_n3A, %add3A_79 : i32
        %add3A_137 = arith.constant 2 : i32
        %add3A_138 = arith.addi %add3A_136, %add3A_137 : i32
        %dma_start3A_139 = arith.constant 0 : i32
        %dma_start3A_140 = arith.constant 0 : i32
        %dma_start3A_141 = arith.constant 0 : i32
        %dma_start3A_142 = tpu.memref_slice %arg6[%dma_start3A_139, %dma_start3A_140, %dma_start3A_141] : memref<2x2x128xi32, #tpu.memory_space<vmem>> -> memref<1x2x128xi32, #tpu.memory_space<vmem>>
        %dma_start3A_143 = tpu.memref_squeeze %dma_start3A_142 : memref<1x2x128xi32, #tpu.memory_space<vmem>> -> memref<2x128xi32, #tpu.memory_space<vmem>>
        %dma_start3A_144 = arith.constant 0 : i32
        %dma_start3A_145 = arith.constant 0 : i32
        %dma_start3A_146 = tpu.memref_slice %arg3[%add3A_138, %dma_start3A_144, %dma_start3A_145] : memref<2560x2x128xi32, #tpu.memory_space<hbm>> -> memref<1x2x128xi32, #tpu.memory_space<hbm>>
        %dma_start3A_147 = tpu.memref_squeeze %dma_start3A_146 : memref<1x2x128xi32, #tpu.memory_space<hbm>> -> memref<2x128xi32, #tpu.memory_space<hbm>>
        %dma_start3A_148 = arith.constant 0 : i32
        %dma_start3A_149 = arith.constant 0 : i32
        %dma_start3A_150 = tpu.memref_slice %arg6[%dma_start3A_139, %dma_start3A_148, %dma_start3A_149] : memref<2x2x128xi32, #tpu.memory_space<vmem>> -> memref<1x2x128xi32, #tpu.memory_space<vmem>>
        %dma_start3A_151 = tpu.memref_squeeze %dma_start3A_150 : memref<1x2x128xi32, #tpu.memory_space<vmem>> -> memref<2x128xi32, #tpu.memory_space<vmem>>
        %dma_start3A_152 = arith.constant 0 : i32
        %dma_start3A_153 = arith.constant 0 : i32
        %dma_start3A_154 = tpu.memref_slice %arg3[%add3A_138, %dma_start3A_152, %dma_start3A_153] : memref<2560x2x128xi32, #tpu.memory_space<hbm>> -> memref<1x2x128xi32, #tpu.memory_space<hbm>>
        %dma_start3A_155 = tpu.memref_squeeze %dma_start3A_154 : memref<1x2x128xi32, #tpu.memory_space<hbm>> -> memref<2x128xi32, #tpu.memory_space<hbm>>
        tpu.enqueue_dma source(%dma_start3A_155 : memref<2x128xi32, #tpu.memory_space<hbm>>) target(%dma_start3A_151 : memref<2x128xi32, #tpu.memory_space<vmem>>) target_semaphore(%arg10 : memref<!tpu.dma_semaphore, #tpu.memory_space<semaphore_mem>>)
      } else {
      }
      %mul3A_104 = arith.constant 2 : i32
      %mul3A_105 = arith.muli %while3A_75, %mul3A_104 : i32
      %add3A_106 = arith.constant 1 : i32
      %add3A_107 = arith.addi %mul3A_105, %add3A_106 : i32
      %add3A_108 = arith.constant 1 : i32
      %add3A_109 = arith.addi %add3A_107, %add3A_108 : i32
      %lt3A_110 = arith.cmpi slt, %add3A_109, %select_n3A_8 : i32
      %convert_element_type3A_111 = arith.extui %lt3A_110 : i1 to i32
      %cond3A_112 = arith.constant 0 : i32
      %cond3A_113 = arith.cmpi ne, %convert_element_type3A_111, %cond3A_112 : i32
      scf.if %cond3A_113 {
        %add3A_136 = arith.addi %select_n3A, %add3A_107 : i32
        %add3A_137 = arith.constant 1 : i32
        %add3A_138 = arith.addi %add3A_136, %add3A_137 : i32
        %dma_wait3A_139 = arith.constant 0 : i32
        %dma_wait3A_140 = arith.constant 0 : i32
        %dma_wait3A_141 = arith.constant 0 : i32
        %dma_wait3A_142 = tpu.memref_slice %arg6[%dma_wait3A_139, %dma_wait3A_140, %dma_wait3A_141] : memref<2x2x128xi32, #tpu.memory_space<vmem>> -> memref<1x2x128xi32, #tpu.memory_space<vmem>>
        %dma_wait3A_143 = tpu.memref_squeeze %dma_wait3A_142 : memref<1x2x128xi32, #tpu.memory_space<vmem>> -> memref<2x128xi32, #tpu.memory_space<vmem>>
        %dma_wait3A_144 = arith.constant 0 : i32
        %dma_wait3A_145 = arith.constant 0 : i32
        %dma_wait3A_146 = tpu.memref_slice %arg3[%add3A_138, %dma_wait3A_144, %dma_wait3A_145] : memref<2560x2x128xi32, #tpu.memory_space<hbm>> -> memref<1x2x128xi32, #tpu.memory_space<hbm>>
        %dma_wait3A_147 = tpu.memref_squeeze %dma_wait3A_146 : memref<1x2x128xi32, #tpu.memory_space<hbm>> -> memref<2x128xi32, #tpu.memory_space<hbm>>
        %dma_wait3A_148 = arith.constant 0 : i32
        %dma_wait3A_149 = arith.constant 0 : i32
        %dma_wait3A_150 = tpu.memref_slice %arg6[%dma_wait3A_139, %dma_wait3A_148, %dma_wait3A_149] : memref<2x2x128xi32, #tpu.memory_space<vmem>> -> memref<1x2x128xi32, #tpu.memory_space<vmem>>
        %dma_wait3A_151 = tpu.memref_squeeze %dma_wait3A_150 : memref<1x2x128xi32, #tpu.memory_space<vmem>> -> memref<2x128xi32, #tpu.memory_space<vmem>>
        %dma_wait3A_152 = arith.constant 0 : i32
        %dma_wait3A_153 = arith.constant 0 : i32
        %dma_wait3A_154 = tpu.memref_slice %arg3[%add3A_138, %dma_wait3A_152, %dma_wait3A_153] : memref<2560x2x128xi32, #tpu.memory_space<hbm>> -> memref<1x2x128xi32, #tpu.memory_space<hbm>>
        %dma_wait3A_155 = tpu.memref_squeeze %dma_wait3A_154 : memref<1x2x128xi32, #tpu.memory_space<hbm>> -> memref<2x128xi32, #tpu.memory_space<hbm>>
        tpu.wait_dma2 semaphore(%arg10 : memref<!tpu.dma_semaphore, #tpu.memory_space<semaphore_mem>>) src(%dma_wait3A_155 : memref<2x128xi32, #tpu.memory_space<hbm>>) dst(%dma_wait3A_151 : memref<2x128xi32, #tpu.memory_space<vmem>>)
        %dma_start3A_156 = arith.constant 0 : i32
        %dma_start3A_157 = arith.constant 0 : i32
        %dma_start3A_158 = arith.constant 0 : i32
        %dma_start3A_159 = arith.constant 0 : i32
        %dma_start3A_160 = arith.constant 0 : i32
        %dma_start3A_161 = tpu.memref_slice %arg7[%dma_start3A_158, %dma_start3A_159, %dma_start3A_160] : memref<2x128x128xf32, #tpu.memory_space<vmem>> -> memref<1x128x128xf32, #tpu.memory_space<vmem>>
        %dma_start3A_162 = tpu.memref_squeeze %dma_start3A_161 : memref<1x128x128xf32, #tpu.memory_space<vmem>> -> memref<128x128xf32, #tpu.memory_space<vmem>>
        %dma_start3A_163 = arith.constant 0 : i32
        %dma_start3A_164 = tpu.memref_slice %arg6[%dma_start3A_156, %dma_start3A_157, %dma_start3A_163] : memref<2x2x128xi32, #tpu.memory_space<vmem>> -> memref<1x1x128xi32, #tpu.memory_space<vmem>>
        %dma_start3A_165 = tpu.memref_squeeze %dma_start3A_164 : memref<1x1x128xi32, #tpu.memory_space<vmem>> -> memref<128xi32, #tpu.memory_space<vmem>>
        %dma_start3A_166 = arith.constant 0 : i32
        %dma_start3A_167 = arith.constant 0 : i32
        %dma_start3A_168 = tpu.memref_slice %arg2[%dma_start3A_166, %dma_start3A_167] : memref<10000x128xf32, #tpu.memory_space<hbm>> -> memref<10000x128xf32, #tpu.memory_space<hbm>>
        tpu.enqueue_indirect_dma source(%dma_start3A_168 : memref<10000x128xf32, #tpu.memory_space<hbm>>) target(%dma_start3A_162 : memref<128x128xf32, #tpu.memory_space<vmem>>) offsets(%dma_start3A_165 : memref<128xi32, #tpu.memory_space<vmem>>) semaphore(%arg12 : memref<!tpu.dma_semaphore, #tpu.memory_space<semaphore_mem>>)
      } else {
      }
      %dma_wait3A_114 = arith.constant 1 : i32
      %dma_wait3A_115 = arith.constant 0 : i32
      %dma_wait3A_116 = arith.constant 1 : i32
      %dma_wait3A_117 = arith.constant 0 : i32
      %dma_wait3A_118 = arith.constant 0 : i32
      %dma_wait3A_119 = tpu.memref_slice %arg7[%dma_wait3A_116, %dma_wait3A_117, %dma_wait3A_118] : memref<2x128x128xf32, #tpu.memory_space<vmem>> -> memref<1x128x128xf32, #tpu.memory_space<vmem>>
      %dma_wait3A_120 = tpu.memref_squeeze %dma_wait3A_119 : memref<1x128x128xf32, #tpu.memory_space<vmem>> -> memref<128x128xf32, #tpu.memory_space<vmem>>
      %dma_wait3A_121 = arith.constant 0 : i32
      %dma_wait3A_122 = tpu.memref_slice %arg6[%dma_wait3A_114, %dma_wait3A_115, %dma_wait3A_121] : memref<2x2x128xi32, #tpu.memory_space<vmem>> -> memref<1x1x128xi32, #tpu.memory_space<vmem>>
      %dma_wait3A_123 = tpu.memref_squeeze %dma_wait3A_122 : memref<1x1x128xi32, #tpu.memory_space<vmem>> -> memref<128xi32, #tpu.memory_space<vmem>>
      %dma_wait3A_124 = arith.constant 0 : i32
      %dma_wait3A_125 = arith.constant 0 : i32
      %dma_wait3A_126 = tpu.memref_slice %arg2[%dma_wait3A_124, %dma_wait3A_125] : memref<10000x128xf32, #tpu.memory_space<hbm>> -> memref<10000x128xf32, #tpu.memory_space<hbm>>
      tpu.wait_indirect_dma semaphore(%arg13 : memref<!tpu.dma_semaphore, #tpu.memory_space<semaphore_mem>>) src(%dma_wait3A_126 : memref<10000x128xf32, #tpu.memory_space<hbm>>) dst(%dma_wait3A_120 : memref<128x128xf32, #tpu.memory_space<vmem>>)
      %run_scoped3A_127 = arith.constant 1 : i32
      %run_scoped3A_128 = arith.constant 1 : i32
      %run_scoped3A_129 = arith.constant 1 : i32
      "tpu.region"() ({
        %run_scoped3A_136 = tpu.sem_alloc : memref<!tpu.dma_semaphore, #tpu.memory_space<semaphore_mem>>
        %dma_start3A_137 = arith.constant 0 : i32
        %dma_start3A_138 = arith.constant 0 : i32
        %dma_start3A_139 = tpu.memref_slice %arg7[%run_scoped3A_127, %dma_start3A_137, %dma_start3A_138] : memref<2x128x128xf32, #tpu.memory_space<vmem>> -> memref<1x128x128xf32, #tpu.memory_space<vmem>>
        %dma_start3A_140 = tpu.memref_squeeze %dma_start3A_139 : memref<1x128x128xf32, #tpu.memory_space<vmem>> -> memref<128x128xf32, #tpu.memory_space<vmem>>
        %dma_start3A_141 = arith.constant 0 : i32
        %dma_start3A_142 = tpu.memref_slice %arg6[%run_scoped3A_128, %run_scoped3A_129, %dma_start3A_141] : memref<2x2x128xi32, #tpu.memory_space<vmem>> -> memref<1x1x128xi32, #tpu.memory_space<vmem>>
        %dma_start3A_143 = tpu.memref_squeeze %dma_start3A_142 : memref<1x1x128xi32, #tpu.memory_space<vmem>> -> memref<128xi32, #tpu.memory_space<vmem>>
        %dma_start3A_144 = arith.constant 0 : i32
        %dma_start3A_145 = arith.constant 0 : i32
        %dma_start3A_146 = tpu.memref_slice %arg9[%dma_start3A_144, %dma_start3A_145] : memref<10112x128xf32, #tpu.memory_space<vmem_shared>> -> memref<10112x128xf32, #tpu.memory_space<vmem_shared>>
        tpu.enqueue_indirect_dma source(%dma_start3A_140 : memref<128x128xf32, #tpu.memory_space<vmem>>) target(%dma_start3A_146 : memref<10112x128xf32, #tpu.memory_space<vmem_shared>>) offsets(%dma_start3A_143 : memref<128xi32, #tpu.memory_space<vmem>>) semaphore(%run_scoped3A_136 : memref<!tpu.dma_semaphore, #tpu.memory_space<semaphore_mem>>) {add = true}
        %dma_wait3A_147 = arith.constant 0 : i32
        %dma_wait3A_148 = arith.constant 0 : i32
        %dma_wait3A_149 = tpu.memref_slice %arg7[%run_scoped3A_127, %dma_wait3A_147, %dma_wait3A_148] : memref<2x128x128xf32, #tpu.memory_space<vmem>> -> memref<1x128x128xf32, #tpu.memory_space<vmem>>
        %dma_wait3A_150 = tpu.memref_squeeze %dma_wait3A_149 : memref<1x128x128xf32, #tpu.memory_space<vmem>> -> memref<128x128xf32, #tpu.memory_space<vmem>>
        %dma_wait3A_151 = arith.constant 0 : i32
        %dma_wait3A_152 = tpu.memref_slice %arg6[%run_scoped3A_128, %run_scoped3A_129, %dma_wait3A_151] : memref<2x2x128xi32, #tpu.memory_space<vmem>> -> memref<1x1x128xi32, #tpu.memory_space<vmem>>
        %dma_wait3A_153 = tpu.memref_squeeze %dma_wait3A_152 : memref<1x1x128xi32, #tpu.memory_space<vmem>> -> memref<128xi32, #tpu.memory_space<vmem>>
        %dma_wait3A_154 = arith.constant 0 : i32
        %dma_wait3A_155 = arith.constant 0 : i32
        %dma_wait3A_156 = tpu.memref_slice %arg9[%dma_wait3A_154, %dma_wait3A_155] : memref<10112x128xf32, #tpu.memory_space<vmem_shared>> -> memref<10112x128xf32, #tpu.memory_space<vmem_shared>>
        tpu.wait_indirect_dma semaphore(%run_scoped3A_136 : memref<!tpu.dma_semaphore, #tpu.memory_space<semaphore_mem>>) src(%dma_wait3A_150 : memref<128x128xf32, #tpu.memory_space<vmem>>) dst(%dma_wait3A_156 : memref<10112x128xf32, #tpu.memory_space<vmem_shared>>)
        tpu.yield
      }) : () -> ()
      %add3A_130 = arith.constant 2 : i32
      %add3A_131 = arith.addi %add3A_107, %add3A_130 : i32
      %lt3A_132 = arith.cmpi slt, %add3A_131, %select_n3A_8 : i32
      %convert_element_type3A_133 = arith.extui %lt3A_132 : i1 to i32
      %cond3A_134 = arith.constant 0 : i32
      %cond3A_135 = arith.cmpi ne, %convert_element_type3A_133, %cond3A_134 : i32
      scf.if %cond3A_135 {
        %add3A_136 = arith.addi %select_n3A, %add3A_107 : i32
        %add3A_137 = arith.constant 2 : i32
        %add3A_138 = arith.addi %add3A_136, %add3A_137 : i32
        %dma_start3A_139 = arith.constant 1 : i32
        %dma_start3A_140 = arith.constant 0 : i32
        %dma_start3A_141 = arith.constant 0 : i32
        %dma_start3A_142 = tpu.memref_slice %arg6[%dma_start3A_139, %dma_start3A_140, %dma_start3A_141] : memref<2x2x128xi32, #tpu.memory_space<vmem>> -> memref<1x2x128xi32, #tpu.memory_space<vmem>>
        %dma_start3A_143 = tpu.memref_squeeze %dma_start3A_142 : memref<1x2x128xi32, #tpu.memory_space<vmem>> -> memref<2x128xi32, #tpu.memory_space<vmem>>
        %dma_start3A_144 = arith.constant 0 : i32
        %dma_start3A_145 = arith.constant 0 : i32
        %dma_start3A_146 = tpu.memref_slice %arg3[%add3A_138, %dma_start3A_144, %dma_start3A_145] : memref<2560x2x128xi32, #tpu.memory_space<hbm>> -> memref<1x2x128xi32, #tpu.memory_space<hbm>>
        %dma_start3A_147 = tpu.memref_squeeze %dma_start3A_146 : memref<1x2x128xi32, #tpu.memory_space<hbm>> -> memref<2x128xi32, #tpu.memory_space<hbm>>
        %dma_start3A_148 = arith.constant 0 : i32
        %dma_start3A_149 = arith.constant 0 : i32
        %dma_start3A_150 = tpu.memref_slice %arg6[%dma_start3A_139, %dma_start3A_148, %dma_start3A_149] : memref<2x2x128xi32, #tpu.memory_space<vmem>> -> memref<1x2x128xi32, #tpu.memory_space<vmem>>
        %dma_start3A_151 = tpu.memref_squeeze %dma_start3A_150 : memref<1x2x128xi32, #tpu.memory_space<vmem>> -> memref<2x128xi32, #tpu.memory_space<vmem>>
        %dma_start3A_152 = arith.constant 0 : i32
        %dma_start3A_153 = arith.constant 0 : i32
        %dma_start3A_154 = tpu.memref_slice %arg3[%add3A_138, %dma_start3A_152, %dma_start3A_153] : memref<2560x2x128xi32, #tpu.memory_space<hbm>> -> memref<1x2x128xi32, #tpu.memory_space<hbm>>
        %dma_start3A_155 = tpu.memref_squeeze %dma_start3A_154 : memref<1x2x128xi32, #tpu.memory_space<hbm>> -> memref<2x128xi32, #tpu.memory_space<hbm>>
        tpu.enqueue_dma source(%dma_start3A_155 : memref<2x128xi32, #tpu.memory_space<hbm>>) target(%dma_start3A_151 : memref<2x128xi32, #tpu.memory_space<vmem>>) target_semaphore(%arg11 : memref<!tpu.dma_semaphore, #tpu.memory_space<semaphore_mem>>)
      } else {
      }
    }
    %barrier3A_74 = arith.constant 0 : index
    tpu.barrier barrier_id(%barrier3A_74)
    "tpu.region"() ({
      %run_scoped3A_75 = tpu.sem_alloc : memref<!tpu.dma_semaphore, #tpu.memory_space<semaphore_mem>>
      %dma_start3A_76 = arith.constant 0 : i32
      %dma_start3A_77 = tpu.memref_slice %arg5[%arg0, %mul3A_10, %dma_start3A_76] : memref<2x10112x128xf32, #tpu.memory_space<hbm>> -> memref<1x632x128xf32, #tpu.memory_space<hbm>>
      %dma_start3A_78 = tpu.memref_squeeze %dma_start3A_77 : memref<1x632x128xf32, #tpu.memory_space<hbm>> -> memref<632x128xf32, #tpu.memory_space<hbm>>
      %dma_start3A_79 = arith.constant 0 : i32
      %dma_start3A_80 = tpu.memref_slice %arg9[%mul3A_10, %dma_start3A_79] : memref<10112x128xf32, #tpu.memory_space<vmem_shared>> -> memref<632x128xf32, #tpu.memory_space<vmem_shared>>
      tpu.enqueue_dma source(%dma_start3A_80 : memref<632x128xf32, #tpu.memory_space<vmem_shared>>) target(%dma_start3A_78 : memref<632x128xf32, #tpu.memory_space<hbm>>) target_semaphore(%run_scoped3A_75 : memref<!tpu.dma_semaphore, #tpu.memory_space<semaphore_mem>>)
      %dma_wait3A = arith.constant 0 : i32
      %dma_wait3A_81 = tpu.memref_slice %arg5[%arg0, %mul3A_10, %dma_wait3A] : memref<2x10112x128xf32, #tpu.memory_space<hbm>> -> memref<1x632x128xf32, #tpu.memory_space<hbm>>
      %dma_wait3A_82 = tpu.memref_squeeze %dma_wait3A_81 : memref<1x632x128xf32, #tpu.memory_space<hbm>> -> memref<632x128xf32, #tpu.memory_space<hbm>>
      %dma_wait3A_83 = arith.constant 0 : i32
      %dma_wait3A_84 = tpu.memref_slice %arg9[%mul3A_10, %dma_wait3A_83] : memref<10112x128xf32, #tpu.memory_space<vmem_shared>> -> memref<632x128xf32, #tpu.memory_space<vmem_shared>>
      tpu.wait_dma2 semaphore(%run_scoped3A_75 : memref<!tpu.dma_semaphore, #tpu.memory_space<semaphore_mem>>) src(%dma_wait3A_84 : memref<632x128xf32, #tpu.memory_space<vmem_shared>>) dst(%dma_wait3A_82 : memref<632x128xf32, #tpu.memory_space<hbm>>)
      tpu.yield
    }) : () -> ()
    return
  }
}

module attributes {stable_mosaic.version = 14 : i64} {
  func.func @_h_body(%arg0: memref<10000x128xf32, #tpu.memory_space<vmem>>, %arg1: memref<128x128xf32, #tpu.memory_space<vmem>>, %arg2: memref<1x128xf32, #tpu.memory_space<vmem>>, %arg3: memref<10000x128xf32, #tpu.memory_space<vmem>>) attributes {dimension_semantics = [], scalar_prefetch = 0 : i64, scratch_operands = 0 : i64, tpu.core_type = #tpu.core_type<tc>} {
    %get3A = arith.constant 0 : index
    %get3A_0 = arith.constant 0 : index
    %get3A_1 = vector.load %arg0[%get3A, %get3A_0] : memref<10000x128xf32, #tpu.memory_space<vmem>>, vector<10000x128xf32>
    %get3A_2 = arith.constant 0 : index
    %get3A_3 = arith.constant 0 : index
    %get3A_4 = vector.load %arg1[%get3A_2, %get3A_3] : memref<128x128xf32, #tpu.memory_space<vmem>>, vector<128x128xf32>
    %dot_general3A = arith.constant dense<0.000000e+00> : vector<10000x128xf32>
    %dot_general3A_5 = tpu.matmul %get3A_1, %get3A_4, %dot_general3A {dimension_numbers = #tpu.dot_dimension_numbers<[1], [0], [0], [1], [0, 0, 1, 1], [], []>, transpose_lhs_hint = false} : vector<10000x128xf32>, vector<128x128xf32>, vector<10000x128xf32> -> vector<10000x128xf32>
    %get3A_6 = arith.constant 0 : index
    %get3A_7 = arith.constant 0 : index
    %get3A_8 = vector.load %arg2[%get3A_6, %get3A_7] : memref<1x128xf32, #tpu.memory_space<vmem>>, vector<1x128xf32>
    %add3A = vector.broadcast %get3A_8 : vector<1x128xf32> to vector<10000x128xf32>
    %add3A_9 = arith.addf %dot_general3A_5, %add3A : vector<10000x128xf32>
    %max3A = arith.constant 0.000000e+00 : f32
    %max3A_10 = vector.broadcast %max3A : f32 to vector<10000x128xf32>
    %max3A_11 = arith.maximumf %add3A_9, %max3A_10 : vector<10000x128xf32>
    %swap3A = arith.constant 0 : index
    %swap3A_12 = arith.constant 0 : index
    %swap3A_13 = vector.load %arg3[%swap3A, %swap3A_12] : memref<10000x128xf32, #tpu.memory_space<vmem>>, vector<10000x128xf32>
    tpu.vector_store %arg3[%swap3A, %swap3A_12], %max3A_11 {strides = array<i32>} : memref<10000x128xf32, #tpu.memory_space<vmem>>, vector<10000x128xf32>,
    return
  }
}

module attributes {stable_mosaic.version = 14 : i64} {
  func.func @_prep_body(%arg0: memref<2x10112x128xf32, #tpu.memory_space<vmem>>, %arg1: memref<10000x128xf32, #tpu.memory_space<vmem>>, %arg2: memref<4x128x128xf32, #tpu.memory_space<vmem>>, %arg3: memref<10000x1xf32, #tpu.memory_space<vmem>>, %arg4: memref<4x10000x128xf32, #tpu.memory_space<vmem>>) attributes {dimension_semantics = [], scalar_prefetch = 0 : i64, scratch_operands = 0 : i64, tpu.core_type = #tpu.core_type<tc>} {
    %get3A = arith.constant 0 : index
    %get3A_0 = arith.constant 0 : index
    %get3A_1 = arith.constant 0 : index
    %get3A_2 = vector.load %arg0[%get3A, %get3A_0, %get3A_1] : memref<2x10112x128xf32, #tpu.memory_space<vmem>>, vector<1x10000x1xf32>
    %get3A_3 = vector.shape_cast %get3A_2 : vector<1x10000x1xf32> to vector<10000x1xf32>
    %get3A_4 = arith.constant 1 : index
    %get3A_5 = arith.constant 0 : index
    %get3A_6 = arith.constant 0 : index
    %get3A_7 = vector.load %arg0[%get3A_4, %get3A_5, %get3A_6] : memref<2x10112x128xf32, #tpu.memory_space<vmem>>, vector<1x10000x1xf32>
    %get3A_8 = vector.shape_cast %get3A_7 : vector<1x10000x1xf32> to vector<10000x1xf32>
    %add3A = arith.addf %get3A_3, %get3A_8 : vector<10000x1xf32>
    %add3A_9 = arith.constant 1.000000e+00 : f32
    %add3A_10 = vector.broadcast %add3A_9 : f32 to vector<10000x1xf32>
    %add3A_11 = arith.addf %add3A, %add3A_10 : vector<10000x1xf32>
    %rsqrt3A = math.rsqrt %add3A_11 : vector<10000x1xf32>
    %swap3A = arith.constant 0 : index
    %swap3A_12 = arith.constant 0 : index
    %swap3A_13 = vector.load %arg3[%swap3A, %swap3A_12] : memref<10000x1xf32, #tpu.memory_space<vmem>>, vector<10000x1xf32>
    tpu.vector_store %arg3[%swap3A, %swap3A_12], %rsqrt3A {strides = array<i32>} : memref<10000x1xf32, #tpu.memory_space<vmem>>, vector<10000x1xf32>,
    %get3A_14 = arith.constant 0 : index
    %get3A_15 = arith.constant 0 : index
    %get3A_16 = vector.load %arg1[%get3A_14, %get3A_15] : memref<10000x128xf32, #tpu.memory_space<vmem>>, vector<10000x128xf32>
    %mul3A = arith.constant 5.000000e-01 : f32
    %mul3A_17 = vector.broadcast %mul3A : f32 to vector<10000x128xf32>
    %mul3A_18 = arith.mulf %mul3A_17, %get3A_16 : vector<10000x128xf32>
    %get3A_19 = arith.constant 0 : index
    %get3A_20 = arith.constant 0 : index
    %get3A_21 = arith.constant 0 : index
    %get3A_22 = vector.load %arg2[%get3A_19, %get3A_20, %get3A_21] : memref<4x128x128xf32, #tpu.memory_space<vmem>>, vector<1x128x128xf32>
    %get3A_23 = vector.shape_cast %get3A_22 : vector<1x128x128xf32> to vector<128x128xf32>
    %dot_general3A = arith.constant dense<0.000000e+00> : vector<10000x128xf32>
    %dot_general3A_24 = tpu.matmul %get3A_16, %get3A_23, %dot_general3A {dimension_numbers = #tpu.dot_dimension_numbers<[1], [0], [0], [1], [0, 0, 1, 1], [], []>, transpose_lhs_hint = false} : vector<10000x128xf32>, vector<128x128xf32>, vector<10000x128xf32> -> vector<10000x128xf32>
    %add3A_25 = arith.addf %mul3A_18, %dot_general3A_24 : vector<10000x128xf32>
    %swap3A_26 = arith.constant 0 : index
    %swap3A_27 = arith.constant 0 : index
    %swap3A_28 = arith.constant 0 : index
    %swap3A_29 = vector.load %arg4[%swap3A_26, %swap3A_27, %swap3A_28] : memref<4x10000x128xf32, #tpu.memory_space<vmem>>, vector<1x10000x128xf32>
    %swap3A_30 = vector.shape_cast %swap3A_29 : vector<1x10000x128xf32> to vector<10000x128xf32>
    %swap3A_31 = vector.shape_cast %add3A_25 : vector<10000x128xf32> to vector<1x10000x128xf32>
    tpu.vector_store %arg4[%swap3A_26, %swap3A_27, %swap3A_28], %swap3A_31 {strides = array<i32>} : memref<4x10000x128xf32, #tpu.memory_space<vmem>>, vector<1x10000x128xf32>,
    %mul3A_32 = arith.constant 5.000000e-01 : f32
    %mul3A_33 = vector.broadcast %mul3A_32 : f32 to vector<10000x128xf32>
    %mul3A_34 = arith.mulf %mul3A_33, %get3A_16 : vector<10000x128xf32>
    %get3A_35 = arith.constant 1 : index
    %get3A_36 = arith.constant 0 : index
    %get3A_37 = arith.constant 0 : index
    %get3A_38 = vector.load %arg2[%get3A_35, %get3A_36, %get3A_37] : memref<4x128x128xf32, #tpu.memory_space<vmem>>, vector<1x128x128xf32>
    %get3A_39 = vector.shape_cast %get3A_38 : vector<1x128x128xf32> to vector<128x128xf32>
    %dot_general3A_40 = arith.constant dense<0.000000e+00> : vector<10000x128xf32>
    %dot_general3A_41 = tpu.matmul %get3A_16, %get3A_39, %dot_general3A_40 {dimension_numbers = #tpu.dot_dimension_numbers<[1], [0], [0], [1], [0, 0, 1, 1], [], []>, transpose_lhs_hint = false} : vector<10000x128xf32>, vector<128x128xf32>, vector<10000x128xf32> -> vector<10000x128xf32>
    %add3A_42 = arith.addf %mul3A_34, %dot_general3A_41 : vector<10000x128xf32>
    %swap3A_43 = arith.constant 1 : index
    %swap3A_44 = arith.constant 0 : index
    %swap3A_45 = arith.constant 0 : index
    %swap3A_46 = vector.load %arg4[%swap3A_43, %swap3A_44, %swap3A_45] : memref<4x10000x128xf32, #tpu.memory_space<vmem>>, vector<1x10000x128xf32>
    %swap3A_47 = vector.shape_cast %swap3A_46 : vector<1x10000x128xf32> to vector<10000x128xf32>
    %swap3A_48 = vector.shape_cast %add3A_42 : vector<10000x128xf32> to vector<1x10000x128xf32>
    tpu.vector_store %arg4[%swap3A_43, %swap3A_44, %swap3A_45], %swap3A_48 {strides = array<i32>} : memref<4x10000x128xf32, #tpu.memory_space<vmem>>, vector<1x10000x128xf32>,
    %mul3A_49 = arith.constant 5.000000e-01 : f32
    %mul3A_50 = vector.broadcast %mul3A_49 : f32 to vector<10000x128xf32>
    %mul3A_51 = arith.mulf %mul3A_50, %get3A_16 : vector<10000x128xf32>
    %get3A_52 = arith.constant 2 : index
    %get3A_53 = arith.constant 0 : index
    %get3A_54 = arith.constant 0 : index
    %get3A_55 = vector.load %arg2[%get3A_52, %get3A_53, %get3A_54] : memref<4x128x128xf32, #tpu.memory_space<vmem>>, vector<1x128x128xf32>
    %get3A_56 = vector.shape_cast %get3A_55 : vector<1x128x128xf32> to vector<128x128xf32>
    %dot_general3A_57 = arith.constant dense<0.000000e+00> : vector<10000x128xf32>
    %dot_general3A_58 = tpu.matmul %get3A_16, %get3A_56, %dot_general3A_57 {dimension_numbers = #tpu.dot_dimension_numbers<[1], [0], [0], [1], [0, 0, 1, 1], [], []>, transpose_lhs_hint = false} : vector<10000x128xf32>, vector<128x128xf32>, vector<10000x128xf32> -> vector<10000x128xf32>
    %add3A_59 = arith.addf %mul3A_51, %dot_general3A_58 : vector<10000x128xf32>
    %swap3A_60 = arith.constant 2 : index
    %swap3A_61 = arith.constant 0 : index
    %swap3A_62 = arith.constant 0 : index
    %swap3A_63 = vector.load %arg4[%swap3A_60, %swap3A_61, %swap3A_62] : memref<4x10000x128xf32, #tpu.memory_space<vmem>>, vector<1x10000x128xf32>
    %swap3A_64 = vector.shape_cast %swap3A_63 : vector<1x10000x128xf32> to vector<10000x128xf32>
    %swap3A_65 = vector.shape_cast %add3A_59 : vector<10000x128xf32> to vector<1x10000x128xf32>
    tpu.vector_store %arg4[%swap3A_60, %swap3A_61, %swap3A_62], %swap3A_65 {strides = array<i32>} : memref<4x10000x128xf32, #tpu.memory_space<vmem>>, vector<1x10000x128xf32>,
    %mul3A_66 = arith.constant 5.000000e-01 : f32
    %mul3A_67 = vector.broadcast %mul3A_66 : f32 to vector<10000x128xf32>
    %mul3A_68 = arith.mulf %mul3A_67, %get3A_16 : vector<10000x128xf32>
    %get3A_69 = arith.constant 3 : index
    %get3A_70 = arith.constant 0 : index
    %get3A_71 = arith.constant 0 : index
    %get3A_72 = vector.load %arg2[%get3A_69, %get3A_70, %get3A_71] : memref<4x128x128xf32, #tpu.memory_space<vmem>>, vector<1x128x128xf32>
    %get3A_73 = vector.shape_cast %get3A_72 : vector<1x128x128xf32> to vector<128x128xf32>
    %dot_general3A_74 = arith.constant dense<0.000000e+00> : vector<10000x128xf32>
    %dot_general3A_75 = tpu.matmul %get3A_16, %get3A_73, %dot_general3A_74 {dimension_numbers = #tpu.dot_dimension_numbers<[1], [0], [0], [1], [0, 0, 1, 1], [], []>, transpose_lhs_hint = false} : vector<10000x128xf32>, vector<128x128xf32>, vector<10000x128xf32> -> vector<10000x128xf32>
    %add3A_76 = arith.addf %mul3A_68, %dot_general3A_75 : vector<10000x128xf32>
    %swap3A_77 = arith.constant 3 : index
    %swap3A_78 = arith.constant 0 : index
    %swap3A_79 = arith.constant 0 : index
    %swap3A_80 = vector.load %arg4[%swap3A_77, %swap3A_78, %swap3A_79] : memref<4x10000x128xf32, #tpu.memory_space<vmem>>, vector<1x10000x128xf32>
    %swap3A_81 = vector.shape_cast %swap3A_80 : vector<1x10000x128xf32> to vector<10000x128xf32>
    %swap3A_82 = vector.shape_cast %add3A_76 : vector<10000x128xf32> to vector<1x10000x128xf32>
    tpu.vector_store %arg4[%swap3A_77, %swap3A_78, %swap3A_79], %swap3A_82 {strides = array<i32>} : memref<4x10000x128xf32, #tpu.memory_space<vmem>>, vector<1x10000x128xf32>,
    return
  }
}

module attributes {stable_mosaic.version = 14 : i64} {
  func.func @_pre_body(%arg0: memref<10000x128xf32, #tpu.memory_space<vmem>>, %arg1: memref<128x128xf32, #tpu.memory_space<vmem>>, %arg2: memref<10000x1xf32, #tpu.memory_space<vmem>>, %arg3: memref<10000x128xf32, #tpu.memory_space<vmem>>, %arg4: memref<10000x128xf32, #tpu.memory_space<vmem>>) attributes {dimension_semantics = [], scalar_prefetch = 0 : i64, scratch_operands = 0 : i64, tpu.core_type = #tpu.core_type<tc>} {
    %get3A = arith.constant 0 : index
    %get3A_0 = arith.constant 0 : index
    %get3A_1 = vector.load %arg0[%get3A, %get3A_0] : memref<10000x128xf32, #tpu.memory_space<vmem>>, vector<10000x128xf32>
    %get3A_2 = arith.constant 0 : index
    %get3A_3 = arith.constant 0 : index
    %get3A_4 = vector.load %arg1[%get3A_2, %get3A_3] : memref<128x128xf32, #tpu.memory_space<vmem>>, vector<128x128xf32>
    %dot_general3A = arith.constant dense<0.000000e+00> : vector<10000x128xf32>
    %dot_general3A_5 = tpu.matmul %get3A_1, %get3A_4, %dot_general3A {dimension_numbers = #tpu.dot_dimension_numbers<[1], [0], [0], [1], [0, 0, 1, 1], [], []>, transpose_lhs_hint = false} : vector<10000x128xf32>, vector<128x128xf32>, vector<10000x128xf32> -> vector<10000x128xf32>
    %add3A = arith.addf %get3A_1, %dot_general3A_5 : vector<10000x128xf32>
    %swap3A = arith.constant 0 : index
    %swap3A_6 = arith.constant 0 : index
    %swap3A_7 = vector.load %arg3[%swap3A, %swap3A_6] : memref<10000x128xf32, #tpu.memory_space<vmem>>, vector<10000x128xf32>
    tpu.vector_store %arg3[%swap3A, %swap3A_6], %add3A {strides = array<i32>} : memref<10000x128xf32, #tpu.memory_space<vmem>>, vector<10000x128xf32>,
    %get3A_8 = arith.constant 0 : index
    %get3A_9 = arith.constant 0 : index
    %get3A_10 = vector.load %arg2[%get3A_8, %get3A_9] : memref<10000x1xf32, #tpu.memory_space<vmem>>, vector<10000x1xf32>
    %mul3A = vector.broadcast %get3A_10 : vector<10000x1xf32> to vector<10000x128xf32>
    %mul3A_11 = arith.mulf %mul3A, %add3A : vector<10000x128xf32>
    %swap3A_12 = arith.constant 0 : index
    %swap3A_13 = arith.constant 0 : index
    %swap3A_14 = vector.load %arg4[%swap3A_12, %swap3A_13] : memref<10000x128xf32, #tpu.memory_space<vmem>>, vector<10000x128xf32>
    tpu.vector_store %arg4[%swap3A_12, %swap3A_13], %mul3A_11 {strides = array<i32>} : memref<10000x128xf32, #tpu.memory_space<vmem>>, vector<10000x128xf32>,
    return
  }
}

module attributes {stable_mosaic.version = 14 : i64} {
  func.func @_post_body(%arg0: memref<2x10112x128xf32, #tpu.memory_space<vmem>>, %arg1: memref<10000x128xf32, #tpu.memory_space<vmem>>, %arg2: memref<10000x128xf32, #tpu.memory_space<vmem>>, %arg3: memref<10000x1xf32, #tpu.memory_space<vmem>>, %arg4: memref<1x128xf32, #tpu.memory_space<vmem>>, %arg5: memref<1x128xf32, #tpu.memory_space<vmem>>, %arg6: memref<10000x128xf32, #tpu.memory_space<vmem>>, %arg7: memref<10000x128xf32, #tpu.memory_space<vmem>>) attributes {dimension_semantics = [], scalar_prefetch = 0 : i64, scratch_operands = 0 : i64, tpu.core_type = #tpu.core_type<tc>} {
    %get3A = arith.constant 0 : index
    %get3A_0 = arith.constant 0 : index
    %get3A_1 = vector.load %arg3[%get3A, %get3A_0] : memref<10000x1xf32, #tpu.memory_space<vmem>>, vector<10000x1xf32>
    %get3A_2 = arith.constant 0 : index
    %get3A_3 = arith.constant 0 : index
    %get3A_4 = arith.constant 0 : index
    %get3A_5 = vector.load %arg0[%get3A_2, %get3A_3, %get3A_4] : memref<2x10112x128xf32, #tpu.memory_space<vmem>>, vector<1x10000x128xf32>
    %get3A_6 = vector.shape_cast %get3A_5 : vector<1x10000x128xf32> to vector<10000x128xf32>
    %get3A_7 = arith.constant 1 : index
    %get3A_8 = arith.constant 0 : index
    %get3A_9 = arith.constant 0 : index
    %get3A_10 = vector.load %arg0[%get3A_7, %get3A_8, %get3A_9] : memref<2x10112x128xf32, #tpu.memory_space<vmem>>, vector<1x10000x128xf32>
    %get3A_11 = vector.shape_cast %get3A_10 : vector<1x10000x128xf32> to vector<10000x128xf32>
    %add3A = arith.addf %get3A_6, %get3A_11 : vector<10000x128xf32>
    %mul3A = vector.broadcast %get3A_1 : vector<10000x1xf32> to vector<10000x128xf32>
    %mul3A_12 = arith.mulf %mul3A, %add3A : vector<10000x128xf32>
    %mul3A_13 = arith.mulf %get3A_1, %get3A_1 : vector<10000x1xf32>
    %get3A_14 = arith.constant 0 : index
    %get3A_15 = arith.constant 0 : index
    %get3A_16 = vector.load %arg1[%get3A_14, %get3A_15] : memref<10000x128xf32, #tpu.memory_space<vmem>>, vector<10000x128xf32>
    %mul3A_17 = vector.broadcast %mul3A_13 : vector<10000x1xf32> to vector<10000x128xf32>
    %mul3A_18 = arith.mulf %mul3A_17, %get3A_16 : vector<10000x128xf32>
    %add3A_19 = arith.addf %mul3A_12, %mul3A_18 : vector<10000x128xf32>
    %get3A_20 = arith.constant 0 : index
    %get3A_21 = arith.constant 0 : index
    %get3A_22 = vector.load %arg2[%get3A_20, %get3A_21] : memref<10000x128xf32, #tpu.memory_space<vmem>>, vector<10000x128xf32>
    %add3A_23 = arith.addf %add3A_19, %get3A_22 : vector<10000x128xf32>
    %reduce_sum3A = arith.constant dense<0.000000e+00> : vector<128xf32>
    %reduce_sum3A_24 = vector.multi_reduction <add>, %add3A_23, %reduce_sum3A [0] : vector<10000x128xf32> to vector<128xf32>
    %broadcast_in_dim3A = vector.shape_cast %reduce_sum3A_24 : vector<128xf32> to vector<1x128xf32>
    %div3A = arith.constant 1.000000e+04 : f32
    %div3A_25 = vector.broadcast %div3A : f32 to vector<1x128xf32>
    %div3A_26 = arith.divf %broadcast_in_dim3A, %div3A_25 : vector<1x128xf32>
    %sub3A = vector.broadcast %div3A_26 : vector<1x128xf32> to vector<10000x128xf32>
    %sub3A_27 = arith.subf %add3A_23, %sub3A : vector<10000x128xf32>
    %sub3A_28 = vector.broadcast %div3A_26 : vector<1x128xf32> to vector<10000x128xf32>
    %sub3A_29 = arith.subf %add3A_23, %sub3A_28 : vector<10000x128xf32>
    %mul3A_30 = arith.mulf %sub3A_27, %sub3A_29 : vector<10000x128xf32>
    %reduce_sum3A_31 = arith.constant dense<0.000000e+00> : vector<128xf32>
    %reduce_sum3A_32 = vector.multi_reduction <add>, %mul3A_30, %reduce_sum3A_31 [0] : vector<10000x128xf32> to vector<128xf32>
    %broadcast_in_dim3A_33 = vector.shape_cast %reduce_sum3A_32 : vector<128xf32> to vector<1x128xf32>
    %div3A_34 = arith.constant 1.000000e+04 : f32
    %div3A_35 = vector.broadcast %div3A_34 : f32 to vector<1x128xf32>
    %div3A_36 = arith.divf %broadcast_in_dim3A_33, %div3A_35 : vector<1x128xf32>
    %get3A_37 = arith.constant 0 : index
    %get3A_38 = arith.constant 0 : index
    %get3A_39 = vector.load %arg4[%get3A_37, %get3A_38] : memref<1x128xf32, #tpu.memory_space<vmem>>, vector<1x128xf32>
    %sub3A_40 = vector.broadcast %div3A_26 : vector<1x128xf32> to vector<10000x128xf32>
    %sub3A_41 = arith.subf %add3A_23, %sub3A_40 : vector<10000x128xf32>
    %mul3A_42 = vector.broadcast %get3A_39 : vector<1x128xf32> to vector<10000x128xf32>
    %mul3A_43 = arith.mulf %mul3A_42, %sub3A_41 : vector<10000x128xf32>
    %add3A_44 = arith.constant 9.99999974E-6 : f32
    %add3A_45 = vector.broadcast %add3A_44 : f32 to vector<1x128xf32>
    %add3A_46 = arith.addf %div3A_36, %add3A_45 : vector<1x128xf32>
    %rsqrt3A = math.rsqrt %add3A_46 : vector<1x128xf32>
    %mul3A_47 = vector.broadcast %rsqrt3A : vector<1x128xf32> to vector<10000x128xf32>
    %mul3A_48 = arith.mulf %mul3A_43, %mul3A_47 : vector<10000x128xf32>
    %get3A_49 = arith.constant 0 : index
    %get3A_50 = arith.constant 0 : index
    %get3A_51 = vector.load %arg5[%get3A_49, %get3A_50] : memref<1x128xf32, #tpu.memory_space<vmem>>, vector<1x128xf32>
    %add3A_52 = vector.broadcast %get3A_51 : vector<1x128xf32> to vector<10000x128xf32>
    %add3A_53 = arith.addf %mul3A_48, %add3A_52 : vector<10000x128xf32>
    %max3A = arith.constant 0.000000e+00 : f32
    %max3A_54 = vector.broadcast %max3A : f32 to vector<10000x128xf32>
    %max3A_55 = arith.maximumf %add3A_53, %max3A_54 : vector<10000x128xf32>
    %get3A_56 = arith.constant 0 : index
    %get3A_57 = arith.constant 0 : index
    %get3A_58 = vector.load %arg6[%get3A_56, %get3A_57] : memref<10000x128xf32, #tpu.memory_space<vmem>>, vector<10000x128xf32>
    %add3A_59 = arith.addf %max3A_55, %get3A_58 : vector<10000x128xf32>
    %swap3A = arith.constant 0 : index
    %swap3A_60 = arith.constant 0 : index
    %swap3A_61 = vector.load %arg7[%swap3A, %swap3A_60] : memref<10000x128xf32, #tpu.memory_space<vmem>>, vector<10000x128xf32>
    tpu.vector_store %arg7[%swap3A, %swap3A_60], %add3A_59 {strides = array<i32>} : memref<10000x128xf32, #tpu.memory_space<vmem>>, vector<10000x128xf32>,
    return
  }
}

module attributes {stable_mosaic.version = 14 : i64} {
  func.func @_final_body(%arg0: memref<10000x128xf32, #tpu.memory_space<vmem>>, %arg1: memref<128x128xf32, #tpu.memory_space<vmem>>, %arg2: memref<1x128xf32, #tpu.memory_space<vmem>>, %arg3: memref<10000x128xf32, #tpu.memory_space<vmem>>) attributes {dimension_semantics = [], scalar_prefetch = 0 : i64, scratch_operands = 0 : i64, tpu.core_type = #tpu.core_type<tc>} {
    %get3A = arith.constant 0 : index
    %get3A_0 = arith.constant 0 : index
    %get3A_1 = vector.load %arg0[%get3A, %get3A_0] : memref<10000x128xf32, #tpu.memory_space<vmem>>, vector<10000x128xf32>
    %get3A_2 = arith.constant 0 : index
    %get3A_3 = arith.constant 0 : index
    %get3A_4 = vector.load %arg1[%get3A_2, %get3A_3] : memref<128x128xf32, #tpu.memory_space<vmem>>, vector<128x128xf32>
    %dot_general3A = arith.constant dense<0.000000e+00> : vector<10000x128xf32>
    %dot_general3A_5 = tpu.matmul %get3A_1, %get3A_4, %dot_general3A {dimension_numbers = #tpu.dot_dimension_numbers<[1], [0], [0], [1], [0, 0, 1, 1], [], []>, transpose_lhs_hint = false} : vector<10000x128xf32>, vector<128x128xf32>, vector<10000x128xf32> -> vector<10000x128xf32>
    %get3A_6 = arith.constant 0 : index
    %get3A_7 = arith.constant 0 : index
    %get3A_8 = vector.load %arg2[%get3A_6, %get3A_7] : memref<1x128xf32, #tpu.memory_space<vmem>>, vector<1x128xf32>
    %add3A = vector.broadcast %get3A_8 : vector<1x128xf32> to vector<10000x128xf32>
    %add3A_9 = arith.addf %dot_general3A_5, %add3A : vector<10000x128xf32>
    %swap3A = arith.constant 0 : index
    %swap3A_10 = arith.constant 0 : index
    %swap3A_11 = vector.load %arg3[%swap3A, %swap3A_10] : memref<10000x128xf32, #tpu.memory_space<vmem>>, vector<10000x128xf32>
    tpu.vector_store %arg3[%swap3A, %swap3A_10], %add3A_9 {strides = array<i32>} : memref<10000x128xf32, #tpu.memory_space<vmem>>, vector<10000x128xf32>,
    return
  }
}

</mosaic_0001>

<sc_bundles>
// kernel: kernel.18.cloned.1.call-start
scs
__scs_entry_jumppad:
0x0: {  	(pc) =	sbr.rel $0x88, $3  }
0x1: {  	(tag) =	ssettag $0x0;
	lr =	simm.s32 $0x1  }
0x2: {  	[smem:$0x3F97] =	sst lr;
	_ =	strace $0xD0000000  }
0x3: {  	_ = 	snop  }
0x4: {  	_ = 	snop  }
0x5: {  	_ = 	snop  }
0x6: {  	_ = 	snop  }
0x7: {  	_ = 	snop  }
__scs_overlays_trampoline_lowered:
0x8: {  	[smem:$0x3FA6] =	sst s0  }
0x9: {  	[smem:$0x3FA7] =	sst s1  }
0xa: {  	[smem:$0x3FA8] =	sst s2  }
0xb: {  	[smem:$0x3FA9] =	sst s3  }
0xc: {  	[smem:$0x3FAA] =	sst s4  }
0xd: {  	[smem:$0x3FAB] =	sst s5  }
0xe: {  	[smem:$0x3FAC] =	sst s6  }
0xf: {  	[smem:$0x3FAD] =	sst s7  }
0x10: {  	[smem:$0x3FAE] =	sst s8  }
0x11: {  	[smem:$0x3FAF] =	sst s9;
	s0 =	simm.s32 @!p0 $0x0  }
0x12: {  	s1 =	sld [smem:$0x3F95];
	s0 =	simm.s32 @p0 $0x1  }
0x13: {  	[smem:$0x3FB0] =	sst s0;
	s0 =	simm.s32 @!p1 $0x0  }
0x14: {  	s2 =	sld [smem:$0x3F94];
	s0 =	simm.s32 @p1 $0x1  }
0x15: {  	[smem:$0x3FB1] =	sst s0;
	s0 =	simm.s32 @!p2 $0x0  }
0x16: {  	s3 =	sld [smem:$0x3FDB];
	s0 =	simm.s32 @p2 $0x1  }
0x17: {  	s4 =	simm.s32 $0x1BF5;
	[smem:$0x3FB3] =	sst s0  }
0x18: {  	s0 =	sld [smem:$0x3F96];
	_ =	swait.ge [sflag:s4], $0x0  }
0x19: {  	s7 =	sld [smem:$0x3F97]  }
0x1a: {  	s8 =	sadd.s32 $0xFFFFE003, lr  }
0x1b: {  	s9 =	sadd.s32 $0xFFFFFEF7, lr;
	s5 =	simm.s32 $0xFFFFFFFF;
	p2 =	slt.u32 s8, $0xFFFFF086  }
0x1c: {  	p1 =	slt.u32 s9, $0xF7A;
	s5 =	simm.s32 @!p2 $0x0  }
0x1d: {  	s5 =	simm.s32 @p1 $0x1;
	p0 =	seq.s32 s7, s2  }
0x1e: {  	s7 =	smul.u32 @!p0 $0xF7A, s2;
	p2 =	seq.s32 @!p0 s5, $0x0  }
0x1f: {  	s9 =	smul.u32 $0xF7A, s1;
	s8 =	simm.s32 @!p0 $0x1BF5;
	p2 =	por !p2, p0  }
0x20: {  	[sflag:s8] =	ssyncset.s32 @!p0 $0xFFFFF086;
	s6 =	sadd.s32 @!p0 s3, s7;
	s7 =	simm.s32 @!p0 $0x108  }
0x21: {  	s3 =	sadd.s32 s3, s9;
	s6 =	sadd.s32 @!p0 $0x88, s6;
	s7 =	simm.s32 @p2 $0x1082  }
0x22: {  	[simem:s7], [sflag:s8] =	dma.local @!p0 [hbm:s6], $0xF7A  }
0x23: {  	s9 =	sor.u32 $0xD0000000, s2;
	s6 =	simm.s32 $0x108;
	_ =	swait.ge @!p0 [sflag:s8], $0x0  }
0x24: {  	s3 =	sadd.s32 $0x88, s3;
	s6 =	simm.s32 @!p1 $0x1082;
	[sflag:s4] =	ssyncset.s32 $0xFFFFF086  }
0x25: {  	[simem:s6], [sflag:s4] =	dma.local [hbm:s3], $0xF7A  }
0x26: {  	[smem:$0x3F97] =	sst s1;
	(tag) =	ssettag s2;
	_ =	strace s9  }
0x27: {  	s1 =	sld [smem:$0x3FA7]  }
0x28: {  	s2 =	sld [smem:$0x3FA8]  }
0x29: {  	s4 =	sld [smem:$0x3FAA]  }
0x2a: {  	p0 =	seq.s32 s5, $0x0;
	s5 =	sld [smem:$0x3FAB]  }
0x2b: {  	s6 =	sld [smem:$0x3FAC]  }
0x2c: {  	s7 =	sld [smem:$0x3FAD]  }
0x2d: {  	s3 =	simm.s32 $0x108;
	s8 =	sld [smem:$0x3FAE]  }
0x2e: {  	s3 =	simm.s32 @!p0 $0x1082;
	s9 =	sld [smem:$0x3FAF]  }
0x2f: {  	lr =	sadd.s32 s0, s3;
	s0 =	sld [smem:$0x3FA6]  }
0x30: {  	s3 =	sld [smem:$0x3FA9]  }
0x31: {  	[smem:$0x3FB2] =	sst s10  }
0x32: {  	s10 =	sld [smem:$0x3FB0];
	_ =	sdelay $0x3  }
0x33: {  	p0 =	seq.s32 s10, $0x1;
	s10 =	sld [smem:$0x3FB2];
	_ =	sdelay $0x3  }
0x34: {  	[smem:$0x3FB2] =	sst s10  }
0x35: {  	s10 =	sld [smem:$0x3FB1];
	_ =	sdelay $0x3  }
0x36: {  	p1 =	seq.s32 s10, $0x1;
	s10 =	sld [smem:$0x3FB2];
	_ =	sdelay $0x3  }
0x37: {  	[smem:$0x3FB2] =	sst s10  }
0x38: {  	s10 =	sld [smem:$0x3FB3]  }
0x39: {  	_ = 	snop;
	(pc) =	sbr.ind lr, $3  }
0x3a: {  	_ = 	snop  }
0x3b: {  	_ = 	snop  }
0x3c: {  	p2 =	seq.s32 s10, $0x1;
	s10 =	sld [smem:$0x3FB2]  }
0x3d: {  	_ =	shalt  }
0x3e: {  	_ =	shalt  }
0x3f: {  	_ =	shalt  }
0x40: {  	_ =	shalt  }
0x41: {  	_ =	shalt  }
0x42: {  	_ =	shalt  }
0x43: {  	_ =	shalt  }
0x44: {  	_ =	shalt  }
0x45: {  	_ =	shalt  }
0x46: {  	_ =	shalt  }
0x47: {  	_ =	shalt  }
0x48: {  	_ =	shalt  }
0x49: {  	_ =	shalt  }
0x4a: {  	_ =	shalt  }
0x4b: {  	_ =	shalt  }
0x4c: {  	_ =	shalt  }
0x4d: {  	_ =	shalt  }
0x4e: {  	_ =	shalt  }
0x4f: {  	_ =	shalt  }
0x50: {  	_ =	shalt  }
0x51: {  	_ =	shalt  }
0x52: {  	_ =	shalt  }
0x53: {  	_ =	shalt  }
0x54: {  	_ =	shalt  }
0x55: {  	_ =	shalt  }
0x56: {  	_ =	shalt  }
0x57: {  	_ =	shalt  }
0x58: {  	_ =	shalt  }
0x59: {  	_ =	shalt  }
0x5a: {  	_ =	shalt  }
0x5b: {  	_ =	shalt  }
0x5c: {  	_ =	shalt  }
0x5d: {  	_ =	shalt  }
0x5e: {  	_ =	shalt  }
0x5f: {  	_ =	shalt  }
0x60: {  	_ =	shalt  }
0x61: {  	_ =	shalt  }
0x62: {  	_ =	shalt  }
0x63: {  	_ =	shalt  }
0x64: {  	_ =	shalt  }
0x65: {  	_ =	shalt  }
0x66: {  	_ =	shalt  }
0x67: {  	_ =	shalt  }
0x68: {  	_ =	shalt  }
0x69: {  	_ =	shalt  }
0x6a: {  	_ =	shalt  }
0x6b: {  	_ =	shalt  }
0x6c: {  	_ =	shalt  }
0x6d: {  	_ =	shalt  }
0x6e: {  	_ =	shalt  }
0x6f: {  	_ =	shalt  }
0x70: {  	_ =	shalt  }
0x71: {  	_ =	shalt  }
0x72: {  	_ =	shalt  }
0x73: {  	_ =	shalt  }
0x74: {  	_ =	shalt  }
0x75: {  	_ =	shalt  }
0x76: {  	_ =	shalt  }
0x77: {  	_ =	shalt  }
0x78: {  	_ =	shalt  }
0x79: {  	_ =	shalt  }
0x7a: {  	_ =	shalt  }
0x7b: {  	_ =	shalt  }
0x7c: {  	_ =	shalt  }
0x7d: {  	_ =	shalt  }
0x7e: {  	_ =	shalt  }
0x7f: {  	_ =	shalt  }
0x80: {  	_ =	shalt  }
0x81: {  	_ =	shalt  }
0x82: {  	_ =	shalt  }
0x83: {  	_ =	shalt  }
0x84: {  	_ =	shalt  }
0x85: {  	_ =	shalt  }
0x86: {  	_ =	shalt  }
0x87: {  	_ =	shalt  }
.Lfunc_end0:
.L_simem_size_0:
called_computation_lowered:
.L_overlay_start_0:
0x88: {  	s2 =	sld [smem:$0x3FD9]  }
0x89: {  	s3 =	sld [smem:$0x3FFE];
	_ =	sdelay $0x1  }
0x8a: {  	s1 =	srdreg.scid  }
0x8b: {  	s0 =	sand.u32 $0x1, s1  }
0x8c: {  	s17 =	sshll.u32 s0, $0xA;
	s2 =	sadd.s32 s3, s2  }
0x8d: {  	s2 =	sadd.s32 s2, s17  }
0x8e: {  	[smem:$0x3FBE] =	sst s2  }
0x8f: {  	_ = 	snop  }
0x90: {  	s2 =	sld [smem:$0x3FD0];
	(tm) =	ssettm $0x1  }
0x91: {  	s18 =	sld [smem:$0x3FFB];
	_ =	sdelay $0x3  }
0x92: {  	_ =	strace s18  }
0x93: {  	s3 =	sld [smem:$0x3FFC];
	_ =	sdelay $0x3  }
0x94: {  	_ =	strace s3  }
0x95: {  	s3 =	sld [smem:$0x3FFD];
	_ =	sdelay $0x3  }
0x96: {  	_ =	strace s3  }
0x97: {  	_ =	strace $0x8FFFFFFF  }
0x98: {  	s19 =	sld [smem:$0x3FDB];
	_ =	sdelay $0x1  }
0x99: {  	s4 =	simm.s32 $_scs_section_size  }
0x9a: {  	s5 =	simm.s32 $_size__tile_overlayer_lowered;
	s6 =	simm.s32 $_tile_overlayer_lowered  }
0x9b: {  	s22 =	simm.s32 $0x1BFF;
	s21 =	sshll.u32 s6, $0x1;
	s3 =	sadd.s32 s4, s19  }
0x9c: {  	s7 =	simm.s32 $0x0;
	s20 =	sshll.u32 s5, $0x1;
	s5 =	sadd.s32 s21, s3  }
0x9d: {  	[timem:s7], [sflag:s22] =	dma.local [hbm:s5], s20  }
0x9e: {  	_ =	swait.ge [sflag:s22], s20  }
0x9f: {  	s4 =	ssub.s32 $0x0, s20;
	[sflag:s22] =	ssyncset.done $0x0  }
0xa0: {  	[sflag:s22] =	ssyncadd.s32 s4;
	_ =	sdelay $0x1  }
0xa1: {  	s23 =	simm.s32 $0x1B8B  }
0xa2: {  	_ =	swait.ge [sflag:s23], $0x1  }
0xa3: {  	[sflag:s23] =	ssyncset.done $0x0  }
0xa4: {  	s25 =	simm.s32 $0x1B8E;
	s24 =	sld [smem:$0x3FFE];
	[sflag:s23] =	ssyncadd.s32 $0xFFFFFFFF  }
0xa5: {  	s26 =	simm.s32 $execute0_lowered;
	[smem:$0x3FD2] =	sst s25  }
0xa6: {  	s5 =	sshll.u32 s26, $0x1;
	_ =	strace $0x80000046;
	[dreg:$0x1] =	wrdreg $0xFFFFFFFF  }
0xa7: {  	s28 =	simm.s32 $_size_execute0_lowered;
	s3 =	sadd.s32 s3, s5;
	[dreg:$0x0] =	wrdreg $0x0  }
0xa8: {  	s5 =	sshll.u32 s28, $0x1;
	[dreg:$0x2] =	wrdreg s3  }
0xa9: {  	[dreg:$0x3] =	wrdreg s5  }
0xaa: {  	[dreg:$0x4] =	wrdreg $0xC0  }
0xab: {  	_ =	task [dreg:s7], $0x5FFFF  }
0xac: {  	[dreg:$0x1] =	wrdreg $0xFFFFFFFF  }
0xad: {  	[dreg:$0x0] =	wrdreg $0x60  }
0xae: {  	[dreg:$0x2] =	wrdreg s24  }
0xaf: {  	[dreg:$0x3] =	wrdreg s2  }
0xb0: {  	[dreg:$0x4] =	wrdreg $0x45000  }
0xb1: {  	[dreg:$0x5] =	wrdreg $0x9  }
0xb2: {  	_ =	task.clear_ibuf [dreg:s7], $0x6FFFF;
	_ =	strace $0x90000046  }
0xb3: {  	s29 =	simm.s32 $0x9;
	_ =	strace $0x80000048  }
0xb4: {  	_ =	swait.ge [sflag:s29], $0x1  }
0xb5: {  	[sflag:s29] =	ssyncadd.s32 $0xFFFFFFFF  }
0xb6: {  	_ =	strace $0x90000048  }
0xb7: {  	_ =	sfence  }
0xb8: {  	s30 =	sld [smem:$0x0];
	_ =	sdelay $0x2  }
0xb9: {  	s31 =	sshll.u32 s1, $0xD;
	s1 =	sshrl.u32 s1, $0x2  }
0xba: {  	s3 =	sand.u32 $0x4000, s31;
	s1 =	sadd.s32 s1, s30  }
0xbb: {  	s0 =	sor.u32 s3, s0;
	s1 =	sshll.u32 s1, $0x11  }
0xbc: {  	s0 =	sor.u32 s1, s0  }
0xbd: {  	s0 =	sadd.s32 $0x8F2B, s0  }
0xbe: {  	[sflag:s0] =	ssyncadd.remote.s32 $0x1  }
0xbf: {  	_ =	sfence.sel $0xFFFF  }
0xc0: {  	[dreg:$0x0] =	wrdreg $0xFFFFFFFF;
	(pc) =	sbr.abs _section_cstart, $3  }
0xc1: {  	[dreg:$0x1] =	wrdreg $0xFFFFFFFF  }
0xc2: {  	_ =	task.clear_ibuf [dreg:s7], $0x2FFFF;
	_ =	strace $0x9FFFFFFF  }
0xc3: {  	(tm) =	ssettm $0x7FFFFFFF  }
tec
execute0_lowered:
.L_overlay_start_1:
0x0: {  	(tag) =	ssettag $0x1  }
0x1: {  	s6 =	rddreg [dreg:$0x0]  }
0x2: {  	s1 =	rddreg [dreg:$0x1]  }
0x3: {  	s0 =	srdreg.scid;
	s3 =	stileid.u32  }
0x4: {  	s2 =	rddreg [dreg:$0x2];
	s4 =	simm.s32 $0x0;
	s9 =	smul.u32 $0x13C00, s3  }
0x5: {  	s13 =	simm.s32 $0x80;
	s16 =	simm.s32 $0x0;
	s30 =	smul.u32 $0x4F000, s3  }
0x6: {  	s7 =	sand.u32 $0x1, s0;
	s0 =	rddreg [dreg:$0x3];
	s12 =	smul.u32 $0xA00, s3  }
0x7: {  	[smem:$0x7FF] =	sst s4;
	s14 =	sshll.u32 s3, $0x6;
	s5 =	smul.u32 $0xA000, s7  }
0x8: {  	s8 =	smul.u32 $0x13C000, s7;
	_ =	strace $0x80000047;
	s7 =	ssub.s32 $0x2, s7  }
0x9: {  	s14 =	sor.u32 $0x1C01, s14;
	s11 =	sshrl.u32 s7, $0x1;
	s10 =	sadd.s32 s5, s6  }
0xa: {  	s8 =	sadd.s32 s9, s8;
	s5 =	sadd.s32 $0x19E00, s6;
	s9 =	sshrl.u32 s30, $0x2  }
0xb: {  	s11 =	ssub.s32 s7, s11;
	s8 =	sshrl.u32 s8, $0x3;
	s31 =	sadd.s32 s12, s10  }
0xc: {  	s10 =	simm.s32 $0x100;
	s12 =	simm.s32 $0x4100;
	s8 =	sadd.s32 s8, s6  }
0xd: {  	s6 =	sadd.s32 s9, s2;
	s9 =	sadd.s32 $0x5E00, s31;
	s7 =	sadd.s32 $0x1A000, s8  }
0xe: {  	s8 =	smax.u32 s11, $0x1;
	s11 =	simm.s32 $0x1;
	s15 =	sshrl.u32 s6, $0x3  }
.LBB2_1:
0xf: {  	[tilespmem:s10], [sflag:$0x1] =	stream.linear.gather [hbm4b:s1+s4], $0x4000, $0x38;
	[tilespmem:$0x18100] =	vst v63  }
0x10: {  	_ =	swait.ge [sflag:s11], $0x4000  }
0x11: {  	[sflag:s11] =	ssyncset.done $0x0  }
0x12: {  	[sflag:s11] =	ssyncadd.s32 $0xFFFFC000  }
0x13: {  	[tilespmem:s12], [sflag:$0x1] =	stream.linear.gather [hbm4b:s5+s4], $0x400, $0x38;
	[tilespmem:$0x18100] =	vst v63  }
0x14: {  	_ =	swait.ge [sflag:s11], $0x400  }
0x15: {  	[sflag:s11] =	ssyncset.done $0x0  }
0x16: {  	s17 =	sadd.s32 $0x0, s6;
	[sflag:s11] =	ssyncadd.s32 $0xFFFFFC00  }
0x17: {  	[spmem:s17] =	stream.linear.scatter [tilespmem:s12], [sflag:$0x1], $0x400, $0x38;
	[tilespmem:$0x18100] =	vst v63  }
0x18: {  	s17 =	simm.s32 $0x1000;
	_ =	swait.ge [sflag:s11], $0x400  }
.LBB2_2:
0x19: {  	s18 =	sshra.s32 s17, $0x2;
	[sflag:s11] =	ssyncset.done $0x0;
	p0 =	sne.s32 s17, $0x4E000  }
.Ltmp0:
0x1a: {  	s18 =	sadd.s32 s18, s6;
	[sflag:s11] =	ssyncadd.s32 $0xFFFFFC00;
	(pc) =	sbr.rel @p0 .LBB2_2-.Ltmp0, $3  }
0x1b: {  	[spmem:s18] =	stream.linear.scatter [tilespmem:s12], [sflag:$0x1], $0x400, $0x38;
	[tilespmem:$0x18100] =	vst v63  }
0x1c: {  	s17 =	sadd.s32 $0x1000, s17;
	_ =	sdelay $0x1  }
0x1d: {  	_ =	swait.ge [sflag:s11], $0x400  }
0x1e: {  	[sflag:s11] =	ssyncset.done $0x0  }
0x1f: {  	[sflag:s11] =	ssyncadd.s32 $0xFFFFFC00  }
0x20: {  	s17 =	sadd.s32 $0x0, s9;
	[bflag:$0x0] =	sbarrier.arrive $0xFFFF  }
0x21: {  	[tilespmem:s4], [sflag:$0x1] =	stream.linear.gather [hbm4b:s17+s4], $0x100, $0x38;
	[tilespmem:$0x18100] =	vst v63  }
0x22: {  	_ =	swait.ge [sflag:s11], $0x100  }
0x23: {  	[sflag:s11] =	ssyncset.done $0x0  }
0x24: {  	[sflag:s11] =	ssyncadd.s32 $0xFFFFFF00  }
0x25: {  	[spmem:s2] =	stream.indirect.scatter.add.f32 [tilespmem:s10], [sflag:$0x1], $0x80, s13, s13, $0xb8;
	[tilespmem:$0x18100] =	vst v63  }
0x26: {  	_ =	swait.ge [sflag:s11], $0x4000  }
0x27: {  	s18 =	simm.s32 $0x40;
	s17 =	simm.s32 $0x20;
	[sflag:s11] =	ssyncset.done $0x0  }
.LBB2_4:
0x28: {  	s19 =	sadd.s32 s17, s9  }
0x29: {  	[sflag:s11] =	ssyncadd.s32 $0xFFFFC000;
	s17 =	smov.u32 s18;
	s20 =	sadd.s32 $0x20, s18  }
0x2a: {  	[tilespmem:s4], [sflag:$0x1] =	stream.linear.gather [hbm4b:s19+s4], $0x100, $0x38;
	[tilespmem:$0x18100] =	vst v63  }
0x2b: {  	p0 =	sne.s32 s18, $0x9E0;
	_ =	swait.ge [sflag:s11], $0x100  }
.Ltmp1:
0x2c: {  	[sflag:s11] =	ssyncset.done $0x0;
	(pc) =	sbr.rel @p0 .LBB2_4-.Ltmp1, $4  }
0x2d: {  	[sflag:s11] =	ssyncadd.s32 $0xFFFFFF00  }
0x2e: {  	[spmem:s2] =	stream.indirect.scatter.add.f32 [tilespmem:s10], [sflag:$0x1], $0x80, s13, s13, $0xb8;
	[tilespmem:$0x18100] =	vst v63  }
0x2f: {  	_ =	swait.ge [sflag:s11], $0x4000  }
0x30: {  	s18 =	smov.u32 s20;
	[sflag:s11] =	ssyncset.done $0x0  }
0x31: {  	s17 =	sadd.s32 s17, s9;
	[sflag:s11] =	ssyncadd.s32 $0xFFFFC000  }
0x32: {  	[tilespmem:s4], [sflag:$0x1] =	stream.linear.gather [hbm4b:s17+s4], $0x100, $0x38;
	[tilespmem:$0x18100] =	vst v63  }
0x33: {  	_ =	swait.ge [sflag:s11], $0x100  }
0x34: {  	[sflag:s11] =	ssyncset.done $0x0  }
0x35: {  	[sflag:s11] =	ssyncadd.s32 $0xFFFFFF00  }
0x36: {  	[spmem:s2] =	stream.indirect.scatter.add.f32 [tilespmem:s10], [sflag:$0x1], $0x80, s13, s13, $0xb8;
	[tilespmem:$0x18100] =	vst v63  }
0x37: {  	_ =	swait.ge [sflag:s11], $0x4000  }
0x38: {  	s16 =	sadd.s32 $0x1, s16;
	[sflag:s11] =	ssyncset.done $0x0  }
0x39: {  	p0 =	sne.s32 s16, s8;
	[sflag:s11] =	ssyncadd.s32 $0xFFFFC000  }
.Ltmp2:
0x3a: {  	[bflag:$0x0] =	sbarrier.arrive $0xFFFF;
	(pc) =	sbr.rel @p0 .LBB2_1-.Ltmp2, $4  }
0x3b: {  	[hbm:s7], [sflag:s14] =	dma.local [spmem:s15], $0x2780  }
0x3c: {  	_ =	swait.ge [sflag:s11], $0x2780  }
0x3d: {  	[sflag:s11] =	ssyncset.done $0x0  }
0x3e: {  	[sflag:s11] =	ssyncadd.s32 $0xFFFFD880  }
0x3f: {  	_ =	sfence.sel $0x180000  }
0x40: {  	[bflag:$0x0] =	sbarrier.arrive $0xFFFF  }
0x41: {  	p0 =	sne.s32 s3, $0x0;
	_ =	strace $0x90000047  }
0x42: {  	s0 =	sadd.s32 @!p0 $0x100000, s0;
	[bflag:$0x2] =	sbarrier.arrive $0xFFFF  }
0x43: {  	[sflag:s0] =	ssyncadd.tile.s32 @!p0 $0x1;
	_ =	shalt  }
.Lfunc_end2:
_tile_overlayer_lowered:
.L_overlay_start_2:
0x44: {  	(tag) =	ssettag $0x2  }
0x45: {  	s0 =	rddreg [dreg:$0x0];
	s2 =	stileid.u32  }
0x46: {  	s1 =	rddreg [dreg:$0x1];
	p0 =	sne.s32 s2, $0x0  }
0x47: {  	s3 =	rddreg [dreg:$0x2];
	[bflag:$0x3] =	sbarrier.arrive $0xFFFF;
	s2 =	simm.s32 @!p0 $0x1C01  }
0x48: {  	[timem:s3], [sflag:s2] =	dma.local @!p0 [hbm:s0], s1  }
0x49: {  	s0 =	simm.s32 @!p0 $0x1  }
0x4a: {  	_ =	swait.ge @!p0 [sflag:s0], s1  }
0x4b: {  	s1 =	ssub.s32 @!p0 $0x0, s1;
	[sflag:s0] =	ssyncset.done @!p0 $0x0  }
0x4c: {  	[sflag:s0] =	ssyncadd.s32 @!p0 s1  }
0x4d: {  	[bflag:$0x3] =	sbarrier.arrive $0xFFFF  }
0x4e: {  	_ =	shalt  }

// kernel: kernel.21.cloned.1.call-start
scs
__scs_entry_jumppad:
0x0: {  	(pc) =	sbr.rel $0x88, $3  }
0x1: {  	(tag) =	ssettag $0x0;
	lr =	simm.s32 $0x1  }
0x2: {  	[smem:$0x3F97] =	sst lr;
	_ =	strace $0xD0000000  }
0x3: {  	_ = 	snop  }
0x4: {  	_ = 	snop  }
0x5: {  	_ = 	snop  }
0x6: {  	_ = 	snop  }
0x7: {  	_ = 	snop  }
__scs_overlays_trampoline_lowered:
0x8: {  	[smem:$0x3FA6] =	sst s0  }
0x9: {  	[smem:$0x3FA7] =	sst s1  }
0xa: {  	[smem:$0x3FA8] =	sst s2  }
0xb: {  	[smem:$0x3FA9] =	sst s3  }
0xc: {  	[smem:$0x3FAA] =	sst s4  }
0xd: {  	[smem:$0x3FAB] =	sst s5  }
0xe: {  	[smem:$0x3FAC] =	sst s6  }
0xf: {  	[smem:$0x3FAD] =	sst s7  }
0x10: {  	[smem:$0x3FAE] =	sst s8  }
0x11: {  	[smem:$0x3FAF] =	sst s9;
	s0 =	simm.s32 @!p0 $0x0  }
0x12: {  	s1 =	sld [smem:$0x3F95];
	s0 =	simm.s32 @p0 $0x1  }
0x13: {  	[smem:$0x3FB0] =	sst s0;
	s0 =	simm.s32 @!p1 $0x0  }
0x14: {  	s2 =	sld [smem:$0x3F94];
	s0 =	simm.s32 @p1 $0x1  }
0x15: {  	[smem:$0x3FB1] =	sst s0;
	s0 =	simm.s32 @!p2 $0x0  }
0x16: {  	s3 =	sld [smem:$0x3FDB];
	s0 =	simm.s32 @p2 $0x1  }
0x17: {  	s4 =	simm.s32 $0x1BF5;
	[smem:$0x3FB3] =	sst s0  }
0x18: {  	s0 =	sld [smem:$0x3F96];
	_ =	swait.ge [sflag:s4], $0x0  }
0x19: {  	s7 =	sld [smem:$0x3F97]  }
0x1a: {  	s8 =	sadd.s32 $0xFFFFE003, lr  }
0x1b: {  	s9 =	sadd.s32 $0xFFFFFEF7, lr;
	s5 =	simm.s32 $0xFFFFFFFF;
	p2 =	slt.u32 s8, $0xFFFFF086  }
0x1c: {  	p1 =	slt.u32 s9, $0xF7A;
	s5 =	simm.s32 @!p2 $0x0  }
0x1d: {  	s5 =	simm.s32 @p1 $0x1;
	p0 =	seq.s32 s7, s2  }
0x1e: {  	s7 =	smul.u32 @!p0 $0xF7A, s2;
	p2 =	seq.s32 @!p0 s5, $0x0  }
0x1f: {  	s9 =	smul.u32 $0xF7A, s1;
	s8 =	simm.s32 @!p0 $0x1BF5;
	p2 =	por !p2, p0  }
0x20: {  	[sflag:s8] =	ssyncset.s32 @!p0 $0xFFFFF086;
	s6 =	sadd.s32 @!p0 s3, s7;
	s7 =	simm.s32 @!p0 $0x108  }
0x21: {  	s3 =	sadd.s32 s3, s9;
	s6 =	sadd.s32 @!p0 $0x88, s6;
	s7 =	simm.s32 @p2 $0x1082  }
0x22: {  	[simem:s7], [sflag:s8] =	dma.local @!p0 [hbm:s6], $0xF7A  }
0x23: {  	s9 =	sor.u32 $0xD0000000, s2;
	s6 =	simm.s32 $0x108;
	_ =	swait.ge @!p0 [sflag:s8], $0x0  }
0x24: {  	s3 =	sadd.s32 $0x88, s3;
	s6 =	simm.s32 @!p1 $0x1082;
	[sflag:s4] =	ssyncset.s32 $0xFFFFF086  }
0x25: {  	[simem:s6], [sflag:s4] =	dma.local [hbm:s3], $0xF7A  }
0x26: {  	[smem:$0x3F97] =	sst s1;
	(tag) =	ssettag s2;
	_ =	strace s9  }
0x27: {  	s1 =	sld [smem:$0x3FA7]  }
0x28: {  	s2 =	sld [smem:$0x3FA8]  }
0x29: {  	s4 =	sld [smem:$0x3FAA]  }
0x2a: {  	p0 =	seq.s32 s5, $0x0;
	s5 =	sld [smem:$0x3FAB]  }
0x2b: {  	s6 =	sld [smem:$0x3FAC]  }
0x2c: {  	s7 =	sld [smem:$0x3FAD]  }
0x2d: {  	s3 =	simm.s32 $0x108;
	s8 =	sld [smem:$0x3FAE]  }
0x2e: {  	s3 =	simm.s32 @!p0 $0x1082;
	s9 =	sld [smem:$0x3FAF]  }
0x2f: {  	lr =	sadd.s32 s0, s3;
	s0 =	sld [smem:$0x3FA6]  }
0x30: {  	s3 =	sld [smem:$0x3FA9]  }
0x31: {  	[smem:$0x3FB2] =	sst s10  }
0x32: {  	s10 =	sld [smem:$0x3FB0];
	_ =	sdelay $0x3  }
0x33: {  	p0 =	seq.s32 s10, $0x1;
	s10 =	sld [smem:$0x3FB2];
	_ =	sdelay $0x3  }
0x34: {  	[smem:$0x3FB2] =	sst s10  }
0x35: {  	s10 =	sld [smem:$0x3FB1];
	_ =	sdelay $0x3  }
0x36: {  	p1 =	seq.s32 s10, $0x1;
	s10 =	sld [smem:$0x3FB2];
	_ =	sdelay $0x3  }
0x37: {  	[smem:$0x3FB2] =	sst s10  }
0x38: {  	s10 =	sld [smem:$0x3FB3]  }
0x39: {  	_ = 	snop;
	(pc) =	sbr.ind lr, $3  }
0x3a: {  	_ = 	snop  }
0x3b: {  	_ = 	snop  }
0x3c: {  	p2 =	seq.s32 s10, $0x1;
	s10 =	sld [smem:$0x3FB2]  }
0x3d: {  	_ =	shalt  }
0x3e: {  	_ =	shalt  }
0x3f: {  	_ =	shalt  }
0x40: {  	_ =	shalt  }
0x41: {  	_ =	shalt  }
0x42: {  	_ =	shalt  }
0x43: {  	_ =	shalt  }
0x44: {  	_ =	shalt  }
0x45: {  	_ =	shalt  }
0x46: {  	_ =	shalt  }
0x47: {  	_ =	shalt  }
0x48: {  	_ =	shalt  }
0x49: {  	_ =	shalt  }
0x4a: {  	_ =	shalt  }
0x4b: {  	_ =	shalt  }
0x4c: {  	_ =	shalt  }
0x4d: {  	_ =	shalt  }
0x4e: {  	_ =	shalt  }
0x4f: {  	_ =	shalt  }
0x50: {  	_ =	shalt  }
0x51: {  	_ =	shalt  }
0x52: {  	_ =	shalt  }
0x53: {  	_ =	shalt  }
0x54: {  	_ =	shalt  }
0x55: {  	_ =	shalt  }
0x56: {  	_ =	shalt  }
0x57: {  	_ =	shalt  }
0x58: {  	_ =	shalt  }
0x59: {  	_ =	shalt  }
0x5a: {  	_ =	shalt  }
0x5b: {  	_ =	shalt  }
0x5c: {  	_ =	shalt  }
0x5d: {  	_ =	shalt  }
0x5e: {  	_ =	shalt  }
0x5f: {  	_ =	shalt  }
0x60: {  	_ =	shalt  }
0x61: {  	_ =	shalt  }
0x62: {  	_ =	shalt  }
0x63: {  	_ =	shalt  }
0x64: {  	_ =	shalt  }
0x65: {  	_ =	shalt  }
0x66: {  	_ =	shalt  }
0x67: {  	_ =	shalt  }
0x68: {  	_ =	shalt  }
0x69: {  	_ =	shalt  }
0x6a: {  	_ =	shalt  }
0x6b: {  	_ =	shalt  }
0x6c: {  	_ =	shalt  }
0x6d: {  	_ =	shalt  }
0x6e: {  	_ =	shalt  }
0x6f: {  	_ =	shalt  }
0x70: {  	_ =	shalt  }
0x71: {  	_ =	shalt  }
0x72: {  	_ =	shalt  }
0x73: {  	_ =	shalt  }
0x74: {  	_ =	shalt  }
0x75: {  	_ =	shalt  }
0x76: {  	_ =	shalt  }
0x77: {  	_ =	shalt  }
0x78: {  	_ =	shalt  }
0x79: {  	_ =	shalt  }
0x7a: {  	_ =	shalt  }
0x7b: {  	_ =	shalt  }
0x7c: {  	_ =	shalt  }
0x7d: {  	_ =	shalt  }
0x7e: {  	_ =	shalt  }
0x7f: {  	_ =	shalt  }
0x80: {  	_ =	shalt  }
0x81: {  	_ =	shalt  }
0x82: {  	_ =	shalt  }
0x83: {  	_ =	shalt  }
0x84: {  	_ =	shalt  }
0x85: {  	_ =	shalt  }
0x86: {  	_ =	shalt  }
0x87: {  	_ =	shalt  }
.Lfunc_end0:
.L_simem_size_0:
called_computation.1_lowered:
.L_overlay_start_0:
0x88: {  	s2 =	sld [smem:$0x3FD9]  }
0x89: {  	s3 =	sld [smem:$0x3FFE];
	_ =	sdelay $0x1  }
0x8a: {  	s1 =	srdreg.scid  }
0x8b: {  	s0 =	sand.u32 $0x1, s1  }
0x8c: {  	s17 =	sshll.u32 s0, $0xA;
	s2 =	sadd.s32 s3, s2  }
0x8d: {  	s2 =	sadd.s32 s2, s17  }
0x8e: {  	[smem:$0x3FBE] =	sst s2  }
0x8f: {  	_ = 	snop  }
0x90: {  	s2 =	sld [smem:$0x3FD0];
	(tm) =	ssettm $0x1  }
0x91: {  	s18 =	sld [smem:$0x3FFB];
	_ =	sdelay $0x3  }
0x92: {  	_ =	strace s18  }
0x93: {  	s3 =	sld [smem:$0x3FFC];
	_ =	sdelay $0x3  }
0x94: {  	_ =	strace s3  }
0x95: {  	s3 =	sld [smem:$0x3FFD];
	_ =	sdelay $0x3  }
0x96: {  	_ =	strace s3  }
0x97: {  	_ =	strace $0x8FFFFFFF  }
0x98: {  	s19 =	sld [smem:$0x3FDB];
	_ =	sdelay $0x1  }
0x99: {  	s4 =	simm.s32 $_scs_section_size  }
0x9a: {  	s5 =	simm.s32 $_size__tile_overlayer_lowered;
	s6 =	simm.s32 $_tile_overlayer_lowered  }
0x9b: {  	s22 =	simm.s32 $0x1BFF;
	s21 =	sshll.u32 s6, $0x1;
	s3 =	sadd.s32 s4, s19  }
0x9c: {  	s7 =	simm.s32 $0x0;
	s20 =	sshll.u32 s5, $0x1;
	s5 =	sadd.s32 s21, s3  }
0x9d: {  	[timem:s7], [sflag:s22] =	dma.local [hbm:s5], s20  }
0x9e: {  	_ =	swait.ge [sflag:s22], s20  }
0x9f: {  	s4 =	ssub.s32 $0x0, s20;
	[sflag:s22] =	ssyncset.done $0x0  }
0xa0: {  	[sflag:s22] =	ssyncadd.s32 s4;
	_ =	sdelay $0x1  }
0xa1: {  	s23 =	simm.s32 $0x1B8B  }
0xa2: {  	_ =	swait.ge [sflag:s23], $0x1  }
0xa3: {  	[sflag:s23] =	ssyncset.done $0x0  }
0xa4: {  	s25 =	simm.s32 $0x1B8E;
	s24 =	sld [smem:$0x3FFE];
	[sflag:s23] =	ssyncadd.s32 $0xFFFFFFFF  }
0xa5: {  	s26 =	simm.s32 $execute0_lowered;
	[smem:$0x3FD2] =	sst s25  }
0xa6: {  	s5 =	sshll.u32 s26, $0x1;
	_ =	strace $0x80000049;
	[dreg:$0x1] =	wrdreg $0xFFFFFFFF  }
0xa7: {  	s28 =	simm.s32 $_size_execute0_lowered;
	s3 =	sadd.s32 s3, s5;
	[dreg:$0x0] =	wrdreg $0x0  }
0xa8: {  	s5 =	sshll.u32 s28, $0x1;
	[dreg:$0x2] =	wrdreg s3  }
0xa9: {  	[dreg:$0x3] =	wrdreg s5  }
0xaa: {  	[dreg:$0x4] =	wrdreg $0xC0  }
0xab: {  	_ =	task [dreg:s7], $0x5FFFF  }
0xac: {  	[dreg:$0x1] =	wrdreg $0xFFFFFFFF  }
0xad: {  	[dreg:$0x0] =	wrdreg $0x60  }
0xae: {  	[dreg:$0x2] =	wrdreg s2  }
0xaf: {  	[dreg:$0x3] =	wrdreg s24  }
0xb0: {  	[dreg:$0x4] =	wrdreg $0x86000  }
0xb1: {  	[dreg:$0x5] =	wrdreg $0x9  }
0xb2: {  	_ =	task.clear_ibuf [dreg:s7], $0x6FFFF;
	_ =	strace $0x90000049  }
0xb3: {  	s29 =	simm.s32 $0x9;
	_ =	strace $0x8000004B  }
0xb4: {  	_ =	swait.ge [sflag:s29], $0x1  }
0xb5: {  	[sflag:s29] =	ssyncadd.s32 $0xFFFFFFFF  }
0xb6: {  	_ =	strace $0x9000004B  }
0xb7: {  	_ =	sfence  }
0xb8: {  	s30 =	sld [smem:$0x0];
	_ =	sdelay $0x2  }
0xb9: {  	s31 =	sshll.u32 s1, $0xD;
	s1 =	sshrl.u32 s1, $0x2  }
0xba: {  	s3 =	sand.u32 $0x4000, s31;
	s1 =	sadd.s32 s1, s30  }
0xbb: {  	s0 =	sor.u32 s3, s0;
	s1 =	sshll.u32 s1, $0x11  }
0xbc: {  	s0 =	sor.u32 s1, s0  }
0xbd: {  	s0 =	sadd.s32 $0x8F2B, s0  }
0xbe: {  	[sflag:s0] =	ssyncadd.remote.s32 $0x1  }
0xbf: {  	_ =	sfence.sel $0xFFFF  }
0xc0: {  	[dreg:$0x0] =	wrdreg $0xFFFFFFFF;
	(pc) =	sbr.abs _section_cstart, $3  }
0xc1: {  	[dreg:$0x1] =	wrdreg $0xFFFFFFFF  }
0xc2: {  	_ =	task.clear_ibuf [dreg:s7], $0x2FFFF;
	_ =	strace $0x9FFFFFFF  }
0xc3: {  	(tm) =	ssettm $0x7FFFFFFF  }
tec
execute0_lowered:
.L_overlay_start_1:
0x0: {  	(tag) =	ssettag $0x1  }
0x1: {  	s2 =	rddreg [dreg:$0x0]  }
0x2: {  	s6 =	rddreg [dreg:$0x1]  }
0x3: {  	s3 =	rddreg [dreg:$0x2]  }
0x4: {  	s0 =	rddreg [dreg:$0x3];
	s1 =	stileid.u32  }
0x5: {  	s4 =	simm.s32 $0x0;
	s5 =	srdreg.scid;
	s13 =	simm.s32 $0x80  }
0x6: {  	s14 =	simm.s32 $0x200;
	s15 =	simm.s32 $0x100;
	s16 =	simm.s32 $0x2  }
0x7: {  	s17 =	simm.s32 $0x4200;
	s18 =	simm.s32 $0x3;
	s19 =	simm.s32 $0x1  }
0x8: {  	s20 =	simm.s32 $0x4;
	s21 =	simm.s32 $0x180;
	s7 =	smul.u32 $0x50, s1  }
0x9: {  	s24 =	simm.s32 $0x0;
	[smem:$0x7FF] =	sst s4;
	s28 =	smul.u32 $0x13C00, s1  }
0xa: {  	s8 =	sand.u32 $0x1, s5;
	s29 =	smul.u32 $0x4F000, s1;
	s22 =	sshll.u32 s1, $0x6  }
0xb: {  	p0 =	seq.s32 s8, $0x0;
	s9 =	smul.u32 $0x13C000, s8;
	_ =	strace $0x8000004A  }
0xc: {  	s8 =	ssub.s32 $0x2, s8;
	s22 =	sor.u32 $0x1C05, s22;
	s5 =	sadd.s32 $0x500, s7  }
0xd: {  	s30 =	sshrl.u32 s8, $0x1;
	s31 =	sshrl.u32 s29, $0x2;
	s5 =	smov.u32 @p0 s7  }
0xe: {  	s7 =	sadd.s32 s28, s9;
	s12 =	ssub.s32 s8, s30;
	s5 =	sshll.u32 s5, $0x5  }
0xf: {  	s7 =	sshrl.u32 s7, $0x3;
	s10 =	sadd.s32 s5, s6;
	s5 =	sadd.s32 $0x19E00, s6  }
0x10: {  	s11 =	sadd.s32 s7, s6;
	s6 =	sadd.s32 s31, s3;
	s7 =	sadd.s32 $0x5E00, s10  }
0x11: {  	s8 =	sadd.s32 $0x5E20, s10;
	s9 =	sadd.s32 $0x1A000, s11;
	s10 =	smax.u32 s12, $0x1  }
0x12: {  	s11 =	simm.s32 $0x8200;
	s12 =	simm.s32 $0x5;
	s23 =	sshrl.u32 s6, $0x3  }
.LBB2_1:
0x13: {  	[tilespmem:s11], [sflag:$0x5] =	stream.linear.gather [hbm4b:s5+s4], $0x400, $0x38;
	[tilespmem:$0x1C200] =	vst v63  }
0x14: {  	_ =	swait.ge [sflag:s12], $0x400  }
0x15: {  	[sflag:s12] =	ssyncset.done $0x0  }
0x16: {  	s25 =	sadd.s32 $0x0, s6;
	[sflag:s12] =	ssyncadd.s32 $0xFFFFFC00  }
0x17: {  	[spmem:s25] =	stream.linear.scatter [tilespmem:s11], [sflag:$0x5], $0x400, $0x38;
	[tilespmem:$0x1C200] =	vst v63  }
0x18: {  	s25 =	simm.s32 $0x1000;
	_ =	swait.ge [sflag:s12], $0x400  }
.LBB2_2:
0x19: {  	s26 =	sshra.s32 s25, $0x2;
	[sflag:s12] =	ssyncset.done $0x0;
	p0 =	sne.s32 s25, $0x4E000  }
.Ltmp0:
0x1a: {  	s26 =	sadd.s32 s26, s6;
	[sflag:s12] =	ssyncadd.s32 $0xFFFFFC00;
	(pc) =	sbr.rel @p0 .LBB2_2-.Ltmp0, $3  }
0x1b: {  	[spmem:s26] =	stream.linear.scatter [tilespmem:s11], [sflag:$0x5], $0x400, $0x38;
	[tilespmem:$0x1C200] =	vst v63  }
0x1c: {  	s25 =	sadd.s32 $0x1000, s25;
	_ =	sdelay $0x1  }
0x1d: {  	_ =	swait.ge [sflag:s12], $0x400  }
0x1e: {  	[sflag:s12] =	ssyncset.done $0x0  }
0x1f: {  	[sflag:s12] =	ssyncadd.s32 $0xFFFFFC00  }
0x20: {  	[bflag:$0x0] =	sbarrier.arrive $0xFFFF  }
0x21: {  	[tilespmem:s4], [sflag:$0x5] =	stream.linear.gather [hbm4b:s7+s4], $0x100, $0x38;
	[tilespmem:$0x1C200] =	vst v63  }
0x22: {  	_ =	swait.ge [sflag:s12], $0x100  }
0x23: {  	[sflag:s12] =	ssyncset.done $0x0  }
0x24: {  	[sflag:s12] =	ssyncadd.s32 $0xFFFFFF00  }
0x25: {  	[tilespmem:s14], [sflag:$0x3] =	stream.indirect.gather [hbm4b:s2+s13], $0x80, s4, s13, $0xb8;
	[tilespmem:$0x1C200] =	vst v63  }
0x26: {  	_ = 	snop  }
0x27: {  	[tilespmem:s15], [sflag:$0x2] =	stream.linear.gather [hbm4b:s8+s4], $0x100, $0x38;
	[tilespmem:$0x1C200] =	vst v63  }
0x28: {  	_ =	swait.ge [sflag:s16], $0x100  }
0x29: {  	[sflag:s16] =	ssyncset.done $0x0  }
0x2a: {  	[sflag:s16] =	ssyncadd.s32 $0xFFFFFF00  }
0x2b: {  	[tilespmem:s17], [sflag:$0x4] =	stream.indirect.gather [hbm4b:s2+s13], $0x80, s15, s13, $0xb8;
	[tilespmem:$0x1C200] =	vst v63  }
0x2c: {  	_ =	swait.ge [sflag:s18], $0x4000  }
0x2d: {  	[sflag:s18] =	ssyncset.done $0x0  }
0x2e: {  	[sflag:s18] =	ssyncadd.s32 $0xFFFFC000  }
0x2f: {  	[spmem:s3] =	stream.indirect.scatter.add.f32 [tilespmem:s14], [sflag:$0x5], $0x80, s13, s13, $0xb8;
	[tilespmem:$0x1C200] =	vst v63  }
0x30: {  	_ =	swait.ge [sflag:s12], $0x4000  }
0x31: {  	s26 =	sadd.s32 $0xFFFFF640, s7;
	[sflag:s12] =	ssyncset.done $0x0  }
0x32: {  	s25 =	sadd.s32 $0xA00, s26;
	[sflag:s12] =	ssyncadd.s32 $0xFFFFC000  }
0x33: {  	[tilespmem:s4], [sflag:$0x1] =	stream.linear.gather [hbm4b:s25+s4], $0x100, $0x38;
	[tilespmem:$0x1C200] =	vst v63  }
0x34: {  	_ =	swait.ge [sflag:s19], $0x100  }
0x35: {  	[sflag:s19] =	ssyncset.done $0x0  }
0x36: {  	[sflag:s19] =	ssyncadd.s32 $0xFFFFFF00  }
0x37: {  	[tilespmem:s14], [sflag:$0x3] =	stream.indirect.gather [hbm4b:s2+s13], $0x80, s4, s13, $0xb8;
	[tilespmem:$0x1C200] =	vst v63  }
0x38: {  	_ =	swait.ge [sflag:s20], $0x4000  }
0x39: {  	[sflag:s20] =	ssyncset.done $0x0  }
0x3a: {  	[sflag:s20] =	ssyncadd.s32 $0xFFFFC000  }
0x3b: {  	[spmem:s3] =	stream.indirect.scatter.add.f32 [tilespmem:s17], [sflag:$0x5], $0x80, s21, s13, $0xb8;
	[tilespmem:$0x1C200] =	vst v63  }
0x3c: {  	_ =	swait.ge [sflag:s12], $0x4000  }
0x3d: {  	[sflag:s12] =	ssyncset.done $0x0  }
0x3e: {  	s26 =	sadd.s32 $0xA20, s26;
	s25 =	simm.s32 $0xFFFFF680;
	[sflag:s12] =	ssyncadd.s32 $0xFFFFC000  }
.LBB2_4:
0x3f: {  	[tilespmem:s15], [sflag:$0x2] =	stream.linear.gather [hbm4b:s26+s4], $0x100, $0x38;
	[tilespmem:$0x1C200] =	vst v63  }
0x40: {  	s26 =	smov.u32 s25  }
0x41: {  	p0 =	sne.s32 s25, $0xFFFFFFC0;
	s25 =	sadd.s32 $0x40, s25;
	_ =	swait.ge [sflag:s16], $0x100  }
0x42: {  	[sflag:s16] =	ssyncset.done $0x0  }
0x43: {  	[sflag:s16] =	ssyncadd.s32 $0xFFFFFF00  }
0x44: {  	[tilespmem:s17], [sflag:$0x4] =	stream.indirect.gather [hbm4b:s2+s13], $0x80, s15, s13, $0xb8;
	[tilespmem:$0x1C200] =	vst v63  }
0x45: {  	_ =	swait.ge [sflag:s18], $0x4000  }
0x46: {  	[sflag:s18] =	ssyncset.done $0x0  }
0x47: {  	[sflag:s18] =	ssyncadd.s32 $0xFFFFC000  }
0x48: {  	[spmem:s3] =	stream.indirect.scatter.add.f32 [tilespmem:s14], [sflag:$0x5], $0x80, s13, s13, $0xb8;
	[tilespmem:$0x1C200] =	vst v63  }
0x49: {  	_ =	swait.ge [sflag:s12], $0x4000  }
0x4a: {  	s26 =	sadd.s32 s26, s7;
	[sflag:s12] =	ssyncset.done $0x0  }
0x4b: {  	s28 =	sadd.s32 $0xA00, s26;
	[sflag:s12] =	ssyncadd.s32 $0xFFFFC000  }
0x4c: {  	[tilespmem:s4], [sflag:$0x1] =	stream.linear.gather [hbm4b:s28+s4], $0x100, $0x38;
	[tilespmem:$0x1C200] =	vst v63  }
0x4d: {  	_ =	swait.ge [sflag:s19], $0x100  }
0x4e: {  	[sflag:s19] =	ssyncset.done $0x0  }
0x4f: {  	[sflag:s19] =	ssyncadd.s32 $0xFFFFFF00  }
0x50: {  	[tilespmem:s14], [sflag:$0x3] =	stream.indirect.gather [hbm4b:s2+s13], $0x80, s4, s13, $0xb8;
	[tilespmem:$0x1C200] =	vst v63  }
0x51: {  	_ =	swait.ge [sflag:s20], $0x4000  }
0x52: {  	[sflag:s20] =	ssyncset.done $0x0  }
.Ltmp1:
0x53: {  	[sflag:s20] =	ssyncadd.s32 $0xFFFFC000;
	(pc) =	sbr.rel @p0 .LBB2_4-.Ltmp1, $4  }
0x54: {  	[spmem:s3] =	stream.indirect.scatter.add.f32 [tilespmem:s17], [sflag:$0x5], $0x80, s21, s13, $0xb8;
	[tilespmem:$0x1C200] =	vst v63  }
0x55: {  	_ =	swait.ge [sflag:s12], $0x4000  }
0x56: {  	[sflag:s12] =	ssyncset.done $0x0  }
0x57: {  	s26 =	sadd.s32 $0xA20, s26;
	[sflag:s12] =	ssyncadd.s32 $0xFFFFC000  }
0x58: {  	[tilespmem:s15], [sflag:$0x2] =	stream.linear.gather [hbm4b:s26+s4], $0x100, $0x38;
	[tilespmem:$0x1C200] =	vst v63  }
0x59: {  	_ =	swait.ge [sflag:s16], $0x100  }
0x5a: {  	[sflag:s16] =	ssyncset.done $0x0  }
0x5b: {  	[sflag:s16] =	ssyncadd.s32 $0xFFFFFF00  }
0x5c: {  	[tilespmem:s17], [sflag:$0x4] =	stream.indirect.gather [hbm4b:s2+s13], $0x80, s15, s13, $0xb8;
	[tilespmem:$0x1C200] =	vst v63  }
0x5d: {  	_ =	swait.ge [sflag:s18], $0x4000  }
0x5e: {  	[sflag:s18] =	ssyncset.done $0x0  }
0x5f: {  	[sflag:s18] =	ssyncadd.s32 $0xFFFFC000  }
0x60: {  	[spmem:s3] =	stream.indirect.scatter.add.f32 [tilespmem:s14], [sflag:$0x5], $0x80, s13, s13, $0xb8;
	[tilespmem:$0x1C200] =	vst v63  }
0x61: {  	_ =	swait.ge [sflag:s12], $0x4000  }
0x62: {  	[sflag:s12] =	ssyncset.done $0x0  }
0x63: {  	[sflag:s12] =	ssyncadd.s32 $0xFFFFC000  }
0x64: {  	_ =	swait.ge [sflag:s20], $0x4000  }
0x65: {  	[sflag:s20] =	ssyncset.done $0x0  }
0x66: {  	[sflag:s20] =	ssyncadd.s32 $0xFFFFC000  }
0x67: {  	[spmem:s3] =	stream.indirect.scatter.add.f32 [tilespmem:s17], [sflag:$0x5], $0x80, s21, s13, $0xb8;
	[tilespmem:$0x1C200] =	vst v63  }
0x68: {  	_ =	swait.ge [sflag:s12], $0x4000  }
0x69: {  	s24 =	sadd.s32 $0x1, s24;
	[sflag:s12] =	ssyncset.done $0x0  }
0x6a: {  	p0 =	sne.s32 s24, s10;
	[sflag:s12] =	ssyncadd.s32 $0xFFFFC000  }
.Ltmp2:
0x6b: {  	[bflag:$0x0] =	sbarrier.arrive $0xFFFF;
	(pc) =	sbr.rel @p0 .LBB2_1-.Ltmp2, $4  }
0x6c: {  	[hbm:s9], [sflag:s22] =	dma.local [spmem:s23], $0x2780  }
0x6d: {  	_ =	swait.ge [sflag:s12], $0x2780  }
0x6e: {  	[sflag:s12] =	ssyncset.done $0x0  }
0x6f: {  	[sflag:s12] =	ssyncadd.s32 $0xFFFFD880  }
0x70: {  	_ =	sfence.sel $0x180000  }
0x71: {  	[bflag:$0x0] =	sbarrier.arrive $0xFFFF  }
0x72: {  	p0 =	sne.s32 s1, $0x0;
	_ =	strace $0x9000004A  }
0x73: {  	s0 =	sadd.s32 @!p0 $0x100000, s0;
	[bflag:$0x2] =	sbarrier.arrive $0xFFFF  }
0x74: {  	[sflag:s0] =	ssyncadd.tile.s32 @!p0 $0x1;
	_ =	shalt  }
.Lfunc_end2:
_tile_overlayer_lowered:
.L_overlay_start_2:
0x75: {  	(tag) =	ssettag $0x2  }
0x76: {  	s0 =	rddreg [dreg:$0x0];
	s2 =	stileid.u32  }
0x77: {  	s1 =	rddreg [dreg:$0x1];
	p0 =	sne.s32 s2, $0x0  }
0x78: {  	s3 =	rddreg [dreg:$0x2];
	[bflag:$0x3] =	sbarrier.arrive $0xFFFF;
	s2 =	simm.s32 @!p0 $0x1C05  }
0x79: {  	[timem:s3], [sflag:s2] =	dma.local @!p0 [hbm:s0], s1  }
0x7a: {  	s0 =	simm.s32 @!p0 $0x5  }
0x7b: {  	_ =	swait.ge @!p0 [sflag:s0], s1  }
0x7c: {  	s1 =	ssub.s32 @!p0 $0x0, s1;
	[sflag:s0] =	ssyncset.done @!p0 $0x0  }
0x7d: {  	[sflag:s0] =	ssyncadd.s32 @!p0 s1  }
0x7e: {  	[bflag:$0x3] =	sbarrier.arrive $0xFFFF  }
0x7f: {  	_ =	shalt  }

// kernel: kernel.24.cloned.1.call-start
scs
__scs_entry_jumppad:
0x0: {  	(pc) =	sbr.rel $0x88, $3  }
0x1: {  	(tag) =	ssettag $0x0;
	lr =	simm.s32 $0x1  }
0x2: {  	[smem:$0x3F97] =	sst lr;
	_ =	strace $0xD0000000  }
0x3: {  	_ = 	snop  }
0x4: {  	_ = 	snop  }
0x5: {  	_ = 	snop  }
0x6: {  	_ = 	snop  }
0x7: {  	_ = 	snop  }
__scs_overlays_trampoline_lowered:
0x8: {  	[smem:$0x3FA6] =	sst s0  }
0x9: {  	[smem:$0x3FA7] =	sst s1  }
0xa: {  	[smem:$0x3FA8] =	sst s2  }
0xb: {  	[smem:$0x3FA9] =	sst s3  }
0xc: {  	[smem:$0x3FAA] =	sst s4  }
0xd: {  	[smem:$0x3FAB] =	sst s5  }
0xe: {  	[smem:$0x3FAC] =	sst s6  }
0xf: {  	[smem:$0x3FAD] =	sst s7  }
0x10: {  	[smem:$0x3FAE] =	sst s8  }
0x11: {  	[smem:$0x3FAF] =	sst s9;
	s0 =	simm.s32 @!p0 $0x0  }
0x12: {  	s1 =	sld [smem:$0x3F95];
	s0 =	simm.s32 @p0 $0x1  }
0x13: {  	[smem:$0x3FB0] =	sst s0;
	s0 =	simm.s32 @!p1 $0x0  }
0x14: {  	s2 =	sld [smem:$0x3F94];
	s0 =	simm.s32 @p1 $0x1  }
0x15: {  	[smem:$0x3FB1] =	sst s0;
	s0 =	simm.s32 @!p2 $0x0  }
0x16: {  	s3 =	sld [smem:$0x3FDB];
	s0 =	simm.s32 @p2 $0x1  }
0x17: {  	s4 =	simm.s32 $0x1BF5;
	[smem:$0x3FB3] =	sst s0  }
0x18: {  	s0 =	sld [smem:$0x3F96];
	_ =	swait.ge [sflag:s4], $0x0  }
0x19: {  	s7 =	sld [smem:$0x3F97]  }
0x1a: {  	s8 =	sadd.s32 $0xFFFFE003, lr  }
0x1b: {  	s9 =	sadd.s32 $0xFFFFFEF7, lr;
	s5 =	simm.s32 $0xFFFFFFFF;
	p2 =	slt.u32 s8, $0xFFFFF086  }
0x1c: {  	p1 =	slt.u32 s9, $0xF7A;
	s5 =	simm.s32 @!p2 $0x0  }
0x1d: {  	s5 =	simm.s32 @p1 $0x1;
	p0 =	seq.s32 s7, s2  }
0x1e: {  	s7 =	smul.u32 @!p0 $0xF7A, s2;
	p2 =	seq.s32 @!p0 s5, $0x0  }
0x1f: {  	s9 =	smul.u32 $0xF7A, s1;
	s8 =	simm.s32 @!p0 $0x1BF5;
	p2 =	por !p2, p0  }
0x20: {  	[sflag:s8] =	ssyncset.s32 @!p0 $0xFFFFF086;
	s6 =	sadd.s32 @!p0 s3, s7;
	s7 =	simm.s32 @!p0 $0x108  }
0x21: {  	s3 =	sadd.s32 s3, s9;
	s6 =	sadd.s32 @!p0 $0x88, s6;
	s7 =	simm.s32 @p2 $0x1082  }
0x22: {  	[simem:s7], [sflag:s8] =	dma.local @!p0 [hbm:s6], $0xF7A  }
0x23: {  	s9 =	sor.u32 $0xD0000000, s2;
	s6 =	simm.s32 $0x108;
	_ =	swait.ge @!p0 [sflag:s8], $0x0  }
0x24: {  	s3 =	sadd.s32 $0x88, s3;
	s6 =	simm.s32 @!p1 $0x1082;
	[sflag:s4] =	ssyncset.s32 $0xFFFFF086  }
0x25: {  	[simem:s6], [sflag:s4] =	dma.local [hbm:s3], $0xF7A  }
0x26: {  	[smem:$0x3F97] =	sst s1;
	(tag) =	ssettag s2;
	_ =	strace s9  }
0x27: {  	s1 =	sld [smem:$0x3FA7]  }
0x28: {  	s2 =	sld [smem:$0x3FA8]  }
0x29: {  	s4 =	sld [smem:$0x3FAA]  }
0x2a: {  	p0 =	seq.s32 s5, $0x0;
	s5 =	sld [smem:$0x3FAB]  }
0x2b: {  	s6 =	sld [smem:$0x3FAC]  }
0x2c: {  	s7 =	sld [smem:$0x3FAD]  }
0x2d: {  	s3 =	simm.s32 $0x108;
	s8 =	sld [smem:$0x3FAE]  }
0x2e: {  	s3 =	simm.s32 @!p0 $0x1082;
	s9 =	sld [smem:$0x3FAF]  }
0x2f: {  	lr =	sadd.s32 s0, s3;
	s0 =	sld [smem:$0x3FA6]  }
0x30: {  	s3 =	sld [smem:$0x3FA9]  }
0x31: {  	[smem:$0x3FB2] =	sst s10  }
0x32: {  	s10 =	sld [smem:$0x3FB0];
	_ =	sdelay $0x3  }
0x33: {  	p0 =	seq.s32 s10, $0x1;
	s10 =	sld [smem:$0x3FB2];
	_ =	sdelay $0x3  }
0x34: {  	[smem:$0x3FB2] =	sst s10  }
0x35: {  	s10 =	sld [smem:$0x3FB1];
	_ =	sdelay $0x3  }
0x36: {  	p1 =	seq.s32 s10, $0x1;
	s10 =	sld [smem:$0x3FB2];
	_ =	sdelay $0x3  }
0x37: {  	[smem:$0x3FB2] =	sst s10  }
0x38: {  	s10 =	sld [smem:$0x3FB3]  }
0x39: {  	_ = 	snop;
	(pc) =	sbr.ind lr, $3  }
0x3a: {  	_ = 	snop  }
0x3b: {  	_ = 	snop  }
0x3c: {  	p2 =	seq.s32 s10, $0x1;
	s10 =	sld [smem:$0x3FB2]  }
0x3d: {  	_ =	shalt  }
0x3e: {  	_ =	shalt  }
0x3f: {  	_ =	shalt  }
0x40: {  	_ =	shalt  }
0x41: {  	_ =	shalt  }
0x42: {  	_ =	shalt  }
0x43: {  	_ =	shalt  }
0x44: {  	_ =	shalt  }
0x45: {  	_ =	shalt  }
0x46: {  	_ =	shalt  }
0x47: {  	_ =	shalt  }
0x48: {  	_ =	shalt  }
0x49: {  	_ =	shalt  }
0x4a: {  	_ =	shalt  }
0x4b: {  	_ =	shalt  }
0x4c: {  	_ =	shalt  }
0x4d: {  	_ =	shalt  }
0x4e: {  	_ =	shalt  }
0x4f: {  	_ =	shalt  }
0x50: {  	_ =	shalt  }
0x51: {  	_ =	shalt  }
0x52: {  	_ =	shalt  }
0x53: {  	_ =	shalt  }
0x54: {  	_ =	shalt  }
0x55: {  	_ =	shalt  }
0x56: {  	_ =	shalt  }
0x57: {  	_ =	shalt  }
0x58: {  	_ =	shalt  }
0x59: {  	_ =	shalt  }
0x5a: {  	_ =	shalt  }
0x5b: {  	_ =	shalt  }
0x5c: {  	_ =	shalt  }
0x5d: {  	_ =	shalt  }
0x5e: {  	_ =	shalt  }
0x5f: {  	_ =	shalt  }
0x60: {  	_ =	shalt  }
0x61: {  	_ =	shalt  }
0x62: {  	_ =	shalt  }
0x63: {  	_ =	shalt  }
0x64: {  	_ =	shalt  }
0x65: {  	_ =	shalt  }
0x66: {  	_ =	shalt  }
0x67: {  	_ =	shalt  }
0x68: {  	_ =	shalt  }
0x69: {  	_ =	shalt  }
0x6a: {  	_ =	shalt  }
0x6b: {  	_ =	shalt  }
0x6c: {  	_ =	shalt  }
0x6d: {  	_ =	shalt  }
0x6e: {  	_ =	shalt  }
0x6f: {  	_ =	shalt  }
0x70: {  	_ =	shalt  }
0x71: {  	_ =	shalt  }
0x72: {  	_ =	shalt  }
0x73: {  	_ =	shalt  }
0x74: {  	_ =	shalt  }
0x75: {  	_ =	shalt  }
0x76: {  	_ =	shalt  }
0x77: {  	_ =	shalt  }
0x78: {  	_ =	shalt  }
0x79: {  	_ =	shalt  }
0x7a: {  	_ =	shalt  }
0x7b: {  	_ =	shalt  }
0x7c: {  	_ =	shalt  }
0x7d: {  	_ =	shalt  }
0x7e: {  	_ =	shalt  }
0x7f: {  	_ =	shalt  }
0x80: {  	_ =	shalt  }
0x81: {  	_ =	shalt  }
0x82: {  	_ =	shalt  }
0x83: {  	_ =	shalt  }
0x84: {  	_ =	shalt  }
0x85: {  	_ =	shalt  }
0x86: {  	_ =	shalt  }
0x87: {  	_ =	shalt  }
.Lfunc_end0:
.L_simem_size_0:
called_computation.2_lowered:
.L_overlay_start_0:
0x88: {  	s2 =	sld [smem:$0x3FD9]  }
0x89: {  	s3 =	sld [smem:$0x3FFE];
	_ =	sdelay $0x1  }
0x8a: {  	s1 =	srdreg.scid  }
0x8b: {  	s0 =	sand.u32 $0x1, s1  }
0x8c: {  	s17 =	sshll.u32 s0, $0xA;
	s2 =	sadd.s32 s3, s2  }
0x8d: {  	s2 =	sadd.s32 s2, s17  }
0x8e: {  	[smem:$0x3FBE] =	sst s2  }
0x8f: {  	_ = 	snop  }
0x90: {  	s2 =	sld [smem:$0x3FD0];
	(tm) =	ssettm $0x1  }
0x91: {  	s18 =	sld [smem:$0x3FFB];
	_ =	sdelay $0x3  }
0x92: {  	_ =	strace s18  }
0x93: {  	s3 =	sld [smem:$0x3FFC];
	_ =	sdelay $0x3  }
0x94: {  	_ =	strace s3  }
0x95: {  	s3 =	sld [smem:$0x3FFD];
	_ =	sdelay $0x3  }
0x96: {  	_ =	strace s3  }
0x97: {  	_ =	strace $0x8FFFFFFF  }
0x98: {  	s19 =	sld [smem:$0x3FDB];
	_ =	sdelay $0x1  }
0x99: {  	s4 =	simm.s32 $_scs_section_size  }
0x9a: {  	s5 =	simm.s32 $_size__tile_overlayer_lowered;
	s6 =	simm.s32 $_tile_overlayer_lowered  }
0x9b: {  	s22 =	simm.s32 $0x1BFF;
	s21 =	sshll.u32 s6, $0x1;
	s3 =	sadd.s32 s4, s19  }
0x9c: {  	s7 =	simm.s32 $0x0;
	s20 =	sshll.u32 s5, $0x1;
	s5 =	sadd.s32 s21, s3  }
0x9d: {  	[timem:s7], [sflag:s22] =	dma.local [hbm:s5], s20  }
0x9e: {  	_ =	swait.ge [sflag:s22], s20  }
0x9f: {  	s4 =	ssub.s32 $0x0, s20;
	[sflag:s22] =	ssyncset.done $0x0  }
0xa0: {  	[sflag:s22] =	ssyncadd.s32 s4;
	_ =	sdelay $0x1  }
0xa1: {  	s23 =	simm.s32 $0x1B8B  }
0xa2: {  	_ =	swait.ge [sflag:s23], $0x1  }
0xa3: {  	[sflag:s23] =	ssyncset.done $0x0  }
0xa4: {  	s25 =	simm.s32 $0x1B8E;
	s24 =	sld [smem:$0x3FFE];
	[sflag:s23] =	ssyncadd.s32 $0xFFFFFFFF  }
0xa5: {  	s26 =	simm.s32 $execute0_lowered;
	[smem:$0x3FD2] =	sst s25  }
0xa6: {  	s5 =	sshll.u32 s26, $0x1;
	_ =	strace $0x8000004C;
	[dreg:$0x1] =	wrdreg $0xFFFFFFFF  }
0xa7: {  	s28 =	simm.s32 $_size_execute0_lowered;
	s3 =	sadd.s32 s3, s5;
	[dreg:$0x0] =	wrdreg $0x0  }
0xa8: {  	s5 =	sshll.u32 s28, $0x1;
	[dreg:$0x2] =	wrdreg s3  }
0xa9: {  	[dreg:$0x3] =	wrdreg s5  }
0xaa: {  	[dreg:$0x4] =	wrdreg $0xC0  }
0xab: {  	_ =	task [dreg:s7], $0x5FFFF  }
0xac: {  	[dreg:$0x1] =	wrdreg $0xFFFFFFFF  }
0xad: {  	[dreg:$0x0] =	wrdreg $0x60  }
0xae: {  	[dreg:$0x2] =	wrdreg s2  }
0xaf: {  	[dreg:$0x3] =	wrdreg s24  }
0xb0: {  	[dreg:$0x4] =	wrdreg $0x86000  }
0xb1: {  	[dreg:$0x5] =	wrdreg $0x9  }
0xb2: {  	_ =	task.clear_ibuf [dreg:s7], $0x6FFFF;
	_ =	strace $0x9000004C  }
0xb3: {  	s29 =	simm.s32 $0x9;
	_ =	strace $0x8000004E  }
0xb4: {  	_ =	swait.ge [sflag:s29], $0x1  }
0xb5: {  	[sflag:s29] =	ssyncadd.s32 $0xFFFFFFFF  }
0xb6: {  	_ =	strace $0x9000004E  }
0xb7: {  	_ =	sfence  }
0xb8: {  	s30 =	sld [smem:$0x0];
	_ =	sdelay $0x2  }
0xb9: {  	s31 =	sshll.u32 s1, $0xD;
	s1 =	sshrl.u32 s1, $0x2  }
0xba: {  	s3 =	sand.u32 $0x4000, s31;
	s1 =	sadd.s32 s1, s30  }
0xbb: {  	s0 =	sor.u32 s3, s0;
	s1 =	sshll.u32 s1, $0x11  }
0xbc: {  	s0 =	sor.u32 s1, s0  }
0xbd: {  	s0 =	sadd.s32 $0x8F2B, s0  }
0xbe: {  	[sflag:s0] =	ssyncadd.remote.s32 $0x1  }
0xbf: {  	_ =	sfence.sel $0xFFFF  }
0xc0: {  	[dreg:$0x0] =	wrdreg $0xFFFFFFFF;
	(pc) =	sbr.abs _section_cstart, $3  }
0xc1: {  	[dreg:$0x1] =	wrdreg $0xFFFFFFFF  }
0xc2: {  	_ =	task.clear_ibuf [dreg:s7], $0x2FFFF;
	_ =	strace $0x9FFFFFFF  }
0xc3: {  	(tm) =	ssettm $0x7FFFFFFF  }
tec
execute0_lowered:
.L_overlay_start_1:
0x0: {  	(tag) =	ssettag $0x1  }
0x1: {  	s2 =	rddreg [dreg:$0x0]  }
0x2: {  	s6 =	rddreg [dreg:$0x1]  }
0x3: {  	s3 =	rddreg [dreg:$0x2]  }
0x4: {  	s0 =	rddreg [dreg:$0x3];
	s1 =	stileid.u32  }
0x5: {  	s4 =	simm.s32 $0x0;
	s5 =	srdreg.scid;
	s13 =	simm.s32 $0x80  }
0x6: {  	s14 =	simm.s32 $0x200;
	s15 =	simm.s32 $0x100;
	s16 =	simm.s32 $0x2  }
0x7: {  	s17 =	simm.s32 $0x4200;
	s18 =	simm.s32 $0x3;
	s19 =	simm.s32 $0x1  }
0x8: {  	s20 =	simm.s32 $0x4;
	s21 =	simm.s32 $0x180;
	s7 =	smul.u32 $0x50, s1  }
0x9: {  	s24 =	simm.s32 $0x0;
	[smem:$0x7FF] =	sst s4;
	s28 =	smul.u32 $0x13C00, s1  }
0xa: {  	s8 =	sand.u32 $0x1, s5;
	s29 =	smul.u32 $0x4F000, s1;
	s22 =	sshll.u32 s1, $0x6  }
0xb: {  	p0 =	seq.s32 s8, $0x0;
	s9 =	smul.u32 $0x13C000, s8;
	_ =	strace $0x8000004D  }
0xc: {  	s8 =	ssub.s32 $0x2, s8;
	s22 =	sor.u32 $0x1C05, s22;
	s5 =	sadd.s32 $0x500, s7  }
0xd: {  	s30 =	sshrl.u32 s8, $0x1;
	s31 =	sshrl.u32 s29, $0x2;
	s5 =	smov.u32 @p0 s7  }
0xe: {  	s7 =	sadd.s32 s28, s9;
	s12 =	ssub.s32 s8, s30;
	s5 =	sshll.u32 s5, $0x5  }
0xf: {  	s7 =	sshrl.u32 s7, $0x3;
	s10 =	sadd.s32 s5, s6;
	s5 =	sadd.s32 $0x19E00, s6  }
0x10: {  	s11 =	sadd.s32 s7, s6;
	s6 =	sadd.s32 s31, s3;
	s7 =	sadd.s32 $0x5E00, s10  }
0x11: {  	s8 =	sadd.s32 $0x5E20, s10;
	s9 =	sadd.s32 $0x41200, s11;
	s10 =	smax.u32 s12, $0x1  }
0x12: {  	s11 =	simm.s32 $0x8200;
	s12 =	simm.s32 $0x5;
	s23 =	sshrl.u32 s6, $0x3  }
.LBB2_1:
0x13: {  	[tilespmem:s11], [sflag:$0x5] =	stream.linear.gather [hbm4b:s5+s4], $0x400, $0x38;
	[tilespmem:$0x1C200] =	vst v63  }
0x14: {  	_ =	swait.ge [sflag:s12], $0x400  }
0x15: {  	[sflag:s12] =	ssyncset.done $0x0  }
0x16: {  	s25 =	sadd.s32 $0x0, s6;
	[sflag:s12] =	ssyncadd.s32 $0xFFFFFC00  }
0x17: {  	[spmem:s25] =	stream.linear.scatter [tilespmem:s11], [sflag:$0x5], $0x400, $0x38;
	[tilespmem:$0x1C200] =	vst v63  }
0x18: {  	s25 =	simm.s32 $0x1000;
	_ =	swait.ge [sflag:s12], $0x400  }
.LBB2_2:
0x19: {  	s26 =	sshra.s32 s25, $0x2;
	[sflag:s12] =	ssyncset.done $0x0;
	p0 =	sne.s32 s25, $0x4E000  }
.Ltmp0:
0x1a: {  	s26 =	sadd.s32 s26, s6;
	[sflag:s12] =	ssyncadd.s32 $0xFFFFFC00;
	(pc) =	sbr.rel @p0 .LBB2_2-.Ltmp0, $3  }
0x1b: {  	[spmem:s26] =	stream.linear.scatter [tilespmem:s11], [sflag:$0x5], $0x400, $0x38;
	[tilespmem:$0x1C200] =	vst v63  }
0x1c: {  	s25 =	sadd.s32 $0x1000, s25;
	_ =	sdelay $0x1  }
0x1d: {  	_ =	swait.ge [sflag:s12], $0x400  }
0x1e: {  	[sflag:s12] =	ssyncset.done $0x0  }
0x1f: {  	[sflag:s12] =	ssyncadd.s32 $0xFFFFFC00  }
0x20: {  	[bflag:$0x0] =	sbarrier.arrive $0xFFFF  }
0x21: {  	[tilespmem:s4], [sflag:$0x5] =	stream.linear.gather [hbm4b:s7+s4], $0x100, $0x38;
	[tilespmem:$0x1C200] =	vst v63  }
0x22: {  	_ =	swait.ge [sflag:s12], $0x100  }
0x23: {  	[sflag:s12] =	ssyncset.done $0x0  }
0x24: {  	[sflag:s12] =	ssyncadd.s32 $0xFFFFFF00  }
0x25: {  	[tilespmem:s14], [sflag:$0x3] =	stream.indirect.gather [hbm4b:s2+s13], $0x80, s4, s13, $0xb8;
	[tilespmem:$0x1C200] =	vst v63  }
0x26: {  	_ = 	snop  }
0x27: {  	[tilespmem:s15], [sflag:$0x2] =	stream.linear.gather [hbm4b:s8+s4], $0x100, $0x38;
	[tilespmem:$0x1C200] =	vst v63  }
0x28: {  	_ =	swait.ge [sflag:s16], $0x100  }
0x29: {  	[sflag:s16] =	ssyncset.done $0x0  }
0x2a: {  	[sflag:s16] =	ssyncadd.s32 $0xFFFFFF00  }
0x2b: {  	[tilespmem:s17], [sflag:$0x4] =	stream.indirect.gather [hbm4b:s2+s13], $0x80, s15, s13, $0xb8;
	[tilespmem:$0x1C200] =	vst v63  }
0x2c: {  	_ =	swait.ge [sflag:s18], $0x4000  }
0x2d: {  	[sflag:s18] =	ssyncset.done $0x0  }
0x2e: {  	[sflag:s18] =	ssyncadd.s32 $0xFFFFC000  }
0x2f: {  	[spmem:s3] =	stream.indirect.scatter.add.f32 [tilespmem:s14], [sflag:$0x5], $0x80, s13, s13, $0xb8;
	[tilespmem:$0x1C200] =	vst v63  }
0x30: {  	_ =	swait.ge [sflag:s12], $0x4000  }
0x31: {  	s26 =	sadd.s32 $0xFFFFF640, s7;
	[sflag:s12] =	ssyncset.done $0x0  }
0x32: {  	s25 =	sadd.s32 $0xA00, s26;
	[sflag:s12] =	ssyncadd.s32 $0xFFFFC000  }
0x33: {  	[tilespmem:s4], [sflag:$0x1] =	stream.linear.gather [hbm4b:s25+s4], $0x100, $0x38;
	[tilespmem:$0x1C200] =	vst v63  }
0x34: {  	_ =	swait.ge [sflag:s19], $0x100  }
0x35: {  	[sflag:s19] =	ssyncset.done $0x0  }
0x36: {  	[sflag:s19] =	ssyncadd.s32 $0xFFFFFF00  }
0x37: {  	[tilespmem:s14], [sflag:$0x3] =	stream.indirect.gather [hbm4b:s2+s13], $0x80, s4, s13, $0xb8;
	[tilespmem:$0x1C200] =	vst v63  }
0x38: {  	_ =	swait.ge [sflag:s20], $0x4000  }
0x39: {  	[sflag:s20] =	ssyncset.done $0x0  }
0x3a: {  	[sflag:s20] =	ssyncadd.s32 $0xFFFFC000  }
0x3b: {  	[spmem:s3] =	stream.indirect.scatter.add.f32 [tilespmem:s17], [sflag:$0x5], $0x80, s21, s13, $0xb8;
	[tilespmem:$0x1C200] =	vst v63  }
0x3c: {  	_ =	swait.ge [sflag:s12], $0x4000  }
0x3d: {  	[sflag:s12] =	ssyncset.done $0x0  }
0x3e: {  	s26 =	sadd.s32 $0xA20, s26;
	s25 =	simm.s32 $0xFFFFF680;
	[sflag:s12] =	ssyncadd.s32 $0xFFFFC000  }
.LBB2_4:
0x3f: {  	[tilespmem:s15], [sflag:$0x2] =	stream.linear.gather [hbm4b:s26+s4], $0x100, $0x38;
	[tilespmem:$0x1C200] =	vst v63  }
0x40: {  	s26 =	smov.u32 s25  }
0x41: {  	p0 =	sne.s32 s25, $0xFFFFFFC0;
	s25 =	sadd.s32 $0x40, s25;
	_ =	swait.ge [sflag:s16], $0x100  }
0x42: {  	[sflag:s16] =	ssyncset.done $0x0  }
0x43: {  	[sflag:s16] =	ssyncadd.s32 $0xFFFFFF00  }
0x44: {  	[tilespmem:s17], [sflag:$0x4] =	stream.indirect.gather [hbm4b:s2+s13], $0x80, s15, s13, $0xb8;
	[tilespmem:$0x1C200] =	vst v63  }
0x45: {  	_ =	swait.ge [sflag:s18], $0x4000  }
0x46: {  	[sflag:s18] =	ssyncset.done $0x0  }
0x47: {  	[sflag:s18] =	ssyncadd.s32 $0xFFFFC000  }
0x48: {  	[spmem:s3] =	stream.indirect.scatter.add.f32 [tilespmem:s14], [sflag:$0x5], $0x80, s13, s13, $0xb8;
	[tilespmem:$0x1C200] =	vst v63  }
0x49: {  	_ =	swait.ge [sflag:s12], $0x4000  }
0x4a: {  	s26 =	sadd.s32 s26, s7;
	[sflag:s12] =	ssyncset.done $0x0  }
0x4b: {  	s28 =	sadd.s32 $0xA00, s26;
	[sflag:s12] =	ssyncadd.s32 $0xFFFFC000  }
0x4c: {  	[tilespmem:s4], [sflag:$0x1] =	stream.linear.gather [hbm4b:s28+s4], $0x100, $0x38;
	[tilespmem:$0x1C200] =	vst v63  }
0x4d: {  	_ =	swait.ge [sflag:s19], $0x100  }
0x4e: {  	[sflag:s19] =	ssyncset.done $0x0  }
0x4f: {  	[sflag:s19] =	ssyncadd.s32 $0xFFFFFF00  }
0x50: {  	[tilespmem:s14], [sflag:$0x3] =	stream.indirect.gather [hbm4b:s2+s13], $0x80, s4, s13, $0xb8;
	[tilespmem:$0x1C200] =	vst v63  }
0x51: {  	_ =	swait.ge [sflag:s20], $0x4000  }
0x52: {  	[sflag:s20] =	ssyncset.done $0x0  }
.Ltmp1:
0x53: {  	[sflag:s20] =	ssyncadd.s32 $0xFFFFC000;
	(pc) =	sbr.rel @p0 .LBB2_4-.Ltmp1, $4  }
0x54: {  	[spmem:s3] =	stream.indirect.scatter.add.f32 [tilespmem:s17], [sflag:$0x5], $0x80, s21, s13, $0xb8;
	[tilespmem:$0x1C200] =	vst v63  }
0x55: {  	_ =	swait.ge [sflag:s12], $0x4000  }
0x56: {  	[sflag:s12] =	ssyncset.done $0x0  }
0x57: {  	s26 =	sadd.s32 $0xA20, s26;
	[sflag:s12] =	ssyncadd.s32 $0xFFFFC000  }
0x58: {  	[tilespmem:s15], [sflag:$0x2] =	stream.linear.gather [hbm4b:s26+s4], $0x100, $0x38;
	[tilespmem:$0x1C200] =	vst v63  }
0x59: {  	_ =	swait.ge [sflag:s16], $0x100  }
0x5a: {  	[sflag:s16] =	ssyncset.done $0x0  }
0x5b: {  	[sflag:s16] =	ssyncadd.s32 $0xFFFFFF00  }
0x5c: {  	[tilespmem:s17], [sflag:$0x4] =	stream.indirect.gather [hbm4b:s2+s13], $0x80, s15, s13, $0xb8;
	[tilespmem:$0x1C200] =	vst v63  }
0x5d: {  	_ =	swait.ge [sflag:s18], $0x4000  }
0x5e: {  	[sflag:s18] =	ssyncset.done $0x0  }
0x5f: {  	[sflag:s18] =	ssyncadd.s32 $0xFFFFC000  }
0x60: {  	[spmem:s3] =	stream.indirect.scatter.add.f32 [tilespmem:s14], [sflag:$0x5], $0x80, s13, s13, $0xb8;
	[tilespmem:$0x1C200] =	vst v63  }
0x61: {  	_ =	swait.ge [sflag:s12], $0x4000  }
0x62: {  	[sflag:s12] =	ssyncset.done $0x0  }
0x63: {  	[sflag:s12] =	ssyncadd.s32 $0xFFFFC000  }
0x64: {  	_ =	swait.ge [sflag:s20], $0x4000  }
0x65: {  	[sflag:s20] =	ssyncset.done $0x0  }
0x66: {  	[sflag:s20] =	ssyncadd.s32 $0xFFFFC000  }
0x67: {  	[spmem:s3] =	stream.indirect.scatter.add.f32 [tilespmem:s17], [sflag:$0x5], $0x80, s21, s13, $0xb8;
	[tilespmem:$0x1C200] =	vst v63  }
0x68: {  	_ =	swait.ge [sflag:s12], $0x4000  }
0x69: {  	s24 =	sadd.s32 $0x1, s24;
	[sflag:s12] =	ssyncset.done $0x0  }
0x6a: {  	p0 =	sne.s32 s24, s10;
	[sflag:s12] =	ssyncadd.s32 $0xFFFFC000  }
.Ltmp2:
0x6b: {  	[bflag:$0x0] =	sbarrier.arrive $0xFFFF;
	(pc) =	sbr.rel @p0 .LBB2_1-.Ltmp2, $4  }
0x6c: {  	[hbm:s9], [sflag:s22] =	dma.local [spmem:s23], $0x2780  }
0x6d: {  	_ =	swait.ge [sflag:s12], $0x2780  }
0x6e: {  	[sflag:s12] =	ssyncset.done $0x0  }
0x6f: {  	[sflag:s12] =	ssyncadd.s32 $0xFFFFD880  }
0x70: {  	_ =	sfence.sel $0x180000  }
0x71: {  	[bflag:$0x0] =	sbarrier.arrive $0xFFFF  }
0x72: {  	p0 =	sne.s32 s1, $0x0;
	_ =	strace $0x9000004D  }
0x73: {  	s0 =	sadd.s32 @!p0 $0x100000, s0;
	[bflag:$0x2] =	sbarrier.arrive $0xFFFF  }
0x74: {  	[sflag:s0] =	ssyncadd.tile.s32 @!p0 $0x1;
	_ =	shalt  }
.Lfunc_end2:
_tile_overlayer_lowered:
.L_overlay_start_2:
0x75: {  	(tag) =	ssettag $0x2  }
0x76: {  	s0 =	rddreg [dreg:$0x0];
	s2 =	stileid.u32  }
0x77: {  	s1 =	rddreg [dreg:$0x1];
	p0 =	sne.s32 s2, $0x0  }
0x78: {  	s3 =	rddreg [dreg:$0x2];
	[bflag:$0x3] =	sbarrier.arrive $0xFFFF;
	s2 =	simm.s32 @!p0 $0x1C05  }
0x79: {  	[timem:s3], [sflag:s2] =	dma.local @!p0 [hbm:s0], s1  }
0x7a: {  	s0 =	simm.s32 @!p0 $0x5  }
0x7b: {  	_ =	swait.ge @!p0 [sflag:s0], s1  }
0x7c: {  	s1 =	ssub.s32 @!p0 $0x0, s1;
	[sflag:s0] =	ssyncset.done @!p0 $0x0  }
0x7d: {  	[sflag:s0] =	ssyncadd.s32 @!p0 s1  }
0x7e: {  	[bflag:$0x3] =	sbarrier.arrive $0xFFFF  }
0x7f: {  	_ =	shalt  }

// kernel: kernel.27.cloned.1.call-start
scs
__scs_entry_jumppad:
0x0: {  	(pc) =	sbr.rel $0x88, $3  }
0x1: {  	(tag) =	ssettag $0x0;
	lr =	simm.s32 $0x1  }
0x2: {  	[smem:$0x3F97] =	sst lr;
	_ =	strace $0xD0000000  }
0x3: {  	_ = 	snop  }
0x4: {  	_ = 	snop  }
0x5: {  	_ = 	snop  }
0x6: {  	_ = 	snop  }
0x7: {  	_ = 	snop  }
__scs_overlays_trampoline_lowered:
0x8: {  	[smem:$0x3FA6] =	sst s0  }
0x9: {  	[smem:$0x3FA7] =	sst s1  }
0xa: {  	[smem:$0x3FA8] =	sst s2  }
0xb: {  	[smem:$0x3FA9] =	sst s3  }
0xc: {  	[smem:$0x3FAA] =	sst s4  }
0xd: {  	[smem:$0x3FAB] =	sst s5  }
0xe: {  	[smem:$0x3FAC] =	sst s6  }
0xf: {  	[smem:$0x3FAD] =	sst s7  }
0x10: {  	[smem:$0x3FAE] =	sst s8  }
0x11: {  	[smem:$0x3FAF] =	sst s9;
	s0 =	simm.s32 @!p0 $0x0  }
0x12: {  	s1 =	sld [smem:$0x3F95];
	s0 =	simm.s32 @p0 $0x1  }
0x13: {  	[smem:$0x3FB0] =	sst s0;
	s0 =	simm.s32 @!p1 $0x0  }
0x14: {  	s2 =	sld [smem:$0x3F94];
	s0 =	simm.s32 @p1 $0x1  }
0x15: {  	[smem:$0x3FB1] =	sst s0;
	s0 =	simm.s32 @!p2 $0x0  }
0x16: {  	s3 =	sld [smem:$0x3FDB];
	s0 =	simm.s32 @p2 $0x1  }
0x17: {  	s4 =	simm.s32 $0x1BF5;
	[smem:$0x3FB3] =	sst s0  }
0x18: {  	s0 =	sld [smem:$0x3F96];
	_ =	swait.ge [sflag:s4], $0x0  }
0x19: {  	s7 =	sld [smem:$0x3F97]  }
0x1a: {  	s8 =	sadd.s32 $0xFFFFE003, lr  }
0x1b: {  	s9 =	sadd.s32 $0xFFFFFEF7, lr;
	s5 =	simm.s32 $0xFFFFFFFF;
	p2 =	slt.u32 s8, $0xFFFFF086  }
0x1c: {  	p1 =	slt.u32 s9, $0xF7A;
	s5 =	simm.s32 @!p2 $0x0  }
0x1d: {  	s5 =	simm.s32 @p1 $0x1;
	p0 =	seq.s32 s7, s2  }
0x1e: {  	s7 =	smul.u32 @!p0 $0xF7A, s2;
	p2 =	seq.s32 @!p0 s5, $0x0  }
0x1f: {  	s9 =	smul.u32 $0xF7A, s1;
	s8 =	simm.s32 @!p0 $0x1BF5;
	p2 =	por !p2, p0  }
0x20: {  	[sflag:s8] =	ssyncset.s32 @!p0 $0xFFFFF086;
	s6 =	sadd.s32 @!p0 s3, s7;
	s7 =	simm.s32 @!p0 $0x108  }
0x21: {  	s3 =	sadd.s32 s3, s9;
	s6 =	sadd.s32 @!p0 $0x88, s6;
	s7 =	simm.s32 @p2 $0x1082  }
0x22: {  	[simem:s7], [sflag:s8] =	dma.local @!p0 [hbm:s6], $0xF7A  }
0x23: {  	s9 =	sor.u32 $0xD0000000, s2;
	s6 =	simm.s32 $0x108;
	_ =	swait.ge @!p0 [sflag:s8], $0x0  }
0x24: {  	s3 =	sadd.s32 $0x88, s3;
	s6 =	simm.s32 @!p1 $0x1082;
	[sflag:s4] =	ssyncset.s32 $0xFFFFF086  }
0x25: {  	[simem:s6], [sflag:s4] =	dma.local [hbm:s3], $0xF7A  }
0x26: {  	[smem:$0x3F97] =	sst s1;
	(tag) =	ssettag s2;
	_ =	strace s9  }
0x27: {  	s1 =	sld [smem:$0x3FA7]  }
0x28: {  	s2 =	sld [smem:$0x3FA8]  }
0x29: {  	s4 =	sld [smem:$0x3FAA]  }
0x2a: {  	p0 =	seq.s32 s5, $0x0;
	s5 =	sld [smem:$0x3FAB]  }
0x2b: {  	s6 =	sld [smem:$0x3FAC]  }
0x2c: {  	s7 =	sld [smem:$0x3FAD]  }
0x2d: {  	s3 =	simm.s32 $0x108;
	s8 =	sld [smem:$0x3FAE]  }
0x2e: {  	s3 =	simm.s32 @!p0 $0x1082;
	s9 =	sld [smem:$0x3FAF]  }
0x2f: {  	lr =	sadd.s32 s0, s3;
	s0 =	sld [smem:$0x3FA6]  }
0x30: {  	s3 =	sld [smem:$0x3FA9]  }
0x31: {  	[smem:$0x3FB2] =	sst s10  }
0x32: {  	s10 =	sld [smem:$0x3FB0];
	_ =	sdelay $0x3  }
0x33: {  	p0 =	seq.s32 s10, $0x1;
	s10 =	sld [smem:$0x3FB2];
	_ =	sdelay $0x3  }
0x34: {  	[smem:$0x3FB2] =	sst s10  }
0x35: {  	s10 =	sld [smem:$0x3FB1];
	_ =	sdelay $0x3  }
0x36: {  	p1 =	seq.s32 s10, $0x1;
	s10 =	sld [smem:$0x3FB2];
	_ =	sdelay $0x3  }
0x37: {  	[smem:$0x3FB2] =	sst s10  }
0x38: {  	s10 =	sld [smem:$0x3FB3]  }
0x39: {  	_ = 	snop;
	(pc) =	sbr.ind lr, $3  }
0x3a: {  	_ = 	snop  }
0x3b: {  	_ = 	snop  }
0x3c: {  	p2 =	seq.s32 s10, $0x1;
	s10 =	sld [smem:$0x3FB2]  }
0x3d: {  	_ =	shalt  }
0x3e: {  	_ =	shalt  }
0x3f: {  	_ =	shalt  }
0x40: {  	_ =	shalt  }
0x41: {  	_ =	shalt  }
0x42: {  	_ =	shalt  }
0x43: {  	_ =	shalt  }
0x44: {  	_ =	shalt  }
0x45: {  	_ =	shalt  }
0x46: {  	_ =	shalt  }
0x47: {  	_ =	shalt  }
0x48: {  	_ =	shalt  }
0x49: {  	_ =	shalt  }
0x4a: {  	_ =	shalt  }
0x4b: {  	_ =	shalt  }
0x4c: {  	_ =	shalt  }
0x4d: {  	_ =	shalt  }
0x4e: {  	_ =	shalt  }
0x4f: {  	_ =	shalt  }
0x50: {  	_ =	shalt  }
0x51: {  	_ =	shalt  }
0x52: {  	_ =	shalt  }
0x53: {  	_ =	shalt  }
0x54: {  	_ =	shalt  }
0x55: {  	_ =	shalt  }
0x56: {  	_ =	shalt  }
0x57: {  	_ =	shalt  }
0x58: {  	_ =	shalt  }
0x59: {  	_ =	shalt  }
0x5a: {  	_ =	shalt  }
0x5b: {  	_ =	shalt  }
0x5c: {  	_ =	shalt  }
0x5d: {  	_ =	shalt  }
0x5e: {  	_ =	shalt  }
0x5f: {  	_ =	shalt  }
0x60: {  	_ =	shalt  }
0x61: {  	_ =	shalt  }
0x62: {  	_ =	shalt  }
0x63: {  	_ =	shalt  }
0x64: {  	_ =	shalt  }
0x65: {  	_ =	shalt  }
0x66: {  	_ =	shalt  }
0x67: {  	_ =	shalt  }
0x68: {  	_ =	shalt  }
0x69: {  	_ =	shalt  }
0x6a: {  	_ =	shalt  }
0x6b: {  	_ =	shalt  }
0x6c: {  	_ =	shalt  }
0x6d: {  	_ =	shalt  }
0x6e: {  	_ =	shalt  }
0x6f: {  	_ =	shalt  }
0x70: {  	_ =	shalt  }
0x71: {  	_ =	shalt  }
0x72: {  	_ =	shalt  }
0x73: {  	_ =	shalt  }
0x74: {  	_ =	shalt  }
0x75: {  	_ =	shalt  }
0x76: {  	_ =	shalt  }
0x77: {  	_ =	shalt  }
0x78: {  	_ =	shalt  }
0x79: {  	_ =	shalt  }
0x7a: {  	_ =	shalt  }
0x7b: {  	_ =	shalt  }
0x7c: {  	_ =	shalt  }
0x7d: {  	_ =	shalt  }
0x7e: {  	_ =	shalt  }
0x7f: {  	_ =	shalt  }
0x80: {  	_ =	shalt  }
0x81: {  	_ =	shalt  }
0x82: {  	_ =	shalt  }
0x83: {  	_ =	shalt  }
0x84: {  	_ =	shalt  }
0x85: {  	_ =	shalt  }
0x86: {  	_ =	shalt  }
0x87: {  	_ =	shalt  }
.Lfunc_end0:
.L_simem_size_0:
called_computation.3_lowered:
.L_overlay_start_0:
0x88: {  	s2 =	sld [smem:$0x3FD9]  }
0x89: {  	s3 =	sld [smem:$0x3FFE];
	_ =	sdelay $0x1  }
0x8a: {  	s1 =	srdreg.scid  }
0x8b: {  	s0 =	sand.u32 $0x1, s1  }
0x8c: {  	s17 =	sshll.u32 s0, $0xA;
	s2 =	sadd.s32 s3, s2  }
0x8d: {  	s2 =	sadd.s32 s2, s17  }
0x8e: {  	[smem:$0x3FBE] =	sst s2  }
0x8f: {  	_ = 	snop  }
0x90: {  	s2 =	sld [smem:$0x3FD0];
	(tm) =	ssettm $0x1  }
0x91: {  	s18 =	sld [smem:$0x3FFB];
	_ =	sdelay $0x3  }
0x92: {  	_ =	strace s18  }
0x93: {  	s3 =	sld [smem:$0x3FFC];
	_ =	sdelay $0x3  }
0x94: {  	_ =	strace s3  }
0x95: {  	s3 =	sld [smem:$0x3FFD];
	_ =	sdelay $0x3  }
0x96: {  	_ =	strace s3  }
0x97: {  	_ =	strace $0x8FFFFFFF  }
0x98: {  	s19 =	sld [smem:$0x3FDB];
	_ =	sdelay $0x1  }
0x99: {  	s4 =	simm.s32 $_scs_section_size  }
0x9a: {  	s5 =	simm.s32 $_size__tile_overlayer_lowered;
	s6 =	simm.s32 $_tile_overlayer_lowered  }
0x9b: {  	s22 =	simm.s32 $0x1BFF;
	s21 =	sshll.u32 s6, $0x1;
	s3 =	sadd.s32 s4, s19  }
0x9c: {  	s7 =	simm.s32 $0x0;
	s20 =	sshll.u32 s5, $0x1;
	s5 =	sadd.s32 s21, s3  }
0x9d: {  	[timem:s7], [sflag:s22] =	dma.local [hbm:s5], s20  }
0x9e: {  	_ =	swait.ge [sflag:s22], s20  }
0x9f: {  	s4 =	ssub.s32 $0x0, s20;
	[sflag:s22] =	ssyncset.done $0x0  }
0xa0: {  	[sflag:s22] =	ssyncadd.s32 s4;
	_ =	sdelay $0x1  }
0xa1: {  	s23 =	simm.s32 $0x1B8B  }
0xa2: {  	_ =	swait.ge [sflag:s23], $0x1  }
0xa3: {  	[sflag:s23] =	ssyncset.done $0x0  }
0xa4: {  	s25 =	simm.s32 $0x1B8E;
	s24 =	sld [smem:$0x3FFE];
	[sflag:s23] =	ssyncadd.s32 $0xFFFFFFFF  }
0xa5: {  	s26 =	simm.s32 $execute0_lowered;
	[smem:$0x3FD2] =	sst s25  }
0xa6: {  	s5 =	sshll.u32 s26, $0x1;
	_ =	strace $0x8000004F;
	[dreg:$0x1] =	wrdreg $0xFFFFFFFF  }
0xa7: {  	s28 =	simm.s32 $_size_execute0_lowered;
	s3 =	sadd.s32 s3, s5;
	[dreg:$0x0] =	wrdreg $0x0  }
0xa8: {  	s5 =	sshll.u32 s28, $0x1;
	[dreg:$0x2] =	wrdreg s3  }
0xa9: {  	[dreg:$0x3] =	wrdreg s5  }
0xaa: {  	[dreg:$0x4] =	wrdreg $0xC0  }
0xab: {  	_ =	task [dreg:s7], $0x5FFFF  }
0xac: {  	[dreg:$0x1] =	wrdreg $0xFFFFFFFF  }
0xad: {  	[dreg:$0x0] =	wrdreg $0x60  }
0xae: {  	[dreg:$0x2] =	wrdreg s2  }
0xaf: {  	[dreg:$0x3] =	wrdreg s24  }
0xb0: {  	[dreg:$0x4] =	wrdreg $0x86000  }
0xb1: {  	[dreg:$0x5] =	wrdreg $0x9  }
0xb2: {  	_ =	task.clear_ibuf [dreg:s7], $0x6FFFF;
	_ =	strace $0x9000004F  }
0xb3: {  	s29 =	simm.s32 $0x9;
	_ =	strace $0x80000051  }
0xb4: {  	_ =	swait.ge [sflag:s29], $0x1  }
0xb5: {  	[sflag:s29] =	ssyncadd.s32 $0xFFFFFFFF  }
0xb6: {  	_ =	strace $0x90000051  }
0xb7: {  	_ =	sfence  }
0xb8: {  	s30 =	sld [smem:$0x0];
	_ =	sdelay $0x2  }
0xb9: {  	s31 =	sshll.u32 s1, $0xD;
	s1 =	sshrl.u32 s1, $0x2  }
0xba: {  	s3 =	sand.u32 $0x4000, s31;
	s1 =	sadd.s32 s1, s30  }
0xbb: {  	s0 =	sor.u32 s3, s0;
	s1 =	sshll.u32 s1, $0x11  }
0xbc: {  	s0 =	sor.u32 s1, s0  }
0xbd: {  	s0 =	sadd.s32 $0x8F2B, s0  }
0xbe: {  	[sflag:s0] =	ssyncadd.remote.s32 $0x1  }
0xbf: {  	_ =	sfence.sel $0xFFFF  }
0xc0: {  	[dreg:$0x0] =	wrdreg $0xFFFFFFFF;
	(pc) =	sbr.abs _section_cstart, $3  }
0xc1: {  	[dreg:$0x1] =	wrdreg $0xFFFFFFFF  }
0xc2: {  	_ =	task.clear_ibuf [dreg:s7], $0x2FFFF;
	_ =	strace $0x9FFFFFFF  }
0xc3: {  	(tm) =	ssettm $0x7FFFFFFF  }
tec
execute0_lowered:
.L_overlay_start_1:
0x0: {  	(tag) =	ssettag $0x1  }
0x1: {  	s2 =	rddreg [dreg:$0x0]  }
0x2: {  	s6 =	rddreg [dreg:$0x1]  }
0x3: {  	s3 =	rddreg [dreg:$0x2]  }
0x4: {  	s0 =	rddreg [dreg:$0x3];
	s1 =	stileid.u32  }
0x5: {  	s4 =	simm.s32 $0x0;
	s5 =	srdreg.scid;
	s13 =	simm.s32 $0x80  }
0x6: {  	s14 =	simm.s32 $0x200;
	s15 =	simm.s32 $0x100;
	s16 =	simm.s32 $0x2  }
0x7: {  	s17 =	simm.s32 $0x4200;
	s18 =	simm.s32 $0x3;
	s19 =	simm.s32 $0x1  }
0x8: {  	s20 =	simm.s32 $0x4;
	s21 =	simm.s32 $0x180;
	s7 =	smul.u32 $0x50, s1  }
0x9: {  	s24 =	simm.s32 $0x0;
	[smem:$0x7FF] =	sst s4;
	s28 =	smul.u32 $0x13C00, s1  }
0xa: {  	s8 =	sand.u32 $0x1, s5;
	s29 =	smul.u32 $0x4F000, s1;
	s22 =	sshll.u32 s1, $0x6  }
0xb: {  	p0 =	seq.s32 s8, $0x0;
	s9 =	smul.u32 $0x13C000, s8;
	_ =	strace $0x80000050  }
0xc: {  	s8 =	ssub.s32 $0x2, s8;
	s22 =	sor.u32 $0x1C05, s22;
	s5 =	sadd.s32 $0x500, s7  }
0xd: {  	s30 =	sshrl.u32 s8, $0x1;
	s31 =	sshrl.u32 s29, $0x2;
	s5 =	smov.u32 @p0 s7  }
0xe: {  	s7 =	sadd.s32 s28, s9;
	s12 =	ssub.s32 s8, s30;
	s5 =	sshll.u32 s5, $0x5  }
0xf: {  	s7 =	sshrl.u32 s7, $0x3;
	s10 =	sadd.s32 s5, s6;
	s5 =	sadd.s32 $0x19E00, s6  }
0x10: {  	s11 =	sadd.s32 s7, s6;
	s6 =	sadd.s32 s31, s3;
	s7 =	sadd.s32 $0x5E00, s10  }
0x11: {  	s8 =	sadd.s32 $0x5E20, s10;
	s9 =	sadd.s32 $0x41200, s11;
	s10 =	smax.u32 s12, $0x1  }
0x12: {  	s11 =	simm.s32 $0x8200;
	s12 =	simm.s32 $0x5;
	s23 =	sshrl.u32 s6, $0x3  }
.LBB2_1:
0x13: {  	[tilespmem:s11], [sflag:$0x5] =	stream.linear.gather [hbm4b:s5+s4], $0x400, $0x38;
	[tilespmem:$0x1C200] =	vst v63  }
0x14: {  	_ =	swait.ge [sflag:s12], $0x400  }
0x15: {  	[sflag:s12] =	ssyncset.done $0x0  }
0x16: {  	s25 =	sadd.s32 $0x0, s6;
	[sflag:s12] =	ssyncadd.s32 $0xFFFFFC00  }
0x17: {  	[spmem:s25] =	stream.linear.scatter [tilespmem:s11], [sflag:$0x5], $0x400, $0x38;
	[tilespmem:$0x1C200] =	vst v63  }
0x18: {  	s25 =	simm.s32 $0x1000;
	_ =	swait.ge [sflag:s12], $0x400  }
.LBB2_2:
0x19: {  	s26 =	sshra.s32 s25, $0x2;
	[sflag:s12] =	ssyncset.done $0x0;
	p0 =	sne.s32 s25, $0x4E000  }
.Ltmp0:
0x1a: {  	s26 =	sadd.s32 s26, s6;
	[sflag:s12] =	ssyncadd.s32 $0xFFFFFC00;
	(pc) =	sbr.rel @p0 .LBB2_2-.Ltmp0, $3  }
0x1b: {  	[spmem:s26] =	stream.linear.scatter [tilespmem:s11], [sflag:$0x5], $0x400, $0x38;
	[tilespmem:$0x1C200] =	vst v63  }
0x1c: {  	s25 =	sadd.s32 $0x1000, s25;
	_ =	sdelay $0x1  }
0x1d: {  	_ =	swait.ge [sflag:s12], $0x400  }
0x1e: {  	[sflag:s12] =	ssyncset.done $0x0  }
0x1f: {  	[sflag:s12] =	ssyncadd.s32 $0xFFFFFC00  }
0x20: {  	[bflag:$0x0] =	sbarrier.arrive $0xFFFF  }
0x21: {  	[tilespmem:s4], [sflag:$0x5] =	stream.linear.gather [hbm4b:s7+s4], $0x100, $0x38;
	[tilespmem:$0x1C200] =	vst v63  }
0x22: {  	_ =	swait.ge [sflag:s12], $0x100  }
0x23: {  	[sflag:s12] =	ssyncset.done $0x0  }
0x24: {  	[sflag:s12] =	ssyncadd.s32 $0xFFFFFF00  }
0x25: {  	[tilespmem:s14], [sflag:$0x3] =	stream.indirect.gather [hbm4b:s2+s13], $0x80, s4, s13, $0xb8;
	[tilespmem:$0x1C200] =	vst v63  }
0x26: {  	_ = 	snop  }
0x27: {  	[tilespmem:s15], [sflag:$0x2] =	stream.linear.gather [hbm4b:s8+s4], $0x100, $0x38;
	[tilespmem:$0x1C200] =	vst v63  }
0x28: {  	_ =	swait.ge [sflag:s16], $0x100  }
0x29: {  	[sflag:s16] =	ssyncset.done $0x0  }
0x2a: {  	[sflag:s16] =	ssyncadd.s32 $0xFFFFFF00  }
0x2b: {  	[tilespmem:s17], [sflag:$0x4] =	stream.indirect.gather [hbm4b:s2+s13], $0x80, s15, s13, $0xb8;
	[tilespmem:$0x1C200] =	vst v63  }
0x2c: {  	_ =	swait.ge [sflag:s18], $0x4000  }
0x2d: {  	[sflag:s18] =	ssyncset.done $0x0  }
0x2e: {  	[sflag:s18] =	ssyncadd.s32 $0xFFFFC000  }
0x2f: {  	[spmem:s3] =	stream.indirect.scatter.add.f32 [tilespmem:s14], [sflag:$0x5], $0x80, s13, s13, $0xb8;
	[tilespmem:$0x1C200] =	vst v63  }
0x30: {  	_ =	swait.ge [sflag:s12], $0x4000  }
0x31: {  	s26 =	sadd.s32 $0xFFFFF640, s7;
	[sflag:s12] =	ssyncset.done $0x0  }
0x32: {  	s25 =	sadd.s32 $0xA00, s26;
	[sflag:s12] =	ssyncadd.s32 $0xFFFFC000  }
0x33: {  	[tilespmem:s4], [sflag:$0x1] =	stream.linear.gather [hbm4b:s25+s4], $0x100, $0x38;
	[tilespmem:$0x1C200] =	vst v63  }
0x34: {  	_ =	swait.ge [sflag:s19], $0x100  }
0x35: {  	[sflag:s19] =	ssyncset.done $0x0  }
0x36: {  	[sflag:s19] =	ssyncadd.s32 $0xFFFFFF00  }
0x37: {  	[tilespmem:s14], [sflag:$0x3] =	stream.indirect.gather [hbm4b:s2+s13], $0x80, s4, s13, $0xb8;
	[tilespmem:$0x1C200] =	vst v63  }
0x38: {  	_ =	swait.ge [sflag:s20], $0x4000  }
0x39: {  	[sflag:s20] =	ssyncset.done $0x0  }
0x3a: {  	[sflag:s20] =	ssyncadd.s32 $0xFFFFC000  }
0x3b: {  	[spmem:s3] =	stream.indirect.scatter.add.f32 [tilespmem:s17], [sflag:$0x5], $0x80, s21, s13, $0xb8;
	[tilespmem:$0x1C200] =	vst v63  }
0x3c: {  	_ =	swait.ge [sflag:s12], $0x4000  }
0x3d: {  	[sflag:s12] =	ssyncset.done $0x0  }
0x3e: {  	s26 =	sadd.s32 $0xA20, s26;
	s25 =	simm.s32 $0xFFFFF680;
	[sflag:s12] =	ssyncadd.s32 $0xFFFFC000  }
.LBB2_4:
0x3f: {  	[tilespmem:s15], [sflag:$0x2] =	stream.linear.gather [hbm4b:s26+s4], $0x100, $0x38;
	[tilespmem:$0x1C200] =	vst v63  }
0x40: {  	s26 =	smov.u32 s25  }
0x41: {  	p0 =	sne.s32 s25, $0xFFFFFFC0;
	s25 =	sadd.s32 $0x40, s25;
	_ =	swait.ge [sflag:s16], $0x100  }
0x42: {  	[sflag:s16] =	ssyncset.done $0x0  }
0x43: {  	[sflag:s16] =	ssyncadd.s32 $0xFFFFFF00  }
0x44: {  	[tilespmem:s17], [sflag:$0x4] =	stream.indirect.gather [hbm4b:s2+s13], $0x80, s15, s13, $0xb8;
	[tilespmem:$0x1C200] =	vst v63  }
0x45: {  	_ =	swait.ge [sflag:s18], $0x4000  }
0x46: {  	[sflag:s18] =	ssyncset.done $0x0  }
0x47: {  	[sflag:s18] =	ssyncadd.s32 $0xFFFFC000  }
0x48: {  	[spmem:s3] =	stream.indirect.scatter.add.f32 [tilespmem:s14], [sflag:$0x5], $0x80, s13, s13, $0xb8;
	[tilespmem:$0x1C200] =	vst v63  }
0x49: {  	_ =	swait.ge [sflag:s12], $0x4000  }
0x4a: {  	s26 =	sadd.s32 s26, s7;
	[sflag:s12] =	ssyncset.done $0x0  }
0x4b: {  	s28 =	sadd.s32 $0xA00, s26;
	[sflag:s12] =	ssyncadd.s32 $0xFFFFC000  }
0x4c: {  	[tilespmem:s4], [sflag:$0x1] =	stream.linear.gather [hbm4b:s28+s4], $0x100, $0x38;
	[tilespmem:$0x1C200] =	vst v63  }
0x4d: {  	_ =	swait.ge [sflag:s19], $0x100  }
0x4e: {  	[sflag:s19] =	ssyncset.done $0x0  }
0x4f: {  	[sflag:s19] =	ssyncadd.s32 $0xFFFFFF00  }
0x50: {  	[tilespmem:s14], [sflag:$0x3] =	stream.indirect.gather [hbm4b:s2+s13], $0x80, s4, s13, $0xb8;
	[tilespmem:$0x1C200] =	vst v63  }
0x51: {  	_ =	swait.ge [sflag:s20], $0x4000  }
0x52: {  	[sflag:s20] =	ssyncset.done $0x0  }
.Ltmp1:
0x53: {  	[sflag:s20] =	ssyncadd.s32 $0xFFFFC000;
	(pc) =	sbr.rel @p0 .LBB2_4-.Ltmp1, $4  }
0x54: {  	[spmem:s3] =	stream.indirect.scatter.add.f32 [tilespmem:s17], [sflag:$0x5], $0x80, s21, s13, $0xb8;
	[tilespmem:$0x1C200] =	vst v63  }
0x55: {  	_ =	swait.ge [sflag:s12], $0x4000  }
0x56: {  	[sflag:s12] =	ssyncset.done $0x0  }
0x57: {  	s26 =	sadd.s32 $0xA20, s26;
	[sflag:s12] =	ssyncadd.s32 $0xFFFFC000  }
0x58: {  	[tilespmem:s15], [sflag:$0x2] =	stream.linear.gather [hbm4b:s26+s4], $0x100, $0x38;
	[tilespmem:$0x1C200] =	vst v63  }
0x59: {  	_ =	swait.ge [sflag:s16], $0x100  }
0x5a: {  	[sflag:s16] =	ssyncset.done $0x0  }
0x5b: {  	[sflag:s16] =	ssyncadd.s32 $0xFFFFFF00  }
0x5c: {  	[tilespmem:s17], [sflag:$0x4] =	stream.indirect.gather [hbm4b:s2+s13], $0x80, s15, s13, $0xb8;
	[tilespmem:$0x1C200] =	vst v63  }
0x5d: {  	_ =	swait.ge [sflag:s18], $0x4000  }
0x5e: {  	[sflag:s18] =	ssyncset.done $0x0  }
0x5f: {  	[sflag:s18] =	ssyncadd.s32 $0xFFFFC000  }
0x60: {  	[spmem:s3] =	stream.indirect.scatter.add.f32 [tilespmem:s14], [sflag:$0x5], $0x80, s13, s13, $0xb8;
	[tilespmem:$0x1C200] =	vst v63  }
0x61: {  	_ =	swait.ge [sflag:s12], $0x4000  }
0x62: {  	[sflag:s12] =	ssyncset.done $0x0  }
0x63: {  	[sflag:s12] =	ssyncadd.s32 $0xFFFFC000  }
0x64: {  	_ =	swait.ge [sflag:s20], $0x4000  }
0x65: {  	[sflag:s20] =	ssyncset.done $0x0  }
0x66: {  	[sflag:s20] =	ssyncadd.s32 $0xFFFFC000  }
0x67: {  	[spmem:s3] =	stream.indirect.scatter.add.f32 [tilespmem:s17], [sflag:$0x5], $0x80, s21, s13, $0xb8;
	[tilespmem:$0x1C200] =	vst v63  }
0x68: {  	_ =	swait.ge [sflag:s12], $0x4000  }
0x69: {  	s24 =	sadd.s32 $0x1, s24;
	[sflag:s12] =	ssyncset.done $0x0  }
0x6a: {  	p0 =	sne.s32 s24, s10;
	[sflag:s12] =	ssyncadd.s32 $0xFFFFC000  }
.Ltmp2:
0x6b: {  	[bflag:$0x0] =	sbarrier.arrive $0xFFFF;
	(pc) =	sbr.rel @p0 .LBB2_1-.Ltmp2, $4  }
0x6c: {  	[hbm:s9], [sflag:s22] =	dma.local [spmem:s23], $0x2780  }
0x6d: {  	_ =	swait.ge [sflag:s12], $0x2780  }
0x6e: {  	[sflag:s12] =	ssyncset.done $0x0  }
0x6f: {  	[sflag:s12] =	ssyncadd.s32 $0xFFFFD880  }
0x70: {  	_ =	sfence.sel $0x180000  }
0x71: {  	[bflag:$0x0] =	sbarrier.arrive $0xFFFF  }
0x72: {  	p0 =	sne.s32 s1, $0x0;
	_ =	strace $0x90000050  }
0x73: {  	s0 =	sadd.s32 @!p0 $0x100000, s0;
	[bflag:$0x2] =	sbarrier.arrive $0xFFFF  }
0x74: {  	[sflag:s0] =	ssyncadd.tile.s32 @!p0 $0x1;
	_ =	shalt  }
.Lfunc_end2:
_tile_overlayer_lowered:
.L_overlay_start_2:
0x75: {  	(tag) =	ssettag $0x2  }
0x76: {  	s0 =	rddreg [dreg:$0x0];
	s2 =	stileid.u32  }
0x77: {  	s1 =	rddreg [dreg:$0x1];
	p0 =	sne.s32 s2, $0x0  }
0x78: {  	s3 =	rddreg [dreg:$0x2];
	[bflag:$0x3] =	sbarrier.arrive $0xFFFF;
	s2 =	simm.s32 @!p0 $0x1C05  }
0x79: {  	[timem:s3], [sflag:s2] =	dma.local @!p0 [hbm:s0], s1  }
0x7a: {  	s0 =	simm.s32 @!p0 $0x5  }
0x7b: {  	_ =	swait.ge @!p0 [sflag:s0], s1  }
0x7c: {  	s1 =	ssub.s32 @!p0 $0x0, s1;
	[sflag:s0] =	ssyncset.done @!p0 $0x0  }
0x7d: {  	[sflag:s0] =	ssyncadd.s32 @!p0 s1  }
0x7e: {  	[bflag:$0x3] =	sbarrier.arrive $0xFFFF  }
0x7f: {  	_ =	shalt  }

// kernel: kernel.30.cloned.1.call-start
scs
__scs_entry_jumppad:
0x0: {  	(pc) =	sbr.rel $0x88, $3  }
0x1: {  	(tag) =	ssettag $0x0;
	lr =	simm.s32 $0x1  }
0x2: {  	[smem:$0x3F97] =	sst lr;
	_ =	strace $0xD0000000  }
0x3: {  	_ = 	snop  }
0x4: {  	_ = 	snop  }
0x5: {  	_ = 	snop  }
0x6: {  	_ = 	snop  }
0x7: {  	_ = 	snop  }
__scs_overlays_trampoline_lowered:
0x8: {  	[smem:$0x3FA6] =	sst s0  }
0x9: {  	[smem:$0x3FA7] =	sst s1  }
0xa: {  	[smem:$0x3FA8] =	sst s2  }
0xb: {  	[smem:$0x3FA9] =	sst s3  }
0xc: {  	[smem:$0x3FAA] =	sst s4  }
0xd: {  	[smem:$0x3FAB] =	sst s5  }
0xe: {  	[smem:$0x3FAC] =	sst s6  }
0xf: {  	[smem:$0x3FAD] =	sst s7  }
0x10: {  	[smem:$0x3FAE] =	sst s8  }
0x11: {  	[smem:$0x3FAF] =	sst s9;
	s0 =	simm.s32 @!p0 $0x0  }
0x12: {  	s1 =	sld [smem:$0x3F95];
	s0 =	simm.s32 @p0 $0x1  }
0x13: {  	[smem:$0x3FB0] =	sst s0;
	s0 =	simm.s32 @!p1 $0x0  }
0x14: {  	s2 =	sld [smem:$0x3F94];
	s0 =	simm.s32 @p1 $0x1  }
0x15: {  	[smem:$0x3FB1] =	sst s0;
	s0 =	simm.s32 @!p2 $0x0  }
0x16: {  	s3 =	sld [smem:$0x3FDB];
	s0 =	simm.s32 @p2 $0x1  }
0x17: {  	s4 =	simm.s32 $0x1BF5;
	[smem:$0x3FB3] =	sst s0  }
0x18: {  	s0 =	sld [smem:$0x3F96];
	_ =	swait.ge [sflag:s4], $0x0  }
0x19: {  	s7 =	sld [smem:$0x3F97]  }
0x1a: {  	s8 =	sadd.s32 $0xFFFFE003, lr  }
0x1b: {  	s9 =	sadd.s32 $0xFFFFFEF7, lr;
	s5 =	simm.s32 $0xFFFFFFFF;
	p2 =	slt.u32 s8, $0xFFFFF086  }
0x1c: {  	p1 =	slt.u32 s9, $0xF7A;
	s5 =	simm.s32 @!p2 $0x0  }
0x1d: {  	s5 =	simm.s32 @p1 $0x1;
	p0 =	seq.s32 s7, s2  }
0x1e: {  	s7 =	smul.u32 @!p0 $0xF7A, s2;
	p2 =	seq.s32 @!p0 s5, $0x0  }
0x1f: {  	s9 =	smul.u32 $0xF7A, s1;
	s8 =	simm.s32 @!p0 $0x1BF5;
	p2 =	por !p2, p0  }
0x20: {  	[sflag:s8] =	ssyncset.s32 @!p0 $0xFFFFF086;
	s6 =	sadd.s32 @!p0 s3, s7;
	s7 =	simm.s32 @!p0 $0x108  }
0x21: {  	s3 =	sadd.s32 s3, s9;
	s6 =	sadd.s32 @!p0 $0x88, s6;
	s7 =	simm.s32 @p2 $0x1082  }
0x22: {  	[simem:s7], [sflag:s8] =	dma.local @!p0 [hbm:s6], $0xF7A  }
0x23: {  	s9 =	sor.u32 $0xD0000000, s2;
	s6 =	simm.s32 $0x108;
	_ =	swait.ge @!p0 [sflag:s8], $0x0  }
0x24: {  	s3 =	sadd.s32 $0x88, s3;
	s6 =	simm.s32 @!p1 $0x1082;
	[sflag:s4] =	ssyncset.s32 $0xFFFFF086  }
0x25: {  	[simem:s6], [sflag:s4] =	dma.local [hbm:s3], $0xF7A  }
0x26: {  	[smem:$0x3F97] =	sst s1;
	(tag) =	ssettag s2;
	_ =	strace s9  }
0x27: {  	s1 =	sld [smem:$0x3FA7]  }
0x28: {  	s2 =	sld [smem:$0x3FA8]  }
0x29: {  	s4 =	sld [smem:$0x3FAA]  }
0x2a: {  	p0 =	seq.s32 s5, $0x0;
	s5 =	sld [smem:$0x3FAB]  }
0x2b: {  	s6 =	sld [smem:$0x3FAC]  }
0x2c: {  	s7 =	sld [smem:$0x3FAD]  }
0x2d: {  	s3 =	simm.s32 $0x108;
	s8 =	sld [smem:$0x3FAE]  }
0x2e: {  	s3 =	simm.s32 @!p0 $0x1082;
	s9 =	sld [smem:$0x3FAF]  }
0x2f: {  	lr =	sadd.s32 s0, s3;
	s0 =	sld [smem:$0x3FA6]  }
0x30: {  	s3 =	sld [smem:$0x3FA9]  }
0x31: {  	[smem:$0x3FB2] =	sst s10  }
0x32: {  	s10 =	sld [smem:$0x3FB0];
	_ =	sdelay $0x3  }
0x33: {  	p0 =	seq.s32 s10, $0x1;
	s10 =	sld [smem:$0x3FB2];
	_ =	sdelay $0x3  }
0x34: {  	[smem:$0x3FB2] =	sst s10  }
0x35: {  	s10 =	sld [smem:$0x3FB1];
	_ =	sdelay $0x3  }
0x36: {  	p1 =	seq.s32 s10, $0x1;
	s10 =	sld [smem:$0x3FB2];
	_ =	sdelay $0x3  }
0x37: {  	[smem:$0x3FB2] =	sst s10  }
0x38: {  	s10 =	sld [smem:$0x3FB3]  }
0x39: {  	_ = 	snop;
	(pc) =	sbr.ind lr, $3  }
0x3a: {  	_ = 	snop  }
0x3b: {  	_ = 	snop  }
0x3c: {  	p2 =	seq.s32 s10, $0x1;
	s10 =	sld [smem:$0x3FB2]  }
0x3d: {  	_ =	shalt  }
0x3e: {  	_ =	shalt  }
0x3f: {  	_ =	shalt  }
0x40: {  	_ =	shalt  }
0x41: {  	_ =	shalt  }
0x42: {  	_ =	shalt  }
0x43: {  	_ =	shalt  }
0x44: {  	_ =	shalt  }
0x45: {  	_ =	shalt  }
0x46: {  	_ =	shalt  }
0x47: {  	_ =	shalt  }
0x48: {  	_ =	shalt  }
0x49: {  	_ =	shalt  }
0x4a: {  	_ =	shalt  }
0x4b: {  	_ =	shalt  }
0x4c: {  	_ =	shalt  }
0x4d: {  	_ =	shalt  }
0x4e: {  	_ =	shalt  }
0x4f: {  	_ =	shalt  }
0x50: {  	_ =	shalt  }
0x51: {  	_ =	shalt  }
0x52: {  	_ =	shalt  }
0x53: {  	_ =	shalt  }
0x54: {  	_ =	shalt  }
0x55: {  	_ =	shalt  }
0x56: {  	_ =	shalt  }
0x57: {  	_ =	shalt  }
0x58: {  	_ =	shalt  }
0x59: {  	_ =	shalt  }
0x5a: {  	_ =	shalt  }
0x5b: {  	_ =	shalt  }
0x5c: {  	_ =	shalt  }
0x5d: {  	_ =	shalt  }
0x5e: {  	_ =	shalt  }
0x5f: {  	_ =	shalt  }
0x60: {  	_ =	shalt  }
0x61: {  	_ =	shalt  }
0x62: {  	_ =	shalt  }
0x63: {  	_ =	shalt  }
0x64: {  	_ =	shalt  }
0x65: {  	_ =	shalt  }
0x66: {  	_ =	shalt  }
0x67: {  	_ =	shalt  }
0x68: {  	_ =	shalt  }
0x69: {  	_ =	shalt  }
0x6a: {  	_ =	shalt  }
0x6b: {  	_ =	shalt  }
0x6c: {  	_ =	shalt  }
0x6d: {  	_ =	shalt  }
0x6e: {  	_ =	shalt  }
0x6f: {  	_ =	shalt  }
0x70: {  	_ =	shalt  }
0x71: {  	_ =	shalt  }
0x72: {  	_ =	shalt  }
0x73: {  	_ =	shalt  }
0x74: {  	_ =	shalt  }
0x75: {  	_ =	shalt  }
0x76: {  	_ =	shalt  }
0x77: {  	_ =	shalt  }
0x78: {  	_ =	shalt  }
0x79: {  	_ =	shalt  }
0x7a: {  	_ =	shalt  }
0x7b: {  	_ =	shalt  }
0x7c: {  	_ =	shalt  }
0x7d: {  	_ =	shalt  }
0x7e: {  	_ =	shalt  }
0x7f: {  	_ =	shalt  }
0x80: {  	_ =	shalt  }
0x81: {  	_ =	shalt  }
0x82: {  	_ =	shalt  }
0x83: {  	_ =	shalt  }
0x84: {  	_ =	shalt  }
0x85: {  	_ =	shalt  }
0x86: {  	_ =	shalt  }
0x87: {  	_ =	shalt  }
.Lfunc_end0:
.L_simem_size_0:
called_computation.4_lowered:
.L_overlay_start_0:
0x88: {  	s2 =	sld [smem:$0x3FD9]  }
0x89: {  	s3 =	sld [smem:$0x3FFE];
	_ =	sdelay $0x1  }
0x8a: {  	s1 =	srdreg.scid  }
0x8b: {  	s0 =	sand.u32 $0x1, s1  }
0x8c: {  	s17 =	sshll.u32 s0, $0xA;
	s2 =	sadd.s32 s3, s2  }
0x8d: {  	s2 =	sadd.s32 s2, s17  }
0x8e: {  	[smem:$0x3FBE] =	sst s2  }
0x8f: {  	_ = 	snop  }
0x90: {  	s2 =	sld [smem:$0x3FD0];
	(tm) =	ssettm $0x1  }
0x91: {  	s18 =	sld [smem:$0x3FFB];
	_ =	sdelay $0x3  }
0x92: {  	_ =	strace s18  }
0x93: {  	s3 =	sld [smem:$0x3FFC];
	_ =	sdelay $0x3  }
0x94: {  	_ =	strace s3  }
0x95: {  	s3 =	sld [smem:$0x3FFD];
	_ =	sdelay $0x3  }
0x96: {  	_ =	strace s3  }
0x97: {  	_ =	strace $0x8FFFFFFF  }
0x98: {  	s19 =	sld [smem:$0x3FDB];
	_ =	sdelay $0x1  }
0x99: {  	s4 =	simm.s32 $_scs_section_size  }
0x9a: {  	s5 =	simm.s32 $_size__tile_overlayer_lowered;
	s6 =	simm.s32 $_tile_overlayer_lowered  }
0x9b: {  	s22 =	simm.s32 $0x1BFF;
	s21 =	sshll.u32 s6, $0x1;
	s3 =	sadd.s32 s4, s19  }
0x9c: {  	s7 =	simm.s32 $0x0;
	s20 =	sshll.u32 s5, $0x1;
	s5 =	sadd.s32 s21, s3  }
0x9d: {  	[timem:s7], [sflag:s22] =	dma.local [hbm:s5], s20  }
0x9e: {  	_ =	swait.ge [sflag:s22], s20  }
0x9f: {  	s4 =	ssub.s32 $0x0, s20;
	[sflag:s22] =	ssyncset.done $0x0  }
0xa0: {  	[sflag:s22] =	ssyncadd.s32 s4;
	_ =	sdelay $0x1  }
0xa1: {  	s23 =	simm.s32 $0x1B8B  }
0xa2: {  	_ =	swait.ge [sflag:s23], $0x1  }
0xa3: {  	[sflag:s23] =	ssyncset.done $0x0  }
0xa4: {  	s25 =	simm.s32 $0x1B8E;
	s24 =	sld [smem:$0x3FFE];
	[sflag:s23] =	ssyncadd.s32 $0xFFFFFFFF  }
0xa5: {  	s26 =	simm.s32 $execute0_lowered;
	[smem:$0x3FD2] =	sst s25  }
0xa6: {  	s5 =	sshll.u32 s26, $0x1;
	_ =	strace $0x80000052;
	[dreg:$0x1] =	wrdreg $0xFFFFFFFF  }
0xa7: {  	s28 =	simm.s32 $_size_execute0_lowered;
	s3 =	sadd.s32 s3, s5;
	[dreg:$0x0] =	wrdreg $0x0  }
0xa8: {  	s5 =	sshll.u32 s28, $0x1;
	[dreg:$0x2] =	wrdreg s3  }
0xa9: {  	[dreg:$0x3] =	wrdreg s5  }
0xaa: {  	[dreg:$0x4] =	wrdreg $0xC0  }
0xab: {  	_ =	task [dreg:s7], $0x5FFFF  }
0xac: {  	[dreg:$0x1] =	wrdreg $0xFFFFFFFF  }
0xad: {  	[dreg:$0x0] =	wrdreg $0x60  }
0xae: {  	[dreg:$0x2] =	wrdreg s2  }
0xaf: {  	[dreg:$0x3] =	wrdreg s24  }
0xb0: {  	[dreg:$0x4] =	wrdreg $0x86000  }
0xb1: {  	[dreg:$0x5] =	wrdreg $0x9  }
0xb2: {  	_ =	task.clear_ibuf [dreg:s7], $0x6FFFF;
	_ =	strace $0x90000052  }
0xb3: {  	s29 =	simm.s32 $0x9;
	_ =	strace $0x80000054  }
0xb4: {  	_ =	swait.ge [sflag:s29], $0x1  }
0xb5: {  	[sflag:s29] =	ssyncadd.s32 $0xFFFFFFFF  }
0xb6: {  	_ =	strace $0x90000054  }
0xb7: {  	_ =	sfence  }
0xb8: {  	s30 =	sld [smem:$0x0];
	_ =	sdelay $0x2  }
0xb9: {  	s31 =	sshll.u32 s1, $0xD;
	s1 =	sshrl.u32 s1, $0x2  }
0xba: {  	s3 =	sand.u32 $0x4000, s31;
	s1 =	sadd.s32 s1, s30  }
0xbb: {  	s0 =	sor.u32 s3, s0;
	s1 =	sshll.u32 s1, $0x11  }
0xbc: {  	s0 =	sor.u32 s1, s0  }
0xbd: {  	s0 =	sadd.s32 $0x8F2B, s0  }
0xbe: {  	[sflag:s0] =	ssyncadd.remote.s32 $0x1  }
0xbf: {  	_ =	sfence.sel $0xFFFF  }
0xc0: {  	[dreg:$0x0] =	wrdreg $0xFFFFFFFF;
	(pc) =	sbr.abs _section_cstart, $3  }
0xc1: {  	[dreg:$0x1] =	wrdreg $0xFFFFFFFF  }
0xc2: {  	_ =	task.clear_ibuf [dreg:s7], $0x2FFFF;
	_ =	strace $0x9FFFFFFF  }
0xc3: {  	(tm) =	ssettm $0x7FFFFFFF  }
tec
execute0_lowered:
.L_overlay_start_1:
0x0: {  	(tag) =	ssettag $0x1  }
0x1: {  	s2 =	rddreg [dreg:$0x0]  }
0x2: {  	s6 =	rddreg [dreg:$0x1]  }
0x3: {  	s3 =	rddreg [dreg:$0x2]  }
0x4: {  	s0 =	rddreg [dreg:$0x3];
	s1 =	stileid.u32  }
0x5: {  	s4 =	simm.s32 $0x0;
	s5 =	srdreg.scid;
	s13 =	simm.s32 $0x80  }
0x6: {  	s14 =	simm.s32 $0x200;
	s15 =	simm.s32 $0x100;
	s16 =	simm.s32 $0x2  }
0x7: {  	s17 =	simm.s32 $0x4200;
	s18 =	simm.s32 $0x3;
	s19 =	simm.s32 $0x1  }
0x8: {  	s20 =	simm.s32 $0x4;
	s21 =	simm.s32 $0x180;
	s7 =	smul.u32 $0x50, s1  }
0x9: {  	s24 =	simm.s32 $0x0;
	[smem:$0x7FF] =	sst s4;
	s28 =	smul.u32 $0x13C00, s1  }
0xa: {  	s8 =	sand.u32 $0x1, s5;
	s29 =	smul.u32 $0x4F000, s1;
	s22 =	sshll.u32 s1, $0x6  }
0xb: {  	p0 =	seq.s32 s8, $0x0;
	s9 =	smul.u32 $0x13C000, s8;
	_ =	strace $0x80000053  }
0xc: {  	s8 =	ssub.s32 $0x2, s8;
	s22 =	sor.u32 $0x1C05, s22;
	s5 =	sadd.s32 $0x500, s7  }
0xd: {  	s30 =	sshrl.u32 s8, $0x1;
	s31 =	sshrl.u32 s29, $0x2;
	s5 =	smov.u32 @p0 s7  }
0xe: {  	s7 =	sadd.s32 s28, s9;
	s12 =	ssub.s32 s8, s30;
	s5 =	sshll.u32 s5, $0x5  }
0xf: {  	s7 =	sshrl.u32 s7, $0x3;
	s10 =	sadd.s32 s5, s6;
	s5 =	sadd.s32 $0x19E00, s6  }
0x10: {  	s11 =	sadd.s32 s7, s6;
	s6 =	sadd.s32 s31, s3;
	s7 =	sadd.s32 $0x5E00, s10  }
0x11: {  	s8 =	sadd.s32 $0x5E20, s10;
	s9 =	sadd.s32 $0x41200, s11;
	s10 =	smax.u32 s12, $0x1  }
0x12: {  	s11 =	simm.s32 $0x8200;
	s12 =	simm.s32 $0x5;
	s23 =	sshrl.u32 s6, $0x3  }
.LBB2_1:
0x13: {  	[tilespmem:s11], [sflag:$0x5] =	stream.linear.gather [hbm4b:s5+s4], $0x400, $0x38;
	[tilespmem:$0x1C200] =	vst v63  }
0x14: {  	_ =	swait.ge [sflag:s12], $0x400  }
0x15: {  	[sflag:s12] =	ssyncset.done $0x0  }
0x16: {  	s25 =	sadd.s32 $0x0, s6;
	[sflag:s12] =	ssyncadd.s32 $0xFFFFFC00  }
0x17: {  	[spmem:s25] =	stream.linear.scatter [tilespmem:s11], [sflag:$0x5], $0x400, $0x38;
	[tilespmem:$0x1C200] =	vst v63  }
0x18: {  	s25 =	simm.s32 $0x1000;
	_ =	swait.ge [sflag:s12], $0x400  }
.LBB2_2:
0x19: {  	s26 =	sshra.s32 s25, $0x2;
	[sflag:s12] =	ssyncset.done $0x0;
	p0 =	sne.s32 s25, $0x4E000  }
.Ltmp0:
0x1a: {  	s26 =	sadd.s32 s26, s6;
	[sflag:s12] =	ssyncadd.s32 $0xFFFFFC00;
	(pc) =	sbr.rel @p0 .LBB2_2-.Ltmp0, $3  }
0x1b: {  	[spmem:s26] =	stream.linear.scatter [tilespmem:s11], [sflag:$0x5], $0x400, $0x38;
	[tilespmem:$0x1C200] =	vst v63  }
0x1c: {  	s25 =	sadd.s32 $0x1000, s25;
	_ =	sdelay $0x1  }
0x1d: {  	_ =	swait.ge [sflag:s12], $0x400  }
0x1e: {  	[sflag:s12] =	ssyncset.done $0x0  }
0x1f: {  	[sflag:s12] =	ssyncadd.s32 $0xFFFFFC00  }
0x20: {  	[bflag:$0x0] =	sbarrier.arrive $0xFFFF  }
0x21: {  	[tilespmem:s4], [sflag:$0x5] =	stream.linear.gather [hbm4b:s7+s4], $0x100, $0x38;
	[tilespmem:$0x1C200] =	vst v63  }
0x22: {  	_ =	swait.ge [sflag:s12], $0x100  }
0x23: {  	[sflag:s12] =	ssyncset.done $0x0  }
0x24: {  	[sflag:s12] =	ssyncadd.s32 $0xFFFFFF00  }
0x25: {  	[tilespmem:s14], [sflag:$0x3] =	stream.indirect.gather [hbm4b:s2+s13], $0x80, s4, s13, $0xb8;
	[tilespmem:$0x1C200] =	vst v63  }
0x26: {  	_ = 	snop  }
0x27: {  	[tilespmem:s15], [sflag:$0x2] =	stream.linear.gather [hbm4b:s8+s4], $0x100, $0x38;
	[tilespmem:$0x1C200] =	vst v63  }
0x28: {  	_ =	swait.ge [sflag:s16], $0x100  }
0x29: {  	[sflag:s16] =	ssyncset.done $0x0  }
0x2a: {  	[sflag:s16] =	ssyncadd.s32 $0xFFFFFF00  }
0x2b: {  	[tilespmem:s17], [sflag:$0x4] =	stream.indirect.gather [hbm4b:s2+s13], $0x80, s15, s13, $0xb8;
	[tilespmem:$0x1C200] =	vst v63  }
0x2c: {  	_ =	swait.ge [sflag:s18], $0x4000  }
0x2d: {  	[sflag:s18] =	ssyncset.done $0x0  }
0x2e: {  	[sflag:s18] =	ssyncadd.s32 $0xFFFFC000  }
0x2f: {  	[spmem:s3] =	stream.indirect.scatter.add.f32 [tilespmem:s14], [sflag:$0x5], $0x80, s13, s13, $0xb8;
	[tilespmem:$0x1C200] =	vst v63  }
0x30: {  	_ =	swait.ge [sflag:s12], $0x4000  }
0x31: {  	s26 =	sadd.s32 $0xFFFFF640, s7;
	[sflag:s12] =	ssyncset.done $0x0  }
0x32: {  	s25 =	sadd.s32 $0xA00, s26;
	[sflag:s12] =	ssyncadd.s32 $0xFFFFC000  }
0x33: {  	[tilespmem:s4], [sflag:$0x1] =	stream.linear.gather [hbm4b:s25+s4], $0x100, $0x38;
	[tilespmem:$0x1C200] =	vst v63  }
0x34: {  	_ =	swait.ge [sflag:s19], $0x100  }
0x35: {  	[sflag:s19] =	ssyncset.done $0x0  }
0x36: {  	[sflag:s19] =	ssyncadd.s32 $0xFFFFFF00  }
0x37: {  	[tilespmem:s14], [sflag:$0x3] =	stream.indirect.gather [hbm4b:s2+s13], $0x80, s4, s13, $0xb8;
	[tilespmem:$0x1C200] =	vst v63  }
0x38: {  	_ =	swait.ge [sflag:s20], $0x4000  }
0x39: {  	[sflag:s20] =	ssyncset.done $0x0  }
0x3a: {  	[sflag:s20] =	ssyncadd.s32 $0xFFFFC000  }
0x3b: {  	[spmem:s3] =	stream.indirect.scatter.add.f32 [tilespmem:s17], [sflag:$0x5], $0x80, s21, s13, $0xb8;
	[tilespmem:$0x1C200] =	vst v63  }
0x3c: {  	_ =	swait.ge [sflag:s12], $0x4000  }
0x3d: {  	[sflag:s12] =	ssyncset.done $0x0  }
0x3e: {  	s26 =	sadd.s32 $0xA20, s26;
	s25 =	simm.s32 $0xFFFFF680;
	[sflag:s12] =	ssyncadd.s32 $0xFFFFC000  }
.LBB2_4:
0x3f: {  	[tilespmem:s15], [sflag:$0x2] =	stream.linear.gather [hbm4b:s26+s4], $0x100, $0x38;
	[tilespmem:$0x1C200] =	vst v63  }
0x40: {  	s26 =	smov.u32 s25  }
0x41: {  	p0 =	sne.s32 s25, $0xFFFFFFC0;
	s25 =	sadd.s32 $0x40, s25;
	_ =	swait.ge [sflag:s16], $0x100  }
0x42: {  	[sflag:s16] =	ssyncset.done $0x0  }
0x43: {  	[sflag:s16] =	ssyncadd.s32 $0xFFFFFF00  }
0x44: {  	[tilespmem:s17], [sflag:$0x4] =	stream.indirect.gather [hbm4b:s2+s13], $0x80, s15, s13, $0xb8;
	[tilespmem:$0x1C200] =	vst v63  }
0x45: {  	_ =	swait.ge [sflag:s18], $0x4000  }
0x46: {  	[sflag:s18] =	ssyncset.done $0x0  }
0x47: {  	[sflag:s18] =	ssyncadd.s32 $0xFFFFC000  }
0x48: {  	[spmem:s3] =	stream.indirect.scatter.add.f32 [tilespmem:s14], [sflag:$0x5], $0x80, s13, s13, $0xb8;
	[tilespmem:$0x1C200] =	vst v63  }
0x49: {  	_ =	swait.ge [sflag:s12], $0x4000  }
0x4a: {  	s26 =	sadd.s32 s26, s7;
	[sflag:s12] =	ssyncset.done $0x0  }
0x4b: {  	s28 =	sadd.s32 $0xA00, s26;
	[sflag:s12] =	ssyncadd.s32 $0xFFFFC000  }
0x4c: {  	[tilespmem:s4], [sflag:$0x1] =	stream.linear.gather [hbm4b:s28+s4], $0x100, $0x38;
	[tilespmem:$0x1C200] =	vst v63  }
0x4d: {  	_ =	swait.ge [sflag:s19], $0x100  }
0x4e: {  	[sflag:s19] =	ssyncset.done $0x0  }
0x4f: {  	[sflag:s19] =	ssyncadd.s32 $0xFFFFFF00  }
0x50: {  	[tilespmem:s14], [sflag:$0x3] =	stream.indirect.gather [hbm4b:s2+s13], $0x80, s4, s13, $0xb8;
	[tilespmem:$0x1C200] =	vst v63  }
0x51: {  	_ =	swait.ge [sflag:s20], $0x4000  }
0x52: {  	[sflag:s20] =	ssyncset.done $0x0  }
.Ltmp1:
0x53: {  	[sflag:s20] =	ssyncadd.s32 $0xFFFFC000;
	(pc) =	sbr.rel @p0 .LBB2_4-.Ltmp1, $4  }
0x54: {  	[spmem:s3] =	stream.indirect.scatter.add.f32 [tilespmem:s17], [sflag:$0x5], $0x80, s21, s13, $0xb8;
	[tilespmem:$0x1C200] =	vst v63  }
0x55: {  	_ =	swait.ge [sflag:s12], $0x4000  }
0x56: {  	[sflag:s12] =	ssyncset.done $0x0  }
0x57: {  	s26 =	sadd.s32 $0xA20, s26;
	[sflag:s12] =	ssyncadd.s32 $0xFFFFC000  }
0x58: {  	[tilespmem:s15], [sflag:$0x2] =	stream.linear.gather [hbm4b:s26+s4], $0x100, $0x38;
	[tilespmem:$0x1C200] =	vst v63  }
0x59: {  	_ =	swait.ge [sflag:s16], $0x100  }
0x5a: {  	[sflag:s16] =	ssyncset.done $0x0  }
0x5b: {  	[sflag:s16] =	ssyncadd.s32 $0xFFFFFF00  }
0x5c: {  	[tilespmem:s17], [sflag:$0x4] =	stream.indirect.gather [hbm4b:s2+s13], $0x80, s15, s13, $0xb8;
	[tilespmem:$0x1C200] =	vst v63  }
0x5d: {  	_ =	swait.ge [sflag:s18], $0x4000  }
0x5e: {  	[sflag:s18] =	ssyncset.done $0x0  }
0x5f: {  	[sflag:s18] =	ssyncadd.s32 $0xFFFFC000  }
0x60: {  	[spmem:s3] =	stream.indirect.scatter.add.f32 [tilespmem:s14], [sflag:$0x5], $0x80, s13, s13, $0xb8;
	[tilespmem:$0x1C200] =	vst v63  }
0x61: {  	_ =	swait.ge [sflag:s12], $0x4000  }
0x62: {  	[sflag:s12] =	ssyncset.done $0x0  }
0x63: {  	[sflag:s12] =	ssyncadd.s32 $0xFFFFC000  }
0x64: {  	_ =	swait.ge [sflag:s20], $0x4000  }
0x65: {  	[sflag:s20] =	ssyncset.done $0x0  }
0x66: {  	[sflag:s20] =	ssyncadd.s32 $0xFFFFC000  }
0x67: {  	[spmem:s3] =	stream.indirect.scatter.add.f32 [tilespmem:s17], [sflag:$0x5], $0x80, s21, s13, $0xb8;
	[tilespmem:$0x1C200] =	vst v63  }
0x68: {  	_ =	swait.ge [sflag:s12], $0x4000  }
0x69: {  	s24 =	sadd.s32 $0x1, s24;
	[sflag:s12] =	ssyncset.done $0x0  }
0x6a: {  	p0 =	sne.s32 s24, s10;
	[sflag:s12] =	ssyncadd.s32 $0xFFFFC000  }
.Ltmp2:
0x6b: {  	[bflag:$0x0] =	sbarrier.arrive $0xFFFF;
	(pc) =	sbr.rel @p0 .LBB2_1-.Ltmp2, $4  }
0x6c: {  	[hbm:s9], [sflag:s22] =	dma.local [spmem:s23], $0x2780  }
0x6d: {  	_ =	swait.ge [sflag:s12], $0x2780  }
0x6e: {  	[sflag:s12] =	ssyncset.done $0x0  }
0x6f: {  	[sflag:s12] =	ssyncadd.s32 $0xFFFFD880  }
0x70: {  	_ =	sfence.sel $0x180000  }
0x71: {  	[bflag:$0x0] =	sbarrier.arrive $0xFFFF  }
0x72: {  	p0 =	sne.s32 s1, $0x0;
	_ =	strace $0x90000053  }
0x73: {  	s0 =	sadd.s32 @!p0 $0x100000, s0;
	[bflag:$0x2] =	sbarrier.arrive $0xFFFF  }
0x74: {  	[sflag:s0] =	ssyncadd.tile.s32 @!p0 $0x1;
	_ =	shalt  }
.Lfunc_end2:
_tile_overlayer_lowered:
.L_overlay_start_2:
0x75: {  	(tag) =	ssettag $0x2  }
0x76: {  	s0 =	rddreg [dreg:$0x0];
	s2 =	stileid.u32  }
0x77: {  	s1 =	rddreg [dreg:$0x1];
	p0 =	sne.s32 s2, $0x0  }
0x78: {  	s3 =	rddreg [dreg:$0x2];
	[bflag:$0x3] =	sbarrier.arrive $0xFFFF;
	s2 =	simm.s32 @!p0 $0x1C05  }
0x79: {  	[timem:s3], [sflag:s2] =	dma.local @!p0 [hbm:s0], s1  }
0x7a: {  	s0 =	simm.s32 @!p0 $0x5  }
0x7b: {  	_ =	swait.ge @!p0 [sflag:s0], s1  }
0x7c: {  	s1 =	ssub.s32 @!p0 $0x0, s1;
	[sflag:s0] =	ssyncset.done @!p0 $0x0  }
0x7d: {  	[sflag:s0] =	ssyncadd.s32 @!p0 s1  }
0x7e: {  	[bflag:$0x3] =	sbarrier.arrive $0xFFFF  }
0x7f: {  	_ =	shalt  }

</sc_bundles>
